<compile_context>
chip_gen: v7x
topology: tpu7x:2x2x1
jax: 0.10.2.dev20260603
libtpu: 0.0.44.dev20260713+nightly
codegen_flags: <defaults>
</compile_context>

<pallas_src>
import functools

import jax
import jax.numpy as jnp
from jax import lax
from jax.experimental import pallas as pl
from jax.experimental.pallas import tpu as pltpu
from jax.experimental.pallas import tpu_sc as plsc

N_NODES = 10000
D_FEAT = 128
N_EDGES = 320000

_NC = 2
_NS = 16
_NW = _NC * _NS
_E_PER_TILE = N_EDGES // _NW
_CHUNK = 80
_N_CHUNKS = _E_PER_TILE // _CHUNK
_ROWS_PER_TILE = 624
_TAIL0 = _NS * _ROWS_PER_TILE
_TAIL = N_NODES - _TAIL0

_mesh = plsc.VectorSubcoreMesh(core_axis_name="c", subcore_axis_name="s")


def _zero_acc(s, zf_hbm, acc_sh):
    row0 = s * _ROWS_PER_TILE
    pltpu.sync_copy(zf_hbm.at[pl.ds(row0, _ROWS_PER_TILE)],
                    acc_sh.at[pl.ds(row0, _ROWS_PER_TILE)])

    @pl.when(s == _NS - 1)
    def _tail():
        pltpu.sync_copy(zf_hbm.at[pl.ds(_TAIL0, _TAIL)],
                        acc_sh.at[pl.ds(_TAIL0, _TAIL)])


def _publish_acc(c, s, acc_sh, out_hbm):
    row0 = s * _ROWS_PER_TILE
    pltpu.sync_copy(acc_sh.at[pl.ds(row0, _ROWS_PER_TILE)],
                    out_hbm.at[c, pl.ds(row0, _ROWS_PER_TILE)])

    @pl.when(s == _NS - 1)
    def _tail():
        pltpu.sync_copy(acc_sh.at[pl.ds(_TAIL0, _TAIL)],
                        out_hbm.at[c, pl.ds(_TAIL0, _TAIL)])


def _sc_body(with_count, nbuf, *refs):
    if with_count:
        (x_hbm, src_hbm, dst_hbm, zf_hbm, ones_hbm,
         agg_out, cnt_out) = refs[:7]
        rest = refs[7:]
    else:
        (x_hbm, src_hbm, dst_hbm, zf_hbm, agg_out) = refs[:5]
        rest = refs[5:]
    acc_sh = rest[0]
    rows = rest[1:1 + nbuf]
    dstage = rest[1 + nbuf:1 + 2 * nbuf]
    sstage = rest[1 + 2 * nbuf:1 + 3 * nbuf]
    gsem = rest[1 + 3 * nbuf:1 + 4 * nbuf]
    ssem = rest[1 + 4 * nbuf:1 + 5 * nbuf]
    dsem = rest[1 + 5 * nbuf:1 + 6 * nbuf]
    xsem = rest[1 + 6 * nbuf:1 + 7 * nbuf]

    c = lax.axis_index("c")
    s = lax.axis_index("s")
    wid = c * _NS + s
    ebase = wid * _E_PER_TILE
    row0 = s * _ROWS_PER_TILE

    def load_idx(hbm, i, buf, sem):
        pltpu.async_copy(hbm.at[pl.ds(ebase + i * _CHUNK, _CHUNK)],
                         buf.at[0], sem)

    def wait_idx(hbm, i, buf, sem):
        pltpu.make_async_copy(hbm.at[pl.ds(ebase + i * _CHUNK, _CHUNK)],
                              buf.at[0], sem).wait()

    def gather(i, b):
        pltpu.async_copy(x_hbm.at[sstage[b].at[0]], rows[b], gsem[b])

    def wait_gather(b):
        pltpu.make_async_copy(x_hbm.at[sstage[b].at[0]], rows[b],
                              gsem[b]).wait()

    def fire_scatter(acc, src_buf, b):
        pltpu.async_copy(src_buf, acc.at[dstage[b].at[0]], ssem[b], add=True)

    def drain_scatter(acc, src_buf, b):
        pltpu.make_async_copy(src_buf, acc.at[dstage[b].at[0]],
                              ssem[b]).wait()

    def chunk_step(i, b, do_gather, acc, first, last):
        p = (b + nbuf - 1) % nbuf
        wait_idx(dst_hbm, i, dstage[b], dsem[b])
        if do_gather:
            wait_gather(b)
            fire_scatter(acc, rows[b], b)
        else:
            fire_scatter(acc, rows[0], b)
        if not first:
            drain_scatter(acc, rows[p] if do_gather else rows[0], p)
        if not last:
            load_idx(dst_hbm, i + nbuf - 1, dstage[p], dsem[p])
            if do_gather:
                wait_idx(src_hbm, i + nbuf - 1, sstage[p], xsem[p])
                gather(i + nbuf - 1, p)

                @pl.when(i + nbuf < _N_CHUNKS)
                def _stage_next_sidx():
                    load_idx(src_hbm, i + nbuf, sstage[b], xsem[b])

    def run_stage(do_gather, acc):
        for b in range(nbuf - 1):
            load_idx(dst_hbm, b, dstage[b], dsem[b])
            if do_gather:
                load_idx(src_hbm, b, sstage[b], xsem[b])
        if do_gather:
            load_idx(src_hbm, nbuf - 1, sstage[nbuf - 1], xsem[nbuf - 1])
            for b in range(nbuf - 1):
                wait_idx(src_hbm, b, sstage[b], xsem[b])
                gather(b, b)
        for b in range(nbuf):
            chunk_step(b, b, do_gather, acc, b == 0, False)

        def step(g, carry):
            for b in range(nbuf):
                chunk_step(g * nbuf + b, b, do_gather, acc, False, False)
            return carry

        n_groups = _N_CHUNKS // nbuf
        n_tail = _N_CHUNKS - n_groups * nbuf
        lax.fori_loop(1, n_groups, step, 0)
        for t in range(n_tail):
            chunk_step(n_groups * nbuf + t, t, do_gather, acc, False, True)
        last_slot = (n_tail - 1) if n_tail else (nbuf - 1)
        drain_scatter(acc, rows[last_slot] if do_gather else rows[0],
                      last_slot)

    if with_count:
        pltpu.sync_copy(ones_hbm, rows[0])
        _zero_acc(s, zf_hbm, acc_sh)
        plsc.subcore_barrier()
        run_stage(False, acc_sh)
        plsc.subcore_barrier()
        _publish_acc(c, s, acc_sh, cnt_out)
        plsc.subcore_barrier()

    _zero_acc(s, zf_hbm, acc_sh)
    plsc.subcore_barrier()
    run_stage(True, acc_sh)
    plsc.subcore_barrier()
    _publish_acc(c, s, acc_sh, agg_out)


def _scratch(nbuf):
    sc = [pltpu.VMEM_SHARED((N_NODES, D_FEAT), jnp.float32)]
    sc += [pltpu.VMEM((_CHUNK, D_FEAT), jnp.float32)] * nbuf
    sc += [pltpu.VMEM((8, _CHUNK), jnp.int32)] * (2 * nbuf)
    sc += [pltpu.SemaphoreType.DMA] * (4 * nbuf)
    return sc


_sc_pass1 = pl.kernel(
    functools.partial(_sc_body, True, 3),
    out_type=[
        jax.ShapeDtypeStruct((_NC, N_NODES, D_FEAT), jnp.float32),
        jax.ShapeDtypeStruct((_NC, N_NODES, D_FEAT), jnp.float32),
    ],
    mesh=_mesh,
    scratch_types=_scratch(3),
    name="sage_sc_agg_cnt",
)

_sc_pass2 = pl.kernel(
    functools.partial(_sc_body, False, 3),
    out_type=[
        jax.ShapeDtypeStruct((_NC, N_NODES, D_FEAT), jnp.float32),
    ],
    mesh=_mesh,
    scratch_types=_scratch(3),
    name="sage_sc_agg",
)

_BLK = 2000
_GRID = N_NODES // _BLK


def _tc_body(relu, agg_ref, cnt_ref, x_ref, wl_ref, wr_ref, b_ref, out_ref):
    aggsum = agg_ref[0] + agg_ref[1]
    cnt = cnt_ref[0, :, :1] + cnt_ref[1, :, :1]
    mean = aggsum / jnp.maximum(cnt, 1.0)
    r = (jnp.dot(mean, wl_ref[...], preferred_element_type=jnp.float32)
         + jnp.dot(x_ref[...], wr_ref[...], preferred_element_type=jnp.float32)
         + b_ref[...])
    out_ref[...] = jnp.maximum(r, 0.0) if relu else r


def _tc_layer(relu):
    return pl.pallas_call(
        functools.partial(_tc_body, relu),
        grid=(_GRID,),
        in_specs=[
            pl.BlockSpec((_NC, _BLK, D_FEAT), lambda i: (0, i, 0)),
            pl.BlockSpec((_NC, _BLK, D_FEAT), lambda i: (0, i, 0)),
            pl.BlockSpec((_BLK, D_FEAT), lambda i: (i, 0)),
            pl.BlockSpec((D_FEAT, D_FEAT), lambda i: (0, 0)),
            pl.BlockSpec((D_FEAT, D_FEAT), lambda i: (0, 0)),
            pl.BlockSpec((1, D_FEAT), lambda i: (0, 0)),
        ],
        out_specs=pl.BlockSpec((_BLK, D_FEAT), lambda i: (i, 0)),
        out_shape=jax.ShapeDtypeStruct((N_NODES, D_FEAT), jnp.float32),
        name="sage_tc_relu" if relu else "sage_tc",
    )


_tc1 = _tc_layer(True)
_tc2 = _tc_layer(False)


def kernel(x, edge_index, W1l, b1, W1r, W2l, b2, W2r):
    src = edge_index[0].astype(jnp.int32)
    dst = edge_index[1].astype(jnp.int32)
    zf = jnp.zeros((N_NODES, D_FEAT), jnp.float32)
    ones = jnp.ones((_CHUNK, D_FEAT), jnp.float32)

    agg1, cnt = _sc_pass1(x, src, dst, zf, ones)
    h = _tc1(agg1, cnt, x, W1l, W1r, b1.reshape(1, D_FEAT))
    (agg2,) = _sc_pass2(h, src, dst, zf)
    out = _tc2(agg2, cnt, h, W2l, W2r, b2.reshape(1, D_FEAT))
    return out

# --- scband reference (transcript-rebuilt; emitter-appended) ---
"""Pipeline reference for scband-gnn-21337397527225 (READ-ONLY COPY).

The authoritative reference and input builder live on the scoring server;
editing this copy changes nothing except your own understanding.
"""

import jax, jax.numpy as jnp
import numpy as np

D_FEAT = 128
HIDDEN = 128
N_NODES = 10000
N_EDGES = 320000

def setup_inputs(seed: int = 0) -> dict:
    key = jax.random.key(seed)
    ks = jax.random.split(key, 8)
    x = jax.random.normal(ks[0], (N_NODES, D_FEAT), dtype=jnp.float32)
    edge_index = jax.random.randint(ks[1], (2, N_EDGES), 0, N_NODES, dtype=jnp.int64)
    s1 = 1.0 / np.sqrt(D_FEAT)
    s2 = 1.0 / np.sqrt(HIDDEN)
    W1l = jax.random.uniform(ks[2], (D_FEAT, HIDDEN), jnp.float32, -s1, s1)
    b1 = jnp.zeros((HIDDEN,), jnp.float32)
    W1r = jax.random.uniform(ks[3], (D_FEAT, HIDDEN), jnp.float32, -s1, s1)
    W2l = jax.random.uniform(ks[4], (HIDDEN, HIDDEN), jnp.float32, -s2, s2)
    b2 = jnp.zeros((HIDDEN,), jnp.float32)
    W2r = jax.random.uniform(ks[5], (HIDDEN, HIDDEN), jnp.float32, -s2, s2)
    return {"x": x, "edge_index": edge_index, "W1l": W1l, "b1": b1, "W1r": W1r, "W2l": W2l, "b2": b2, "W2r": W2r}

def _sage_conv(x, edge_index, Wl, bl, Wr):
    # PyG SAGEConv (mean aggr): out = lin_l(mean_{j in N(i)} x_j) + lin_r(x_i)
    src = edge_index[0]
    dst = edge_index[1]
    n = x.shape[0]
    msg = jnp.take(x, src, axis=0)
    agg = jax.ops.segment_sum(msg, dst, num_segments=n)
    cnt = jax.ops.segment_sum(jnp.ones((src.shape[0], 1), x.dtype), dst, num_segments=n)
    mean = agg / jnp.clip(cnt, 1.0, None)
    return mean @ Wl + bl + x @ Wr

def reference(x, edge_index, W1l, b1, W1r, W2l, b2, W2r):
    h = jax.nn.relu(_sage_conv(x, edge_index, W1l, b1, W1r))
    out = _sage_conv(h, edge_index, W2l, b2, W2r)
    return out

if __name__ == "__main__":
    import jax
    _d = setup_inputs()
    print(jax.jit(kernel)(*tuple(_d.values())))

</pallas_src>

<mosaic_0001>
#map = affine_map<(d0, d1) -> (0, 0)>
#map1 = affine_map<(d0, d1) -> (0)>
#map2 = affine_map<(d0, d1) -> (0, 0, 0)>
module attributes {stable_mosaic.version = 14 : i64} {
  func.func @sage_sc_agg(%arg0: i32, %arg1: i32, %arg2: memref<10000x128xf32, #tpu.memory_space<hbm>>, %arg3: memref<320000xi32, #tpu.memory_space<hbm>>, %arg4: memref<320000xi32, #tpu.memory_space<hbm>>, %arg5: memref<10000x128xf32, #tpu.memory_space<hbm>>, %arg6: memref<2x10000x128xf32, #tpu.memory_space<hbm>>, %arg7: memref<10000x128xf32, #tpu.memory_space<vmem_shared>>, %arg8: memref<80x128xf32, #tpu.memory_space<vmem>>, %arg9: memref<80x128xf32, #tpu.memory_space<vmem>>, %arg10: memref<80x128xf32, #tpu.memory_space<vmem>>, %arg11: memref<8x80xi32, #tpu.memory_space<vmem>>, %arg12: memref<8x80xi32, #tpu.memory_space<vmem>>, %arg13: memref<8x80xi32, #tpu.memory_space<vmem>>, %arg14: memref<8x80xi32, #tpu.memory_space<vmem>>, %arg15: memref<8x80xi32, #tpu.memory_space<vmem>>, %arg16: memref<8x80xi32, #tpu.memory_space<vmem>>, %arg17: memref<!tpu.dma_semaphore, #tpu.memory_space<semaphore_mem>>, %arg18: memref<!tpu.dma_semaphore, #tpu.memory_space<semaphore_mem>>, %arg19: memref<!tpu.dma_semaphore, #tpu.memory_space<semaphore_mem>>, %arg20: memref<!tpu.dma_semaphore, #tpu.memory_space<semaphore_mem>>, %arg21: memref<!tpu.dma_semaphore, #tpu.memory_space<semaphore_mem>>, %arg22: memref<!tpu.dma_semaphore, #tpu.memory_space<semaphore_mem>>, %arg23: memref<!tpu.dma_semaphore, #tpu.memory_space<semaphore_mem>>, %arg24: memref<!tpu.dma_semaphore, #tpu.memory_space<semaphore_mem>>, %arg25: memref<!tpu.dma_semaphore, #tpu.memory_space<semaphore_mem>>, %arg26: memref<!tpu.dma_semaphore, #tpu.memory_space<semaphore_mem>>, %arg27: memref<!tpu.dma_semaphore, #tpu.memory_space<semaphore_mem>>, %arg28: memref<!tpu.dma_semaphore, #tpu.memory_space<semaphore_mem>>) attributes {dimension_semantics = [#tpu.dimension_semantics<core_parallel>, #tpu.dimension_semantics<subcore_parallel>], iteration_bounds = array<i64: 2, 16>, scalar_prefetch = 0 : i64, scratch_operands = 22 : i64, tpu.core_type = #tpu.core_type<sc_vector_subcore>, window_params = [{transform_indices = #map}, {transform_indices = #map1}, {transform_indices = #map1}, {transform_indices = #map}, {transform_indices = #map2}]} {
    %mul3A = arith.constant 16 : i32
    %mul3A_0 = arith.muli %arg0, %mul3A : i32
    %add3A = arith.addi %mul3A_0, %arg1 : i32
    %mul3A_1 = arith.constant 10000 : i32
    %mul3A_2 = arith.muli %add3A, %mul3A_1 : i32
    %mul3A_3 = arith.constant 624 : i32
    %mul3A_4 = arith.muli %arg1, %mul3A_3 : i32
    %mul3A_5 = arith.constant 624 : i32
    %mul3A_6 = arith.muli %arg1, %mul3A_5 : i32
    "tpu.region"() ({
      %run_scoped3A = tpu.sem_alloc : memref<!tpu.dma_semaphore, #tpu.memory_space<semaphore_mem>>
      %dma_start3A_391 = arith.constant 0 : i32
      %dma_start3A_392 = tpu.memref_slice %arg7[%mul3A_6, %dma_start3A_391] : memref<10000x128xf32, #tpu.memory_space<vmem_shared>> -> memref<624x128xf32, #tpu.memory_space<vmem_shared>>
      %dma_start3A_393 = arith.constant 0 : i32
      %dma_start3A_394 = tpu.memref_slice %arg5[%mul3A_6, %dma_start3A_393] : memref<10000x128xf32, #tpu.memory_space<hbm>> -> memref<624x128xf32, #tpu.memory_space<hbm>>
      tpu.enqueue_dma source(%dma_start3A_394 : memref<624x128xf32, #tpu.memory_space<hbm>>) target(%dma_start3A_392 : memref<624x128xf32, #tpu.memory_space<vmem_shared>>) target_semaphore(%run_scoped3A : memref<!tpu.dma_semaphore, #tpu.memory_space<semaphore_mem>>)
      %dma_wait3A_395 = arith.constant 0 : i32
      %dma_wait3A_396 = tpu.memref_slice %arg7[%mul3A_6, %dma_wait3A_395] : memref<10000x128xf32, #tpu.memory_space<vmem_shared>> -> memref<624x128xf32, #tpu.memory_space<vmem_shared>>
      %dma_wait3A_397 = arith.constant 0 : i32
      %dma_wait3A_398 = tpu.memref_slice %arg5[%mul3A_6, %dma_wait3A_397] : memref<10000x128xf32, #tpu.memory_space<hbm>> -> memref<624x128xf32, #tpu.memory_space<hbm>>
      tpu.wait_dma2 semaphore(%run_scoped3A : memref<!tpu.dma_semaphore, #tpu.memory_space<semaphore_mem>>) src(%dma_wait3A_398 : memref<624x128xf32, #tpu.memory_space<hbm>>) dst(%dma_wait3A_396 : memref<624x128xf32, #tpu.memory_space<vmem_shared>>)
      tpu.yield
    }) : () -> ()
    %eq3A = arith.constant 15 : i32
    %eq3A_7 = arith.cmpi eq, %arg1, %eq3A : i32
    %convert_element_type3A = arith.extui %eq3A_7 : i1 to i32
    %cond3A = arith.constant 0 : i32
    %cond3A_8 = arith.cmpi ne, %convert_element_type3A, %cond3A : i32
    scf.if %cond3A_8 {
      "tpu.region"() ({
        %run_scoped3A = tpu.sem_alloc : memref<!tpu.dma_semaphore, #tpu.memory_space<semaphore_mem>>
        %dma_start3A_391 = arith.constant 9984 : i32
        %dma_start3A_392 = arith.constant 0 : i32
        %dma_start3A_393 = tpu.memref_slice %arg7[%dma_start3A_391, %dma_start3A_392] : memref<10000x128xf32, #tpu.memory_space<vmem_shared>> -> memref<16x128xf32, #tpu.memory_space<vmem_shared>>
        %dma_start3A_394 = arith.constant 9984 : i32
        %dma_start3A_395 = arith.constant 0 : i32
        %dma_start3A_396 = tpu.memref_slice %arg5[%dma_start3A_394, %dma_start3A_395] : memref<10000x128xf32, #tpu.memory_space<hbm>> -> memref<16x128xf32, #tpu.memory_space<hbm>>
        tpu.enqueue_dma source(%dma_start3A_396 : memref<16x128xf32, #tpu.memory_space<hbm>>) target(%dma_start3A_393 : memref<16x128xf32, #tpu.memory_space<vmem_shared>>) target_semaphore(%run_scoped3A : memref<!tpu.dma_semaphore, #tpu.memory_space<semaphore_mem>>)
        %dma_wait3A_397 = arith.constant 9984 : i32
        %dma_wait3A_398 = arith.constant 0 : i32
        %dma_wait3A_399 = tpu.memref_slice %arg7[%dma_wait3A_397, %dma_wait3A_398] : memref<10000x128xf32, #tpu.memory_space<vmem_shared>> -> memref<16x128xf32, #tpu.memory_space<vmem_shared>>
        %dma_wait3A_400 = arith.constant 9984 : i32
        %dma_wait3A_401 = arith.constant 0 : i32
        %dma_wait3A_402 = tpu.memref_slice %arg5[%dma_wait3A_400, %dma_wait3A_401] : memref<10000x128xf32, #tpu.memory_space<hbm>> -> memref<16x128xf32, #tpu.memory_space<hbm>>
        tpu.wait_dma2 semaphore(%run_scoped3A : memref<!tpu.dma_semaphore, #tpu.memory_space<semaphore_mem>>) src(%dma_wait3A_402 : memref<16x128xf32, #tpu.memory_space<hbm>>) dst(%dma_wait3A_399 : memref<16x128xf32, #tpu.memory_space<vmem_shared>>)
        tpu.yield
      }) : () -> ()
    } else {
    }
    %barrier3A = arith.constant 0 : index
    tpu.barrier barrier_id(%barrier3A)
    %add3A_9 = arith.constant 0 : i32
    %add3A_10 = arith.addi %mul3A_2, %add3A_9 : i32
    %dma_start3A = arith.constant 0 : i32
    %dma_start3A_11 = arith.constant 0 : i32
    %dma_start3A_12 = tpu.memref_slice %arg11[%dma_start3A, %dma_start3A_11] : memref<8x80xi32, #tpu.memory_space<vmem>> -> memref<1x80xi32, #tpu.memory_space<vmem>>
    %dma_start3A_13 = tpu.memref_squeeze %dma_start3A_12 : memref<1x80xi32, #tpu.memory_space<vmem>> -> memref<80xi32, #tpu.memory_space<vmem>>
    %dma_start3A_14 = tpu.memref_slice %arg4[%add3A_10] : memref<320000xi32, #tpu.memory_space<hbm>> -> memref<80xi32, #tpu.memory_space<hbm>>
    %dma_start3A_15 = arith.constant 0 : i32
    %dma_start3A_16 = tpu.memref_slice %arg11[%dma_start3A, %dma_start3A_15] : memref<8x80xi32, #tpu.memory_space<vmem>> -> memref<1x80xi32, #tpu.memory_space<vmem>>
    %dma_start3A_17 = tpu.memref_squeeze %dma_start3A_16 : memref<1x80xi32, #tpu.memory_space<vmem>> -> memref<80xi32, #tpu.memory_space<vmem>>
    %dma_start3A_18 = tpu.memref_slice %arg4[%add3A_10] : memref<320000xi32, #tpu.memory_space<hbm>> -> memref<80xi32, #tpu.memory_space<hbm>>
    tpu.enqueue_dma source(%dma_start3A_18 : memref<80xi32, #tpu.memory_space<hbm>>) target(%dma_start3A_17 : memref<80xi32, #tpu.memory_space<vmem>>) target_semaphore(%arg23 : memref<!tpu.dma_semaphore, #tpu.memory_space<semaphore_mem>>)
    %add3A_19 = arith.constant 0 : i32
    %add3A_20 = arith.addi %mul3A_2, %add3A_19 : i32
    %dma_start3A_21 = arith.constant 0 : i32
    %dma_start3A_22 = arith.constant 0 : i32
    %dma_start3A_23 = tpu.memref_slice %arg14[%dma_start3A_21, %dma_start3A_22] : memref<8x80xi32, #tpu.memory_space<vmem>> -> memref<1x80xi32, #tpu.memory_space<vmem>>
    %dma_start3A_24 = tpu.memref_squeeze %dma_start3A_23 : memref<1x80xi32, #tpu.memory_space<vmem>> -> memref<80xi32, #tpu.memory_space<vmem>>
    %dma_start3A_25 = tpu.memref_slice %arg3[%add3A_20] : memref<320000xi32, #tpu.memory_space<hbm>> -> memref<80xi32, #tpu.memory_space<hbm>>
    %dma_start3A_26 = arith.constant 0 : i32
    %dma_start3A_27 = tpu.memref_slice %arg14[%dma_start3A_21, %dma_start3A_26] : memref<8x80xi32, #tpu.memory_space<vmem>> -> memref<1x80xi32, #tpu.memory_space<vmem>>
    %dma_start3A_28 = tpu.memref_squeeze %dma_start3A_27 : memref<1x80xi32, #tpu.memory_space<vmem>> -> memref<80xi32, #tpu.memory_space<vmem>>
    %dma_start3A_29 = tpu.memref_slice %arg3[%add3A_20] : memref<320000xi32, #tpu.memory_space<hbm>> -> memref<80xi32, #tpu.memory_space<hbm>>
    tpu.enqueue_dma source(%dma_start3A_29 : memref<80xi32, #tpu.memory_space<hbm>>) target(%dma_start3A_28 : memref<80xi32, #tpu.memory_space<vmem>>) target_semaphore(%arg26 : memref<!tpu.dma_semaphore, #tpu.memory_space<semaphore_mem>>)
    %add3A_30 = arith.constant 80 : i32
    %add3A_31 = arith.addi %mul3A_2, %add3A_30 : i32
    %dma_start3A_32 = arith.constant 0 : i32
    %dma_start3A_33 = arith.constant 0 : i32
    %dma_start3A_34 = tpu.memref_slice %arg12[%dma_start3A_32, %dma_start3A_33] : memref<8x80xi32, #tpu.memory_space<vmem>> -> memref<1x80xi32, #tpu.memory_space<vmem>>
    %dma_start3A_35 = tpu.memref_squeeze %dma_start3A_34 : memref<1x80xi32, #tpu.memory_space<vmem>> -> memref<80xi32, #tpu.memory_space<vmem>>
    %dma_start3A_36 = tpu.memref_slice %arg4[%add3A_31] : memref<320000xi32, #tpu.memory_space<hbm>> -> memref<80xi32, #tpu.memory_space<hbm>>
    %dma_start3A_37 = arith.constant 0 : i32
    %dma_start3A_38 = tpu.memref_slice %arg12[%dma_start3A_32, %dma_start3A_37] : memref<8x80xi32, #tpu.memory_space<vmem>> -> memref<1x80xi32, #tpu.memory_space<vmem>>
    %dma_start3A_39 = tpu.memref_squeeze %dma_start3A_38 : memref<1x80xi32, #tpu.memory_space<vmem>> -> memref<80xi32, #tpu.memory_space<vmem>>
    %dma_start3A_40 = tpu.memref_slice %arg4[%add3A_31] : memref<320000xi32, #tpu.memory_space<hbm>> -> memref<80xi32, #tpu.memory_space<hbm>>
    tpu.enqueue_dma source(%dma_start3A_40 : memref<80xi32, #tpu.memory_space<hbm>>) target(%dma_start3A_39 : memref<80xi32, #tpu.memory_space<vmem>>) target_semaphore(%arg24 : memref<!tpu.dma_semaphore, #tpu.memory_space<semaphore_mem>>)
    %add3A_41 = arith.constant 80 : i32
    %add3A_42 = arith.addi %mul3A_2, %add3A_41 : i32
    %dma_start3A_43 = arith.constant 0 : i32
    %dma_start3A_44 = arith.constant 0 : i32
    %dma_start3A_45 = tpu.memref_slice %arg15[%dma_start3A_43, %dma_start3A_44] : memref<8x80xi32, #tpu.memory_space<vmem>> -> memref<1x80xi32, #tpu.memory_space<vmem>>
    %dma_start3A_46 = tpu.memref_squeeze %dma_start3A_45 : memref<1x80xi32, #tpu.memory_space<vmem>> -> memref<80xi32, #tpu.memory_space<vmem>>
    %dma_start3A_47 = tpu.memref_slice %arg3[%add3A_42] : memref<320000xi32, #tpu.memory_space<hbm>> -> memref<80xi32, #tpu.memory_space<hbm>>
    %dma_start3A_48 = arith.constant 0 : i32
    %dma_start3A_49 = tpu.memref_slice %arg15[%dma_start3A_43, %dma_start3A_48] : memref<8x80xi32, #tpu.memory_space<vmem>> -> memref<1x80xi32, #tpu.memory_space<vmem>>
    %dma_start3A_50 = tpu.memref_squeeze %dma_start3A_49 : memref<1x80xi32, #tpu.memory_space<vmem>> -> memref<80xi32, #tpu.memory_space<vmem>>
    %dma_start3A_51 = tpu.memref_slice %arg3[%add3A_42] : memref<320000xi32, #tpu.memory_space<hbm>> -> memref<80xi32, #tpu.memory_space<hbm>>
    tpu.enqueue_dma source(%dma_start3A_51 : memref<80xi32, #tpu.memory_space<hbm>>) target(%dma_start3A_50 : memref<80xi32, #tpu.memory_space<vmem>>) target_semaphore(%arg27 : memref<!tpu.dma_semaphore, #tpu.memory_space<semaphore_mem>>)
    %add3A_52 = arith.constant 160 : i32
    %add3A_53 = arith.addi %mul3A_2, %add3A_52 : i32
    %dma_start3A_54 = arith.constant 0 : i32
    %dma_start3A_55 = arith.constant 0 : i32
    %dma_start3A_56 = tpu.memref_slice %arg16[%dma_start3A_54, %dma_start3A_55] : memref<8x80xi32, #tpu.memory_space<vmem>> -> memref<1x80xi32, #tpu.memory_space<vmem>>
    %dma_start3A_57 = tpu.memref_squeeze %dma_start3A_56 : memref<1x80xi32, #tpu.memory_space<vmem>> -> memref<80xi32, #tpu.memory_space<vmem>>
    %dma_start3A_58 = tpu.memref_slice %arg3[%add3A_53] : memref<320000xi32, #tpu.memory_space<hbm>> -> memref<80xi32, #tpu.memory_space<hbm>>
    %dma_start3A_59 = arith.constant 0 : i32
    %dma_start3A_60 = tpu.memref_slice %arg16[%dma_start3A_54, %dma_start3A_59] : memref<8x80xi32, #tpu.memory_space<vmem>> -> memref<1x80xi32, #tpu.memory_space<vmem>>
    %dma_start3A_61 = tpu.memref_squeeze %dma_start3A_60 : memref<1x80xi32, #tpu.memory_space<vmem>> -> memref<80xi32, #tpu.memory_space<vmem>>
    %dma_start3A_62 = tpu.memref_slice %arg3[%add3A_53] : memref<320000xi32, #tpu.memory_space<hbm>> -> memref<80xi32, #tpu.memory_space<hbm>>
    tpu.enqueue_dma source(%dma_start3A_62 : memref<80xi32, #tpu.memory_space<hbm>>) target(%dma_start3A_61 : memref<80xi32, #tpu.memory_space<vmem>>) target_semaphore(%arg28 : memref<!tpu.dma_semaphore, #tpu.memory_space<semaphore_mem>>)
    %add3A_63 = arith.constant 0 : i32
    %add3A_64 = arith.addi %mul3A_2, %add3A_63 : i32
    %dma_wait3A = arith.constant 0 : i32
    %dma_wait3A_65 = arith.constant 0 : i32
    %dma_wait3A_66 = tpu.memref_slice %arg14[%dma_wait3A, %dma_wait3A_65] : memref<8x80xi32, #tpu.memory_space<vmem>> -> memref<1x80xi32, #tpu.memory_space<vmem>>
    %dma_wait3A_67 = tpu.memref_squeeze %dma_wait3A_66 : memref<1x80xi32, #tpu.memory_space<vmem>> -> memref<80xi32, #tpu.memory_space<vmem>>
    %dma_wait3A_68 = tpu.memref_slice %arg3[%add3A_64] : memref<320000xi32, #tpu.memory_space<hbm>> -> memref<80xi32, #tpu.memory_space<hbm>>
    %dma_wait3A_69 = arith.constant 0 : i32
    %dma_wait3A_70 = tpu.memref_slice %arg14[%dma_wait3A, %dma_wait3A_69] : memref<8x80xi32, #tpu.memory_space<vmem>> -> memref<1x80xi32, #tpu.memory_space<vmem>>
    %dma_wait3A_71 = tpu.memref_squeeze %dma_wait3A_70 : memref<1x80xi32, #tpu.memory_space<vmem>> -> memref<80xi32, #tpu.memory_space<vmem>>
    %dma_wait3A_72 = tpu.memref_slice %arg3[%add3A_64] : memref<320000xi32, #tpu.memory_space<hbm>> -> memref<80xi32, #tpu.memory_space<hbm>>
    tpu.wait_dma2 semaphore(%arg26 : memref<!tpu.dma_semaphore, #tpu.memory_space<semaphore_mem>>) src(%dma_wait3A_72 : memref<80xi32, #tpu.memory_space<hbm>>) dst(%dma_wait3A_71 : memref<80xi32, #tpu.memory_space<vmem>>)
    %dma_start3A_73 = arith.constant 0 : i32
    %dma_start3A_74 = arith.constant 0 : i32
    %dma_start3A_75 = tpu.memref_slice %arg14[%dma_start3A_73, %dma_start3A_74] : memref<8x80xi32, #tpu.memory_space<vmem>> -> memref<1x80xi32, #tpu.memory_space<vmem>>
    %dma_start3A_76 = tpu.memref_squeeze %dma_start3A_75 : memref<1x80xi32, #tpu.memory_space<vmem>> -> memref<80xi32, #tpu.memory_space<vmem>>
    %dma_start3A_77 = arith.constant 0 : i32
    %dma_start3A_78 = arith.constant 0 : i32
    %dma_start3A_79 = tpu.memref_slice %arg2[%dma_start3A_77, %dma_start3A_78] : memref<10000x128xf32, #tpu.memory_space<hbm>> -> memref<10000x128xf32, #tpu.memory_space<hbm>>
    tpu.enqueue_indirect_dma source(%dma_start3A_79 : memref<10000x128xf32, #tpu.memory_space<hbm>>) target(%arg8 : memref<80x128xf32, #tpu.memory_space<vmem>>) offsets(%dma_start3A_76 : memref<80xi32, #tpu.memory_space<vmem>>) semaphore(%arg17 : memref<!tpu.dma_semaphore, #tpu.memory_space<semaphore_mem>>)
    %add3A_80 = arith.constant 80 : i32
    %add3A_81 = arith.addi %mul3A_2, %add3A_80 : i32
    %dma_wait3A_82 = arith.constant 0 : i32
    %dma_wait3A_83 = arith.constant 0 : i32
    %dma_wait3A_84 = tpu.memref_slice %arg15[%dma_wait3A_82, %dma_wait3A_83] : memref<8x80xi32, #tpu.memory_space<vmem>> -> memref<1x80xi32, #tpu.memory_space<vmem>>
    %dma_wait3A_85 = tpu.memref_squeeze %dma_wait3A_84 : memref<1x80xi32, #tpu.memory_space<vmem>> -> memref<80xi32, #tpu.memory_space<vmem>>
    %dma_wait3A_86 = tpu.memref_slice %arg3[%add3A_81] : memref<320000xi32, #tpu.memory_space<hbm>> -> memref<80xi32, #tpu.memory_space<hbm>>
    %dma_wait3A_87 = arith.constant 0 : i32
    %dma_wait3A_88 = tpu.memref_slice %arg15[%dma_wait3A_82, %dma_wait3A_87] : memref<8x80xi32, #tpu.memory_space<vmem>> -> memref<1x80xi32, #tpu.memory_space<vmem>>
    %dma_wait3A_89 = tpu.memref_squeeze %dma_wait3A_88 : memref<1x80xi32, #tpu.memory_space<vmem>> -> memref<80xi32, #tpu.memory_space<vmem>>
    %dma_wait3A_90 = tpu.memref_slice %arg3[%add3A_81] : memref<320000xi32, #tpu.memory_space<hbm>> -> memref<80xi32, #tpu.memory_space<hbm>>
    tpu.wait_dma2 semaphore(%arg27 : memref<!tpu.dma_semaphore, #tpu.memory_space<semaphore_mem>>) src(%dma_wait3A_90 : memref<80xi32, #tpu.memory_space<hbm>>) dst(%dma_wait3A_89 : memref<80xi32, #tpu.memory_space<vmem>>)
    %dma_start3A_91 = arith.constant 0 : i32
    %dma_start3A_92 = arith.constant 0 : i32
    %dma_start3A_93 = tpu.memref_slice %arg15[%dma_start3A_91, %dma_start3A_92] : memref<8x80xi32, #tpu.memory_space<vmem>> -> memref<1x80xi32, #tpu.memory_space<vmem>>
    %dma_start3A_94 = tpu.memref_squeeze %dma_start3A_93 : memref<1x80xi32, #tpu.memory_space<vmem>> -> memref<80xi32, #tpu.memory_space<vmem>>
    %dma_start3A_95 = arith.constant 0 : i32
    %dma_start3A_96 = arith.constant 0 : i32
    %dma_start3A_97 = tpu.memref_slice %arg2[%dma_start3A_95, %dma_start3A_96] : memref<10000x128xf32, #tpu.memory_space<hbm>> -> memref<10000x128xf32, #tpu.memory_space<hbm>>
    tpu.enqueue_indirect_dma source(%dma_start3A_97 : memref<10000x128xf32, #tpu.memory_space<hbm>>) target(%arg9 : memref<80x128xf32, #tpu.memory_space<vmem>>) offsets(%dma_start3A_94 : memref<80xi32, #tpu.memory_space<vmem>>) semaphore(%arg18 : memref<!tpu.dma_semaphore, #tpu.memory_space<semaphore_mem>>)
    %add3A_98 = arith.constant 0 : i32
    %add3A_99 = arith.addi %mul3A_2, %add3A_98 : i32
    %dma_wait3A_100 = arith.constant 0 : i32
    %dma_wait3A_101 = arith.constant 0 : i32
    %dma_wait3A_102 = tpu.memref_slice %arg11[%dma_wait3A_100, %dma_wait3A_101] : memref<8x80xi32, #tpu.memory_space<vmem>> -> memref<1x80xi32, #tpu.memory_space<vmem>>
    %dma_wait3A_103 = tpu.memref_squeeze %dma_wait3A_102 : memref<1x80xi32, #tpu.memory_space<vmem>> -> memref<80xi32, #tpu.memory_space<vmem>>
    %dma_wait3A_104 = tpu.memref_slice %arg4[%add3A_99] : memref<320000xi32, #tpu.memory_space<hbm>> -> memref<80xi32, #tpu.memory_space<hbm>>
    %dma_wait3A_105 = arith.constant 0 : i32
    %dma_wait3A_106 = tpu.memref_slice %arg11[%dma_wait3A_100, %dma_wait3A_105] : memref<8x80xi32, #tpu.memory_space<vmem>> -> memref<1x80xi32, #tpu.memory_space<vmem>>
    %dma_wait3A_107 = tpu.memref_squeeze %dma_wait3A_106 : memref<1x80xi32, #tpu.memory_space<vmem>> -> memref<80xi32, #tpu.memory_space<vmem>>
    %dma_wait3A_108 = tpu.memref_slice %arg4[%add3A_99] : memref<320000xi32, #tpu.memory_space<hbm>> -> memref<80xi32, #tpu.memory_space<hbm>>
    tpu.wait_dma2 semaphore(%arg23 : memref<!tpu.dma_semaphore, #tpu.memory_space<semaphore_mem>>) src(%dma_wait3A_108 : memref<80xi32, #tpu.memory_space<hbm>>) dst(%dma_wait3A_107 : memref<80xi32, #tpu.memory_space<vmem>>)
    %dma_wait3A_109 = arith.constant 0 : i32
    %dma_wait3A_110 = arith.constant 0 : i32
    %dma_wait3A_111 = tpu.memref_slice %arg14[%dma_wait3A_109, %dma_wait3A_110] : memref<8x80xi32, #tpu.memory_space<vmem>> -> memref<1x80xi32, #tpu.memory_space<vmem>>
    %dma_wait3A_112 = tpu.memref_squeeze %dma_wait3A_111 : memref<1x80xi32, #tpu.memory_space<vmem>> -> memref<80xi32, #tpu.memory_space<vmem>>
    %dma_wait3A_113 = arith.constant 0 : i32
    %dma_wait3A_114 = arith.constant 0 : i32
    %dma_wait3A_115 = tpu.memref_slice %arg2[%dma_wait3A_113, %dma_wait3A_114] : memref<10000x128xf32, #tpu.memory_space<hbm>> -> memref<10000x128xf32, #tpu.memory_space<hbm>>
    tpu.wait_indirect_dma semaphore(%arg17 : memref<!tpu.dma_semaphore, #tpu.memory_space<semaphore_mem>>) src(%dma_wait3A_115 : memref<10000x128xf32, #tpu.memory_space<hbm>>) dst(%arg8 : memref<80x128xf32, #tpu.memory_space<vmem>>)
    %dma_start3A_116 = arith.constant 0 : i32
    %dma_start3A_117 = arith.constant 0 : i32
    %dma_start3A_118 = tpu.memref_slice %arg11[%dma_start3A_116, %dma_start3A_117] : memref<8x80xi32, #tpu.memory_space<vmem>> -> memref<1x80xi32, #tpu.memory_space<vmem>>
    %dma_start3A_119 = tpu.memref_squeeze %dma_start3A_118 : memref<1x80xi32, #tpu.memory_space<vmem>> -> memref<80xi32, #tpu.memory_space<vmem>>
    %dma_start3A_120 = arith.constant 0 : i32
    %dma_start3A_121 = arith.constant 0 : i32
    %dma_start3A_122 = tpu.memref_slice %arg7[%dma_start3A_120, %dma_start3A_121] : memref<10000x128xf32, #tpu.memory_space<vmem_shared>> -> memref<10000x128xf32, #tpu.memory_space<vmem_shared>>
    tpu.enqueue_indirect_dma source(%arg8 : memref<80x128xf32, #tpu.memory_space<vmem>>) target(%dma_start3A_122 : memref<10000x128xf32, #tpu.memory_space<vmem_shared>>) offsets(%dma_start3A_119 : memref<80xi32, #tpu.memory_space<vmem>>) semaphore(%arg20 : memref<!tpu.dma_semaphore, #tpu.memory_space<semaphore_mem>>) {add = true}
    %add3A_123 = arith.constant 160 : i32
    %add3A_124 = arith.addi %mul3A_2, %add3A_123 : i32
    %dma_start3A_125 = arith.constant 0 : i32
    %dma_start3A_126 = arith.constant 0 : i32
    %dma_start3A_127 = tpu.memref_slice %arg13[%dma_start3A_125, %dma_start3A_126] : memref<8x80xi32, #tpu.memory_space<vmem>> -> memref<1x80xi32, #tpu.memory_space<vmem>>
    %dma_start3A_128 = tpu.memref_squeeze %dma_start3A_127 : memref<1x80xi32, #tpu.memory_space<vmem>> -> memref<80xi32, #tpu.memory_space<vmem>>
    %dma_start3A_129 = tpu.memref_slice %arg4[%add3A_124] : memref<320000xi32, #tpu.memory_space<hbm>> -> memref<80xi32, #tpu.memory_space<hbm>>
    %dma_start3A_130 = arith.constant 0 : i32
    %dma_start3A_131 = tpu.memref_slice %arg13[%dma_start3A_125, %dma_start3A_130] : memref<8x80xi32, #tpu.memory_space<vmem>> -> memref<1x80xi32, #tpu.memory_space<vmem>>
    %dma_start3A_132 = tpu.memref_squeeze %dma_start3A_131 : memref<1x80xi32, #tpu.memory_space<vmem>> -> memref<80xi32, #tpu.memory_space<vmem>>
    %dma_start3A_133 = tpu.memref_slice %arg4[%add3A_124] : memref<320000xi32, #tpu.memory_space<hbm>> -> memref<80xi32, #tpu.memory_space<hbm>>
    tpu.enqueue_dma source(%dma_start3A_133 : memref<80xi32, #tpu.memory_space<hbm>>) target(%dma_start3A_132 : memref<80xi32, #tpu.memory_space<vmem>>) target_semaphore(%arg25 : memref<!tpu.dma_semaphore, #tpu.memory_space<semaphore_mem>>)
    %add3A_134 = arith.constant 160 : i32
    %add3A_135 = arith.addi %mul3A_2, %add3A_134 : i32
    %dma_wait3A_136 = arith.constant 0 : i32
    %dma_wait3A_137 = arith.constant 0 : i32
    %dma_wait3A_138 = tpu.memref_slice %arg16[%dma_wait3A_136, %dma_wait3A_137] : memref<8x80xi32, #tpu.memory_space<vmem>> -> memref<1x80xi32, #tpu.memory_space<vmem>>
    %dma_wait3A_139 = tpu.memref_squeeze %dma_wait3A_138 : memref<1x80xi32, #tpu.memory_space<vmem>> -> memref<80xi32, #tpu.memory_space<vmem>>
    %dma_wait3A_140 = tpu.memref_slice %arg3[%add3A_135] : memref<320000xi32, #tpu.memory_space<hbm>> -> memref<80xi32, #tpu.memory_space<hbm>>
    %dma_wait3A_141 = arith.constant 0 : i32
    %dma_wait3A_142 = tpu.memref_slice %arg16[%dma_wait3A_136, %dma_wait3A_141] : memref<8x80xi32, #tpu.memory_space<vmem>> -> memref<1x80xi32, #tpu.memory_space<vmem>>
    %dma_wait3A_143 = tpu.memref_squeeze %dma_wait3A_142 : memref<1x80xi32, #tpu.memory_space<vmem>> -> memref<80xi32, #tpu.memory_space<vmem>>
    %dma_wait3A_144 = tpu.memref_slice %arg3[%add3A_135] : memref<320000xi32, #tpu.memory_space<hbm>> -> memref<80xi32, #tpu.memory_space<hbm>>
    tpu.wait_dma2 semaphore(%arg28 : memref<!tpu.dma_semaphore, #tpu.memory_space<semaphore_mem>>) src(%dma_wait3A_144 : memref<80xi32, #tpu.memory_space<hbm>>) dst(%dma_wait3A_143 : memref<80xi32, #tpu.memory_space<vmem>>)
    %dma_start3A_145 = arith.constant 0 : i32
    %dma_start3A_146 = arith.constant 0 : i32
    %dma_start3A_147 = tpu.memref_slice %arg16[%dma_start3A_145, %dma_start3A_146] : memref<8x80xi32, #tpu.memory_space<vmem>> -> memref<1x80xi32, #tpu.memory_space<vmem>>
    %dma_start3A_148 = tpu.memref_squeeze %dma_start3A_147 : memref<1x80xi32, #tpu.memory_space<vmem>> -> memref<80xi32, #tpu.memory_space<vmem>>
    %dma_start3A_149 = arith.constant 0 : i32
    %dma_start3A_150 = arith.constant 0 : i32
    %dma_start3A_151 = tpu.memref_slice %arg2[%dma_start3A_149, %dma_start3A_150] : memref<10000x128xf32, #tpu.memory_space<hbm>> -> memref<10000x128xf32, #tpu.memory_space<hbm>>
    tpu.enqueue_indirect_dma source(%dma_start3A_151 : memref<10000x128xf32, #tpu.memory_space<hbm>>) target(%arg10 : memref<80x128xf32, #tpu.memory_space<vmem>>) offsets(%dma_start3A_148 : memref<80xi32, #tpu.memory_space<vmem>>) semaphore(%arg19 : memref<!tpu.dma_semaphore, #tpu.memory_space<semaphore_mem>>)
    %add3A_152 = arith.constant 240 : i32
    %add3A_153 = arith.addi %mul3A_2, %add3A_152 : i32
    %dma_start3A_154 = arith.constant 0 : i32
    %dma_start3A_155 = arith.constant 0 : i32
    %dma_start3A_156 = tpu.memref_slice %arg14[%dma_start3A_154, %dma_start3A_155] : memref<8x80xi32, #tpu.memory_space<vmem>> -> memref<1x80xi32, #tpu.memory_space<vmem>>
    %dma_start3A_157 = tpu.memref_squeeze %dma_start3A_156 : memref<1x80xi32, #tpu.memory_space<vmem>> -> memref<80xi32, #tpu.memory_space<vmem>>
    %dma_start3A_158 = tpu.memref_slice %arg3[%add3A_153] : memref<320000xi32, #tpu.memory_space<hbm>> -> memref<80xi32, #tpu.memory_space<hbm>>
    %dma_start3A_159 = arith.constant 0 : i32
    %dma_start3A_160 = tpu.memref_slice %arg14[%dma_start3A_154, %dma_start3A_159] : memref<8x80xi32, #tpu.memory_space<vmem>> -> memref<1x80xi32, #tpu.memory_space<vmem>>
    %dma_start3A_161 = tpu.memref_squeeze %dma_start3A_160 : memref<1x80xi32, #tpu.memory_space<vmem>> -> memref<80xi32, #tpu.memory_space<vmem>>
    %dma_start3A_162 = tpu.memref_slice %arg3[%add3A_153] : memref<320000xi32, #tpu.memory_space<hbm>> -> memref<80xi32, #tpu.memory_space<hbm>>
    tpu.enqueue_dma source(%dma_start3A_162 : memref<80xi32, #tpu.memory_space<hbm>>) target(%dma_start3A_161 : memref<80xi32, #tpu.memory_space<vmem>>) target_semaphore(%arg26 : memref<!tpu.dma_semaphore, #tpu.memory_space<semaphore_mem>>)
    %add3A_163 = arith.constant 80 : i32
    %add3A_164 = arith.addi %mul3A_2, %add3A_163 : i32
    %dma_wait3A_165 = arith.constant 0 : i32
    %dma_wait3A_166 = arith.constant 0 : i32
    %dma_wait3A_167 = tpu.memref_slice %arg12[%dma_wait3A_165, %dma_wait3A_166] : memref<8x80xi32, #tpu.memory_space<vmem>> -> memref<1x80xi32, #tpu.memory_space<vmem>>
    %dma_wait3A_168 = tpu.memref_squeeze %dma_wait3A_167 : memref<1x80xi32, #tpu.memory_space<vmem>> -> memref<80xi32, #tpu.memory_space<vmem>>
    %dma_wait3A_169 = tpu.memref_slice %arg4[%add3A_164] : memref<320000xi32, #tpu.memory_space<hbm>> -> memref<80xi32, #tpu.memory_space<hbm>>
    %dma_wait3A_170 = arith.constant 0 : i32
    %dma_wait3A_171 = tpu.memref_slice %arg12[%dma_wait3A_165, %dma_wait3A_170] : memref<8x80xi32, #tpu.memory_space<vmem>> -> memref<1x80xi32, #tpu.memory_space<vmem>>
    %dma_wait3A_172 = tpu.memref_squeeze %dma_wait3A_171 : memref<1x80xi32, #tpu.memory_space<vmem>> -> memref<80xi32, #tpu.memory_space<vmem>>
    %dma_wait3A_173 = tpu.memref_slice %arg4[%add3A_164] : memref<320000xi32, #tpu.memory_space<hbm>> -> memref<80xi32, #tpu.memory_space<hbm>>
    tpu.wait_dma2 semaphore(%arg24 : memref<!tpu.dma_semaphore, #tpu.memory_space<semaphore_mem>>) src(%dma_wait3A_173 : memref<80xi32, #tpu.memory_space<hbm>>) dst(%dma_wait3A_172 : memref<80xi32, #tpu.memory_space<vmem>>)
    %dma_wait3A_174 = arith.constant 0 : i32
    %dma_wait3A_175 = arith.constant 0 : i32
    %dma_wait3A_176 = tpu.memref_slice %arg15[%dma_wait3A_174, %dma_wait3A_175] : memref<8x80xi32, #tpu.memory_space<vmem>> -> memref<1x80xi32, #tpu.memory_space<vmem>>
    %dma_wait3A_177 = tpu.memref_squeeze %dma_wait3A_176 : memref<1x80xi32, #tpu.memory_space<vmem>> -> memref<80xi32, #tpu.memory_space<vmem>>
    %dma_wait3A_178 = arith.constant 0 : i32
    %dma_wait3A_179 = arith.constant 0 : i32
    %dma_wait3A_180 = tpu.memref_slice %arg2[%dma_wait3A_178, %dma_wait3A_179] : memref<10000x128xf32, #tpu.memory_space<hbm>> -> memref<10000x128xf32, #tpu.memory_space<hbm>>
    tpu.wait_indirect_dma semaphore(%arg18 : memref<!tpu.dma_semaphore, #tpu.memory_space<semaphore_mem>>) src(%dma_wait3A_180 : memref<10000x128xf32, #tpu.memory_space<hbm>>) dst(%arg9 : memref<80x128xf32, #tpu.memory_space<vmem>>)
    %dma_start3A_181 = arith.constant 0 : i32
    %dma_start3A_182 = arith.constant 0 : i32
    %dma_start3A_183 = tpu.memref_slice %arg12[%dma_start3A_181, %dma_start3A_182] : memref<8x80xi32, #tpu.memory_space<vmem>> -> memref<1x80xi32, #tpu.memory_space<vmem>>
    %dma_start3A_184 = tpu.memref_squeeze %dma_start3A_183 : memref<1x80xi32, #tpu.memory_space<vmem>> -> memref<80xi32, #tpu.memory_space<vmem>>
    %dma_start3A_185 = arith.constant 0 : i32
    %dma_start3A_186 = arith.constant 0 : i32
    %dma_start3A_187 = tpu.memref_slice %arg7[%dma_start3A_185, %dma_start3A_186] : memref<10000x128xf32, #tpu.memory_space<vmem_shared>> -> memref<10000x128xf32, #tpu.memory_space<vmem_shared>>
    tpu.enqueue_indirect_dma source(%arg9 : memref<80x128xf32, #tpu.memory_space<vmem>>) target(%dma_start3A_187 : memref<10000x128xf32, #tpu.memory_space<vmem_shared>>) offsets(%dma_start3A_184 : memref<80xi32, #tpu.memory_space<vmem>>) semaphore(%arg21 : memref<!tpu.dma_semaphore, #tpu.memory_space<semaphore_mem>>) {add = true}
    %dma_wait3A_188 = arith.constant 0 : i32
    %dma_wait3A_189 = arith.constant 0 : i32
    %dma_wait3A_190 = tpu.memref_slice %arg11[%dma_wait3A_188, %dma_wait3A_189] : memref<8x80xi32, #tpu.memory_space<vmem>> -> memref<1x80xi32, #tpu.memory_space<vmem>>
    %dma_wait3A_191 = tpu.memref_squeeze %dma_wait3A_190 : memref<1x80xi32, #tpu.memory_space<vmem>> -> memref<80xi32, #tpu.memory_space<vmem>>
    %dma_wait3A_192 = arith.constant 0 : i32
    %dma_wait3A_193 = arith.constant 0 : i32
    %dma_wait3A_194 = tpu.memref_slice %arg7[%dma_wait3A_192, %dma_wait3A_193] : memref<10000x128xf32, #tpu.memory_space<vmem_shared>> -> memref<10000x128xf32, #tpu.memory_space<vmem_shared>>
    tpu.wait_indirect_dma semaphore(%arg20 : memref<!tpu.dma_semaphore, #tpu.memory_space<semaphore_mem>>) src(%arg8 : memref<80x128xf32, #tpu.memory_space<vmem>>) dst(%dma_wait3A_194 : memref<10000x128xf32, #tpu.memory_space<vmem_shared>>)
    %add3A_195 = arith.constant 240 : i32
    %add3A_196 = arith.addi %mul3A_2, %add3A_195 : i32
    %dma_start3A_197 = arith.constant 0 : i32
    %dma_start3A_198 = arith.constant 0 : i32
    %dma_start3A_199 = tpu.memref_slice %arg11[%dma_start3A_197, %dma_start3A_198] : memref<8x80xi32, #tpu.memory_space<vmem>> -> memref<1x80xi32, #tpu.memory_space<vmem>>
    %dma_start3A_200 = tpu.memref_squeeze %dma_start3A_199 : memref<1x80xi32, #tpu.memory_space<vmem>> -> memref<80xi32, #tpu.memory_space<vmem>>
    %dma_start3A_201 = tpu.memref_slice %arg4[%add3A_196] : memref<320000xi32, #tpu.memory_space<hbm>> -> memref<80xi32, #tpu.memory_space<hbm>>
    %dma_start3A_202 = arith.constant 0 : i32
    %dma_start3A_203 = tpu.memref_slice %arg11[%dma_start3A_197, %dma_start3A_202] : memref<8x80xi32, #tpu.memory_space<vmem>> -> memref<1x80xi32, #tpu.memory_space<vmem>>
    %dma_start3A_204 = tpu.memref_squeeze %dma_start3A_203 : memref<1x80xi32, #tpu.memory_space<vmem>> -> memref<80xi32, #tpu.memory_space<vmem>>
    %dma_start3A_205 = tpu.memref_slice %arg4[%add3A_196] : memref<320000xi32, #tpu.memory_space<hbm>> -> memref<80xi32, #tpu.memory_space<hbm>>
    tpu.enqueue_dma source(%dma_start3A_205 : memref<80xi32, #tpu.memory_space<hbm>>) target(%dma_start3A_204 : memref<80xi32, #tpu.memory_space<vmem>>) target_semaphore(%arg23 : memref<!tpu.dma_semaphore, #tpu.memory_space<semaphore_mem>>)
    %add3A_206 = arith.constant 240 : i32
    %add3A_207 = arith.addi %mul3A_2, %add3A_206 : i32
    %dma_wait3A_208 = arith.constant 0 : i32
    %dma_wait3A_209 = arith.constant 0 : i32
    %dma_wait3A_210 = tpu.memref_slice %arg14[%dma_wait3A_208, %dma_wait3A_209] : memref<8x80xi32, #tpu.memory_space<vmem>> -> memref<1x80xi32, #tpu.memory_space<vmem>>
    %dma_wait3A_211 = tpu.memref_squeeze %dma_wait3A_210 : memref<1x80xi32, #tpu.memory_space<vmem>> -> memref<80xi32, #tpu.memory_space<vmem>>
    %dma_wait3A_212 = tpu.memref_slice %arg3[%add3A_207] : memref<320000xi32, #tpu.memory_space<hbm>> -> memref<80xi32, #tpu.memory_space<hbm>>
    %dma_wait3A_213 = arith.constant 0 : i32
    %dma_wait3A_214 = tpu.memref_slice %arg14[%dma_wait3A_208, %dma_wait3A_213] : memref<8x80xi32, #tpu.memory_space<vmem>> -> memref<1x80xi32, #tpu.memory_space<vmem>>
    %dma_wait3A_215 = tpu.memref_squeeze %dma_wait3A_214 : memref<1x80xi32, #tpu.memory_space<vmem>> -> memref<80xi32, #tpu.memory_space<vmem>>
    %dma_wait3A_216 = tpu.memref_slice %arg3[%add3A_207] : memref<320000xi32, #tpu.memory_space<hbm>> -> memref<80xi32, #tpu.memory_space<hbm>>
    tpu.wait_dma2 semaphore(%arg26 : memref<!tpu.dma_semaphore, #tpu.memory_space<semaphore_mem>>) src(%dma_wait3A_216 : memref<80xi32, #tpu.memory_space<hbm>>) dst(%dma_wait3A_215 : memref<80xi32, #tpu.memory_space<vmem>>)
    %dma_start3A_217 = arith.constant 0 : i32
    %dma_start3A_218 = arith.constant 0 : i32
    %dma_start3A_219 = tpu.memref_slice %arg14[%dma_start3A_217, %dma_start3A_218] : memref<8x80xi32, #tpu.memory_space<vmem>> -> memref<1x80xi32, #tpu.memory_space<vmem>>
    %dma_start3A_220 = tpu.memref_squeeze %dma_start3A_219 : memref<1x80xi32, #tpu.memory_space<vmem>> -> memref<80xi32, #tpu.memory_space<vmem>>
    %dma_start3A_221 = arith.constant 0 : i32
    %dma_start3A_222 = arith.constant 0 : i32
    %dma_start3A_223 = tpu.memref_slice %arg2[%dma_start3A_221, %dma_start3A_222] : memref<10000x128xf32, #tpu.memory_space<hbm>> -> memref<10000x128xf32, #tpu.memory_space<hbm>>
    tpu.enqueue_indirect_dma source(%dma_start3A_223 : memref<10000x128xf32, #tpu.memory_space<hbm>>) target(%arg8 : memref<80x128xf32, #tpu.memory_space<vmem>>) offsets(%dma_start3A_220 : memref<80xi32, #tpu.memory_space<vmem>>) semaphore(%arg17 : memref<!tpu.dma_semaphore, #tpu.memory_space<semaphore_mem>>)
    %add3A_224 = arith.constant 320 : i32
    %add3A_225 = arith.addi %mul3A_2, %add3A_224 : i32
    %dma_start3A_226 = arith.constant 0 : i32
    %dma_start3A_227 = arith.constant 0 : i32
    %dma_start3A_228 = tpu.memref_slice %arg15[%dma_start3A_226, %dma_start3A_227] : memref<8x80xi32, #tpu.memory_space<vmem>> -> memref<1x80xi32, #tpu.memory_space<vmem>>
    %dma_start3A_229 = tpu.memref_squeeze %dma_start3A_228 : memref<1x80xi32, #tpu.memory_space<vmem>> -> memref<80xi32, #tpu.memory_space<vmem>>
    %dma_start3A_230 = tpu.memref_slice %arg3[%add3A_225] : memref<320000xi32, #tpu.memory_space<hbm>> -> memref<80xi32, #tpu.memory_space<hbm>>
    %dma_start3A_231 = arith.constant 0 : i32
    %dma_start3A_232 = tpu.memref_slice %arg15[%dma_start3A_226, %dma_start3A_231] : memref<8x80xi32, #tpu.memory_space<vmem>> -> memref<1x80xi32, #tpu.memory_space<vmem>>
    %dma_start3A_233 = tpu.memref_squeeze %dma_start3A_232 : memref<1x80xi32, #tpu.memory_space<vmem>> -> memref<80xi32, #tpu.memory_space<vmem>>
    %dma_start3A_234 = tpu.memref_slice %arg3[%add3A_225] : memref<320000xi32, #tpu.memory_space<hbm>> -> memref<80xi32, #tpu.memory_space<hbm>>
    tpu.enqueue_dma source(%dma_start3A_234 : memref<80xi32, #tpu.memory_space<hbm>>) target(%dma_start3A_233 : memref<80xi32, #tpu.memory_space<vmem>>) target_semaphore(%arg27 : memref<!tpu.dma_semaphore, #tpu.memory_space<semaphore_mem>>)
    %add3A_235 = arith.constant 160 : i32
    %add3A_236 = arith.addi %mul3A_2, %add3A_235 : i32
    %dma_wait3A_237 = arith.constant 0 : i32
    %dma_wait3A_238 = arith.constant 0 : i32
    %dma_wait3A_239 = tpu.memref_slice %arg13[%dma_wait3A_237, %dma_wait3A_238] : memref<8x80xi32, #tpu.memory_space<vmem>> -> memref<1x80xi32, #tpu.memory_space<vmem>>
    %dma_wait3A_240 = tpu.memref_squeeze %dma_wait3A_239 : memref<1x80xi32, #tpu.memory_space<vmem>> -> memref<80xi32, #tpu.memory_space<vmem>>
    %dma_wait3A_241 = tpu.memref_slice %arg4[%add3A_236] : memref<320000xi32, #tpu.memory_space<hbm>> -> memref<80xi32, #tpu.memory_space<hbm>>
    %dma_wait3A_242 = arith.constant 0 : i32
    %dma_wait3A_243 = tpu.memref_slice %arg13[%dma_wait3A_237, %dma_wait3A_242] : memref<8x80xi32, #tpu.memory_space<vmem>> -> memref<1x80xi32, #tpu.memory_space<vmem>>
    %dma_wait3A_244 = tpu.memref_squeeze %dma_wait3A_243 : memref<1x80xi32, #tpu.memory_space<vmem>> -> memref<80xi32, #tpu.memory_space<vmem>>
    %dma_wait3A_245 = tpu.memref_slice %arg4[%add3A_236] : memref<320000xi32, #tpu.memory_space<hbm>> -> memref<80xi32, #tpu.memory_space<hbm>>
    tpu.wait_dma2 semaphore(%arg25 : memref<!tpu.dma_semaphore, #tpu.memory_space<semaphore_mem>>) src(%dma_wait3A_245 : memref<80xi32, #tpu.memory_space<hbm>>) dst(%dma_wait3A_244 : memref<80xi32, #tpu.memory_space<vmem>>)
    %dma_wait3A_246 = arith.constant 0 : i32
    %dma_wait3A_247 = arith.constant 0 : i32
    %dma_wait3A_248 = tpu.memref_slice %arg16[%dma_wait3A_246, %dma_wait3A_247] : memref<8x80xi32, #tpu.memory_space<vmem>> -> memref<1x80xi32, #tpu.memory_space<vmem>>
    %dma_wait3A_249 = tpu.memref_squeeze %dma_wait3A_248 : memref<1x80xi32, #tpu.memory_space<vmem>> -> memref<80xi32, #tpu.memory_space<vmem>>
    %dma_wait3A_250 = arith.constant 0 : i32
    %dma_wait3A_251 = arith.constant 0 : i32
    %dma_wait3A_252 = tpu.memref_slice %arg2[%dma_wait3A_250, %dma_wait3A_251] : memref<10000x128xf32, #tpu.memory_space<hbm>> -> memref<10000x128xf32, #tpu.memory_space<hbm>>
    tpu.wait_indirect_dma semaphore(%arg19 : memref<!tpu.dma_semaphore, #tpu.memory_space<semaphore_mem>>) src(%dma_wait3A_252 : memref<10000x128xf32, #tpu.memory_space<hbm>>) dst(%arg10 : memref<80x128xf32, #tpu.memory_space<vmem>>)
    %dma_start3A_253 = arith.constant 0 : i32
    %dma_start3A_254 = arith.constant 0 : i32
    %dma_start3A_255 = tpu.memref_slice %arg13[%dma_start3A_253, %dma_start3A_254] : memref<8x80xi32, #tpu.memory_space<vmem>> -> memref<1x80xi32, #tpu.memory_space<vmem>>
    %dma_start3A_256 = tpu.memref_squeeze %dma_start3A_255 : memref<1x80xi32, #tpu.memory_space<vmem>> -> memref<80xi32, #tpu.memory_space<vmem>>
    %dma_start3A_257 = arith.constant 0 : i32
    %dma_start3A_258 = arith.constant 0 : i32
    %dma_start3A_259 = tpu.memref_slice %arg7[%dma_start3A_257, %dma_start3A_258] : memref<10000x128xf32, #tpu.memory_space<vmem_shared>> -> memref<10000x128xf32, #tpu.memory_space<vmem_shared>>
    tpu.enqueue_indirect_dma source(%arg10 : memref<80x128xf32, #tpu.memory_space<vmem>>) target(%dma_start3A_259 : memref<10000x128xf32, #tpu.memory_space<vmem_shared>>) offsets(%dma_start3A_256 : memref<80xi32, #tpu.memory_space<vmem>>) semaphore(%arg22 : memref<!tpu.dma_semaphore, #tpu.memory_space<semaphore_mem>>) {add = true}
    %dma_wait3A_260 = arith.constant 0 : i32
    %dma_wait3A_261 = arith.constant 0 : i32
    %dma_wait3A_262 = tpu.memref_slice %arg12[%dma_wait3A_260, %dma_wait3A_261] : memref<8x80xi32, #tpu.memory_space<vmem>> -> memref<1x80xi32, #tpu.memory_space<vmem>>
    %dma_wait3A_263 = tpu.memref_squeeze %dma_wait3A_262 : memref<1x80xi32, #tpu.memory_space<vmem>> -> memref<80xi32, #tpu.memory_space<vmem>>
    %dma_wait3A_264 = arith.constant 0 : i32
    %dma_wait3A_265 = arith.constant 0 : i32
    %dma_wait3A_266 = tpu.memref_slice %arg7[%dma_wait3A_264, %dma_wait3A_265] : memref<10000x128xf32, #tpu.memory_space<vmem_shared>> -> memref<10000x128xf32, #tpu.memory_space<vmem_shared>>
    tpu.wait_indirect_dma semaphore(%arg21 : memref<!tpu.dma_semaphore, #tpu.memory_space<semaphore_mem>>) src(%arg9 : memref<80x128xf32, #tpu.memory_space<vmem>>) dst(%dma_wait3A_266 : memref<10000x128xf32, #tpu.memory_space<vmem_shared>>)
    %add3A_267 = arith.constant 320 : i32
    %add3A_268 = arith.addi %mul3A_2, %add3A_267 : i32
    %dma_start3A_269 = arith.constant 0 : i32
    %dma_start3A_270 = arith.constant 0 : i32
    %dma_start3A_271 = tpu.memref_slice %arg12[%dma_start3A_269, %dma_start3A_270] : memref<8x80xi32, #tpu.memory_space<vmem>> -> memref<1x80xi32, #tpu.memory_space<vmem>>
    %dma_start3A_272 = tpu.memref_squeeze %dma_start3A_271 : memref<1x80xi32, #tpu.memory_space<vmem>> -> memref<80xi32, #tpu.memory_space<vmem>>
    %dma_start3A_273 = tpu.memref_slice %arg4[%add3A_268] : memref<320000xi32, #tpu.memory_space<hbm>> -> memref<80xi32, #tpu.memory_space<hbm>>
    %dma_start3A_274 = arith.constant 0 : i32
    %dma_start3A_275 = tpu.memref_slice %arg12[%dma_start3A_269, %dma_start3A_274] : memref<8x80xi32, #tpu.memory_space<vmem>> -> memref<1x80xi32, #tpu.memory_space<vmem>>
    %dma_start3A_276 = tpu.memref_squeeze %dma_start3A_275 : memref<1x80xi32, #tpu.memory_space<vmem>> -> memref<80xi32, #tpu.memory_space<vmem>>
    %dma_start3A_277 = tpu.memref_slice %arg4[%add3A_268] : memref<320000xi32, #tpu.memory_space<hbm>> -> memref<80xi32, #tpu.memory_space<hbm>>
    tpu.enqueue_dma source(%dma_start3A_277 : memref<80xi32, #tpu.memory_space<hbm>>) target(%dma_start3A_276 : memref<80xi32, #tpu.memory_space<vmem>>) target_semaphore(%arg24 : memref<!tpu.dma_semaphore, #tpu.memory_space<semaphore_mem>>)
    %add3A_278 = arith.constant 320 : i32
    %add3A_279 = arith.addi %mul3A_2, %add3A_278 : i32
    %dma_wait3A_280 = arith.constant 0 : i32
    %dma_wait3A_281 = arith.constant 0 : i32
    %dma_wait3A_282 = tpu.memref_slice %arg15[%dma_wait3A_280, %dma_wait3A_281] : memref<8x80xi32, #tpu.memory_space<vmem>> -> memref<1x80xi32, #tpu.memory_space<vmem>>
    %dma_wait3A_283 = tpu.memref_squeeze %dma_wait3A_282 : memref<1x80xi32, #tpu.memory_space<vmem>> -> memref<80xi32, #tpu.memory_space<vmem>>
    %dma_wait3A_284 = tpu.memref_slice %arg3[%add3A_279] : memref<320000xi32, #tpu.memory_space<hbm>> -> memref<80xi32, #tpu.memory_space<hbm>>
    %dma_wait3A_285 = arith.constant 0 : i32
    %dma_wait3A_286 = tpu.memref_slice %arg15[%dma_wait3A_280, %dma_wait3A_285] : memref<8x80xi32, #tpu.memory_space<vmem>> -> memref<1x80xi32, #tpu.memory_space<vmem>>
    %dma_wait3A_287 = tpu.memref_squeeze %dma_wait3A_286 : memref<1x80xi32, #tpu.memory_space<vmem>> -> memref<80xi32, #tpu.memory_space<vmem>>
    %dma_wait3A_288 = tpu.memref_slice %arg3[%add3A_279] : memref<320000xi32, #tpu.memory_space<hbm>> -> memref<80xi32, #tpu.memory_space<hbm>>
    tpu.wait_dma2 semaphore(%arg27 : memref<!tpu.dma_semaphore, #tpu.memory_space<semaphore_mem>>) src(%dma_wait3A_288 : memref<80xi32, #tpu.memory_space<hbm>>) dst(%dma_wait3A_287 : memref<80xi32, #tpu.memory_space<vmem>>)
    %dma_start3A_289 = arith.constant 0 : i32
    %dma_start3A_290 = arith.constant 0 : i32
    %dma_start3A_291 = tpu.memref_slice %arg15[%dma_start3A_289, %dma_start3A_290] : memref<8x80xi32, #tpu.memory_space<vmem>> -> memref<1x80xi32, #tpu.memory_space<vmem>>
    %dma_start3A_292 = tpu.memref_squeeze %dma_start3A_291 : memref<1x80xi32, #tpu.memory_space<vmem>> -> memref<80xi32, #tpu.memory_space<vmem>>
    %dma_start3A_293 = arith.constant 0 : i32
    %dma_start3A_294 = arith.constant 0 : i32
    %dma_start3A_295 = tpu.memref_slice %arg2[%dma_start3A_293, %dma_start3A_294] : memref<10000x128xf32, #tpu.memory_space<hbm>> -> memref<10000x128xf32, #tpu.memory_space<hbm>>
    tpu.enqueue_indirect_dma source(%dma_start3A_295 : memref<10000x128xf32, #tpu.memory_space<hbm>>) target(%arg9 : memref<80x128xf32, #tpu.memory_space<vmem>>) offsets(%dma_start3A_292 : memref<80xi32, #tpu.memory_space<vmem>>) semaphore(%arg18 : memref<!tpu.dma_semaphore, #tpu.memory_space<semaphore_mem>>)
    %add3A_296 = arith.constant 400 : i32
    %add3A_297 = arith.addi %mul3A_2, %add3A_296 : i32
    %dma_start3A_298 = arith.constant 0 : i32
    %dma_start3A_299 = arith.constant 0 : i32
    %dma_start3A_300 = tpu.memref_slice %arg16[%dma_start3A_298, %dma_start3A_299] : memref<8x80xi32, #tpu.memory_space<vmem>> -> memref<1x80xi32, #tpu.memory_space<vmem>>
    %dma_start3A_301 = tpu.memref_squeeze %dma_start3A_300 : memref<1x80xi32, #tpu.memory_space<vmem>> -> memref<80xi32, #tpu.memory_space<vmem>>
    %dma_start3A_302 = tpu.memref_slice %arg3[%add3A_297] : memref<320000xi32, #tpu.memory_space<hbm>> -> memref<80xi32, #tpu.memory_space<hbm>>
    %dma_start3A_303 = arith.constant 0 : i32
    %dma_start3A_304 = tpu.memref_slice %arg16[%dma_start3A_298, %dma_start3A_303] : memref<8x80xi32, #tpu.memory_space<vmem>> -> memref<1x80xi32, #tpu.memory_space<vmem>>
    %dma_start3A_305 = tpu.memref_squeeze %dma_start3A_304 : memref<1x80xi32, #tpu.memory_space<vmem>> -> memref<80xi32, #tpu.memory_space<vmem>>
    %dma_start3A_306 = tpu.memref_slice %arg3[%add3A_297] : memref<320000xi32, #tpu.memory_space<hbm>> -> memref<80xi32, #tpu.memory_space<hbm>>
    tpu.enqueue_dma source(%dma_start3A_306 : memref<80xi32, #tpu.memory_space<hbm>>) target(%dma_start3A_305 : memref<80xi32, #tpu.memory_space<vmem>>) target_semaphore(%arg28 : memref<!tpu.dma_semaphore, #tpu.memory_space<semaphore_mem>>)
    %scan3A = arith.constant 0 : i32
    %scan3A_307 = arith.constant 1 : i32
    %scan3A_308 = arith.constant 40 : i32
    %scan3A_309 = arith.addi %scan3A_307, %scan3A_308 : i32
    %scan3A_310 = arith.constant 1 : i32
    scf.for %scan3A_391 = %scan3A_307 to %scan3A_309 step %scan3A_310  : i32 {
      %mul3A_392 = arith.constant 3 : i32
      %mul3A_393 = arith.muli %scan3A_391, %mul3A_392 : i32
      %add3A_394 = arith.constant 0 : i32
      %add3A_395 = arith.addi %mul3A_393, %add3A_394 : i32
      %mul3A_396 = arith.constant 80 : i32
      %mul3A_397 = arith.muli %add3A_395, %mul3A_396 : i32
      %add3A_398 = arith.addi %mul3A_2, %mul3A_397 : i32
      %dma_wait3A_399 = arith.constant 0 : i32
      %dma_wait3A_400 = arith.constant 0 : i32
      %dma_wait3A_401 = tpu.memref_slice %arg11[%dma_wait3A_399, %dma_wait3A_400] : memref<8x80xi32, #tpu.memory_space<vmem>> -> memref<1x80xi32, #tpu.memory_space<vmem>>
      %dma_wait3A_402 = tpu.memref_squeeze %dma_wait3A_401 : memref<1x80xi32, #tpu.memory_space<vmem>> -> memref<80xi32, #tpu.memory_space<vmem>>
      %dma_wait3A_403 = tpu.memref_slice %arg4[%add3A_398] : memref<320000xi32, #tpu.memory_space<hbm>> -> memref<80xi32, #tpu.memory_space<hbm>>
      %dma_wait3A_404 = arith.constant 0 : i32
      %dma_wait3A_405 = tpu.memref_slice %arg11[%dma_wait3A_399, %dma_wait3A_404] : memref<8x80xi32, #tpu.memory_space<vmem>> -> memref<1x80xi32, #tpu.memory_space<vmem>>
      %dma_wait3A_406 = tpu.memref_squeeze %dma_wait3A_405 : memref<1x80xi32, #tpu.memory_space<vmem>> -> memref<80xi32, #tpu.memory_space<vmem>>
      %dma_wait3A_407 = tpu.memref_slice %arg4[%add3A_398] : memref<320000xi32, #tpu.memory_space<hbm>> -> memref<80xi32, #tpu.memory_space<hbm>>
      tpu.wait_dma2 semaphore(%arg23 : memref<!tpu.dma_semaphore, #tpu.memory_space<semaphore_mem>>) src(%dma_wait3A_407 : memref<80xi32, #tpu.memory_space<hbm>>) dst(%dma_wait3A_406 : memref<80xi32, #tpu.memory_space<vmem>>)
      %dma_wait3A_408 = arith.constant 0 : i32
      %dma_wait3A_409 = arith.constant 0 : i32
      %dma_wait3A_410 = tpu.memref_slice %arg14[%dma_wait3A_408, %dma_wait3A_409] : memref<8x80xi32, #tpu.memory_space<vmem>> -> memref<1x80xi32, #tpu.memory_space<vmem>>
      %dma_wait3A_411 = tpu.memref_squeeze %dma_wait3A_410 : memref<1x80xi32, #tpu.memory_space<vmem>> -> memref<80xi32, #tpu.memory_space<vmem>>
      %dma_wait3A_412 = arith.constant 0 : i32
      %dma_wait3A_413 = arith.constant 0 : i32
      %dma_wait3A_414 = tpu.memref_slice %arg2[%dma_wait3A_412, %dma_wait3A_413] : memref<10000x128xf32, #tpu.memory_space<hbm>> -> memref<10000x128xf32, #tpu.memory_space<hbm>>
      tpu.wait_indirect_dma semaphore(%arg17 : memref<!tpu.dma_semaphore, #tpu.memory_space<semaphore_mem>>) src(%dma_wait3A_414 : memref<10000x128xf32, #tpu.memory_space<hbm>>) dst(%arg8 : memref<80x128xf32, #tpu.memory_space<vmem>>)
      %dma_start3A_415 = arith.constant 0 : i32
      %dma_start3A_416 = arith.constant 0 : i32
      %dma_start3A_417 = tpu.memref_slice %arg11[%dma_start3A_415, %dma_start3A_416] : memref<8x80xi32, #tpu.memory_space<vmem>> -> memref<1x80xi32, #tpu.memory_space<vmem>>
      %dma_start3A_418 = tpu.memref_squeeze %dma_start3A_417 : memref<1x80xi32, #tpu.memory_space<vmem>> -> memref<80xi32, #tpu.memory_space<vmem>>
      %dma_start3A_419 = arith.constant 0 : i32
      %dma_start3A_420 = arith.constant 0 : i32
      %dma_start3A_421 = tpu.memref_slice %arg7[%dma_start3A_419, %dma_start3A_420] : memref<10000x128xf32, #tpu.memory_space<vmem_shared>> -> memref<10000x128xf32, #tpu.memory_space<vmem_shared>>
      tpu.enqueue_indirect_dma source(%arg8 : memref<80x128xf32, #tpu.memory_space<vmem>>) target(%dma_start3A_421 : memref<10000x128xf32, #tpu.memory_space<vmem_shared>>) offsets(%dma_start3A_418 : memref<80xi32, #tpu.memory_space<vmem>>) semaphore(%arg20 : memref<!tpu.dma_semaphore, #tpu.memory_space<semaphore_mem>>) {add = true}
      %dma_wait3A_422 = arith.constant 0 : i32
      %dma_wait3A_423 = arith.constant 0 : i32
      %dma_wait3A_424 = tpu.memref_slice %arg13[%dma_wait3A_422, %dma_wait3A_423] : memref<8x80xi32, #tpu.memory_space<vmem>> -> memref<1x80xi32, #tpu.memory_space<vmem>>
      %dma_wait3A_425 = tpu.memref_squeeze %dma_wait3A_424 : memref<1x80xi32, #tpu.memory_space<vmem>> -> memref<80xi32, #tpu.memory_space<vmem>>
      %dma_wait3A_426 = arith.constant 0 : i32
      %dma_wait3A_427 = arith.constant 0 : i32
      %dma_wait3A_428 = tpu.memref_slice %arg7[%dma_wait3A_426, %dma_wait3A_427] : memref<10000x128xf32, #tpu.memory_space<vmem_shared>> -> memref<10000x128xf32, #tpu.memory_space<vmem_shared>>
      tpu.wait_indirect_dma semaphore(%arg22 : memref<!tpu.dma_semaphore, #tpu.memory_space<semaphore_mem>>) src(%arg10 : memref<80x128xf32, #tpu.memory_space<vmem>>) dst(%dma_wait3A_428 : memref<10000x128xf32, #tpu.memory_space<vmem_shared>>)
      %add3A_429 = arith.constant 3 : i32
      %add3A_430 = arith.addi %add3A_395, %add3A_429 : i32
      %sub3A = arith.constant 1 : i32
      %sub3A_431 = arith.subi %add3A_430, %sub3A : i32
      %mul3A_432 = arith.constant 80 : i32
      %mul3A_433 = arith.muli %sub3A_431, %mul3A_432 : i32
      %add3A_434 = arith.addi %mul3A_2, %mul3A_433 : i32
      %dma_start3A_435 = arith.constant 0 : i32
      %dma_start3A_436 = arith.constant 0 : i32
      %dma_start3A_437 = tpu.memref_slice %arg13[%dma_start3A_435, %dma_start3A_436] : memref<8x80xi32, #tpu.memory_space<vmem>> -> memref<1x80xi32, #tpu.memory_space<vmem>>
      %dma_start3A_438 = tpu.memref_squeeze %dma_start3A_437 : memref<1x80xi32, #tpu.memory_space<vmem>> -> memref<80xi32, #tpu.memory_space<vmem>>
      %dma_start3A_439 = tpu.memref_slice %arg4[%add3A_434] : memref<320000xi32, #tpu.memory_space<hbm>> -> memref<80xi32, #tpu.memory_space<hbm>>
      %dma_start3A_440 = arith.constant 0 : i32
      %dma_start3A_441 = tpu.memref_slice %arg13[%dma_start3A_435, %dma_start3A_440] : memref<8x80xi32, #tpu.memory_space<vmem>> -> memref<1x80xi32, #tpu.memory_space<vmem>>
      %dma_start3A_442 = tpu.memref_squeeze %dma_start3A_441 : memref<1x80xi32, #tpu.memory_space<vmem>> -> memref<80xi32, #tpu.memory_space<vmem>>
      %dma_start3A_443 = tpu.memref_slice %arg4[%add3A_434] : memref<320000xi32, #tpu.memory_space<hbm>> -> memref<80xi32, #tpu.memory_space<hbm>>
      tpu.enqueue_dma source(%dma_start3A_443 : memref<80xi32, #tpu.memory_space<hbm>>) target(%dma_start3A_442 : memref<80xi32, #tpu.memory_space<vmem>>) target_semaphore(%arg25 : memref<!tpu.dma_semaphore, #tpu.memory_space<semaphore_mem>>)
      %add3A_444 = arith.constant 3 : i32
      %add3A_445 = arith.addi %add3A_395, %add3A_444 : i32
      %sub3A_446 = arith.constant 1 : i32
      %sub3A_447 = arith.subi %add3A_445, %sub3A_446 : i32
      %mul3A_448 = arith.constant 80 : i32
      %mul3A_449 = arith.muli %sub3A_447, %mul3A_448 : i32
      %add3A_450 = arith.addi %mul3A_2, %mul3A_449 : i32
      %dma_wait3A_451 = arith.constant 0 : i32
      %dma_wait3A_452 = arith.constant 0 : i32
      %dma_wait3A_453 = tpu.memref_slice %arg16[%dma_wait3A_451, %dma_wait3A_452] : memref<8x80xi32, #tpu.memory_space<vmem>> -> memref<1x80xi32, #tpu.memory_space<vmem>>
      %dma_wait3A_454 = tpu.memref_squeeze %dma_wait3A_453 : memref<1x80xi32, #tpu.memory_space<vmem>> -> memref<80xi32, #tpu.memory_space<vmem>>
      %dma_wait3A_455 = tpu.memref_slice %arg3[%add3A_450] : memref<320000xi32, #tpu.memory_space<hbm>> -> memref<80xi32, #tpu.memory_space<hbm>>
      %dma_wait3A_456 = arith.constant 0 : i32
      %dma_wait3A_457 = tpu.memref_slice %arg16[%dma_wait3A_451, %dma_wait3A_456] : memref<8x80xi32, #tpu.memory_space<vmem>> -> memref<1x80xi32, #tpu.memory_space<vmem>>
      %dma_wait3A_458 = tpu.memref_squeeze %dma_wait3A_457 : memref<1x80xi32, #tpu.memory_space<vmem>> -> memref<80xi32, #tpu.memory_space<vmem>>
      %dma_wait3A_459 = tpu.memref_slice %arg3[%add3A_450] : memref<320000xi32, #tpu.memory_space<hbm>> -> memref<80xi32, #tpu.memory_space<hbm>>
      tpu.wait_dma2 semaphore(%arg28 : memref<!tpu.dma_semaphore, #tpu.memory_space<semaphore_mem>>) src(%dma_wait3A_459 : memref<80xi32, #tpu.memory_space<hbm>>) dst(%dma_wait3A_458 : memref<80xi32, #tpu.memory_space<vmem>>)
      %add3A_460 = arith.constant 3 : i32
      %add3A_461 = arith.addi %add3A_395, %add3A_460 : i32
      %sub3A_462 = arith.constant 1 : i32
      %sub3A_463 = arith.subi %add3A_461, %sub3A_462 : i32
      %dma_start3A_464 = arith.constant 0 : i32
      %dma_start3A_465 = arith.constant 0 : i32
      %dma_start3A_466 = tpu.memref_slice %arg16[%dma_start3A_464, %dma_start3A_465] : memref<8x80xi32, #tpu.memory_space<vmem>> -> memref<1x80xi32, #tpu.memory_space<vmem>>
      %dma_start3A_467 = tpu.memref_squeeze %dma_start3A_466 : memref<1x80xi32, #tpu.memory_space<vmem>> -> memref<80xi32, #tpu.memory_space<vmem>>
      %dma_start3A_468 = arith.constant 0 : i32
      %dma_start3A_469 = arith.constant 0 : i32
      %dma_start3A_470 = tpu.memref_slice %arg2[%dma_start3A_468, %dma_start3A_469] : memref<10000x128xf32, #tpu.memory_space<hbm>> -> memref<10000x128xf32, #tpu.memory_space<hbm>>
      tpu.enqueue_indirect_dma source(%dma_start3A_470 : memref<10000x128xf32, #tpu.memory_space<hbm>>) target(%arg10 : memref<80x128xf32, #tpu.memory_space<vmem>>) offsets(%dma_start3A_467 : memref<80xi32, #tpu.memory_space<vmem>>) semaphore(%arg19 : memref<!tpu.dma_semaphore, #tpu.memory_space<semaphore_mem>>)
      %add3A_471 = arith.constant 3 : i32
      %add3A_472 = arith.addi %add3A_395, %add3A_471 : i32
      %lt3A = arith.constant 125 : i32
      %lt3A_473 = arith.cmpi slt, %add3A_472, %lt3A : i32
      %convert_element_type3A_474 = arith.extui %lt3A_473 : i1 to i32
      %cond3A_475 = arith.constant 0 : i32
      %cond3A_476 = arith.cmpi ne, %convert_element_type3A_474, %cond3A_475 : i32
      scf.if %cond3A_476 {
        %add3A_651 = arith.constant 3 : i32
        %add3A_652 = arith.addi %add3A_395, %add3A_651 : i32
        %mul3A_653 = arith.constant 80 : i32
        %mul3A_654 = arith.muli %add3A_652, %mul3A_653 : i32
        %add3A_655 = arith.addi %mul3A_2, %mul3A_654 : i32
        %dma_start3A_656 = arith.constant 0 : i32
        %dma_start3A_657 = arith.constant 0 : i32
        %dma_start3A_658 = tpu.memref_slice %arg14[%dma_start3A_656, %dma_start3A_657] : memref<8x80xi32, #tpu.memory_space<vmem>> -> memref<1x80xi32, #tpu.memory_space<vmem>>
        %dma_start3A_659 = tpu.memref_squeeze %dma_start3A_658 : memref<1x80xi32, #tpu.memory_space<vmem>> -> memref<80xi32, #tpu.memory_space<vmem>>
        %dma_start3A_660 = tpu.memref_slice %arg3[%add3A_655] : memref<320000xi32, #tpu.memory_space<hbm>> -> memref<80xi32, #tpu.memory_space<hbm>>
        %dma_start3A_661 = arith.constant 0 : i32
        %dma_start3A_662 = tpu.memref_slice %arg14[%dma_start3A_656, %dma_start3A_661] : memref<8x80xi32, #tpu.memory_space<vmem>> -> memref<1x80xi32, #tpu.memory_space<vmem>>
        %dma_start3A_663 = tpu.memref_squeeze %dma_start3A_662 : memref<1x80xi32, #tpu.memory_space<vmem>> -> memref<80xi32, #tpu.memory_space<vmem>>
        %dma_start3A_664 = tpu.memref_slice %arg3[%add3A_655] : memref<320000xi32, #tpu.memory_space<hbm>> -> memref<80xi32, #tpu.memory_space<hbm>>
        tpu.enqueue_dma source(%dma_start3A_664 : memref<80xi32, #tpu.memory_space<hbm>>) target(%dma_start3A_663 : memref<80xi32, #tpu.memory_space<vmem>>) target_semaphore(%arg26 : memref<!tpu.dma_semaphore, #tpu.memory_space<semaphore_mem>>)
      } else {
      }
      %mul3A_477 = arith.constant 3 : i32
      %mul3A_478 = arith.muli %scan3A_391, %mul3A_477 : i32
      %add3A_479 = arith.constant 1 : i32
      %add3A_480 = arith.addi %mul3A_478, %add3A_479 : i32
      %mul3A_481 = arith.constant 80 : i32
      %mul3A_482 = arith.muli %add3A_480, %mul3A_481 : i32
      %add3A_483 = arith.addi %mul3A_2, %mul3A_482 : i32
      %dma_wait3A_484 = arith.constant 0 : i32
      %dma_wait3A_485 = arith.constant 0 : i32
      %dma_wait3A_486 = tpu.memref_slice %arg12[%dma_wait3A_484, %dma_wait3A_485] : memref<8x80xi32, #tpu.memory_space<vmem>> -> memref<1x80xi32, #tpu.memory_space<vmem>>
      %dma_wait3A_487 = tpu.memref_squeeze %dma_wait3A_486 : memref<1x80xi32, #tpu.memory_space<vmem>> -> memref<80xi32, #tpu.memory_space<vmem>>
      %dma_wait3A_488 = tpu.memref_slice %arg4[%add3A_483] : memref<320000xi32, #tpu.memory_space<hbm>> -> memref<80xi32, #tpu.memory_space<hbm>>
      %dma_wait3A_489 = arith.constant 0 : i32
      %dma_wait3A_490 = tpu.memref_slice %arg12[%dma_wait3A_484, %dma_wait3A_489] : memref<8x80xi32, #tpu.memory_space<vmem>> -> memref<1x80xi32, #tpu.memory_space<vmem>>
      %dma_wait3A_491 = tpu.memref_squeeze %dma_wait3A_490 : memref<1x80xi32, #tpu.memory_space<vmem>> -> memref<80xi32, #tpu.memory_space<vmem>>
      %dma_wait3A_492 = tpu.memref_slice %arg4[%add3A_483] : memref<320000xi32, #tpu.memory_space<hbm>> -> memref<80xi32, #tpu.memory_space<hbm>>
      tpu.wait_dma2 semaphore(%arg24 : memref<!tpu.dma_semaphore, #tpu.memory_space<semaphore_mem>>) src(%dma_wait3A_492 : memref<80xi32, #tpu.memory_space<hbm>>) dst(%dma_wait3A_491 : memref<80xi32, #tpu.memory_space<vmem>>)
      %dma_wait3A_493 = arith.constant 0 : i32
      %dma_wait3A_494 = arith.constant 0 : i32
      %dma_wait3A_495 = tpu.memref_slice %arg15[%dma_wait3A_493, %dma_wait3A_494] : memref<8x80xi32, #tpu.memory_space<vmem>> -> memref<1x80xi32, #tpu.memory_space<vmem>>
      %dma_wait3A_496 = tpu.memref_squeeze %dma_wait3A_495 : memref<1x80xi32, #tpu.memory_space<vmem>> -> memref<80xi32, #tpu.memory_space<vmem>>
      %dma_wait3A_497 = arith.constant 0 : i32
      %dma_wait3A_498 = arith.constant 0 : i32
      %dma_wait3A_499 = tpu.memref_slice %arg2[%dma_wait3A_497, %dma_wait3A_498] : memref<10000x128xf32, #tpu.memory_space<hbm>> -> memref<10000x128xf32, #tpu.memory_space<hbm>>
      tpu.wait_indirect_dma semaphore(%arg18 : memref<!tpu.dma_semaphore, #tpu.memory_space<semaphore_mem>>) src(%dma_wait3A_499 : memref<10000x128xf32, #tpu.memory_space<hbm>>) dst(%arg9 : memref<80x128xf32, #tpu.memory_space<vmem>>)
      %dma_start3A_500 = arith.constant 0 : i32
      %dma_start3A_501 = arith.constant 0 : i32
      %dma_start3A_502 = tpu.memref_slice %arg12[%dma_start3A_500, %dma_start3A_501] : memref<8x80xi32, #tpu.memory_space<vmem>> -> memref<1x80xi32, #tpu.memory_space<vmem>>
      %dma_start3A_503 = tpu.memref_squeeze %dma_start3A_502 : memref<1x80xi32, #tpu.memory_space<vmem>> -> memref<80xi32, #tpu.memory_space<vmem>>
      %dma_start3A_504 = arith.constant 0 : i32
      %dma_start3A_505 = arith.constant 0 : i32
      %dma_start3A_506 = tpu.memref_slice %arg7[%dma_start3A_504, %dma_start3A_505] : memref<10000x128xf32, #tpu.memory_space<vmem_shared>> -> memref<10000x128xf32, #tpu.memory_space<vmem_shared>>
      tpu.enqueue_indirect_dma source(%arg9 : memref<80x128xf32, #tpu.memory_space<vmem>>) target(%dma_start3A_506 : memref<10000x128xf32, #tpu.memory_space<vmem_shared>>) offsets(%dma_start3A_503 : memref<80xi32, #tpu.memory_space<vmem>>) semaphore(%arg21 : memref<!tpu.dma_semaphore, #tpu.memory_space<semaphore_mem>>) {add = true}
      %dma_wait3A_507 = arith.constant 0 : i32
      %dma_wait3A_508 = arith.constant 0 : i32
      %dma_wait3A_509 = tpu.memref_slice %arg11[%dma_wait3A_507, %dma_wait3A_508] : memref<8x80xi32, #tpu.memory_space<vmem>> -> memref<1x80xi32, #tpu.memory_space<vmem>>
      %dma_wait3A_510 = tpu.memref_squeeze %dma_wait3A_509 : memref<1x80xi32, #tpu.memory_space<vmem>> -> memref<80xi32, #tpu.memory_space<vmem>>
      %dma_wait3A_511 = arith.constant 0 : i32
      %dma_wait3A_512 = arith.constant 0 : i32
      %dma_wait3A_513 = tpu.memref_slice %arg7[%dma_wait3A_511, %dma_wait3A_512] : memref<10000x128xf32, #tpu.memory_space<vmem_shared>> -> memref<10000x128xf32, #tpu.memory_space<vmem_shared>>
      tpu.wait_indirect_dma semaphore(%arg20 : memref<!tpu.dma_semaphore, #tpu.memory_space<semaphore_mem>>) src(%arg8 : memref<80x128xf32, #tpu.memory_space<vmem>>) dst(%dma_wait3A_513 : memref<10000x128xf32, #tpu.memory_space<vmem_shared>>)
      %add3A_514 = arith.constant 3 : i32
      %add3A_515 = arith.addi %add3A_480, %add3A_514 : i32
      %sub3A_516 = arith.constant 1 : i32
      %sub3A_517 = arith.subi %add3A_515, %sub3A_516 : i32
      %mul3A_518 = arith.constant 80 : i32
      %mul3A_519 = arith.muli %sub3A_517, %mul3A_518 : i32
      %add3A_520 = arith.addi %mul3A_2, %mul3A_519 : i32
      %dma_start3A_521 = arith.constant 0 : i32
      %dma_start3A_522 = arith.constant 0 : i32
      %dma_start3A_523 = tpu.memref_slice %arg11[%dma_start3A_521, %dma_start3A_522] : memref<8x80xi32, #tpu.memory_space<vmem>> -> memref<1x80xi32, #tpu.memory_space<vmem>>
      %dma_start3A_524 = tpu.memref_squeeze %dma_start3A_523 : memref<1x80xi32, #tpu.memory_space<vmem>> -> memref<80xi32, #tpu.memory_space<vmem>>
      %dma_start3A_525 = tpu.memref_slice %arg4[%add3A_520] : memref<320000xi32, #tpu.memory_space<hbm>> -> memref<80xi32, #tpu.memory_space<hbm>>
      %dma_start3A_526 = arith.constant 0 : i32
      %dma_start3A_527 = tpu.memref_slice %arg11[%dma_start3A_521, %dma_start3A_526] : memref<8x80xi32, #tpu.memory_space<vmem>> -> memref<1x80xi32, #tpu.memory_space<vmem>>
      %dma_start3A_528 = tpu.memref_squeeze %dma_start3A_527 : memref<1x80xi32, #tpu.memory_space<vmem>> -> memref<80xi32, #tpu.memory_space<vmem>>
      %dma_start3A_529 = tpu.memref_slice %arg4[%add3A_520] : memref<320000xi32, #tpu.memory_space<hbm>> -> memref<80xi32, #tpu.memory_space<hbm>>
      tpu.enqueue_dma source(%dma_start3A_529 : memref<80xi32, #tpu.memory_space<hbm>>) target(%dma_start3A_528 : memref<80xi32, #tpu.memory_space<vmem>>) target_semaphore(%arg23 : memref<!tpu.dma_semaphore, #tpu.memory_space<semaphore_mem>>)
      %add3A_530 = arith.constant 3 : i32
      %add3A_531 = arith.addi %add3A_480, %add3A_530 : i32
      %sub3A_532 = arith.constant 1 : i32
      %sub3A_533 = arith.subi %add3A_531, %sub3A_532 : i32
      %mul3A_534 = arith.constant 80 : i32
      %mul3A_535 = arith.muli %sub3A_533, %mul3A_534 : i32
      %add3A_536 = arith.addi %mul3A_2, %mul3A_535 : i32
      %dma_wait3A_537 = arith.constant 0 : i32
      %dma_wait3A_538 = arith.constant 0 : i32
      %dma_wait3A_539 = tpu.memref_slice %arg14[%dma_wait3A_537, %dma_wait3A_538] : memref<8x80xi32, #tpu.memory_space<vmem>> -> memref<1x80xi32, #tpu.memory_space<vmem>>
      %dma_wait3A_540 = tpu.memref_squeeze %dma_wait3A_539 : memref<1x80xi32, #tpu.memory_space<vmem>> -> memref<80xi32, #tpu.memory_space<vmem>>
      %dma_wait3A_541 = tpu.memref_slice %arg3[%add3A_536] : memref<320000xi32, #tpu.memory_space<hbm>> -> memref<80xi32, #tpu.memory_space<hbm>>
      %dma_wait3A_542 = arith.constant 0 : i32
      %dma_wait3A_543 = tpu.memref_slice %arg14[%dma_wait3A_537, %dma_wait3A_542] : memref<8x80xi32, #tpu.memory_space<vmem>> -> memref<1x80xi32, #tpu.memory_space<vmem>>
      %dma_wait3A_544 = tpu.memref_squeeze %dma_wait3A_543 : memref<1x80xi32, #tpu.memory_space<vmem>> -> memref<80xi32, #tpu.memory_space<vmem>>
      %dma_wait3A_545 = tpu.memref_slice %arg3[%add3A_536] : memref<320000xi32, #tpu.memory_space<hbm>> -> memref<80xi32, #tpu.memory_space<hbm>>
      tpu.wait_dma2 semaphore(%arg26 : memref<!tpu.dma_semaphore, #tpu.memory_space<semaphore_mem>>) src(%dma_wait3A_545 : memref<80xi32, #tpu.memory_space<hbm>>) dst(%dma_wait3A_544 : memref<80xi32, #tpu.memory_space<vmem>>)
      %add3A_546 = arith.constant 3 : i32
      %add3A_547 = arith.addi %add3A_480, %add3A_546 : i32
      %sub3A_548 = arith.constant 1 : i32
      %sub3A_549 = arith.subi %add3A_547, %sub3A_548 : i32
      %dma_start3A_550 = arith.constant 0 : i32
      %dma_start3A_551 = arith.constant 0 : i32
      %dma_start3A_552 = tpu.memref_slice %arg14[%dma_start3A_550, %dma_start3A_551] : memref<8x80xi32, #tpu.memory_space<vmem>> -> memref<1x80xi32, #tpu.memory_space<vmem>>
      %dma_start3A_553 = tpu.memref_squeeze %dma_start3A_552 : memref<1x80xi32, #tpu.memory_space<vmem>> -> memref<80xi32, #tpu.memory_space<vmem>>
      %dma_start3A_554 = arith.constant 0 : i32
      %dma_start3A_555 = arith.constant 0 : i32
      %dma_start3A_556 = tpu.memref_slice %arg2[%dma_start3A_554, %dma_start3A_555] : memref<10000x128xf32, #tpu.memory_space<hbm>> -> memref<10000x128xf32, #tpu.memory_space<hbm>>
      tpu.enqueue_indirect_dma source(%dma_start3A_556 : memref<10000x128xf32, #tpu.memory_space<hbm>>) target(%arg8 : memref<80x128xf32, #tpu.memory_space<vmem>>) offsets(%dma_start3A_553 : memref<80xi32, #tpu.memory_space<vmem>>) semaphore(%arg17 : memref<!tpu.dma_semaphore, #tpu.memory_space<semaphore_mem>>)
      %add3A_557 = arith.constant 3 : i32
      %add3A_558 = arith.addi %add3A_480, %add3A_557 : i32
      %lt3A_559 = arith.constant 125 : i32
      %lt3A_560 = arith.cmpi slt, %add3A_558, %lt3A_559 : i32
      %convert_element_type3A_561 = arith.extui %lt3A_560 : i1 to i32
      %cond3A_562 = arith.constant 0 : i32
      %cond3A_563 = arith.cmpi ne, %convert_element_type3A_561, %cond3A_562 : i32
      scf.if %cond3A_563 {
        %add3A_651 = arith.constant 3 : i32
        %add3A_652 = arith.addi %add3A_480, %add3A_651 : i32
        %mul3A_653 = arith.constant 80 : i32
        %mul3A_654 = arith.muli %add3A_652, %mul3A_653 : i32
        %add3A_655 = arith.addi %mul3A_2, %mul3A_654 : i32
        %dma_start3A_656 = arith.constant 0 : i32
        %dma_start3A_657 = arith.constant 0 : i32
        %dma_start3A_658 = tpu.memref_slice %arg15[%dma_start3A_656, %dma_start3A_657] : memref<8x80xi32, #tpu.memory_space<vmem>> -> memref<1x80xi32, #tpu.memory_space<vmem>>
        %dma_start3A_659 = tpu.memref_squeeze %dma_start3A_658 : memref<1x80xi32, #tpu.memory_space<vmem>> -> memref<80xi32, #tpu.memory_space<vmem>>
        %dma_start3A_660 = tpu.memref_slice %arg3[%add3A_655] : memref<320000xi32, #tpu.memory_space<hbm>> -> memref<80xi32, #tpu.memory_space<hbm>>
        %dma_start3A_661 = arith.constant 0 : i32
        %dma_start3A_662 = tpu.memref_slice %arg15[%dma_start3A_656, %dma_start3A_661] : memref<8x80xi32, #tpu.memory_space<vmem>> -> memref<1x80xi32, #tpu.memory_space<vmem>>
        %dma_start3A_663 = tpu.memref_squeeze %dma_start3A_662 : memref<1x80xi32, #tpu.memory_space<vmem>> -> memref<80xi32, #tpu.memory_space<vmem>>
        %dma_start3A_664 = tpu.memref_slice %arg3[%add3A_655] : memref<320000xi32, #tpu.memory_space<hbm>> -> memref<80xi32, #tpu.memory_space<hbm>>
        tpu.enqueue_dma source(%dma_start3A_664 : memref<80xi32, #tpu.memory_space<hbm>>) target(%dma_start3A_663 : memref<80xi32, #tpu.memory_space<vmem>>) target_semaphore(%arg27 : memref<!tpu.dma_semaphore, #tpu.memory_space<semaphore_mem>>)
      } else {
      }
      %mul3A_564 = arith.constant 3 : i32
      %mul3A_565 = arith.muli %scan3A_391, %mul3A_564 : i32
      %add3A_566 = arith.constant 2 : i32
      %add3A_567 = arith.addi %mul3A_565, %add3A_566 : i32
      %mul3A_568 = arith.constant 80 : i32
      %mul3A_569 = arith.muli %add3A_567, %mul3A_568 : i32
      %add3A_570 = arith.addi %mul3A_2, %mul3A_569 : i32
      %dma_wait3A_571 = arith.constant 0 : i32
      %dma_wait3A_572 = arith.constant 0 : i32
      %dma_wait3A_573 = tpu.memref_slice %arg13[%dma_wait3A_571, %dma_wait3A_572] : memref<8x80xi32, #tpu.memory_space<vmem>> -> memref<1x80xi32, #tpu.memory_space<vmem>>
      %dma_wait3A_574 = tpu.memref_squeeze %dma_wait3A_573 : memref<1x80xi32, #tpu.memory_space<vmem>> -> memref<80xi32, #tpu.memory_space<vmem>>
      %dma_wait3A_575 = tpu.memref_slice %arg4[%add3A_570] : memref<320000xi32, #tpu.memory_space<hbm>> -> memref<80xi32, #tpu.memory_space<hbm>>
      %dma_wait3A_576 = arith.constant 0 : i32
      %dma_wait3A_577 = tpu.memref_slice %arg13[%dma_wait3A_571, %dma_wait3A_576] : memref<8x80xi32, #tpu.memory_space<vmem>> -> memref<1x80xi32, #tpu.memory_space<vmem>>
      %dma_wait3A_578 = tpu.memref_squeeze %dma_wait3A_577 : memref<1x80xi32, #tpu.memory_space<vmem>> -> memref<80xi32, #tpu.memory_space<vmem>>
      %dma_wait3A_579 = tpu.memref_slice %arg4[%add3A_570] : memref<320000xi32, #tpu.memory_space<hbm>> -> memref<80xi32, #tpu.memory_space<hbm>>
      tpu.wait_dma2 semaphore(%arg25 : memref<!tpu.dma_semaphore, #tpu.memory_space<semaphore_mem>>) src(%dma_wait3A_579 : memref<80xi32, #tpu.memory_space<hbm>>) dst(%dma_wait3A_578 : memref<80xi32, #tpu.memory_space<vmem>>)
      %dma_wait3A_580 = arith.constant 0 : i32
      %dma_wait3A_581 = arith.constant 0 : i32
      %dma_wait3A_582 = tpu.memref_slice %arg16[%dma_wait3A_580, %dma_wait3A_581] : memref<8x80xi32, #tpu.memory_space<vmem>> -> memref<1x80xi32, #tpu.memory_space<vmem>>
      %dma_wait3A_583 = tpu.memref_squeeze %dma_wait3A_582 : memref<1x80xi32, #tpu.memory_space<vmem>> -> memref<80xi32, #tpu.memory_space<vmem>>
      %dma_wait3A_584 = arith.constant 0 : i32
      %dma_wait3A_585 = arith.constant 0 : i32
      %dma_wait3A_586 = tpu.memref_slice %arg2[%dma_wait3A_584, %dma_wait3A_585] : memref<10000x128xf32, #tpu.memory_space<hbm>> -> memref<10000x128xf32, #tpu.memory_space<hbm>>
      tpu.wait_indirect_dma semaphore(%arg19 : memref<!tpu.dma_semaphore, #tpu.memory_space<semaphore_mem>>) src(%dma_wait3A_586 : memref<10000x128xf32, #tpu.memory_space<hbm>>) dst(%arg10 : memref<80x128xf32, #tpu.memory_space<vmem>>)
      %dma_start3A_587 = arith.constant 0 : i32
      %dma_start3A_588 = arith.constant 0 : i32
      %dma_start3A_589 = tpu.memref_slice %arg13[%dma_start3A_587, %dma_start3A_588] : memref<8x80xi32, #tpu.memory_space<vmem>> -> memref<1x80xi32, #tpu.memory_space<vmem>>
      %dma_start3A_590 = tpu.memref_squeeze %dma_start3A_589 : memref<1x80xi32, #tpu.memory_space<vmem>> -> memref<80xi32, #tpu.memory_space<vmem>>
      %dma_start3A_591 = arith.constant 0 : i32
      %dma_start3A_592 = arith.constant 0 : i32
      %dma_start3A_593 = tpu.memref_slice %arg7[%dma_start3A_591, %dma_start3A_592] : memref<10000x128xf32, #tpu.memory_space<vmem_shared>> -> memref<10000x128xf32, #tpu.memory_space<vmem_shared>>
      tpu.enqueue_indirect_dma source(%arg10 : memref<80x128xf32, #tpu.memory_space<vmem>>) target(%dma_start3A_593 : memref<10000x128xf32, #tpu.memory_space<vmem_shared>>) offsets(%dma_start3A_590 : memref<80xi32, #tpu.memory_space<vmem>>) semaphore(%arg22 : memref<!tpu.dma_semaphore, #tpu.memory_space<semaphore_mem>>) {add = true}
      %dma_wait3A_594 = arith.constant 0 : i32
      %dma_wait3A_595 = arith.constant 0 : i32
      %dma_wait3A_596 = tpu.memref_slice %arg12[%dma_wait3A_594, %dma_wait3A_595] : memref<8x80xi32, #tpu.memory_space<vmem>> -> memref<1x80xi32, #tpu.memory_space<vmem>>
      %dma_wait3A_597 = tpu.memref_squeeze %dma_wait3A_596 : memref<1x80xi32, #tpu.memory_space<vmem>> -> memref<80xi32, #tpu.memory_space<vmem>>
      %dma_wait3A_598 = arith.constant 0 : i32
      %dma_wait3A_599 = arith.constant 0 : i32
      %dma_wait3A_600 = tpu.memref_slice %arg7[%dma_wait3A_598, %dma_wait3A_599] : memref<10000x128xf32, #tpu.memory_space<vmem_shared>> -> memref<10000x128xf32, #tpu.memory_space<vmem_shared>>
      tpu.wait_indirect_dma semaphore(%arg21 : memref<!tpu.dma_semaphore, #tpu.memory_space<semaphore_mem>>) src(%arg9 : memref<80x128xf32, #tpu.memory_space<vmem>>) dst(%dma_wait3A_600 : memref<10000x128xf32, #tpu.memory_space<vmem_shared>>)
      %add3A_601 = arith.constant 3 : i32
      %add3A_602 = arith.addi %add3A_567, %add3A_601 : i32
      %sub3A_603 = arith.constant 1 : i32
      %sub3A_604 = arith.subi %add3A_602, %sub3A_603 : i32
      %mul3A_605 = arith.constant 80 : i32
      %mul3A_606 = arith.muli %sub3A_604, %mul3A_605 : i32
      %add3A_607 = arith.addi %mul3A_2, %mul3A_606 : i32
      %dma_start3A_608 = arith.constant 0 : i32
      %dma_start3A_609 = arith.constant 0 : i32
      %dma_start3A_610 = tpu.memref_slice %arg12[%dma_start3A_608, %dma_start3A_609] : memref<8x80xi32, #tpu.memory_space<vmem>> -> memref<1x80xi32, #tpu.memory_space<vmem>>
      %dma_start3A_611 = tpu.memref_squeeze %dma_start3A_610 : memref<1x80xi32, #tpu.memory_space<vmem>> -> memref<80xi32, #tpu.memory_space<vmem>>
      %dma_start3A_612 = tpu.memref_slice %arg4[%add3A_607] : memref<320000xi32, #tpu.memory_space<hbm>> -> memref<80xi32, #tpu.memory_space<hbm>>
      %dma_start3A_613 = arith.constant 0 : i32
      %dma_start3A_614 = tpu.memref_slice %arg12[%dma_start3A_608, %dma_start3A_613] : memref<8x80xi32, #tpu.memory_space<vmem>> -> memref<1x80xi32, #tpu.memory_space<vmem>>
      %dma_start3A_615 = tpu.memref_squeeze %dma_start3A_614 : memref<1x80xi32, #tpu.memory_space<vmem>> -> memref<80xi32, #tpu.memory_space<vmem>>
      %dma_start3A_616 = tpu.memref_slice %arg4[%add3A_607] : memref<320000xi32, #tpu.memory_space<hbm>> -> memref<80xi32, #tpu.memory_space<hbm>>
      tpu.enqueue_dma source(%dma_start3A_616 : memref<80xi32, #tpu.memory_space<hbm>>) target(%dma_start3A_615 : memref<80xi32, #tpu.memory_space<vmem>>) target_semaphore(%arg24 : memref<!tpu.dma_semaphore, #tpu.memory_space<semaphore_mem>>)
      %add3A_617 = arith.constant 3 : i32
      %add3A_618 = arith.addi %add3A_567, %add3A_617 : i32
      %sub3A_619 = arith.constant 1 : i32
      %sub3A_620 = arith.subi %add3A_618, %sub3A_619 : i32
      %mul3A_621 = arith.constant 80 : i32
      %mul3A_622 = arith.muli %sub3A_620, %mul3A_621 : i32
      %add3A_623 = arith.addi %mul3A_2, %mul3A_622 : i32
      %dma_wait3A_624 = arith.constant 0 : i32
      %dma_wait3A_625 = arith.constant 0 : i32
      %dma_wait3A_626 = tpu.memref_slice %arg15[%dma_wait3A_624, %dma_wait3A_625] : memref<8x80xi32, #tpu.memory_space<vmem>> -> memref<1x80xi32, #tpu.memory_space<vmem>>
      %dma_wait3A_627 = tpu.memref_squeeze %dma_wait3A_626 : memref<1x80xi32, #tpu.memory_space<vmem>> -> memref<80xi32, #tpu.memory_space<vmem>>
      %dma_wait3A_628 = tpu.memref_slice %arg3[%add3A_623] : memref<320000xi32, #tpu.memory_space<hbm>> -> memref<80xi32, #tpu.memory_space<hbm>>
      %dma_wait3A_629 = arith.constant 0 : i32
      %dma_wait3A_630 = tpu.memref_slice %arg15[%dma_wait3A_624, %dma_wait3A_629] : memref<8x80xi32, #tpu.memory_space<vmem>> -> memref<1x80xi32, #tpu.memory_space<vmem>>
      %dma_wait3A_631 = tpu.memref_squeeze %dma_wait3A_630 : memref<1x80xi32, #tpu.memory_space<vmem>> -> memref<80xi32, #tpu.memory_space<vmem>>
      %dma_wait3A_632 = tpu.memref_slice %arg3[%add3A_623] : memref<320000xi32, #tpu.memory_space<hbm>> -> memref<80xi32, #tpu.memory_space<hbm>>
      tpu.wait_dma2 semaphore(%arg27 : memref<!tpu.dma_semaphore, #tpu.memory_space<semaphore_mem>>) src(%dma_wait3A_632 : memref<80xi32, #tpu.memory_space<hbm>>) dst(%dma_wait3A_631 : memref<80xi32, #tpu.memory_space<vmem>>)
      %add3A_633 = arith.constant 3 : i32
      %add3A_634 = arith.addi %add3A_567, %add3A_633 : i32
      %sub3A_635 = arith.constant 1 : i32
      %sub3A_636 = arith.subi %add3A_634, %sub3A_635 : i32
      %dma_start3A_637 = arith.constant 0 : i32
      %dma_start3A_638 = arith.constant 0 : i32
      %dma_start3A_639 = tpu.memref_slice %arg15[%dma_start3A_637, %dma_start3A_638] : memref<8x80xi32, #tpu.memory_space<vmem>> -> memref<1x80xi32, #tpu.memory_space<vmem>>
      %dma_start3A_640 = tpu.memref_squeeze %dma_start3A_639 : memref<1x80xi32, #tpu.memory_space<vmem>> -> memref<80xi32, #tpu.memory_space<vmem>>
      %dma_start3A_641 = arith.constant 0 : i32
      %dma_start3A_642 = arith.constant 0 : i32
      %dma_start3A_643 = tpu.memref_slice %arg2[%dma_start3A_641, %dma_start3A_642] : memref<10000x128xf32, #tpu.memory_space<hbm>> -> memref<10000x128xf32, #tpu.memory_space<hbm>>
      tpu.enqueue_indirect_dma source(%dma_start3A_643 : memref<10000x128xf32, #tpu.memory_space<hbm>>) target(%arg9 : memref<80x128xf32, #tpu.memory_space<vmem>>) offsets(%dma_start3A_640 : memref<80xi32, #tpu.memory_space<vmem>>) semaphore(%arg18 : memref<!tpu.dma_semaphore, #tpu.memory_space<semaphore_mem>>)
      %add3A_644 = arith.constant 3 : i32
      %add3A_645 = arith.addi %add3A_567, %add3A_644 : i32
      %lt3A_646 = arith.constant 125 : i32
      %lt3A_647 = arith.cmpi slt, %add3A_645, %lt3A_646 : i32
      %convert_element_type3A_648 = arith.extui %lt3A_647 : i1 to i32
      %cond3A_649 = arith.constant 0 : i32
      %cond3A_650 = arith.cmpi ne, %convert_element_type3A_648, %cond3A_649 : i32
      scf.if %cond3A_650 {
        %add3A_651 = arith.constant 3 : i32
        %add3A_652 = arith.addi %add3A_567, %add3A_651 : i32
        %mul3A_653 = arith.constant 80 : i32
        %mul3A_654 = arith.muli %add3A_652, %mul3A_653 : i32
        %add3A_655 = arith.addi %mul3A_2, %mul3A_654 : i32
        %dma_start3A_656 = arith.constant 0 : i32
        %dma_start3A_657 = arith.constant 0 : i32
        %dma_start3A_658 = tpu.memref_slice %arg16[%dma_start3A_656, %dma_start3A_657] : memref<8x80xi32, #tpu.memory_space<vmem>> -> memref<1x80xi32, #tpu.memory_space<vmem>>
        %dma_start3A_659 = tpu.memref_squeeze %dma_start3A_658 : memref<1x80xi32, #tpu.memory_space<vmem>> -> memref<80xi32, #tpu.memory_space<vmem>>
        %dma_start3A_660 = tpu.memref_slice %arg3[%add3A_655] : memref<320000xi32, #tpu.memory_space<hbm>> -> memref<80xi32, #tpu.memory_space<hbm>>
        %dma_start3A_661 = arith.constant 0 : i32
        %dma_start3A_662 = tpu.memref_slice %arg16[%dma_start3A_656, %dma_start3A_661] : memref<8x80xi32, #tpu.memory_space<vmem>> -> memref<1x80xi32, #tpu.memory_space<vmem>>
        %dma_start3A_663 = tpu.memref_squeeze %dma_start3A_662 : memref<1x80xi32, #tpu.memory_space<vmem>> -> memref<80xi32, #tpu.memory_space<vmem>>
        %dma_start3A_664 = tpu.memref_slice %arg3[%add3A_655] : memref<320000xi32, #tpu.memory_space<hbm>> -> memref<80xi32, #tpu.memory_space<hbm>>
        tpu.enqueue_dma source(%dma_start3A_664 : memref<80xi32, #tpu.memory_space<hbm>>) target(%dma_start3A_663 : memref<80xi32, #tpu.memory_space<vmem>>) target_semaphore(%arg28 : memref<!tpu.dma_semaphore, #tpu.memory_space<semaphore_mem>>)
      } else {
      }
    }
    %scan3A_311 = arith.constant 40 : i32
    %add3A_312 = arith.constant 9840 : i32
    %add3A_313 = arith.addi %mul3A_2, %add3A_312 : i32
    %dma_wait3A_314 = arith.constant 0 : i32
    %dma_wait3A_315 = arith.constant 0 : i32
    %dma_wait3A_316 = tpu.memref_slice %arg11[%dma_wait3A_314, %dma_wait3A_315] : memref<8x80xi32, #tpu.memory_space<vmem>> -> memref<1x80xi32, #tpu.memory_space<vmem>>
    %dma_wait3A_317 = tpu.memref_squeeze %dma_wait3A_316 : memref<1x80xi32, #tpu.memory_space<vmem>> -> memref<80xi32, #tpu.memory_space<vmem>>
    %dma_wait3A_318 = tpu.memref_slice %arg4[%add3A_313] : memref<320000xi32, #tpu.memory_space<hbm>> -> memref<80xi32, #tpu.memory_space<hbm>>
    %dma_wait3A_319 = arith.constant 0 : i32
    %dma_wait3A_320 = tpu.memref_slice %arg11[%dma_wait3A_314, %dma_wait3A_319] : memref<8x80xi32, #tpu.memory_space<vmem>> -> memref<1x80xi32, #tpu.memory_space<vmem>>
    %dma_wait3A_321 = tpu.memref_squeeze %dma_wait3A_320 : memref<1x80xi32, #tpu.memory_space<vmem>> -> memref<80xi32, #tpu.memory_space<vmem>>
    %dma_wait3A_322 = tpu.memref_slice %arg4[%add3A_313] : memref<320000xi32, #tpu.memory_space<hbm>> -> memref<80xi32, #tpu.memory_space<hbm>>
    tpu.wait_dma2 semaphore(%arg23 : memref<!tpu.dma_semaphore, #tpu.memory_space<semaphore_mem>>) src(%dma_wait3A_322 : memref<80xi32, #tpu.memory_space<hbm>>) dst(%dma_wait3A_321 : memref<80xi32, #tpu.memory_space<vmem>>)
    %dma_wait3A_323 = arith.constant 0 : i32
    %dma_wait3A_324 = arith.constant 0 : i32
    %dma_wait3A_325 = tpu.memref_slice %arg14[%dma_wait3A_323, %dma_wait3A_324] : memref<8x80xi32, #tpu.memory_space<vmem>> -> memref<1x80xi32, #tpu.memory_space<vmem>>
    %dma_wait3A_326 = tpu.memref_squeeze %dma_wait3A_325 : memref<1x80xi32, #tpu.memory_space<vmem>> -> memref<80xi32, #tpu.memory_space<vmem>>
    %dma_wait3A_327 = arith.constant 0 : i32
    %dma_wait3A_328 = arith.constant 0 : i32
    %dma_wait3A_329 = tpu.memref_slice %arg2[%dma_wait3A_327, %dma_wait3A_328] : memref<10000x128xf32, #tpu.memory_space<hbm>> -> memref<10000x128xf32, #tpu.memory_space<hbm>>
    tpu.wait_indirect_dma semaphore(%arg17 : memref<!tpu.dma_semaphore, #tpu.memory_space<semaphore_mem>>) src(%dma_wait3A_329 : memref<10000x128xf32, #tpu.memory_space<hbm>>) dst(%arg8 : memref<80x128xf32, #tpu.memory_space<vmem>>)
    %dma_start3A_330 = arith.constant 0 : i32
    %dma_start3A_331 = arith.constant 0 : i32
    %dma_start3A_332 = tpu.memref_slice %arg11[%dma_start3A_330, %dma_start3A_331] : memref<8x80xi32, #tpu.memory_space<vmem>> -> memref<1x80xi32, #tpu.memory_space<vmem>>
    %dma_start3A_333 = tpu.memref_squeeze %dma_start3A_332 : memref<1x80xi32, #tpu.memory_space<vmem>> -> memref<80xi32, #tpu.memory_space<vmem>>
    %dma_start3A_334 = arith.constant 0 : i32
    %dma_start3A_335 = arith.constant 0 : i32
    %dma_start3A_336 = tpu.memref_slice %arg7[%dma_start3A_334, %dma_start3A_335] : memref<10000x128xf32, #tpu.memory_space<vmem_shared>> -> memref<10000x128xf32, #tpu.memory_space<vmem_shared>>
    tpu.enqueue_indirect_dma source(%arg8 : memref<80x128xf32, #tpu.memory_space<vmem>>) target(%dma_start3A_336 : memref<10000x128xf32, #tpu.memory_space<vmem_shared>>) offsets(%dma_start3A_333 : memref<80xi32, #tpu.memory_space<vmem>>) semaphore(%arg20 : memref<!tpu.dma_semaphore, #tpu.memory_space<semaphore_mem>>) {add = true}
    %dma_wait3A_337 = arith.constant 0 : i32
    %dma_wait3A_338 = arith.constant 0 : i32
    %dma_wait3A_339 = tpu.memref_slice %arg13[%dma_wait3A_337, %dma_wait3A_338] : memref<8x80xi32, #tpu.memory_space<vmem>> -> memref<1x80xi32, #tpu.memory_space<vmem>>
    %dma_wait3A_340 = tpu.memref_squeeze %dma_wait3A_339 : memref<1x80xi32, #tpu.memory_space<vmem>> -> memref<80xi32, #tpu.memory_space<vmem>>
    %dma_wait3A_341 = arith.constant 0 : i32
    %dma_wait3A_342 = arith.constant 0 : i32
    %dma_wait3A_343 = tpu.memref_slice %arg7[%dma_wait3A_341, %dma_wait3A_342] : memref<10000x128xf32, #tpu.memory_space<vmem_shared>> -> memref<10000x128xf32, #tpu.memory_space<vmem_shared>>
    tpu.wait_indirect_dma semaphore(%arg22 : memref<!tpu.dma_semaphore, #tpu.memory_space<semaphore_mem>>) src(%arg10 : memref<80x128xf32, #tpu.memory_space<vmem>>) dst(%dma_wait3A_343 : memref<10000x128xf32, #tpu.memory_space<vmem_shared>>)
    %add3A_344 = arith.constant 9920 : i32
    %add3A_345 = arith.addi %mul3A_2, %add3A_344 : i32
    %dma_wait3A_346 = arith.constant 0 : i32
    %dma_wait3A_347 = arith.constant 0 : i32
    %dma_wait3A_348 = tpu.memref_slice %arg12[%dma_wait3A_346, %dma_wait3A_347] : memref<8x80xi32, #tpu.memory_space<vmem>> -> memref<1x80xi32, #tpu.memory_space<vmem>>
    %dma_wait3A_349 = tpu.memref_squeeze %dma_wait3A_348 : memref<1x80xi32, #tpu.memory_space<vmem>> -> memref<80xi32, #tpu.memory_space<vmem>>
    %dma_wait3A_350 = tpu.memref_slice %arg4[%add3A_345] : memref<320000xi32, #tpu.memory_space<hbm>> -> memref<80xi32, #tpu.memory_space<hbm>>
    %dma_wait3A_351 = arith.constant 0 : i32
    %dma_wait3A_352 = tpu.memref_slice %arg12[%dma_wait3A_346, %dma_wait3A_351] : memref<8x80xi32, #tpu.memory_space<vmem>> -> memref<1x80xi32, #tpu.memory_space<vmem>>
    %dma_wait3A_353 = tpu.memref_squeeze %dma_wait3A_352 : memref<1x80xi32, #tpu.memory_space<vmem>> -> memref<80xi32, #tpu.memory_space<vmem>>
    %dma_wait3A_354 = tpu.memref_slice %arg4[%add3A_345] : memref<320000xi32, #tpu.memory_space<hbm>> -> memref<80xi32, #tpu.memory_space<hbm>>
    tpu.wait_dma2 semaphore(%arg24 : memref<!tpu.dma_semaphore, #tpu.memory_space<semaphore_mem>>) src(%dma_wait3A_354 : memref<80xi32, #tpu.memory_space<hbm>>) dst(%dma_wait3A_353 : memref<80xi32, #tpu.memory_space<vmem>>)
    %dma_wait3A_355 = arith.constant 0 : i32
    %dma_wait3A_356 = arith.constant 0 : i32
    %dma_wait3A_357 = tpu.memref_slice %arg15[%dma_wait3A_355, %dma_wait3A_356] : memref<8x80xi32, #tpu.memory_space<vmem>> -> memref<1x80xi32, #tpu.memory_space<vmem>>
    %dma_wait3A_358 = tpu.memref_squeeze %dma_wait3A_357 : memref<1x80xi32, #tpu.memory_space<vmem>> -> memref<80xi32, #tpu.memory_space<vmem>>
    %dma_wait3A_359 = arith.constant 0 : i32
    %dma_wait3A_360 = arith.constant 0 : i32
    %dma_wait3A_361 = tpu.memref_slice %arg2[%dma_wait3A_359, %dma_wait3A_360] : memref<10000x128xf32, #tpu.memory_space<hbm>> -> memref<10000x128xf32, #tpu.memory_space<hbm>>
    tpu.wait_indirect_dma semaphore(%arg18 : memref<!tpu.dma_semaphore, #tpu.memory_space<semaphore_mem>>) src(%dma_wait3A_361 : memref<10000x128xf32, #tpu.memory_space<hbm>>) dst(%arg9 : memref<80x128xf32, #tpu.memory_space<vmem>>)
    %dma_start3A_362 = arith.constant 0 : i32
    %dma_start3A_363 = arith.constant 0 : i32
    %dma_start3A_364 = tpu.memref_slice %arg12[%dma_start3A_362, %dma_start3A_363] : memref<8x80xi32, #tpu.memory_space<vmem>> -> memref<1x80xi32, #tpu.memory_space<vmem>>
    %dma_start3A_365 = tpu.memref_squeeze %dma_start3A_364 : memref<1x80xi32, #tpu.memory_space<vmem>> -> memref<80xi32, #tpu.memory_space<vmem>>
    %dma_start3A_366 = arith.constant 0 : i32
    %dma_start3A_367 = arith.constant 0 : i32
    %dma_start3A_368 = tpu.memref_slice %arg7[%dma_start3A_366, %dma_start3A_367] : memref<10000x128xf32, #tpu.memory_space<vmem_shared>> -> memref<10000x128xf32, #tpu.memory_space<vmem_shared>>
    tpu.enqueue_indirect_dma source(%arg9 : memref<80x128xf32, #tpu.memory_space<vmem>>) target(%dma_start3A_368 : memref<10000x128xf32, #tpu.memory_space<vmem_shared>>) offsets(%dma_start3A_365 : memref<80xi32, #tpu.memory_space<vmem>>) semaphore(%arg21 : memref<!tpu.dma_semaphore, #tpu.memory_space<semaphore_mem>>) {add = true}
    %dma_wait3A_369 = arith.constant 0 : i32
    %dma_wait3A_370 = arith.constant 0 : i32
    %dma_wait3A_371 = tpu.memref_slice %arg11[%dma_wait3A_369, %dma_wait3A_370] : memref<8x80xi32, #tpu.memory_space<vmem>> -> memref<1x80xi32, #tpu.memory_space<vmem>>
    %dma_wait3A_372 = tpu.memref_squeeze %dma_wait3A_371 : memref<1x80xi32, #tpu.memory_space<vmem>> -> memref<80xi32, #tpu.memory_space<vmem>>
    %dma_wait3A_373 = arith.constant 0 : i32
    %dma_wait3A_374 = arith.constant 0 : i32
    %dma_wait3A_375 = tpu.memref_slice %arg7[%dma_wait3A_373, %dma_wait3A_374] : memref<10000x128xf32, #tpu.memory_space<vmem_shared>> -> memref<10000x128xf32, #tpu.memory_space<vmem_shared>>
    tpu.wait_indirect_dma semaphore(%arg20 : memref<!tpu.dma_semaphore, #tpu.memory_space<semaphore_mem>>) src(%arg8 : memref<80x128xf32, #tpu.memory_space<vmem>>) dst(%dma_wait3A_375 : memref<10000x128xf32, #tpu.memory_space<vmem_shared>>)
    %dma_wait3A_376 = arith.constant 0 : i32
    %dma_wait3A_377 = arith.constant 0 : i32
    %dma_wait3A_378 = tpu.memref_slice %arg12[%dma_wait3A_376, %dma_wait3A_377] : memref<8x80xi32, #tpu.memory_space<vmem>> -> memref<1x80xi32, #tpu.memory_space<vmem>>
    %dma_wait3A_379 = tpu.memref_squeeze %dma_wait3A_378 : memref<1x80xi32, #tpu.memory_space<vmem>> -> memref<80xi32, #tpu.memory_space<vmem>>
    %dma_wait3A_380 = arith.constant 0 : i32
    %dma_wait3A_381 = arith.constant 0 : i32
    %dma_wait3A_382 = tpu.memref_slice %arg7[%dma_wait3A_380, %dma_wait3A_381] : memref<10000x128xf32, #tpu.memory_space<vmem_shared>> -> memref<10000x128xf32, #tpu.memory_space<vmem_shared>>
    tpu.wait_indirect_dma semaphore(%arg21 : memref<!tpu.dma_semaphore, #tpu.memory_space<semaphore_mem>>) src(%arg9 : memref<80x128xf32, #tpu.memory_space<vmem>>) dst(%dma_wait3A_382 : memref<10000x128xf32, #tpu.memory_space<vmem_shared>>)
    %barrier3A_383 = arith.constant 0 : index
    tpu.barrier barrier_id(%barrier3A_383)
    %mul3A_384 = arith.constant 624 : i32
    %mul3A_385 = arith.muli %arg1, %mul3A_384 : i32
    "tpu.region"() ({
      %run_scoped3A = tpu.sem_alloc : memref<!tpu.dma_semaphore, #tpu.memory_space<semaphore_mem>>
      %dma_start3A_391 = arith.constant 0 : i32
      %dma_start3A_392 = tpu.memref_slice %arg6[%arg0, %mul3A_385, %dma_start3A_391] : memref<2x10000x128xf32, #tpu.memory_space<hbm>> -> memref<1x624x128xf32, #tpu.memory_space<hbm>>
      %dma_start3A_393 = tpu.memref_squeeze %dma_start3A_392 : memref<1x624x128xf32, #tpu.memory_space<hbm>> -> memref<624x128xf32, #tpu.memory_space<hbm>>
      %dma_start3A_394 = arith.constant 0 : i32
      %dma_start3A_395 = tpu.memref_slice %arg7[%mul3A_385, %dma_start3A_394] : memref<10000x128xf32, #tpu.memory_space<vmem_shared>> -> memref<624x128xf32, #tpu.memory_space<vmem_shared>>
      tpu.enqueue_dma source(%dma_start3A_395 : memref<624x128xf32, #tpu.memory_space<vmem_shared>>) target(%dma_start3A_393 : memref<624x128xf32, #tpu.memory_space<hbm>>) target_semaphore(%run_scoped3A : memref<!tpu.dma_semaphore, #tpu.memory_space<semaphore_mem>>)
      %dma_wait3A_396 = arith.constant 0 : i32
      %dma_wait3A_397 = tpu.memref_slice %arg6[%arg0, %mul3A_385, %dma_wait3A_396] : memref<2x10000x128xf32, #tpu.memory_space<hbm>> -> memref<1x624x128xf32, #tpu.memory_space<hbm>>
      %dma_wait3A_398 = tpu.memref_squeeze %dma_wait3A_397 : memref<1x624x128xf32, #tpu.memory_space<hbm>> -> memref<624x128xf32, #tpu.memory_space<hbm>>
      %dma_wait3A_399 = arith.constant 0 : i32
      %dma_wait3A_400 = tpu.memref_slice %arg7[%mul3A_385, %dma_wait3A_399] : memref<10000x128xf32, #tpu.memory_space<vmem_shared>> -> memref<624x128xf32, #tpu.memory_space<vmem_shared>>
      tpu.wait_dma2 semaphore(%run_scoped3A : memref<!tpu.dma_semaphore, #tpu.memory_space<semaphore_mem>>) src(%dma_wait3A_400 : memref<624x128xf32, #tpu.memory_space<vmem_shared>>) dst(%dma_wait3A_398 : memref<624x128xf32, #tpu.memory_space<hbm>>)
      tpu.yield
    }) : () -> ()
    %eq3A_386 = arith.constant 15 : i32
    %eq3A_387 = arith.cmpi eq, %arg1, %eq3A_386 : i32
    %convert_element_type3A_388 = arith.extui %eq3A_387 : i1 to i32
    %cond3A_389 = arith.constant 0 : i32
    %cond3A_390 = arith.cmpi ne, %convert_element_type3A_388, %cond3A_389 : i32
    scf.if %cond3A_390 {
      "tpu.region"() ({
        %run_scoped3A = tpu.sem_alloc : memref<!tpu.dma_semaphore, #tpu.memory_space<semaphore_mem>>
        %dma_start3A_391 = arith.constant 9984 : i32
        %dma_start3A_392 = arith.constant 0 : i32
        %dma_start3A_393 = tpu.memref_slice %arg6[%arg0, %dma_start3A_391, %dma_start3A_392] : memref<2x10000x128xf32, #tpu.memory_space<hbm>> -> memref<1x16x128xf32, #tpu.memory_space<hbm>>
        %dma_start3A_394 = tpu.memref_squeeze %dma_start3A_393 : memref<1x16x128xf32, #tpu.memory_space<hbm>> -> memref<16x128xf32, #tpu.memory_space<hbm>>
        %dma_start3A_395 = arith.constant 9984 : i32
        %dma_start3A_396 = arith.constant 0 : i32
        %dma_start3A_397 = tpu.memref_slice %arg7[%dma_start3A_395, %dma_start3A_396] : memref<10000x128xf32, #tpu.memory_space<vmem_shared>> -> memref<16x128xf32, #tpu.memory_space<vmem_shared>>
        tpu.enqueue_dma source(%dma_start3A_397 : memref<16x128xf32, #tpu.memory_space<vmem_shared>>) target(%dma_start3A_394 : memref<16x128xf32, #tpu.memory_space<hbm>>) target_semaphore(%run_scoped3A : memref<!tpu.dma_semaphore, #tpu.memory_space<semaphore_mem>>)
        %dma_wait3A_398 = arith.constant 9984 : i32
        %dma_wait3A_399 = arith.constant 0 : i32
        %dma_wait3A_400 = tpu.memref_slice %arg6[%arg0, %dma_wait3A_398, %dma_wait3A_399] : memref<2x10000x128xf32, #tpu.memory_space<hbm>> -> memref<1x16x128xf32, #tpu.memory_space<hbm>>
        %dma_wait3A_401 = tpu.memref_squeeze %dma_wait3A_400 : memref<1x16x128xf32, #tpu.memory_space<hbm>> -> memref<16x128xf32, #tpu.memory_space<hbm>>
        %dma_wait3A_402 = arith.constant 9984 : i32
        %dma_wait3A_403 = arith.constant 0 : i32
        %dma_wait3A_404 = tpu.memref_slice %arg7[%dma_wait3A_402, %dma_wait3A_403] : memref<10000x128xf32, #tpu.memory_space<vmem_shared>> -> memref<16x128xf32, #tpu.memory_space<vmem_shared>>
        tpu.wait_dma2 semaphore(%run_scoped3A : memref<!tpu.dma_semaphore, #tpu.memory_space<semaphore_mem>>) src(%dma_wait3A_404 : memref<16x128xf32, #tpu.memory_space<vmem_shared>>) dst(%dma_wait3A_401 : memref<16x128xf32, #tpu.memory_space<hbm>>)
        tpu.yield
      }) : () -> ()
    } else {
    }
    return
  }
}

#map = affine_map<(d0, d1) -> (0, 0)>
#map1 = affine_map<(d0, d1) -> (0)>
#map2 = affine_map<(d0, d1) -> (0, 0, 0)>
module attributes {stable_mosaic.version = 14 : i64} {
  func.func @sage_sc_agg_cnt(%arg0: i32, %arg1: i32, %arg2: memref<10000x128xf32, #tpu.memory_space<hbm>>, %arg3: memref<320000xi32, #tpu.memory_space<hbm>>, %arg4: memref<320000xi32, #tpu.memory_space<hbm>>, %arg5: memref<10000x128xf32, #tpu.memory_space<hbm>>, %arg6: memref<80x128xf32, #tpu.memory_space<hbm>>, %arg7: memref<2x10000x128xf32, #tpu.memory_space<hbm>>, %arg8: memref<2x10000x128xf32, #tpu.memory_space<hbm>>, %arg9: memref<10000x128xf32, #tpu.memory_space<vmem_shared>>, %arg10: memref<80x128xf32, #tpu.memory_space<vmem>>, %arg11: memref<80x128xf32, #tpu.memory_space<vmem>>, %arg12: memref<80x128xf32, #tpu.memory_space<vmem>>, %arg13: memref<8x80xi32, #tpu.memory_space<vmem>>, %arg14: memref<8x80xi32, #tpu.memory_space<vmem>>, %arg15: memref<8x80xi32, #tpu.memory_space<vmem>>, %arg16: memref<8x80xi32, #tpu.memory_space<vmem>>, %arg17: memref<8x80xi32, #tpu.memory_space<vmem>>, %arg18: memref<8x80xi32, #tpu.memory_space<vmem>>, %arg19: memref<!tpu.dma_semaphore, #tpu.memory_space<semaphore_mem>>, %arg20: memref<!tpu.dma_semaphore, #tpu.memory_space<semaphore_mem>>, %arg21: memref<!tpu.dma_semaphore, #tpu.memory_space<semaphore_mem>>, %arg22: memref<!tpu.dma_semaphore, #tpu.memory_space<semaphore_mem>>, %arg23: memref<!tpu.dma_semaphore, #tpu.memory_space<semaphore_mem>>, %arg24: memref<!tpu.dma_semaphore, #tpu.memory_space<semaphore_mem>>, %arg25: memref<!tpu.dma_semaphore, #tpu.memory_space<semaphore_mem>>, %arg26: memref<!tpu.dma_semaphore, #tpu.memory_space<semaphore_mem>>, %arg27: memref<!tpu.dma_semaphore, #tpu.memory_space<semaphore_mem>>, %arg28: memref<!tpu.dma_semaphore, #tpu.memory_space<semaphore_mem>>, %arg29: memref<!tpu.dma_semaphore, #tpu.memory_space<semaphore_mem>>, %arg30: memref<!tpu.dma_semaphore, #tpu.memory_space<semaphore_mem>>) attributes {dimension_semantics = [#tpu.dimension_semantics<core_parallel>, #tpu.dimension_semantics<subcore_parallel>], iteration_bounds = array<i64: 2, 16>, scalar_prefetch = 0 : i64, scratch_operands = 22 : i64, tpu.core_type = #tpu.core_type<sc_vector_subcore>, window_params = [{transform_indices = #map}, {transform_indices = #map1}, {transform_indices = #map1}, {transform_indices = #map}, {transform_indices = #map}, {transform_indices = #map2}, {transform_indices = #map2}]} {
    %mul3A = arith.constant 16 : i32
    %mul3A_0 = arith.muli %arg0, %mul3A : i32
    %add3A = arith.addi %mul3A_0, %arg1 : i32
    %mul3A_1 = arith.constant 10000 : i32
    %mul3A_2 = arith.muli %add3A, %mul3A_1 : i32
    %mul3A_3 = arith.constant 624 : i32
    %mul3A_4 = arith.muli %arg1, %mul3A_3 : i32
    "tpu.region"() ({
      %run_scoped3A = tpu.sem_alloc : memref<!tpu.dma_semaphore, #tpu.memory_space<semaphore_mem>>
      tpu.enqueue_dma source(%arg6 : memref<80x128xf32, #tpu.memory_space<hbm>>) target(%arg10 : memref<80x128xf32, #tpu.memory_space<vmem>>) target_semaphore(%run_scoped3A : memref<!tpu.dma_semaphore, #tpu.memory_space<semaphore_mem>>)
      tpu.wait_dma2 semaphore(%run_scoped3A : memref<!tpu.dma_semaphore, #tpu.memory_space<semaphore_mem>>) src(%arg6 : memref<80x128xf32, #tpu.memory_space<hbm>>) dst(%arg10 : memref<80x128xf32, #tpu.memory_space<vmem>>)
      tpu.yield
    }) : () -> ()
    %mul3A_5 = arith.constant 624 : i32
    %mul3A_6 = arith.muli %arg1, %mul3A_5 : i32
    "tpu.region"() ({
      %run_scoped3A = tpu.sem_alloc : memref<!tpu.dma_semaphore, #tpu.memory_space<semaphore_mem>>
      %dma_start3A_594 = arith.constant 0 : i32
      %dma_start3A_595 = tpu.memref_slice %arg9[%mul3A_6, %dma_start3A_594] : memref<10000x128xf32, #tpu.memory_space<vmem_shared>> -> memref<624x128xf32, #tpu.memory_space<vmem_shared>>
      %dma_start3A_596 = arith.constant 0 : i32
      %dma_start3A_597 = tpu.memref_slice %arg5[%mul3A_6, %dma_start3A_596] : memref<10000x128xf32, #tpu.memory_space<hbm>> -> memref<624x128xf32, #tpu.memory_space<hbm>>
      tpu.enqueue_dma source(%dma_start3A_597 : memref<624x128xf32, #tpu.memory_space<hbm>>) target(%dma_start3A_595 : memref<624x128xf32, #tpu.memory_space<vmem_shared>>) target_semaphore(%run_scoped3A : memref<!tpu.dma_semaphore, #tpu.memory_space<semaphore_mem>>)
      %dma_wait3A_598 = arith.constant 0 : i32
      %dma_wait3A_599 = tpu.memref_slice %arg9[%mul3A_6, %dma_wait3A_598] : memref<10000x128xf32, #tpu.memory_space<vmem_shared>> -> memref<624x128xf32, #tpu.memory_space<vmem_shared>>
      %dma_wait3A_600 = arith.constant 0 : i32
      %dma_wait3A_601 = tpu.memref_slice %arg5[%mul3A_6, %dma_wait3A_600] : memref<10000x128xf32, #tpu.memory_space<hbm>> -> memref<624x128xf32, #tpu.memory_space<hbm>>
      tpu.wait_dma2 semaphore(%run_scoped3A : memref<!tpu.dma_semaphore, #tpu.memory_space<semaphore_mem>>) src(%dma_wait3A_601 : memref<624x128xf32, #tpu.memory_space<hbm>>) dst(%dma_wait3A_599 : memref<624x128xf32, #tpu.memory_space<vmem_shared>>)
      tpu.yield
    }) : () -> ()
    %eq3A = arith.constant 15 : i32
    %eq3A_7 = arith.cmpi eq, %arg1, %eq3A : i32
    %convert_element_type3A = arith.extui %eq3A_7 : i1 to i32
    %cond3A = arith.constant 0 : i32
    %cond3A_8 = arith.cmpi ne, %convert_element_type3A, %cond3A : i32
    scf.if %cond3A_8 {
      "tpu.region"() ({
        %run_scoped3A = tpu.sem_alloc : memref<!tpu.dma_semaphore, #tpu.memory_space<semaphore_mem>>
        %dma_start3A_594 = arith.constant 9984 : i32
        %dma_start3A_595 = arith.constant 0 : i32
        %dma_start3A_596 = tpu.memref_slice %arg9[%dma_start3A_594, %dma_start3A_595] : memref<10000x128xf32, #tpu.memory_space<vmem_shared>> -> memref<16x128xf32, #tpu.memory_space<vmem_shared>>
        %dma_start3A_597 = arith.constant 9984 : i32
        %dma_start3A_598 = arith.constant 0 : i32
        %dma_start3A_599 = tpu.memref_slice %arg5[%dma_start3A_597, %dma_start3A_598] : memref<10000x128xf32, #tpu.memory_space<hbm>> -> memref<16x128xf32, #tpu.memory_space<hbm>>
        tpu.enqueue_dma source(%dma_start3A_599 : memref<16x128xf32, #tpu.memory_space<hbm>>) target(%dma_start3A_596 : memref<16x128xf32, #tpu.memory_space<vmem_shared>>) target_semaphore(%run_scoped3A : memref<!tpu.dma_semaphore, #tpu.memory_space<semaphore_mem>>)
        %dma_wait3A_600 = arith.constant 9984 : i32
        %dma_wait3A_601 = arith.constant 0 : i32
        %dma_wait3A_602 = tpu.memref_slice %arg9[%dma_wait3A_600, %dma_wait3A_601] : memref<10000x128xf32, #tpu.memory_space<vmem_shared>> -> memref<16x128xf32, #tpu.memory_space<vmem_shared>>
        %dma_wait3A_603 = arith.constant 9984 : i32
        %dma_wait3A_604 = arith.constant 0 : i32
        %dma_wait3A_605 = tpu.memref_slice %arg5[%dma_wait3A_603, %dma_wait3A_604] : memref<10000x128xf32, #tpu.memory_space<hbm>> -> memref<16x128xf32, #tpu.memory_space<hbm>>
        tpu.wait_dma2 semaphore(%run_scoped3A : memref<!tpu.dma_semaphore, #tpu.memory_space<semaphore_mem>>) src(%dma_wait3A_605 : memref<16x128xf32, #tpu.memory_space<hbm>>) dst(%dma_wait3A_602 : memref<16x128xf32, #tpu.memory_space<vmem_shared>>)
        tpu.yield
      }) : () -> ()
    } else {
    }
    %barrier3A = arith.constant 0 : index
    tpu.barrier barrier_id(%barrier3A)
    %add3A_9 = arith.constant 0 : i32
    %add3A_10 = arith.addi %mul3A_2, %add3A_9 : i32
    %dma_start3A = arith.constant 0 : i32
    %dma_start3A_11 = arith.constant 0 : i32
    %dma_start3A_12 = tpu.memref_slice %arg13[%dma_start3A, %dma_start3A_11] : memref<8x80xi32, #tpu.memory_space<vmem>> -> memref<1x80xi32, #tpu.memory_space<vmem>>
    %dma_start3A_13 = tpu.memref_squeeze %dma_start3A_12 : memref<1x80xi32, #tpu.memory_space<vmem>> -> memref<80xi32, #tpu.memory_space<vmem>>
    %dma_start3A_14 = tpu.memref_slice %arg4[%add3A_10] : memref<320000xi32, #tpu.memory_space<hbm>> -> memref<80xi32, #tpu.memory_space<hbm>>
    %dma_start3A_15 = arith.constant 0 : i32
    %dma_start3A_16 = tpu.memref_slice %arg13[%dma_start3A, %dma_start3A_15] : memref<8x80xi32, #tpu.memory_space<vmem>> -> memref<1x80xi32, #tpu.memory_space<vmem>>
    %dma_start3A_17 = tpu.memref_squeeze %dma_start3A_16 : memref<1x80xi32, #tpu.memory_space<vmem>> -> memref<80xi32, #tpu.memory_space<vmem>>
    %dma_start3A_18 = tpu.memref_slice %arg4[%add3A_10] : memref<320000xi32, #tpu.memory_space<hbm>> -> memref<80xi32, #tpu.memory_space<hbm>>
    tpu.enqueue_dma source(%dma_start3A_18 : memref<80xi32, #tpu.memory_space<hbm>>) target(%dma_start3A_17 : memref<80xi32, #tpu.memory_space<vmem>>) target_semaphore(%arg25 : memref<!tpu.dma_semaphore, #tpu.memory_space<semaphore_mem>>)
    %add3A_19 = arith.constant 80 : i32
    %add3A_20 = arith.addi %mul3A_2, %add3A_19 : i32
    %dma_start3A_21 = arith.constant 0 : i32
    %dma_start3A_22 = arith.constant 0 : i32
    %dma_start3A_23 = tpu.memref_slice %arg14[%dma_start3A_21, %dma_start3A_22] : memref<8x80xi32, #tpu.memory_space<vmem>> -> memref<1x80xi32, #tpu.memory_space<vmem>>
    %dma_start3A_24 = tpu.memref_squeeze %dma_start3A_23 : memref<1x80xi32, #tpu.memory_space<vmem>> -> memref<80xi32, #tpu.memory_space<vmem>>
    %dma_start3A_25 = tpu.memref_slice %arg4[%add3A_20] : memref<320000xi32, #tpu.memory_space<hbm>> -> memref<80xi32, #tpu.memory_space<hbm>>
    %dma_start3A_26 = arith.constant 0 : i32
    %dma_start3A_27 = tpu.memref_slice %arg14[%dma_start3A_21, %dma_start3A_26] : memref<8x80xi32, #tpu.memory_space<vmem>> -> memref<1x80xi32, #tpu.memory_space<vmem>>
    %dma_start3A_28 = tpu.memref_squeeze %dma_start3A_27 : memref<1x80xi32, #tpu.memory_space<vmem>> -> memref<80xi32, #tpu.memory_space<vmem>>
    %dma_start3A_29 = tpu.memref_slice %arg4[%add3A_20] : memref<320000xi32, #tpu.memory_space<hbm>> -> memref<80xi32, #tpu.memory_space<hbm>>
    tpu.enqueue_dma source(%dma_start3A_29 : memref<80xi32, #tpu.memory_space<hbm>>) target(%dma_start3A_28 : memref<80xi32, #tpu.memory_space<vmem>>) target_semaphore(%arg26 : memref<!tpu.dma_semaphore, #tpu.memory_space<semaphore_mem>>)
    %add3A_30 = arith.constant 0 : i32
    %add3A_31 = arith.addi %mul3A_2, %add3A_30 : i32
    %dma_wait3A = arith.constant 0 : i32
    %dma_wait3A_32 = arith.constant 0 : i32
    %dma_wait3A_33 = tpu.memref_slice %arg13[%dma_wait3A, %dma_wait3A_32] : memref<8x80xi32, #tpu.memory_space<vmem>> -> memref<1x80xi32, #tpu.memory_space<vmem>>
    %dma_wait3A_34 = tpu.memref_squeeze %dma_wait3A_33 : memref<1x80xi32, #tpu.memory_space<vmem>> -> memref<80xi32, #tpu.memory_space<vmem>>
    %dma_wait3A_35 = tpu.memref_slice %arg4[%add3A_31] : memref<320000xi32, #tpu.memory_space<hbm>> -> memref<80xi32, #tpu.memory_space<hbm>>
    %dma_wait3A_36 = arith.constant 0 : i32
    %dma_wait3A_37 = tpu.memref_slice %arg13[%dma_wait3A, %dma_wait3A_36] : memref<8x80xi32, #tpu.memory_space<vmem>> -> memref<1x80xi32, #tpu.memory_space<vmem>>
    %dma_wait3A_38 = tpu.memref_squeeze %dma_wait3A_37 : memref<1x80xi32, #tpu.memory_space<vmem>> -> memref<80xi32, #tpu.memory_space<vmem>>
    %dma_wait3A_39 = tpu.memref_slice %arg4[%add3A_31] : memref<320000xi32, #tpu.memory_space<hbm>> -> memref<80xi32, #tpu.memory_space<hbm>>
    tpu.wait_dma2 semaphore(%arg25 : memref<!tpu.dma_semaphore, #tpu.memory_space<semaphore_mem>>) src(%dma_wait3A_39 : memref<80xi32, #tpu.memory_space<hbm>>) dst(%dma_wait3A_38 : memref<80xi32, #tpu.memory_space<vmem>>)
    %dma_start3A_40 = arith.constant 0 : i32
    %dma_start3A_41 = arith.constant 0 : i32
    %dma_start3A_42 = tpu.memref_slice %arg13[%dma_start3A_40, %dma_start3A_41] : memref<8x80xi32, #tpu.memory_space<vmem>> -> memref<1x80xi32, #tpu.memory_space<vmem>>
    %dma_start3A_43 = tpu.memref_squeeze %dma_start3A_42 : memref<1x80xi32, #tpu.memory_space<vmem>> -> memref<80xi32, #tpu.memory_space<vmem>>
    %dma_start3A_44 = arith.constant 0 : i32
    %dma_start3A_45 = arith.constant 0 : i32
    %dma_start3A_46 = tpu.memref_slice %arg9[%dma_start3A_44, %dma_start3A_45] : memref<10000x128xf32, #tpu.memory_space<vmem_shared>> -> memref<10000x128xf32, #tpu.memory_space<vmem_shared>>
    tpu.enqueue_indirect_dma source(%arg10 : memref<80x128xf32, #tpu.memory_space<vmem>>) target(%dma_start3A_46 : memref<10000x128xf32, #tpu.memory_space<vmem_shared>>) offsets(%dma_start3A_43 : memref<80xi32, #tpu.memory_space<vmem>>) semaphore(%arg22 : memref<!tpu.dma_semaphore, #tpu.memory_space<semaphore_mem>>) {add = true}
    %add3A_47 = arith.constant 160 : i32
    %add3A_48 = arith.addi %mul3A_2, %add3A_47 : i32
    %dma_start3A_49 = arith.constant 0 : i32
    %dma_start3A_50 = arith.constant 0 : i32
    %dma_start3A_51 = tpu.memref_slice %arg15[%dma_start3A_49, %dma_start3A_50] : memref<8x80xi32, #tpu.memory_space<vmem>> -> memref<1x80xi32, #tpu.memory_space<vmem>>
    %dma_start3A_52 = tpu.memref_squeeze %dma_start3A_51 : memref<1x80xi32, #tpu.memory_space<vmem>> -> memref<80xi32, #tpu.memory_space<vmem>>
    %dma_start3A_53 = tpu.memref_slice %arg4[%add3A_48] : memref<320000xi32, #tpu.memory_space<hbm>> -> memref<80xi32, #tpu.memory_space<hbm>>
    %dma_start3A_54 = arith.constant 0 : i32
    %dma_start3A_55 = tpu.memref_slice %arg15[%dma_start3A_49, %dma_start3A_54] : memref<8x80xi32, #tpu.memory_space<vmem>> -> memref<1x80xi32, #tpu.memory_space<vmem>>
    %dma_start3A_56 = tpu.memref_squeeze %dma_start3A_55 : memref<1x80xi32, #tpu.memory_space<vmem>> -> memref<80xi32, #tpu.memory_space<vmem>>
    %dma_start3A_57 = tpu.memref_slice %arg4[%add3A_48] : memref<320000xi32, #tpu.memory_space<hbm>> -> memref<80xi32, #tpu.memory_space<hbm>>
    tpu.enqueue_dma source(%dma_start3A_57 : memref<80xi32, #tpu.memory_space<hbm>>) target(%dma_start3A_56 : memref<80xi32, #tpu.memory_space<vmem>>) target_semaphore(%arg27 : memref<!tpu.dma_semaphore, #tpu.memory_space<semaphore_mem>>)
    %add3A_58 = arith.constant 80 : i32
    %add3A_59 = arith.addi %mul3A_2, %add3A_58 : i32
    %dma_wait3A_60 = arith.constant 0 : i32
    %dma_wait3A_61 = arith.constant 0 : i32
    %dma_wait3A_62 = tpu.memref_slice %arg14[%dma_wait3A_60, %dma_wait3A_61] : memref<8x80xi32, #tpu.memory_space<vmem>> -> memref<1x80xi32, #tpu.memory_space<vmem>>
    %dma_wait3A_63 = tpu.memref_squeeze %dma_wait3A_62 : memref<1x80xi32, #tpu.memory_space<vmem>> -> memref<80xi32, #tpu.memory_space<vmem>>
    %dma_wait3A_64 = tpu.memref_slice %arg4[%add3A_59] : memref<320000xi32, #tpu.memory_space<hbm>> -> memref<80xi32, #tpu.memory_space<hbm>>
    %dma_wait3A_65 = arith.constant 0 : i32
    %dma_wait3A_66 = tpu.memref_slice %arg14[%dma_wait3A_60, %dma_wait3A_65] : memref<8x80xi32, #tpu.memory_space<vmem>> -> memref<1x80xi32, #tpu.memory_space<vmem>>
    %dma_wait3A_67 = tpu.memref_squeeze %dma_wait3A_66 : memref<1x80xi32, #tpu.memory_space<vmem>> -> memref<80xi32, #tpu.memory_space<vmem>>
    %dma_wait3A_68 = tpu.memref_slice %arg4[%add3A_59] : memref<320000xi32, #tpu.memory_space<hbm>> -> memref<80xi32, #tpu.memory_space<hbm>>
    tpu.wait_dma2 semaphore(%arg26 : memref<!tpu.dma_semaphore, #tpu.memory_space<semaphore_mem>>) src(%dma_wait3A_68 : memref<80xi32, #tpu.memory_space<hbm>>) dst(%dma_wait3A_67 : memref<80xi32, #tpu.memory_space<vmem>>)
    %dma_start3A_69 = arith.constant 0 : i32
    %dma_start3A_70 = arith.constant 0 : i32
    %dma_start3A_71 = tpu.memref_slice %arg14[%dma_start3A_69, %dma_start3A_70] : memref<8x80xi32, #tpu.memory_space<vmem>> -> memref<1x80xi32, #tpu.memory_space<vmem>>
    %dma_start3A_72 = tpu.memref_squeeze %dma_start3A_71 : memref<1x80xi32, #tpu.memory_space<vmem>> -> memref<80xi32, #tpu.memory_space<vmem>>
    %dma_start3A_73 = arith.constant 0 : i32
    %dma_start3A_74 = arith.constant 0 : i32
    %dma_start3A_75 = tpu.memref_slice %arg9[%dma_start3A_73, %dma_start3A_74] : memref<10000x128xf32, #tpu.memory_space<vmem_shared>> -> memref<10000x128xf32, #tpu.memory_space<vmem_shared>>
    tpu.enqueue_indirect_dma source(%arg10 : memref<80x128xf32, #tpu.memory_space<vmem>>) target(%dma_start3A_75 : memref<10000x128xf32, #tpu.memory_space<vmem_shared>>) offsets(%dma_start3A_72 : memref<80xi32, #tpu.memory_space<vmem>>) semaphore(%arg23 : memref<!tpu.dma_semaphore, #tpu.memory_space<semaphore_mem>>) {add = true}
    %dma_wait3A_76 = arith.constant 0 : i32
    %dma_wait3A_77 = arith.constant 0 : i32
    %dma_wait3A_78 = tpu.memref_slice %arg13[%dma_wait3A_76, %dma_wait3A_77] : memref<8x80xi32, #tpu.memory_space<vmem>> -> memref<1x80xi32, #tpu.memory_space<vmem>>
    %dma_wait3A_79 = tpu.memref_squeeze %dma_wait3A_78 : memref<1x80xi32, #tpu.memory_space<vmem>> -> memref<80xi32, #tpu.memory_space<vmem>>
    %dma_wait3A_80 = arith.constant 0 : i32
    %dma_wait3A_81 = arith.constant 0 : i32
    %dma_wait3A_82 = tpu.memref_slice %arg9[%dma_wait3A_80, %dma_wait3A_81] : memref<10000x128xf32, #tpu.memory_space<vmem_shared>> -> memref<10000x128xf32, #tpu.memory_space<vmem_shared>>
    tpu.wait_indirect_dma semaphore(%arg22 : memref<!tpu.dma_semaphore, #tpu.memory_space<semaphore_mem>>) src(%arg10 : memref<80x128xf32, #tpu.memory_space<vmem>>) dst(%dma_wait3A_82 : memref<10000x128xf32, #tpu.memory_space<vmem_shared>>)
    %add3A_83 = arith.constant 240 : i32
    %add3A_84 = arith.addi %mul3A_2, %add3A_83 : i32
    %dma_start3A_85 = arith.constant 0 : i32
    %dma_start3A_86 = arith.constant 0 : i32
    %dma_start3A_87 = tpu.memref_slice %arg13[%dma_start3A_85, %dma_start3A_86] : memref<8x80xi32, #tpu.memory_space<vmem>> -> memref<1x80xi32, #tpu.memory_space<vmem>>
    %dma_start3A_88 = tpu.memref_squeeze %dma_start3A_87 : memref<1x80xi32, #tpu.memory_space<vmem>> -> memref<80xi32, #tpu.memory_space<vmem>>
    %dma_start3A_89 = tpu.memref_slice %arg4[%add3A_84] : memref<320000xi32, #tpu.memory_space<hbm>> -> memref<80xi32, #tpu.memory_space<hbm>>
    %dma_start3A_90 = arith.constant 0 : i32
    %dma_start3A_91 = tpu.memref_slice %arg13[%dma_start3A_85, %dma_start3A_90] : memref<8x80xi32, #tpu.memory_space<vmem>> -> memref<1x80xi32, #tpu.memory_space<vmem>>
    %dma_start3A_92 = tpu.memref_squeeze %dma_start3A_91 : memref<1x80xi32, #tpu.memory_space<vmem>> -> memref<80xi32, #tpu.memory_space<vmem>>
    %dma_start3A_93 = tpu.memref_slice %arg4[%add3A_84] : memref<320000xi32, #tpu.memory_space<hbm>> -> memref<80xi32, #tpu.memory_space<hbm>>
    tpu.enqueue_dma source(%dma_start3A_93 : memref<80xi32, #tpu.memory_space<hbm>>) target(%dma_start3A_92 : memref<80xi32, #tpu.memory_space<vmem>>) target_semaphore(%arg25 : memref<!tpu.dma_semaphore, #tpu.memory_space<semaphore_mem>>)
    %add3A_94 = arith.constant 160 : i32
    %add3A_95 = arith.addi %mul3A_2, %add3A_94 : i32
    %dma_wait3A_96 = arith.constant 0 : i32
    %dma_wait3A_97 = arith.constant 0 : i32
    %dma_wait3A_98 = tpu.memref_slice %arg15[%dma_wait3A_96, %dma_wait3A_97] : memref<8x80xi32, #tpu.memory_space<vmem>> -> memref<1x80xi32, #tpu.memory_space<vmem>>
    %dma_wait3A_99 = tpu.memref_squeeze %dma_wait3A_98 : memref<1x80xi32, #tpu.memory_space<vmem>> -> memref<80xi32, #tpu.memory_space<vmem>>
    %dma_wait3A_100 = tpu.memref_slice %arg4[%add3A_95] : memref<320000xi32, #tpu.memory_space<hbm>> -> memref<80xi32, #tpu.memory_space<hbm>>
    %dma_wait3A_101 = arith.constant 0 : i32
    %dma_wait3A_102 = tpu.memref_slice %arg15[%dma_wait3A_96, %dma_wait3A_101] : memref<8x80xi32, #tpu.memory_space<vmem>> -> memref<1x80xi32, #tpu.memory_space<vmem>>
    %dma_wait3A_103 = tpu.memref_squeeze %dma_wait3A_102 : memref<1x80xi32, #tpu.memory_space<vmem>> -> memref<80xi32, #tpu.memory_space<vmem>>
    %dma_wait3A_104 = tpu.memref_slice %arg4[%add3A_95] : memref<320000xi32, #tpu.memory_space<hbm>> -> memref<80xi32, #tpu.memory_space<hbm>>
    tpu.wait_dma2 semaphore(%arg27 : memref<!tpu.dma_semaphore, #tpu.memory_space<semaphore_mem>>) src(%dma_wait3A_104 : memref<80xi32, #tpu.memory_space<hbm>>) dst(%dma_wait3A_103 : memref<80xi32, #tpu.memory_space<vmem>>)
    %dma_start3A_105 = arith.constant 0 : i32
    %dma_start3A_106 = arith.constant 0 : i32
    %dma_start3A_107 = tpu.memref_slice %arg15[%dma_start3A_105, %dma_start3A_106] : memref<8x80xi32, #tpu.memory_space<vmem>> -> memref<1x80xi32, #tpu.memory_space<vmem>>
    %dma_start3A_108 = tpu.memref_squeeze %dma_start3A_107 : memref<1x80xi32, #tpu.memory_space<vmem>> -> memref<80xi32, #tpu.memory_space<vmem>>
    %dma_start3A_109 = arith.constant 0 : i32
    %dma_start3A_110 = arith.constant 0 : i32
    %dma_start3A_111 = tpu.memref_slice %arg9[%dma_start3A_109, %dma_start3A_110] : memref<10000x128xf32, #tpu.memory_space<vmem_shared>> -> memref<10000x128xf32, #tpu.memory_space<vmem_shared>>
    tpu.enqueue_indirect_dma source(%arg10 : memref<80x128xf32, #tpu.memory_space<vmem>>) target(%dma_start3A_111 : memref<10000x128xf32, #tpu.memory_space<vmem_shared>>) offsets(%dma_start3A_108 : memref<80xi32, #tpu.memory_space<vmem>>) semaphore(%arg24 : memref<!tpu.dma_semaphore, #tpu.memory_space<semaphore_mem>>) {add = true}
    %dma_wait3A_112 = arith.constant 0 : i32
    %dma_wait3A_113 = arith.constant 0 : i32
    %dma_wait3A_114 = tpu.memref_slice %arg14[%dma_wait3A_112, %dma_wait3A_113] : memref<8x80xi32, #tpu.memory_space<vmem>> -> memref<1x80xi32, #tpu.memory_space<vmem>>
    %dma_wait3A_115 = tpu.memref_squeeze %dma_wait3A_114 : memref<1x80xi32, #tpu.memory_space<vmem>> -> memref<80xi32, #tpu.memory_space<vmem>>
    %dma_wait3A_116 = arith.constant 0 : i32
    %dma_wait3A_117 = arith.constant 0 : i32
    %dma_wait3A_118 = tpu.memref_slice %arg9[%dma_wait3A_116, %dma_wait3A_117] : memref<10000x128xf32, #tpu.memory_space<vmem_shared>> -> memref<10000x128xf32, #tpu.memory_space<vmem_shared>>
    tpu.wait_indirect_dma semaphore(%arg23 : memref<!tpu.dma_semaphore, #tpu.memory_space<semaphore_mem>>) src(%arg10 : memref<80x128xf32, #tpu.memory_space<vmem>>) dst(%dma_wait3A_118 : memref<10000x128xf32, #tpu.memory_space<vmem_shared>>)
    %add3A_119 = arith.constant 320 : i32
    %add3A_120 = arith.addi %mul3A_2, %add3A_119 : i32
    %dma_start3A_121 = arith.constant 0 : i32
    %dma_start3A_122 = arith.constant 0 : i32
    %dma_start3A_123 = tpu.memref_slice %arg14[%dma_start3A_121, %dma_start3A_122] : memref<8x80xi32, #tpu.memory_space<vmem>> -> memref<1x80xi32, #tpu.memory_space<vmem>>
    %dma_start3A_124 = tpu.memref_squeeze %dma_start3A_123 : memref<1x80xi32, #tpu.memory_space<vmem>> -> memref<80xi32, #tpu.memory_space<vmem>>
    %dma_start3A_125 = tpu.memref_slice %arg4[%add3A_120] : memref<320000xi32, #tpu.memory_space<hbm>> -> memref<80xi32, #tpu.memory_space<hbm>>
    %dma_start3A_126 = arith.constant 0 : i32
    %dma_start3A_127 = tpu.memref_slice %arg14[%dma_start3A_121, %dma_start3A_126] : memref<8x80xi32, #tpu.memory_space<vmem>> -> memref<1x80xi32, #tpu.memory_space<vmem>>
    %dma_start3A_128 = tpu.memref_squeeze %dma_start3A_127 : memref<1x80xi32, #tpu.memory_space<vmem>> -> memref<80xi32, #tpu.memory_space<vmem>>
    %dma_start3A_129 = tpu.memref_slice %arg4[%add3A_120] : memref<320000xi32, #tpu.memory_space<hbm>> -> memref<80xi32, #tpu.memory_space<hbm>>
    tpu.enqueue_dma source(%dma_start3A_129 : memref<80xi32, #tpu.memory_space<hbm>>) target(%dma_start3A_128 : memref<80xi32, #tpu.memory_space<vmem>>) target_semaphore(%arg26 : memref<!tpu.dma_semaphore, #tpu.memory_space<semaphore_mem>>)
    %scan3A = arith.constant 0 : i32
    %scan3A_130 = arith.constant 1 : i32
    %scan3A_131 = arith.constant 40 : i32
    %scan3A_132 = arith.addi %scan3A_130, %scan3A_131 : i32
    %scan3A_133 = arith.constant 1 : i32
    scf.for %scan3A_594 = %scan3A_130 to %scan3A_132 step %scan3A_133  : i32 {
      %mul3A_595 = arith.constant 3 : i32
      %mul3A_596 = arith.muli %scan3A_594, %mul3A_595 : i32
      %add3A_597 = arith.constant 0 : i32
      %add3A_598 = arith.addi %mul3A_596, %add3A_597 : i32
      %mul3A_599 = arith.constant 80 : i32
      %mul3A_600 = arith.muli %add3A_598, %mul3A_599 : i32
      %add3A_601 = arith.addi %mul3A_2, %mul3A_600 : i32
      %dma_wait3A_602 = arith.constant 0 : i32
      %dma_wait3A_603 = arith.constant 0 : i32
      %dma_wait3A_604 = tpu.memref_slice %arg13[%dma_wait3A_602, %dma_wait3A_603] : memref<8x80xi32, #tpu.memory_space<vmem>> -> memref<1x80xi32, #tpu.memory_space<vmem>>
      %dma_wait3A_605 = tpu.memref_squeeze %dma_wait3A_604 : memref<1x80xi32, #tpu.memory_space<vmem>> -> memref<80xi32, #tpu.memory_space<vmem>>
      %dma_wait3A_606 = tpu.memref_slice %arg4[%add3A_601] : memref<320000xi32, #tpu.memory_space<hbm>> -> memref<80xi32, #tpu.memory_space<hbm>>
      %dma_wait3A_607 = arith.constant 0 : i32
      %dma_wait3A_608 = tpu.memref_slice %arg13[%dma_wait3A_602, %dma_wait3A_607] : memref<8x80xi32, #tpu.memory_space<vmem>> -> memref<1x80xi32, #tpu.memory_space<vmem>>
      %dma_wait3A_609 = tpu.memref_squeeze %dma_wait3A_608 : memref<1x80xi32, #tpu.memory_space<vmem>> -> memref<80xi32, #tpu.memory_space<vmem>>
      %dma_wait3A_610 = tpu.memref_slice %arg4[%add3A_601] : memref<320000xi32, #tpu.memory_space<hbm>> -> memref<80xi32, #tpu.memory_space<hbm>>
      tpu.wait_dma2 semaphore(%arg25 : memref<!tpu.dma_semaphore, #tpu.memory_space<semaphore_mem>>) src(%dma_wait3A_610 : memref<80xi32, #tpu.memory_space<hbm>>) dst(%dma_wait3A_609 : memref<80xi32, #tpu.memory_space<vmem>>)
      %dma_start3A_611 = arith.constant 0 : i32
      %dma_start3A_612 = arith.constant 0 : i32
      %dma_start3A_613 = tpu.memref_slice %arg13[%dma_start3A_611, %dma_start3A_612] : memref<8x80xi32, #tpu.memory_space<vmem>> -> memref<1x80xi32, #tpu.memory_space<vmem>>
      %dma_start3A_614 = tpu.memref_squeeze %dma_start3A_613 : memref<1x80xi32, #tpu.memory_space<vmem>> -> memref<80xi32, #tpu.memory_space<vmem>>
      %dma_start3A_615 = arith.constant 0 : i32
      %dma_start3A_616 = arith.constant 0 : i32
      %dma_start3A_617 = tpu.memref_slice %arg9[%dma_start3A_615, %dma_start3A_616] : memref<10000x128xf32, #tpu.memory_space<vmem_shared>> -> memref<10000x128xf32, #tpu.memory_space<vmem_shared>>
      tpu.enqueue_indirect_dma source(%arg10 : memref<80x128xf32, #tpu.memory_space<vmem>>) target(%dma_start3A_617 : memref<10000x128xf32, #tpu.memory_space<vmem_shared>>) offsets(%dma_start3A_614 : memref<80xi32, #tpu.memory_space<vmem>>) semaphore(%arg22 : memref<!tpu.dma_semaphore, #tpu.memory_space<semaphore_mem>>) {add = true}
      %dma_wait3A_618 = arith.constant 0 : i32
      %dma_wait3A_619 = arith.constant 0 : i32
      %dma_wait3A_620 = tpu.memref_slice %arg15[%dma_wait3A_618, %dma_wait3A_619] : memref<8x80xi32, #tpu.memory_space<vmem>> -> memref<1x80xi32, #tpu.memory_space<vmem>>
      %dma_wait3A_621 = tpu.memref_squeeze %dma_wait3A_620 : memref<1x80xi32, #tpu.memory_space<vmem>> -> memref<80xi32, #tpu.memory_space<vmem>>
      %dma_wait3A_622 = arith.constant 0 : i32
      %dma_wait3A_623 = arith.constant 0 : i32
      %dma_wait3A_624 = tpu.memref_slice %arg9[%dma_wait3A_622, %dma_wait3A_623] : memref<10000x128xf32, #tpu.memory_space<vmem_shared>> -> memref<10000x128xf32, #tpu.memory_space<vmem_shared>>
      tpu.wait_indirect_dma semaphore(%arg24 : memref<!tpu.dma_semaphore, #tpu.memory_space<semaphore_mem>>) src(%arg10 : memref<80x128xf32, #tpu.memory_space<vmem>>) dst(%dma_wait3A_624 : memref<10000x128xf32, #tpu.memory_space<vmem_shared>>)
      %add3A_625 = arith.constant 3 : i32
      %add3A_626 = arith.addi %add3A_598, %add3A_625 : i32
      %sub3A = arith.constant 1 : i32
      %sub3A_627 = arith.subi %add3A_626, %sub3A : i32
      %mul3A_628 = arith.constant 80 : i32
      %mul3A_629 = arith.muli %sub3A_627, %mul3A_628 : i32
      %add3A_630 = arith.addi %mul3A_2, %mul3A_629 : i32
      %dma_start3A_631 = arith.constant 0 : i32
      %dma_start3A_632 = arith.constant 0 : i32
      %dma_start3A_633 = tpu.memref_slice %arg15[%dma_start3A_631, %dma_start3A_632] : memref<8x80xi32, #tpu.memory_space<vmem>> -> memref<1x80xi32, #tpu.memory_space<vmem>>
      %dma_start3A_634 = tpu.memref_squeeze %dma_start3A_633 : memref<1x80xi32, #tpu.memory_space<vmem>> -> memref<80xi32, #tpu.memory_space<vmem>>
      %dma_start3A_635 = tpu.memref_slice %arg4[%add3A_630] : memref<320000xi32, #tpu.memory_space<hbm>> -> memref<80xi32, #tpu.memory_space<hbm>>
      %dma_start3A_636 = arith.constant 0 : i32
      %dma_start3A_637 = tpu.memref_slice %arg15[%dma_start3A_631, %dma_start3A_636] : memref<8x80xi32, #tpu.memory_space<vmem>> -> memref<1x80xi32, #tpu.memory_space<vmem>>
      %dma_start3A_638 = tpu.memref_squeeze %dma_start3A_637 : memref<1x80xi32, #tpu.memory_space<vmem>> -> memref<80xi32, #tpu.memory_space<vmem>>
      %dma_start3A_639 = tpu.memref_slice %arg4[%add3A_630] : memref<320000xi32, #tpu.memory_space<hbm>> -> memref<80xi32, #tpu.memory_space<hbm>>
      tpu.enqueue_dma source(%dma_start3A_639 : memref<80xi32, #tpu.memory_space<hbm>>) target(%dma_start3A_638 : memref<80xi32, #tpu.memory_space<vmem>>) target_semaphore(%arg27 : memref<!tpu.dma_semaphore, #tpu.memory_space<semaphore_mem>>)
      %mul3A_640 = arith.constant 3 : i32
      %mul3A_641 = arith.muli %scan3A_594, %mul3A_640 : i32
      %add3A_642 = arith.constant 1 : i32
      %add3A_643 = arith.addi %mul3A_641, %add3A_642 : i32
      %mul3A_644 = arith.constant 80 : i32
      %mul3A_645 = arith.muli %add3A_643, %mul3A_644 : i32
      %add3A_646 = arith.addi %mul3A_2, %mul3A_645 : i32
      %dma_wait3A_647 = arith.constant 0 : i32
      %dma_wait3A_648 = arith.constant 0 : i32
      %dma_wait3A_649 = tpu.memref_slice %arg14[%dma_wait3A_647, %dma_wait3A_648] : memref<8x80xi32, #tpu.memory_space<vmem>> -> memref<1x80xi32, #tpu.memory_space<vmem>>
      %dma_wait3A_650 = tpu.memref_squeeze %dma_wait3A_649 : memref<1x80xi32, #tpu.memory_space<vmem>> -> memref<80xi32, #tpu.memory_space<vmem>>
      %dma_wait3A_651 = tpu.memref_slice %arg4[%add3A_646] : memref<320000xi32, #tpu.memory_space<hbm>> -> memref<80xi32, #tpu.memory_space<hbm>>
      %dma_wait3A_652 = arith.constant 0 : i32
      %dma_wait3A_653 = tpu.memref_slice %arg14[%dma_wait3A_647, %dma_wait3A_652] : memref<8x80xi32, #tpu.memory_space<vmem>> -> memref<1x80xi32, #tpu.memory_space<vmem>>
      %dma_wait3A_654 = tpu.memref_squeeze %dma_wait3A_653 : memref<1x80xi32, #tpu.memory_space<vmem>> -> memref<80xi32, #tpu.memory_space<vmem>>
      %dma_wait3A_655 = tpu.memref_slice %arg4[%add3A_646] : memref<320000xi32, #tpu.memory_space<hbm>> -> memref<80xi32, #tpu.memory_space<hbm>>
      tpu.wait_dma2 semaphore(%arg26 : memref<!tpu.dma_semaphore, #tpu.memory_space<semaphore_mem>>) src(%dma_wait3A_655 : memref<80xi32, #tpu.memory_space<hbm>>) dst(%dma_wait3A_654 : memref<80xi32, #tpu.memory_space<vmem>>)
      %dma_start3A_656 = arith.constant 0 : i32
      %dma_start3A_657 = arith.constant 0 : i32
      %dma_start3A_658 = tpu.memref_slice %arg14[%dma_start3A_656, %dma_start3A_657] : memref<8x80xi32, #tpu.memory_space<vmem>> -> memref<1x80xi32, #tpu.memory_space<vmem>>
      %dma_start3A_659 = tpu.memref_squeeze %dma_start3A_658 : memref<1x80xi32, #tpu.memory_space<vmem>> -> memref<80xi32, #tpu.memory_space<vmem>>
      %dma_start3A_660 = arith.constant 0 : i32
      %dma_start3A_661 = arith.constant 0 : i32
      %dma_start3A_662 = tpu.memref_slice %arg9[%dma_start3A_660, %dma_start3A_661] : memref<10000x128xf32, #tpu.memory_space<vmem_shared>> -> memref<10000x128xf32, #tpu.memory_space<vmem_shared>>
      tpu.enqueue_indirect_dma source(%arg10 : memref<80x128xf32, #tpu.memory_space<vmem>>) target(%dma_start3A_662 : memref<10000x128xf32, #tpu.memory_space<vmem_shared>>) offsets(%dma_start3A_659 : memref<80xi32, #tpu.memory_space<vmem>>) semaphore(%arg23 : memref<!tpu.dma_semaphore, #tpu.memory_space<semaphore_mem>>) {add = true}
      %dma_wait3A_663 = arith.constant 0 : i32
      %dma_wait3A_664 = arith.constant 0 : i32
      %dma_wait3A_665 = tpu.memref_slice %arg13[%dma_wait3A_663, %dma_wait3A_664] : memref<8x80xi32, #tpu.memory_space<vmem>> -> memref<1x80xi32, #tpu.memory_space<vmem>>
      %dma_wait3A_666 = tpu.memref_squeeze %dma_wait3A_665 : memref<1x80xi32, #tpu.memory_space<vmem>> -> memref<80xi32, #tpu.memory_space<vmem>>
      %dma_wait3A_667 = arith.constant 0 : i32
      %dma_wait3A_668 = arith.constant 0 : i32
      %dma_wait3A_669 = tpu.memref_slice %arg9[%dma_wait3A_667, %dma_wait3A_668] : memref<10000x128xf32, #tpu.memory_space<vmem_shared>> -> memref<10000x128xf32, #tpu.memory_space<vmem_shared>>
      tpu.wait_indirect_dma semaphore(%arg22 : memref<!tpu.dma_semaphore, #tpu.memory_space<semaphore_mem>>) src(%arg10 : memref<80x128xf32, #tpu.memory_space<vmem>>) dst(%dma_wait3A_669 : memref<10000x128xf32, #tpu.memory_space<vmem_shared>>)
      %add3A_670 = arith.constant 3 : i32
      %add3A_671 = arith.addi %add3A_643, %add3A_670 : i32
      %sub3A_672 = arith.constant 1 : i32
      %sub3A_673 = arith.subi %add3A_671, %sub3A_672 : i32
      %mul3A_674 = arith.constant 80 : i32
      %mul3A_675 = arith.muli %sub3A_673, %mul3A_674 : i32
      %add3A_676 = arith.addi %mul3A_2, %mul3A_675 : i32
      %dma_start3A_677 = arith.constant 0 : i32
      %dma_start3A_678 = arith.constant 0 : i32
      %dma_start3A_679 = tpu.memref_slice %arg13[%dma_start3A_677, %dma_start3A_678] : memref<8x80xi32, #tpu.memory_space<vmem>> -> memref<1x80xi32, #tpu.memory_space<vmem>>
      %dma_start3A_680 = tpu.memref_squeeze %dma_start3A_679 : memref<1x80xi32, #tpu.memory_space<vmem>> -> memref<80xi32, #tpu.memory_space<vmem>>
      %dma_start3A_681 = tpu.memref_slice %arg4[%add3A_676] : memref<320000xi32, #tpu.memory_space<hbm>> -> memref<80xi32, #tpu.memory_space<hbm>>
      %dma_start3A_682 = arith.constant 0 : i32
      %dma_start3A_683 = tpu.memref_slice %arg13[%dma_start3A_677, %dma_start3A_682] : memref<8x80xi32, #tpu.memory_space<vmem>> -> memref<1x80xi32, #tpu.memory_space<vmem>>
      %dma_start3A_684 = tpu.memref_squeeze %dma_start3A_683 : memref<1x80xi32, #tpu.memory_space<vmem>> -> memref<80xi32, #tpu.memory_space<vmem>>
      %dma_start3A_685 = tpu.memref_slice %arg4[%add3A_676] : memref<320000xi32, #tpu.memory_space<hbm>> -> memref<80xi32, #tpu.memory_space<hbm>>
      tpu.enqueue_dma source(%dma_start3A_685 : memref<80xi32, #tpu.memory_space<hbm>>) target(%dma_start3A_684 : memref<80xi32, #tpu.memory_space<vmem>>) target_semaphore(%arg25 : memref<!tpu.dma_semaphore, #tpu.memory_space<semaphore_mem>>)
      %mul3A_686 = arith.constant 3 : i32
      %mul3A_687 = arith.muli %scan3A_594, %mul3A_686 : i32
      %add3A_688 = arith.constant 2 : i32
      %add3A_689 = arith.addi %mul3A_687, %add3A_688 : i32
      %mul3A_690 = arith.constant 80 : i32
      %mul3A_691 = arith.muli %add3A_689, %mul3A_690 : i32
      %add3A_692 = arith.addi %mul3A_2, %mul3A_691 : i32
      %dma_wait3A_693 = arith.constant 0 : i32
      %dma_wait3A_694 = arith.constant 0 : i32
      %dma_wait3A_695 = tpu.memref_slice %arg15[%dma_wait3A_693, %dma_wait3A_694] : memref<8x80xi32, #tpu.memory_space<vmem>> -> memref<1x80xi32, #tpu.memory_space<vmem>>
      %dma_wait3A_696 = tpu.memref_squeeze %dma_wait3A_695 : memref<1x80xi32, #tpu.memory_space<vmem>> -> memref<80xi32, #tpu.memory_space<vmem>>
      %dma_wait3A_697 = tpu.memref_slice %arg4[%add3A_692] : memref<320000xi32, #tpu.memory_space<hbm>> -> memref<80xi32, #tpu.memory_space<hbm>>
      %dma_wait3A_698 = arith.constant 0 : i32
      %dma_wait3A_699 = tpu.memref_slice %arg15[%dma_wait3A_693, %dma_wait3A_698] : memref<8x80xi32, #tpu.memory_space<vmem>> -> memref<1x80xi32, #tpu.memory_space<vmem>>
      %dma_wait3A_700 = tpu.memref_squeeze %dma_wait3A_699 : memref<1x80xi32, #tpu.memory_space<vmem>> -> memref<80xi32, #tpu.memory_space<vmem>>
      %dma_wait3A_701 = tpu.memref_slice %arg4[%add3A_692] : memref<320000xi32, #tpu.memory_space<hbm>> -> memref<80xi32, #tpu.memory_space<hbm>>
      tpu.wait_dma2 semaphore(%arg27 : memref<!tpu.dma_semaphore, #tpu.memory_space<semaphore_mem>>) src(%dma_wait3A_701 : memref<80xi32, #tpu.memory_space<hbm>>) dst(%dma_wait3A_700 : memref<80xi32, #tpu.memory_space<vmem>>)
      %dma_start3A_702 = arith.constant 0 : i32
      %dma_start3A_703 = arith.constant 0 : i32
      %dma_start3A_704 = tpu.memref_slice %arg15[%dma_start3A_702, %dma_start3A_703] : memref<8x80xi32, #tpu.memory_space<vmem>> -> memref<1x80xi32, #tpu.memory_space<vmem>>
      %dma_start3A_705 = tpu.memref_squeeze %dma_start3A_704 : memref<1x80xi32, #tpu.memory_space<vmem>> -> memref<80xi32, #tpu.memory_space<vmem>>
      %dma_start3A_706 = arith.constant 0 : i32
      %dma_start3A_707 = arith.constant 0 : i32
      %dma_start3A_708 = tpu.memref_slice %arg9[%dma_start3A_706, %dma_start3A_707] : memref<10000x128xf32, #tpu.memory_space<vmem_shared>> -> memref<10000x128xf32, #tpu.memory_space<vmem_shared>>
      tpu.enqueue_indirect_dma source(%arg10 : memref<80x128xf32, #tpu.memory_space<vmem>>) target(%dma_start3A_708 : memref<10000x128xf32, #tpu.memory_space<vmem_shared>>) offsets(%dma_start3A_705 : memref<80xi32, #tpu.memory_space<vmem>>) semaphore(%arg24 : memref<!tpu.dma_semaphore, #tpu.memory_space<semaphore_mem>>) {add = true}
      %dma_wait3A_709 = arith.constant 0 : i32
      %dma_wait3A_710 = arith.constant 0 : i32
      %dma_wait3A_711 = tpu.memref_slice %arg14[%dma_wait3A_709, %dma_wait3A_710] : memref<8x80xi32, #tpu.memory_space<vmem>> -> memref<1x80xi32, #tpu.memory_space<vmem>>
      %dma_wait3A_712 = tpu.memref_squeeze %dma_wait3A_711 : memref<1x80xi32, #tpu.memory_space<vmem>> -> memref<80xi32, #tpu.memory_space<vmem>>
      %dma_wait3A_713 = arith.constant 0 : i32
      %dma_wait3A_714 = arith.constant 0 : i32
      %dma_wait3A_715 = tpu.memref_slice %arg9[%dma_wait3A_713, %dma_wait3A_714] : memref<10000x128xf32, #tpu.memory_space<vmem_shared>> -> memref<10000x128xf32, #tpu.memory_space<vmem_shared>>
      tpu.wait_indirect_dma semaphore(%arg23 : memref<!tpu.dma_semaphore, #tpu.memory_space<semaphore_mem>>) src(%arg10 : memref<80x128xf32, #tpu.memory_space<vmem>>) dst(%dma_wait3A_715 : memref<10000x128xf32, #tpu.memory_space<vmem_shared>>)
      %add3A_716 = arith.constant 3 : i32
      %add3A_717 = arith.addi %add3A_689, %add3A_716 : i32
      %sub3A_718 = arith.constant 1 : i32
      %sub3A_719 = arith.subi %add3A_717, %sub3A_718 : i32
      %mul3A_720 = arith.constant 80 : i32
      %mul3A_721 = arith.muli %sub3A_719, %mul3A_720 : i32
      %add3A_722 = arith.addi %mul3A_2, %mul3A_721 : i32
      %dma_start3A_723 = arith.constant 0 : i32
      %dma_start3A_724 = arith.constant 0 : i32
      %dma_start3A_725 = tpu.memref_slice %arg14[%dma_start3A_723, %dma_start3A_724] : memref<8x80xi32, #tpu.memory_space<vmem>> -> memref<1x80xi32, #tpu.memory_space<vmem>>
      %dma_start3A_726 = tpu.memref_squeeze %dma_start3A_725 : memref<1x80xi32, #tpu.memory_space<vmem>> -> memref<80xi32, #tpu.memory_space<vmem>>
      %dma_start3A_727 = tpu.memref_slice %arg4[%add3A_722] : memref<320000xi32, #tpu.memory_space<hbm>> -> memref<80xi32, #tpu.memory_space<hbm>>
      %dma_start3A_728 = arith.constant 0 : i32
      %dma_start3A_729 = tpu.memref_slice %arg14[%dma_start3A_723, %dma_start3A_728] : memref<8x80xi32, #tpu.memory_space<vmem>> -> memref<1x80xi32, #tpu.memory_space<vmem>>
      %dma_start3A_730 = tpu.memref_squeeze %dma_start3A_729 : memref<1x80xi32, #tpu.memory_space<vmem>> -> memref<80xi32, #tpu.memory_space<vmem>>
      %dma_start3A_731 = tpu.memref_slice %arg4[%add3A_722] : memref<320000xi32, #tpu.memory_space<hbm>> -> memref<80xi32, #tpu.memory_space<hbm>>
      tpu.enqueue_dma source(%dma_start3A_731 : memref<80xi32, #tpu.memory_space<hbm>>) target(%dma_start3A_730 : memref<80xi32, #tpu.memory_space<vmem>>) target_semaphore(%arg26 : memref<!tpu.dma_semaphore, #tpu.memory_space<semaphore_mem>>)
    }
    %scan3A_134 = arith.constant 40 : i32
    %add3A_135 = arith.constant 9840 : i32
    %add3A_136 = arith.addi %mul3A_2, %add3A_135 : i32
    %dma_wait3A_137 = arith.constant 0 : i32
    %dma_wait3A_138 = arith.constant 0 : i32
    %dma_wait3A_139 = tpu.memref_slice %arg13[%dma_wait3A_137, %dma_wait3A_138] : memref<8x80xi32, #tpu.memory_space<vmem>> -> memref<1x80xi32, #tpu.memory_space<vmem>>
    %dma_wait3A_140 = tpu.memref_squeeze %dma_wait3A_139 : memref<1x80xi32, #tpu.memory_space<vmem>> -> memref<80xi32, #tpu.memory_space<vmem>>
    %dma_wait3A_141 = tpu.memref_slice %arg4[%add3A_136] : memref<320000xi32, #tpu.memory_space<hbm>> -> memref<80xi32, #tpu.memory_space<hbm>>
    %dma_wait3A_142 = arith.constant 0 : i32
    %dma_wait3A_143 = tpu.memref_slice %arg13[%dma_wait3A_137, %dma_wait3A_142] : memref<8x80xi32, #tpu.memory_space<vmem>> -> memref<1x80xi32, #tpu.memory_space<vmem>>
    %dma_wait3A_144 = tpu.memref_squeeze %dma_wait3A_143 : memref<1x80xi32, #tpu.memory_space<vmem>> -> memref<80xi32, #tpu.memory_space<vmem>>
    %dma_wait3A_145 = tpu.memref_slice %arg4[%add3A_136] : memref<320000xi32, #tpu.memory_space<hbm>> -> memref<80xi32, #tpu.memory_space<hbm>>
    tpu.wait_dma2 semaphore(%arg25 : memref<!tpu.dma_semaphore, #tpu.memory_space<semaphore_mem>>) src(%dma_wait3A_145 : memref<80xi32, #tpu.memory_space<hbm>>) dst(%dma_wait3A_144 : memref<80xi32, #tpu.memory_space<vmem>>)
    %dma_start3A_146 = arith.constant 0 : i32
    %dma_start3A_147 = arith.constant 0 : i32
    %dma_start3A_148 = tpu.memref_slice %arg13[%dma_start3A_146, %dma_start3A_147] : memref<8x80xi32, #tpu.memory_space<vmem>> -> memref<1x80xi32, #tpu.memory_space<vmem>>
    %dma_start3A_149 = tpu.memref_squeeze %dma_start3A_148 : memref<1x80xi32, #tpu.memory_space<vmem>> -> memref<80xi32, #tpu.memory_space<vmem>>
    %dma_start3A_150 = arith.constant 0 : i32
    %dma_start3A_151 = arith.constant 0 : i32
    %dma_start3A_152 = tpu.memref_slice %arg9[%dma_start3A_150, %dma_start3A_151] : memref<10000x128xf32, #tpu.memory_space<vmem_shared>> -> memref<10000x128xf32, #tpu.memory_space<vmem_shared>>
    tpu.enqueue_indirect_dma source(%arg10 : memref<80x128xf32, #tpu.memory_space<vmem>>) target(%dma_start3A_152 : memref<10000x128xf32, #tpu.memory_space<vmem_shared>>) offsets(%dma_start3A_149 : memref<80xi32, #tpu.memory_space<vmem>>) semaphore(%arg22 : memref<!tpu.dma_semaphore, #tpu.memory_space<semaphore_mem>>) {add = true}
    %dma_wait3A_153 = arith.constant 0 : i32
    %dma_wait3A_154 = arith.constant 0 : i32
    %dma_wait3A_155 = tpu.memref_slice %arg15[%dma_wait3A_153, %dma_wait3A_154] : memref<8x80xi32, #tpu.memory_space<vmem>> -> memref<1x80xi32, #tpu.memory_space<vmem>>
    %dma_wait3A_156 = tpu.memref_squeeze %dma_wait3A_155 : memref<1x80xi32, #tpu.memory_space<vmem>> -> memref<80xi32, #tpu.memory_space<vmem>>
    %dma_wait3A_157 = arith.constant 0 : i32
    %dma_wait3A_158 = arith.constant 0 : i32
    %dma_wait3A_159 = tpu.memref_slice %arg9[%dma_wait3A_157, %dma_wait3A_158] : memref<10000x128xf32, #tpu.memory_space<vmem_shared>> -> memref<10000x128xf32, #tpu.memory_space<vmem_shared>>
    tpu.wait_indirect_dma semaphore(%arg24 : memref<!tpu.dma_semaphore, #tpu.memory_space<semaphore_mem>>) src(%arg10 : memref<80x128xf32, #tpu.memory_space<vmem>>) dst(%dma_wait3A_159 : memref<10000x128xf32, #tpu.memory_space<vmem_shared>>)
    %add3A_160 = arith.constant 9920 : i32
    %add3A_161 = arith.addi %mul3A_2, %add3A_160 : i32
    %dma_wait3A_162 = arith.constant 0 : i32
    %dma_wait3A_163 = arith.constant 0 : i32
    %dma_wait3A_164 = tpu.memref_slice %arg14[%dma_wait3A_162, %dma_wait3A_163] : memref<8x80xi32, #tpu.memory_space<vmem>> -> memref<1x80xi32, #tpu.memory_space<vmem>>
    %dma_wait3A_165 = tpu.memref_squeeze %dma_wait3A_164 : memref<1x80xi32, #tpu.memory_space<vmem>> -> memref<80xi32, #tpu.memory_space<vmem>>
    %dma_wait3A_166 = tpu.memref_slice %arg4[%add3A_161] : memref<320000xi32, #tpu.memory_space<hbm>> -> memref<80xi32, #tpu.memory_space<hbm>>
    %dma_wait3A_167 = arith.constant 0 : i32
    %dma_wait3A_168 = tpu.memref_slice %arg14[%dma_wait3A_162, %dma_wait3A_167] : memref<8x80xi32, #tpu.memory_space<vmem>> -> memref<1x80xi32, #tpu.memory_space<vmem>>
    %dma_wait3A_169 = tpu.memref_squeeze %dma_wait3A_168 : memref<1x80xi32, #tpu.memory_space<vmem>> -> memref<80xi32, #tpu.memory_space<vmem>>
    %dma_wait3A_170 = tpu.memref_slice %arg4[%add3A_161] : memref<320000xi32, #tpu.memory_space<hbm>> -> memref<80xi32, #tpu.memory_space<hbm>>
    tpu.wait_dma2 semaphore(%arg26 : memref<!tpu.dma_semaphore, #tpu.memory_space<semaphore_mem>>) src(%dma_wait3A_170 : memref<80xi32, #tpu.memory_space<hbm>>) dst(%dma_wait3A_169 : memref<80xi32, #tpu.memory_space<vmem>>)
    %dma_start3A_171 = arith.constant 0 : i32
    %dma_start3A_172 = arith.constant 0 : i32
    %dma_start3A_173 = tpu.memref_slice %arg14[%dma_start3A_171, %dma_start3A_172] : memref<8x80xi32, #tpu.memory_space<vmem>> -> memref<1x80xi32, #tpu.memory_space<vmem>>
    %dma_start3A_174 = tpu.memref_squeeze %dma_start3A_173 : memref<1x80xi32, #tpu.memory_space<vmem>> -> memref<80xi32, #tpu.memory_space<vmem>>
    %dma_start3A_175 = arith.constant 0 : i32
    %dma_start3A_176 = arith.constant 0 : i32
    %dma_start3A_177 = tpu.memref_slice %arg9[%dma_start3A_175, %dma_start3A_176] : memref<10000x128xf32, #tpu.memory_space<vmem_shared>> -> memref<10000x128xf32, #tpu.memory_space<vmem_shared>>
    tpu.enqueue_indirect_dma source(%arg10 : memref<80x128xf32, #tpu.memory_space<vmem>>) target(%dma_start3A_177 : memref<10000x128xf32, #tpu.memory_space<vmem_shared>>) offsets(%dma_start3A_174 : memref<80xi32, #tpu.memory_space<vmem>>) semaphore(%arg23 : memref<!tpu.dma_semaphore, #tpu.memory_space<semaphore_mem>>) {add = true}
    %dma_wait3A_178 = arith.constant 0 : i32
    %dma_wait3A_179 = arith.constant 0 : i32
    %dma_wait3A_180 = tpu.memref_slice %arg13[%dma_wait3A_178, %dma_wait3A_179] : memref<8x80xi32, #tpu.memory_space<vmem>> -> memref<1x80xi32, #tpu.memory_space<vmem>>
    %dma_wait3A_181 = tpu.memref_squeeze %dma_wait3A_180 : memref<1x80xi32, #tpu.memory_space<vmem>> -> memref<80xi32, #tpu.memory_space<vmem>>
    %dma_wait3A_182 = arith.constant 0 : i32
    %dma_wait3A_183 = arith.constant 0 : i32
    %dma_wait3A_184 = tpu.memref_slice %arg9[%dma_wait3A_182, %dma_wait3A_183] : memref<10000x128xf32, #tpu.memory_space<vmem_shared>> -> memref<10000x128xf32, #tpu.memory_space<vmem_shared>>
    tpu.wait_indirect_dma semaphore(%arg22 : memref<!tpu.dma_semaphore, #tpu.memory_space<semaphore_mem>>) src(%arg10 : memref<80x128xf32, #tpu.memory_space<vmem>>) dst(%dma_wait3A_184 : memref<10000x128xf32, #tpu.memory_space<vmem_shared>>)
    %dma_wait3A_185 = arith.constant 0 : i32
    %dma_wait3A_186 = arith.constant 0 : i32
    %dma_wait3A_187 = tpu.memref_slice %arg14[%dma_wait3A_185, %dma_wait3A_186] : memref<8x80xi32, #tpu.memory_space<vmem>> -> memref<1x80xi32, #tpu.memory_space<vmem>>
    %dma_wait3A_188 = tpu.memref_squeeze %dma_wait3A_187 : memref<1x80xi32, #tpu.memory_space<vmem>> -> memref<80xi32, #tpu.memory_space<vmem>>
    %dma_wait3A_189 = arith.constant 0 : i32
    %dma_wait3A_190 = arith.constant 0 : i32
    %dma_wait3A_191 = tpu.memref_slice %arg9[%dma_wait3A_189, %dma_wait3A_190] : memref<10000x128xf32, #tpu.memory_space<vmem_shared>> -> memref<10000x128xf32, #tpu.memory_space<vmem_shared>>
    tpu.wait_indirect_dma semaphore(%arg23 : memref<!tpu.dma_semaphore, #tpu.memory_space<semaphore_mem>>) src(%arg10 : memref<80x128xf32, #tpu.memory_space<vmem>>) dst(%dma_wait3A_191 : memref<10000x128xf32, #tpu.memory_space<vmem_shared>>)
    %barrier3A_192 = arith.constant 0 : index
    tpu.barrier barrier_id(%barrier3A_192)
    %mul3A_193 = arith.constant 624 : i32
    %mul3A_194 = arith.muli %arg1, %mul3A_193 : i32
    "tpu.region"() ({
      %run_scoped3A = tpu.sem_alloc : memref<!tpu.dma_semaphore, #tpu.memory_space<semaphore_mem>>
      %dma_start3A_594 = arith.constant 0 : i32
      %dma_start3A_595 = tpu.memref_slice %arg8[%arg0, %mul3A_194, %dma_start3A_594] : memref<2x10000x128xf32, #tpu.memory_space<hbm>> -> memref<1x624x128xf32, #tpu.memory_space<hbm>>
      %dma_start3A_596 = tpu.memref_squeeze %dma_start3A_595 : memref<1x624x128xf32, #tpu.memory_space<hbm>> -> memref<624x128xf32, #tpu.memory_space<hbm>>
      %dma_start3A_597 = arith.constant 0 : i32
      %dma_start3A_598 = tpu.memref_slice %arg9[%mul3A_194, %dma_start3A_597] : memref<10000x128xf32, #tpu.memory_space<vmem_shared>> -> memref<624x128xf32, #tpu.memory_space<vmem_shared>>
      tpu.enqueue_dma source(%dma_start3A_598 : memref<624x128xf32, #tpu.memory_space<vmem_shared>>) target(%dma_start3A_596 : memref<624x128xf32, #tpu.memory_space<hbm>>) target_semaphore(%run_scoped3A : memref<!tpu.dma_semaphore, #tpu.memory_space<semaphore_mem>>)
      %dma_wait3A_599 = arith.constant 0 : i32
      %dma_wait3A_600 = tpu.memref_slice %arg8[%arg0, %mul3A_194, %dma_wait3A_599] : memref<2x10000x128xf32, #tpu.memory_space<hbm>> -> memref<1x624x128xf32, #tpu.memory_space<hbm>>
      %dma_wait3A_601 = tpu.memref_squeeze %dma_wait3A_600 : memref<1x624x128xf32, #tpu.memory_space<hbm>> -> memref<624x128xf32, #tpu.memory_space<hbm>>
      %dma_wait3A_602 = arith.constant 0 : i32
      %dma_wait3A_603 = tpu.memref_slice %arg9[%mul3A_194, %dma_wait3A_602] : memref<10000x128xf32, #tpu.memory_space<vmem_shared>> -> memref<624x128xf32, #tpu.memory_space<vmem_shared>>
      tpu.wait_dma2 semaphore(%run_scoped3A : memref<!tpu.dma_semaphore, #tpu.memory_space<semaphore_mem>>) src(%dma_wait3A_603 : memref<624x128xf32, #tpu.memory_space<vmem_shared>>) dst(%dma_wait3A_601 : memref<624x128xf32, #tpu.memory_space<hbm>>)
      tpu.yield
    }) : () -> ()
    %eq3A_195 = arith.constant 15 : i32
    %eq3A_196 = arith.cmpi eq, %arg1, %eq3A_195 : i32
    %convert_element_type3A_197 = arith.extui %eq3A_196 : i1 to i32
    %cond3A_198 = arith.constant 0 : i32
    %cond3A_199 = arith.cmpi ne, %convert_element_type3A_197, %cond3A_198 : i32
    scf.if %cond3A_199 {
      "tpu.region"() ({
        %run_scoped3A = tpu.sem_alloc : memref<!tpu.dma_semaphore, #tpu.memory_space<semaphore_mem>>
        %dma_start3A_594 = arith.constant 9984 : i32
        %dma_start3A_595 = arith.constant 0 : i32
        %dma_start3A_596 = tpu.memref_slice %arg8[%arg0, %dma_start3A_594, %dma_start3A_595] : memref<2x10000x128xf32, #tpu.memory_space<hbm>> -> memref<1x16x128xf32, #tpu.memory_space<hbm>>
        %dma_start3A_597 = tpu.memref_squeeze %dma_start3A_596 : memref<1x16x128xf32, #tpu.memory_space<hbm>> -> memref<16x128xf32, #tpu.memory_space<hbm>>
        %dma_start3A_598 = arith.constant 9984 : i32
        %dma_start3A_599 = arith.constant 0 : i32
        %dma_start3A_600 = tpu.memref_slice %arg9[%dma_start3A_598, %dma_start3A_599] : memref<10000x128xf32, #tpu.memory_space<vmem_shared>> -> memref<16x128xf32, #tpu.memory_space<vmem_shared>>
        tpu.enqueue_dma source(%dma_start3A_600 : memref<16x128xf32, #tpu.memory_space<vmem_shared>>) target(%dma_start3A_597 : memref<16x128xf32, #tpu.memory_space<hbm>>) target_semaphore(%run_scoped3A : memref<!tpu.dma_semaphore, #tpu.memory_space<semaphore_mem>>)
        %dma_wait3A_601 = arith.constant 9984 : i32
        %dma_wait3A_602 = arith.constant 0 : i32
        %dma_wait3A_603 = tpu.memref_slice %arg8[%arg0, %dma_wait3A_601, %dma_wait3A_602] : memref<2x10000x128xf32, #tpu.memory_space<hbm>> -> memref<1x16x128xf32, #tpu.memory_space<hbm>>
        %dma_wait3A_604 = tpu.memref_squeeze %dma_wait3A_603 : memref<1x16x128xf32, #tpu.memory_space<hbm>> -> memref<16x128xf32, #tpu.memory_space<hbm>>
        %dma_wait3A_605 = arith.constant 9984 : i32
        %dma_wait3A_606 = arith.constant 0 : i32
        %dma_wait3A_607 = tpu.memref_slice %arg9[%dma_wait3A_605, %dma_wait3A_606] : memref<10000x128xf32, #tpu.memory_space<vmem_shared>> -> memref<16x128xf32, #tpu.memory_space<vmem_shared>>
        tpu.wait_dma2 semaphore(%run_scoped3A : memref<!tpu.dma_semaphore, #tpu.memory_space<semaphore_mem>>) src(%dma_wait3A_607 : memref<16x128xf32, #tpu.memory_space<vmem_shared>>) dst(%dma_wait3A_604 : memref<16x128xf32, #tpu.memory_space<hbm>>)
        tpu.yield
      }) : () -> ()
    } else {
    }
    %barrier3A_200 = arith.constant 0 : index
    tpu.barrier barrier_id(%barrier3A_200)
    %mul3A_201 = arith.constant 624 : i32
    %mul3A_202 = arith.muli %arg1, %mul3A_201 : i32
    "tpu.region"() ({
      %run_scoped3A = tpu.sem_alloc : memref<!tpu.dma_semaphore, #tpu.memory_space<semaphore_mem>>
      %dma_start3A_594 = arith.constant 0 : i32
      %dma_start3A_595 = tpu.memref_slice %arg9[%mul3A_202, %dma_start3A_594] : memref<10000x128xf32, #tpu.memory_space<vmem_shared>> -> memref<624x128xf32, #tpu.memory_space<vmem_shared>>
      %dma_start3A_596 = arith.constant 0 : i32
      %dma_start3A_597 = tpu.memref_slice %arg5[%mul3A_202, %dma_start3A_596] : memref<10000x128xf32, #tpu.memory_space<hbm>> -> memref<624x128xf32, #tpu.memory_space<hbm>>
      tpu.enqueue_dma source(%dma_start3A_597 : memref<624x128xf32, #tpu.memory_space<hbm>>) target(%dma_start3A_595 : memref<624x128xf32, #tpu.memory_space<vmem_shared>>) target_semaphore(%run_scoped3A : memref<!tpu.dma_semaphore, #tpu.memory_space<semaphore_mem>>)
      %dma_wait3A_598 = arith.constant 0 : i32
      %dma_wait3A_599 = tpu.memref_slice %arg9[%mul3A_202, %dma_wait3A_598] : memref<10000x128xf32, #tpu.memory_space<vmem_shared>> -> memref<624x128xf32, #tpu.memory_space<vmem_shared>>
      %dma_wait3A_600 = arith.constant 0 : i32
      %dma_wait3A_601 = tpu.memref_slice %arg5[%mul3A_202, %dma_wait3A_600] : memref<10000x128xf32, #tpu.memory_space<hbm>> -> memref<624x128xf32, #tpu.memory_space<hbm>>
      tpu.wait_dma2 semaphore(%run_scoped3A : memref<!tpu.dma_semaphore, #tpu.memory_space<semaphore_mem>>) src(%dma_wait3A_601 : memref<624x128xf32, #tpu.memory_space<hbm>>) dst(%dma_wait3A_599 : memref<624x128xf32, #tpu.memory_space<vmem_shared>>)
      tpu.yield
    }) : () -> ()
    %eq3A_203 = arith.constant 15 : i32
    %eq3A_204 = arith.cmpi eq, %arg1, %eq3A_203 : i32
    %convert_element_type3A_205 = arith.extui %eq3A_204 : i1 to i32
    %cond3A_206 = arith.constant 0 : i32
    %cond3A_207 = arith.cmpi ne, %convert_element_type3A_205, %cond3A_206 : i32
    scf.if %cond3A_207 {
      "tpu.region"() ({
        %run_scoped3A = tpu.sem_alloc : memref<!tpu.dma_semaphore, #tpu.memory_space<semaphore_mem>>
        %dma_start3A_594 = arith.constant 9984 : i32
        %dma_start3A_595 = arith.constant 0 : i32
        %dma_start3A_596 = tpu.memref_slice %arg9[%dma_start3A_594, %dma_start3A_595] : memref<10000x128xf32, #tpu.memory_space<vmem_shared>> -> memref<16x128xf32, #tpu.memory_space<vmem_shared>>
        %dma_start3A_597 = arith.constant 9984 : i32
        %dma_start3A_598 = arith.constant 0 : i32
        %dma_start3A_599 = tpu.memref_slice %arg5[%dma_start3A_597, %dma_start3A_598] : memref<10000x128xf32, #tpu.memory_space<hbm>> -> memref<16x128xf32, #tpu.memory_space<hbm>>
        tpu.enqueue_dma source(%dma_start3A_599 : memref<16x128xf32, #tpu.memory_space<hbm>>) target(%dma_start3A_596 : memref<16x128xf32, #tpu.memory_space<vmem_shared>>) target_semaphore(%run_scoped3A : memref<!tpu.dma_semaphore, #tpu.memory_space<semaphore_mem>>)
        %dma_wait3A_600 = arith.constant 9984 : i32
        %dma_wait3A_601 = arith.constant 0 : i32
        %dma_wait3A_602 = tpu.memref_slice %arg9[%dma_wait3A_600, %dma_wait3A_601] : memref<10000x128xf32, #tpu.memory_space<vmem_shared>> -> memref<16x128xf32, #tpu.memory_space<vmem_shared>>
        %dma_wait3A_603 = arith.constant 9984 : i32
        %dma_wait3A_604 = arith.constant 0 : i32
        %dma_wait3A_605 = tpu.memref_slice %arg5[%dma_wait3A_603, %dma_wait3A_604] : memref<10000x128xf32, #tpu.memory_space<hbm>> -> memref<16x128xf32, #tpu.memory_space<hbm>>
        tpu.wait_dma2 semaphore(%run_scoped3A : memref<!tpu.dma_semaphore, #tpu.memory_space<semaphore_mem>>) src(%dma_wait3A_605 : memref<16x128xf32, #tpu.memory_space<hbm>>) dst(%dma_wait3A_602 : memref<16x128xf32, #tpu.memory_space<vmem_shared>>)
        tpu.yield
      }) : () -> ()
    } else {
    }
    %barrier3A_208 = arith.constant 0 : index
    tpu.barrier barrier_id(%barrier3A_208)
    %add3A_209 = arith.constant 0 : i32
    %add3A_210 = arith.addi %mul3A_2, %add3A_209 : i32
    %dma_start3A_211 = arith.constant 0 : i32
    %dma_start3A_212 = arith.constant 0 : i32
    %dma_start3A_213 = tpu.memref_slice %arg13[%dma_start3A_211, %dma_start3A_212] : memref<8x80xi32, #tpu.memory_space<vmem>> -> memref<1x80xi32, #tpu.memory_space<vmem>>
    %dma_start3A_214 = tpu.memref_squeeze %dma_start3A_213 : memref<1x80xi32, #tpu.memory_space<vmem>> -> memref<80xi32, #tpu.memory_space<vmem>>
    %dma_start3A_215 = tpu.memref_slice %arg4[%add3A_210] : memref<320000xi32, #tpu.memory_space<hbm>> -> memref<80xi32, #tpu.memory_space<hbm>>
    %dma_start3A_216 = arith.constant 0 : i32
    %dma_start3A_217 = tpu.memref_slice %arg13[%dma_start3A_211, %dma_start3A_216] : memref<8x80xi32, #tpu.memory_space<vmem>> -> memref<1x80xi32, #tpu.memory_space<vmem>>
    %dma_start3A_218 = tpu.memref_squeeze %dma_start3A_217 : memref<1x80xi32, #tpu.memory_space<vmem>> -> memref<80xi32, #tpu.memory_space<vmem>>
    %dma_start3A_219 = tpu.memref_slice %arg4[%add3A_210] : memref<320000xi32, #tpu.memory_space<hbm>> -> memref<80xi32, #tpu.memory_space<hbm>>
    tpu.enqueue_dma source(%dma_start3A_219 : memref<80xi32, #tpu.memory_space<hbm>>) target(%dma_start3A_218 : memref<80xi32, #tpu.memory_space<vmem>>) target_semaphore(%arg25 : memref<!tpu.dma_semaphore, #tpu.memory_space<semaphore_mem>>)
    %add3A_220 = arith.constant 0 : i32
    %add3A_221 = arith.addi %mul3A_2, %add3A_220 : i32
    %dma_start3A_222 = arith.constant 0 : i32
    %dma_start3A_223 = arith.constant 0 : i32
    %dma_start3A_224 = tpu.memref_slice %arg16[%dma_start3A_222, %dma_start3A_223] : memref<8x80xi32, #tpu.memory_space<vmem>> -> memref<1x80xi32, #tpu.memory_space<vmem>>
    %dma_start3A_225 = tpu.memref_squeeze %dma_start3A_224 : memref<1x80xi32, #tpu.memory_space<vmem>> -> memref<80xi32, #tpu.memory_space<vmem>>
    %dma_start3A_226 = tpu.memref_slice %arg3[%add3A_221] : memref<320000xi32, #tpu.memory_space<hbm>> -> memref<80xi32, #tpu.memory_space<hbm>>
    %dma_start3A_227 = arith.constant 0 : i32
    %dma_start3A_228 = tpu.memref_slice %arg16[%dma_start3A_222, %dma_start3A_227] : memref<8x80xi32, #tpu.memory_space<vmem>> -> memref<1x80xi32, #tpu.memory_space<vmem>>
    %dma_start3A_229 = tpu.memref_squeeze %dma_start3A_228 : memref<1x80xi32, #tpu.memory_space<vmem>> -> memref<80xi32, #tpu.memory_space<vmem>>
    %dma_start3A_230 = tpu.memref_slice %arg3[%add3A_221] : memref<320000xi32, #tpu.memory_space<hbm>> -> memref<80xi32, #tpu.memory_space<hbm>>
    tpu.enqueue_dma source(%dma_start3A_230 : memref<80xi32, #tpu.memory_space<hbm>>) target(%dma_start3A_229 : memref<80xi32, #tpu.memory_space<vmem>>) target_semaphore(%arg28 : memref<!tpu.dma_semaphore, #tpu.memory_space<semaphore_mem>>)
    %add3A_231 = arith.constant 80 : i32
    %add3A_232 = arith.addi %mul3A_2, %add3A_231 : i32
    %dma_start3A_233 = arith.constant 0 : i32
    %dma_start3A_234 = arith.constant 0 : i32
    %dma_start3A_235 = tpu.memref_slice %arg14[%dma_start3A_233, %dma_start3A_234] : memref<8x80xi32, #tpu.memory_space<vmem>> -> memref<1x80xi32, #tpu.memory_space<vmem>>
    %dma_start3A_236 = tpu.memref_squeeze %dma_start3A_235 : memref<1x80xi32, #tpu.memory_space<vmem>> -> memref<80xi32, #tpu.memory_space<vmem>>
    %dma_start3A_237 = tpu.memref_slice %arg4[%add3A_232] : memref<320000xi32, #tpu.memory_space<hbm>> -> memref<80xi32, #tpu.memory_space<hbm>>
    %dma_start3A_238 = arith.constant 0 : i32
    %dma_start3A_239 = tpu.memref_slice %arg14[%dma_start3A_233, %dma_start3A_238] : memref<8x80xi32, #tpu.memory_space<vmem>> -> memref<1x80xi32, #tpu.memory_space<vmem>>
    %dma_start3A_240 = tpu.memref_squeeze %dma_start3A_239 : memref<1x80xi32, #tpu.memory_space<vmem>> -> memref<80xi32, #tpu.memory_space<vmem>>
    %dma_start3A_241 = tpu.memref_slice %arg4[%add3A_232] : memref<320000xi32, #tpu.memory_space<hbm>> -> memref<80xi32, #tpu.memory_space<hbm>>
    tpu.enqueue_dma source(%dma_start3A_241 : memref<80xi32, #tpu.memory_space<hbm>>) target(%dma_start3A_240 : memref<80xi32, #tpu.memory_space<vmem>>) target_semaphore(%arg26 : memref<!tpu.dma_semaphore, #tpu.memory_space<semaphore_mem>>)
    %add3A_242 = arith.constant 80 : i32
    %add3A_243 = arith.addi %mul3A_2, %add3A_242 : i32
    %dma_start3A_244 = arith.constant 0 : i32
    %dma_start3A_245 = arith.constant 0 : i32
    %dma_start3A_246 = tpu.memref_slice %arg17[%dma_start3A_244, %dma_start3A_245] : memref<8x80xi32, #tpu.memory_space<vmem>> -> memref<1x80xi32, #tpu.memory_space<vmem>>
    %dma_start3A_247 = tpu.memref_squeeze %dma_start3A_246 : memref<1x80xi32, #tpu.memory_space<vmem>> -> memref<80xi32, #tpu.memory_space<vmem>>
    %dma_start3A_248 = tpu.memref_slice %arg3[%add3A_243] : memref<320000xi32, #tpu.memory_space<hbm>> -> memref<80xi32, #tpu.memory_space<hbm>>
    %dma_start3A_249 = arith.constant 0 : i32
    %dma_start3A_250 = tpu.memref_slice %arg17[%dma_start3A_244, %dma_start3A_249] : memref<8x80xi32, #tpu.memory_space<vmem>> -> memref<1x80xi32, #tpu.memory_space<vmem>>
    %dma_start3A_251 = tpu.memref_squeeze %dma_start3A_250 : memref<1x80xi32, #tpu.memory_space<vmem>> -> memref<80xi32, #tpu.memory_space<vmem>>
    %dma_start3A_252 = tpu.memref_slice %arg3[%add3A_243] : memref<320000xi32, #tpu.memory_space<hbm>> -> memref<80xi32, #tpu.memory_space<hbm>>
    tpu.enqueue_dma source(%dma_start3A_252 : memref<80xi32, #tpu.memory_space<hbm>>) target(%dma_start3A_251 : memref<80xi32, #tpu.memory_space<vmem>>) target_semaphore(%arg29 : memref<!tpu.dma_semaphore, #tpu.memory_space<semaphore_mem>>)
    %add3A_253 = arith.constant 160 : i32
    %add3A_254 = arith.addi %mul3A_2, %add3A_253 : i32
    %dma_start3A_255 = arith.constant 0 : i32
    %dma_start3A_256 = arith.constant 0 : i32
    %dma_start3A_257 = tpu.memref_slice %arg18[%dma_start3A_255, %dma_start3A_256] : memref<8x80xi32, #tpu.memory_space<vmem>> -> memref<1x80xi32, #tpu.memory_space<vmem>>
    %dma_start3A_258 = tpu.memref_squeeze %dma_start3A_257 : memref<1x80xi32, #tpu.memory_space<vmem>> -> memref<80xi32, #tpu.memory_space<vmem>>
    %dma_start3A_259 = tpu.memref_slice %arg3[%add3A_254] : memref<320000xi32, #tpu.memory_space<hbm>> -> memref<80xi32, #tpu.memory_space<hbm>>
    %dma_start3A_260 = arith.constant 0 : i32
    %dma_start3A_261 = tpu.memref_slice %arg18[%dma_start3A_255, %dma_start3A_260] : memref<8x80xi32, #tpu.memory_space<vmem>> -> memref<1x80xi32, #tpu.memory_space<vmem>>
    %dma_start3A_262 = tpu.memref_squeeze %dma_start3A_261 : memref<1x80xi32, #tpu.memory_space<vmem>> -> memref<80xi32, #tpu.memory_space<vmem>>
    %dma_start3A_263 = tpu.memref_slice %arg3[%add3A_254] : memref<320000xi32, #tpu.memory_space<hbm>> -> memref<80xi32, #tpu.memory_space<hbm>>
    tpu.enqueue_dma source(%dma_start3A_263 : memref<80xi32, #tpu.memory_space<hbm>>) target(%dma_start3A_262 : memref<80xi32, #tpu.memory_space<vmem>>) target_semaphore(%arg30 : memref<!tpu.dma_semaphore, #tpu.memory_space<semaphore_mem>>)
    %add3A_264 = arith.constant 0 : i32
    %add3A_265 = arith.addi %mul3A_2, %add3A_264 : i32
    %dma_wait3A_266 = arith.constant 0 : i32
    %dma_wait3A_267 = arith.constant 0 : i32
    %dma_wait3A_268 = tpu.memref_slice %arg16[%dma_wait3A_266, %dma_wait3A_267] : memref<8x80xi32, #tpu.memory_space<vmem>> -> memref<1x80xi32, #tpu.memory_space<vmem>>
    %dma_wait3A_269 = tpu.memref_squeeze %dma_wait3A_268 : memref<1x80xi32, #tpu.memory_space<vmem>> -> memref<80xi32, #tpu.memory_space<vmem>>
    %dma_wait3A_270 = tpu.memref_slice %arg3[%add3A_265] : memref<320000xi32, #tpu.memory_space<hbm>> -> memref<80xi32, #tpu.memory_space<hbm>>
    %dma_wait3A_271 = arith.constant 0 : i32
    %dma_wait3A_272 = tpu.memref_slice %arg16[%dma_wait3A_266, %dma_wait3A_271] : memref<8x80xi32, #tpu.memory_space<vmem>> -> memref<1x80xi32, #tpu.memory_space<vmem>>
    %dma_wait3A_273 = tpu.memref_squeeze %dma_wait3A_272 : memref<1x80xi32, #tpu.memory_space<vmem>> -> memref<80xi32, #tpu.memory_space<vmem>>
    %dma_wait3A_274 = tpu.memref_slice %arg3[%add3A_265] : memref<320000xi32, #tpu.memory_space<hbm>> -> memref<80xi32, #tpu.memory_space<hbm>>
    tpu.wait_dma2 semaphore(%arg28 : memref<!tpu.dma_semaphore, #tpu.memory_space<semaphore_mem>>) src(%dma_wait3A_274 : memref<80xi32, #tpu.memory_space<hbm>>) dst(%dma_wait3A_273 : memref<80xi32, #tpu.memory_space<vmem>>)
    %dma_start3A_275 = arith.constant 0 : i32
    %dma_start3A_276 = arith.constant 0 : i32
    %dma_start3A_277 = tpu.memref_slice %arg16[%dma_start3A_275, %dma_start3A_276] : memref<8x80xi32, #tpu.memory_space<vmem>> -> memref<1x80xi32, #tpu.memory_space<vmem>>
    %dma_start3A_278 = tpu.memref_squeeze %dma_start3A_277 : memref<1x80xi32, #tpu.memory_space<vmem>> -> memref<80xi32, #tpu.memory_space<vmem>>
    %dma_start3A_279 = arith.constant 0 : i32
    %dma_start3A_280 = arith.constant 0 : i32
    %dma_start3A_281 = tpu.memref_slice %arg2[%dma_start3A_279, %dma_start3A_280] : memref<10000x128xf32, #tpu.memory_space<hbm>> -> memref<10000x128xf32, #tpu.memory_space<hbm>>
    tpu.enqueue_indirect_dma source(%dma_start3A_281 : memref<10000x128xf32, #tpu.memory_space<hbm>>) target(%arg10 : memref<80x128xf32, #tpu.memory_space<vmem>>) offsets(%dma_start3A_278 : memref<80xi32, #tpu.memory_space<vmem>>) semaphore(%arg19 : memref<!tpu.dma_semaphore, #tpu.memory_space<semaphore_mem>>)
    %add3A_282 = arith.constant 80 : i32
    %add3A_283 = arith.addi %mul3A_2, %add3A_282 : i32
    %dma_wait3A_284 = arith.constant 0 : i32
    %dma_wait3A_285 = arith.constant 0 : i32
    %dma_wait3A_286 = tpu.memref_slice %arg17[%dma_wait3A_284, %dma_wait3A_285] : memref<8x80xi32, #tpu.memory_space<vmem>> -> memref<1x80xi32, #tpu.memory_space<vmem>>
    %dma_wait3A_287 = tpu.memref_squeeze %dma_wait3A_286 : memref<1x80xi32, #tpu.memory_space<vmem>> -> memref<80xi32, #tpu.memory_space<vmem>>
    %dma_wait3A_288 = tpu.memref_slice %arg3[%add3A_283] : memref<320000xi32, #tpu.memory_space<hbm>> -> memref<80xi32, #tpu.memory_space<hbm>>
    %dma_wait3A_289 = arith.constant 0 : i32
    %dma_wait3A_290 = tpu.memref_slice %arg17[%dma_wait3A_284, %dma_wait3A_289] : memref<8x80xi32, #tpu.memory_space<vmem>> -> memref<1x80xi32, #tpu.memory_space<vmem>>
    %dma_wait3A_291 = tpu.memref_squeeze %dma_wait3A_290 : memref<1x80xi32, #tpu.memory_space<vmem>> -> memref<80xi32, #tpu.memory_space<vmem>>
    %dma_wait3A_292 = tpu.memref_slice %arg3[%add3A_283] : memref<320000xi32, #tpu.memory_space<hbm>> -> memref<80xi32, #tpu.memory_space<hbm>>
    tpu.wait_dma2 semaphore(%arg29 : memref<!tpu.dma_semaphore, #tpu.memory_space<semaphore_mem>>) src(%dma_wait3A_292 : memref<80xi32, #tpu.memory_space<hbm>>) dst(%dma_wait3A_291 : memref<80xi32, #tpu.memory_space<vmem>>)
    %dma_start3A_293 = arith.constant 0 : i32
    %dma_start3A_294 = arith.constant 0 : i32
    %dma_start3A_295 = tpu.memref_slice %arg17[%dma_start3A_293, %dma_start3A_294] : memref<8x80xi32, #tpu.memory_space<vmem>> -> memref<1x80xi32, #tpu.memory_space<vmem>>
    %dma_start3A_296 = tpu.memref_squeeze %dma_start3A_295 : memref<1x80xi32, #tpu.memory_space<vmem>> -> memref<80xi32, #tpu.memory_space<vmem>>
    %dma_start3A_297 = arith.constant 0 : i32
    %dma_start3A_298 = arith.constant 0 : i32
    %dma_start3A_299 = tpu.memref_slice %arg2[%dma_start3A_297, %dma_start3A_298] : memref<10000x128xf32, #tpu.memory_space<hbm>> -> memref<10000x128xf32, #tpu.memory_space<hbm>>
    tpu.enqueue_indirect_dma source(%dma_start3A_299 : memref<10000x128xf32, #tpu.memory_space<hbm>>) target(%arg11 : memref<80x128xf32, #tpu.memory_space<vmem>>) offsets(%dma_start3A_296 : memref<80xi32, #tpu.memory_space<vmem>>) semaphore(%arg20 : memref<!tpu.dma_semaphore, #tpu.memory_space<semaphore_mem>>)
    %add3A_300 = arith.constant 0 : i32
    %add3A_301 = arith.addi %mul3A_2, %add3A_300 : i32
    %dma_wait3A_302 = arith.constant 0 : i32
    %dma_wait3A_303 = arith.constant 0 : i32
    %dma_wait3A_304 = tpu.memref_slice %arg13[%dma_wait3A_302, %dma_wait3A_303] : memref<8x80xi32, #tpu.memory_space<vmem>> -> memref<1x80xi32, #tpu.memory_space<vmem>>
    %dma_wait3A_305 = tpu.memref_squeeze %dma_wait3A_304 : memref<1x80xi32, #tpu.memory_space<vmem>> -> memref<80xi32, #tpu.memory_space<vmem>>
    %dma_wait3A_306 = tpu.memref_slice %arg4[%add3A_301] : memref<320000xi32, #tpu.memory_space<hbm>> -> memref<80xi32, #tpu.memory_space<hbm>>
    %dma_wait3A_307 = arith.constant 0 : i32
    %dma_wait3A_308 = tpu.memref_slice %arg13[%dma_wait3A_302, %dma_wait3A_307] : memref<8x80xi32, #tpu.memory_space<vmem>> -> memref<1x80xi32, #tpu.memory_space<vmem>>
    %dma_wait3A_309 = tpu.memref_squeeze %dma_wait3A_308 : memref<1x80xi32, #tpu.memory_space<vmem>> -> memref<80xi32, #tpu.memory_space<vmem>>
    %dma_wait3A_310 = tpu.memref_slice %arg4[%add3A_301] : memref<320000xi32, #tpu.memory_space<hbm>> -> memref<80xi32, #tpu.memory_space<hbm>>
    tpu.wait_dma2 semaphore(%arg25 : memref<!tpu.dma_semaphore, #tpu.memory_space<semaphore_mem>>) src(%dma_wait3A_310 : memref<80xi32, #tpu.memory_space<hbm>>) dst(%dma_wait3A_309 : memref<80xi32, #tpu.memory_space<vmem>>)
    %dma_wait3A_311 = arith.constant 0 : i32
    %dma_wait3A_312 = arith.constant 0 : i32
    %dma_wait3A_313 = tpu.memref_slice %arg16[%dma_wait3A_311, %dma_wait3A_312] : memref<8x80xi32, #tpu.memory_space<vmem>> -> memref<1x80xi32, #tpu.memory_space<vmem>>
    %dma_wait3A_314 = tpu.memref_squeeze %dma_wait3A_313 : memref<1x80xi32, #tpu.memory_space<vmem>> -> memref<80xi32, #tpu.memory_space<vmem>>
    %dma_wait3A_315 = arith.constant 0 : i32
    %dma_wait3A_316 = arith.constant 0 : i32
    %dma_wait3A_317 = tpu.memref_slice %arg2[%dma_wait3A_315, %dma_wait3A_316] : memref<10000x128xf32, #tpu.memory_space<hbm>> -> memref<10000x128xf32, #tpu.memory_space<hbm>>
    tpu.wait_indirect_dma semaphore(%arg19 : memref<!tpu.dma_semaphore, #tpu.memory_space<semaphore_mem>>) src(%dma_wait3A_317 : memref<10000x128xf32, #tpu.memory_space<hbm>>) dst(%arg10 : memref<80x128xf32, #tpu.memory_space<vmem>>)
    %dma_start3A_318 = arith.constant 0 : i32
    %dma_start3A_319 = arith.constant 0 : i32
    %dma_start3A_320 = tpu.memref_slice %arg13[%dma_start3A_318, %dma_start3A_319] : memref<8x80xi32, #tpu.memory_space<vmem>> -> memref<1x80xi32, #tpu.memory_space<vmem>>
    %dma_start3A_321 = tpu.memref_squeeze %dma_start3A_320 : memref<1x80xi32, #tpu.memory_space<vmem>> -> memref<80xi32, #tpu.memory_space<vmem>>
    %dma_start3A_322 = arith.constant 0 : i32
    %dma_start3A_323 = arith.constant 0 : i32
    %dma_start3A_324 = tpu.memref_slice %arg9[%dma_start3A_322, %dma_start3A_323] : memref<10000x128xf32, #tpu.memory_space<vmem_shared>> -> memref<10000x128xf32, #tpu.memory_space<vmem_shared>>
    tpu.enqueue_indirect_dma source(%arg10 : memref<80x128xf32, #tpu.memory_space<vmem>>) target(%dma_start3A_324 : memref<10000x128xf32, #tpu.memory_space<vmem_shared>>) offsets(%dma_start3A_321 : memref<80xi32, #tpu.memory_space<vmem>>) semaphore(%arg22 : memref<!tpu.dma_semaphore, #tpu.memory_space<semaphore_mem>>) {add = true}
    %add3A_325 = arith.constant 160 : i32
    %add3A_326 = arith.addi %mul3A_2, %add3A_325 : i32
    %dma_start3A_327 = arith.constant 0 : i32
    %dma_start3A_328 = arith.constant 0 : i32
    %dma_start3A_329 = tpu.memref_slice %arg15[%dma_start3A_327, %dma_start3A_328] : memref<8x80xi32, #tpu.memory_space<vmem>> -> memref<1x80xi32, #tpu.memory_space<vmem>>
    %dma_start3A_330 = tpu.memref_squeeze %dma_start3A_329 : memref<1x80xi32, #tpu.memory_space<vmem>> -> memref<80xi32, #tpu.memory_space<vmem>>
    %dma_start3A_331 = tpu.memref_slice %arg4[%add3A_326] : memref<320000xi32, #tpu.memory_space<hbm>> -> memref<80xi32, #tpu.memory_space<hbm>>
    %dma_start3A_332 = arith.constant 0 : i32
    %dma_start3A_333 = tpu.memref_slice %arg15[%dma_start3A_327, %dma_start3A_332] : memref<8x80xi32, #tpu.memory_space<vmem>> -> memref<1x80xi32, #tpu.memory_space<vmem>>
    %dma_start3A_334 = tpu.memref_squeeze %dma_start3A_333 : memref<1x80xi32, #tpu.memory_space<vmem>> -> memref<80xi32, #tpu.memory_space<vmem>>
    %dma_start3A_335 = tpu.memref_slice %arg4[%add3A_326] : memref<320000xi32, #tpu.memory_space<hbm>> -> memref<80xi32, #tpu.memory_space<hbm>>
    tpu.enqueue_dma source(%dma_start3A_335 : memref<80xi32, #tpu.memory_space<hbm>>) target(%dma_start3A_334 : memref<80xi32, #tpu.memory_space<vmem>>) target_semaphore(%arg27 : memref<!tpu.dma_semaphore, #tpu.memory_space<semaphore_mem>>)
    %add3A_336 = arith.constant 160 : i32
    %add3A_337 = arith.addi %mul3A_2, %add3A_336 : i32
    %dma_wait3A_338 = arith.constant 0 : i32
    %dma_wait3A_339 = arith.constant 0 : i32
    %dma_wait3A_340 = tpu.memref_slice %arg18[%dma_wait3A_338, %dma_wait3A_339] : memref<8x80xi32, #tpu.memory_space<vmem>> -> memref<1x80xi32, #tpu.memory_space<vmem>>
    %dma_wait3A_341 = tpu.memref_squeeze %dma_wait3A_340 : memref<1x80xi32, #tpu.memory_space<vmem>> -> memref<80xi32, #tpu.memory_space<vmem>>
    %dma_wait3A_342 = tpu.memref_slice %arg3[%add3A_337] : memref<320000xi32, #tpu.memory_space<hbm>> -> memref<80xi32, #tpu.memory_space<hbm>>
    %dma_wait3A_343 = arith.constant 0 : i32
    %dma_wait3A_344 = tpu.memref_slice %arg18[%dma_wait3A_338, %dma_wait3A_343] : memref<8x80xi32, #tpu.memory_space<vmem>> -> memref<1x80xi32, #tpu.memory_space<vmem>>
    %dma_wait3A_345 = tpu.memref_squeeze %dma_wait3A_344 : memref<1x80xi32, #tpu.memory_space<vmem>> -> memref<80xi32, #tpu.memory_space<vmem>>
    %dma_wait3A_346 = tpu.memref_slice %arg3[%add3A_337] : memref<320000xi32, #tpu.memory_space<hbm>> -> memref<80xi32, #tpu.memory_space<hbm>>
    tpu.wait_dma2 semaphore(%arg30 : memref<!tpu.dma_semaphore, #tpu.memory_space<semaphore_mem>>) src(%dma_wait3A_346 : memref<80xi32, #tpu.memory_space<hbm>>) dst(%dma_wait3A_345 : memref<80xi32, #tpu.memory_space<vmem>>)
    %dma_start3A_347 = arith.constant 0 : i32
    %dma_start3A_348 = arith.constant 0 : i32
    %dma_start3A_349 = tpu.memref_slice %arg18[%dma_start3A_347, %dma_start3A_348] : memref<8x80xi32, #tpu.memory_space<vmem>> -> memref<1x80xi32, #tpu.memory_space<vmem>>
    %dma_start3A_350 = tpu.memref_squeeze %dma_start3A_349 : memref<1x80xi32, #tpu.memory_space<vmem>> -> memref<80xi32, #tpu.memory_space<vmem>>
    %dma_start3A_351 = arith.constant 0 : i32
    %dma_start3A_352 = arith.constant 0 : i32
    %dma_start3A_353 = tpu.memref_slice %arg2[%dma_start3A_351, %dma_start3A_352] : memref<10000x128xf32, #tpu.memory_space<hbm>> -> memref<10000x128xf32, #tpu.memory_space<hbm>>
    tpu.enqueue_indirect_dma source(%dma_start3A_353 : memref<10000x128xf32, #tpu.memory_space<hbm>>) target(%arg12 : memref<80x128xf32, #tpu.memory_space<vmem>>) offsets(%dma_start3A_350 : memref<80xi32, #tpu.memory_space<vmem>>) semaphore(%arg21 : memref<!tpu.dma_semaphore, #tpu.memory_space<semaphore_mem>>)
    %add3A_354 = arith.constant 240 : i32
    %add3A_355 = arith.addi %mul3A_2, %add3A_354 : i32
    %dma_start3A_356 = arith.constant 0 : i32
    %dma_start3A_357 = arith.constant 0 : i32
    %dma_start3A_358 = tpu.memref_slice %arg16[%dma_start3A_356, %dma_start3A_357] : memref<8x80xi32, #tpu.memory_space<vmem>> -> memref<1x80xi32, #tpu.memory_space<vmem>>
    %dma_start3A_359 = tpu.memref_squeeze %dma_start3A_358 : memref<1x80xi32, #tpu.memory_space<vmem>> -> memref<80xi32, #tpu.memory_space<vmem>>
    %dma_start3A_360 = tpu.memref_slice %arg3[%add3A_355] : memref<320000xi32, #tpu.memory_space<hbm>> -> memref<80xi32, #tpu.memory_space<hbm>>
    %dma_start3A_361 = arith.constant 0 : i32
    %dma_start3A_362 = tpu.memref_slice %arg16[%dma_start3A_356, %dma_start3A_361] : memref<8x80xi32, #tpu.memory_space<vmem>> -> memref<1x80xi32, #tpu.memory_space<vmem>>
    %dma_start3A_363 = tpu.memref_squeeze %dma_start3A_362 : memref<1x80xi32, #tpu.memory_space<vmem>> -> memref<80xi32, #tpu.memory_space<vmem>>
    %dma_start3A_364 = tpu.memref_slice %arg3[%add3A_355] : memref<320000xi32, #tpu.memory_space<hbm>> -> memref<80xi32, #tpu.memory_space<hbm>>
    tpu.enqueue_dma source(%dma_start3A_364 : memref<80xi32, #tpu.memory_space<hbm>>) target(%dma_start3A_363 : memref<80xi32, #tpu.memory_space<vmem>>) target_semaphore(%arg28 : memref<!tpu.dma_semaphore, #tpu.memory_space<semaphore_mem>>)
    %add3A_365 = arith.constant 80 : i32
    %add3A_366 = arith.addi %mul3A_2, %add3A_365 : i32
    %dma_wait3A_367 = arith.constant 0 : i32
    %dma_wait3A_368 = arith.constant 0 : i32
    %dma_wait3A_369 = tpu.memref_slice %arg14[%dma_wait3A_367, %dma_wait3A_368] : memref<8x80xi32, #tpu.memory_space<vmem>> -> memref<1x80xi32, #tpu.memory_space<vmem>>
    %dma_wait3A_370 = tpu.memref_squeeze %dma_wait3A_369 : memref<1x80xi32, #tpu.memory_space<vmem>> -> memref<80xi32, #tpu.memory_space<vmem>>
    %dma_wait3A_371 = tpu.memref_slice %arg4[%add3A_366] : memref<320000xi32, #tpu.memory_space<hbm>> -> memref<80xi32, #tpu.memory_space<hbm>>
    %dma_wait3A_372 = arith.constant 0 : i32
    %dma_wait3A_373 = tpu.memref_slice %arg14[%dma_wait3A_367, %dma_wait3A_372] : memref<8x80xi32, #tpu.memory_space<vmem>> -> memref<1x80xi32, #tpu.memory_space<vmem>>
    %dma_wait3A_374 = tpu.memref_squeeze %dma_wait3A_373 : memref<1x80xi32, #tpu.memory_space<vmem>> -> memref<80xi32, #tpu.memory_space<vmem>>
    %dma_wait3A_375 = tpu.memref_slice %arg4[%add3A_366] : memref<320000xi32, #tpu.memory_space<hbm>> -> memref<80xi32, #tpu.memory_space<hbm>>
    tpu.wait_dma2 semaphore(%arg26 : memref<!tpu.dma_semaphore, #tpu.memory_space<semaphore_mem>>) src(%dma_wait3A_375 : memref<80xi32, #tpu.memory_space<hbm>>) dst(%dma_wait3A_374 : memref<80xi32, #tpu.memory_space<vmem>>)
    %dma_wait3A_376 = arith.constant 0 : i32
    %dma_wait3A_377 = arith.constant 0 : i32
    %dma_wait3A_378 = tpu.memref_slice %arg17[%dma_wait3A_376, %dma_wait3A_377] : memref<8x80xi32, #tpu.memory_space<vmem>> -> memref<1x80xi32, #tpu.memory_space<vmem>>
    %dma_wait3A_379 = tpu.memref_squeeze %dma_wait3A_378 : memref<1x80xi32, #tpu.memory_space<vmem>> -> memref<80xi32, #tpu.memory_space<vmem>>
    %dma_wait3A_380 = arith.constant 0 : i32
    %dma_wait3A_381 = arith.constant 0 : i32
    %dma_wait3A_382 = tpu.memref_slice %arg2[%dma_wait3A_380, %dma_wait3A_381] : memref<10000x128xf32, #tpu.memory_space<hbm>> -> memref<10000x128xf32, #tpu.memory_space<hbm>>
    tpu.wait_indirect_dma semaphore(%arg20 : memref<!tpu.dma_semaphore, #tpu.memory_space<semaphore_mem>>) src(%dma_wait3A_382 : memref<10000x128xf32, #tpu.memory_space<hbm>>) dst(%arg11 : memref<80x128xf32, #tpu.memory_space<vmem>>)
    %dma_start3A_383 = arith.constant 0 : i32
    %dma_start3A_384 = arith.constant 0 : i32
    %dma_start3A_385 = tpu.memref_slice %arg14[%dma_start3A_383, %dma_start3A_384] : memref<8x80xi32, #tpu.memory_space<vmem>> -> memref<1x80xi32, #tpu.memory_space<vmem>>
    %dma_start3A_386 = tpu.memref_squeeze %dma_start3A_385 : memref<1x80xi32, #tpu.memory_space<vmem>> -> memref<80xi32, #tpu.memory_space<vmem>>
    %dma_start3A_387 = arith.constant 0 : i32
    %dma_start3A_388 = arith.constant 0 : i32
    %dma_start3A_389 = tpu.memref_slice %arg9[%dma_start3A_387, %dma_start3A_388] : memref<10000x128xf32, #tpu.memory_space<vmem_shared>> -> memref<10000x128xf32, #tpu.memory_space<vmem_shared>>
    tpu.enqueue_indirect_dma source(%arg11 : memref<80x128xf32, #tpu.memory_space<vmem>>) target(%dma_start3A_389 : memref<10000x128xf32, #tpu.memory_space<vmem_shared>>) offsets(%dma_start3A_386 : memref<80xi32, #tpu.memory_space<vmem>>) semaphore(%arg23 : memref<!tpu.dma_semaphore, #tpu.memory_space<semaphore_mem>>) {add = true}
    %dma_wait3A_390 = arith.constant 0 : i32
    %dma_wait3A_391 = arith.constant 0 : i32
    %dma_wait3A_392 = tpu.memref_slice %arg13[%dma_wait3A_390, %dma_wait3A_391] : memref<8x80xi32, #tpu.memory_space<vmem>> -> memref<1x80xi32, #tpu.memory_space<vmem>>
    %dma_wait3A_393 = tpu.memref_squeeze %dma_wait3A_392 : memref<1x80xi32, #tpu.memory_space<vmem>> -> memref<80xi32, #tpu.memory_space<vmem>>
    %dma_wait3A_394 = arith.constant 0 : i32
    %dma_wait3A_395 = arith.constant 0 : i32
    %dma_wait3A_396 = tpu.memref_slice %arg9[%dma_wait3A_394, %dma_wait3A_395] : memref<10000x128xf32, #tpu.memory_space<vmem_shared>> -> memref<10000x128xf32, #tpu.memory_space<vmem_shared>>
    tpu.wait_indirect_dma semaphore(%arg22 : memref<!tpu.dma_semaphore, #tpu.memory_space<semaphore_mem>>) src(%arg10 : memref<80x128xf32, #tpu.memory_space<vmem>>) dst(%dma_wait3A_396 : memref<10000x128xf32, #tpu.memory_space<vmem_shared>>)
    %add3A_397 = arith.constant 240 : i32
    %add3A_398 = arith.addi %mul3A_2, %add3A_397 : i32
    %dma_start3A_399 = arith.constant 0 : i32
    %dma_start3A_400 = arith.constant 0 : i32
    %dma_start3A_401 = tpu.memref_slice %arg13[%dma_start3A_399, %dma_start3A_400] : memref<8x80xi32, #tpu.memory_space<vmem>> -> memref<1x80xi32, #tpu.memory_space<vmem>>
    %dma_start3A_402 = tpu.memref_squeeze %dma_start3A_401 : memref<1x80xi32, #tpu.memory_space<vmem>> -> memref<80xi32, #tpu.memory_space<vmem>>
    %dma_start3A_403 = tpu.memref_slice %arg4[%add3A_398] : memref<320000xi32, #tpu.memory_space<hbm>> -> memref<80xi32, #tpu.memory_space<hbm>>
    %dma_start3A_404 = arith.constant 0 : i32
    %dma_start3A_405 = tpu.memref_slice %arg13[%dma_start3A_399, %dma_start3A_404] : memref<8x80xi32, #tpu.memory_space<vmem>> -> memref<1x80xi32, #tpu.memory_space<vmem>>
    %dma_start3A_406 = tpu.memref_squeeze %dma_start3A_405 : memref<1x80xi32, #tpu.memory_space<vmem>> -> memref<80xi32, #tpu.memory_space<vmem>>
    %dma_start3A_407 = tpu.memref_slice %arg4[%add3A_398] : memref<320000xi32, #tpu.memory_space<hbm>> -> memref<80xi32, #tpu.memory_space<hbm>>
    tpu.enqueue_dma source(%dma_start3A_407 : memref<80xi32, #tpu.memory_space<hbm>>) target(%dma_start3A_406 : memref<80xi32, #tpu.memory_space<vmem>>) target_semaphore(%arg25 : memref<!tpu.dma_semaphore, #tpu.memory_space<semaphore_mem>>)
    %add3A_408 = arith.constant 240 : i32
    %add3A_409 = arith.addi %mul3A_2, %add3A_408 : i32
    %dma_wait3A_410 = arith.constant 0 : i32
    %dma_wait3A_411 = arith.constant 0 : i32
    %dma_wait3A_412 = tpu.memref_slice %arg16[%dma_wait3A_410, %dma_wait3A_411] : memref<8x80xi32, #tpu.memory_space<vmem>> -> memref<1x80xi32, #tpu.memory_space<vmem>>
    %dma_wait3A_413 = tpu.memref_squeeze %dma_wait3A_412 : memref<1x80xi32, #tpu.memory_space<vmem>> -> memref<80xi32, #tpu.memory_space<vmem>>
    %dma_wait3A_414 = tpu.memref_slice %arg3[%add3A_409] : memref<320000xi32, #tpu.memory_space<hbm>> -> memref<80xi32, #tpu.memory_space<hbm>>
    %dma_wait3A_415 = arith.constant 0 : i32
    %dma_wait3A_416 = tpu.memref_slice %arg16[%dma_wait3A_410, %dma_wait3A_415] : memref<8x80xi32, #tpu.memory_space<vmem>> -> memref<1x80xi32, #tpu.memory_space<vmem>>
    %dma_wait3A_417 = tpu.memref_squeeze %dma_wait3A_416 : memref<1x80xi32, #tpu.memory_space<vmem>> -> memref<80xi32, #tpu.memory_space<vmem>>
    %dma_wait3A_418 = tpu.memref_slice %arg3[%add3A_409] : memref<320000xi32, #tpu.memory_space<hbm>> -> memref<80xi32, #tpu.memory_space<hbm>>
    tpu.wait_dma2 semaphore(%arg28 : memref<!tpu.dma_semaphore, #tpu.memory_space<semaphore_mem>>) src(%dma_wait3A_418 : memref<80xi32, #tpu.memory_space<hbm>>) dst(%dma_wait3A_417 : memref<80xi32, #tpu.memory_space<vmem>>)
    %dma_start3A_419 = arith.constant 0 : i32
    %dma_start3A_420 = arith.constant 0 : i32
    %dma_start3A_421 = tpu.memref_slice %arg16[%dma_start3A_419, %dma_start3A_420] : memref<8x80xi32, #tpu.memory_space<vmem>> -> memref<1x80xi32, #tpu.memory_space<vmem>>
    %dma_start3A_422 = tpu.memref_squeeze %dma_start3A_421 : memref<1x80xi32, #tpu.memory_space<vmem>> -> memref<80xi32, #tpu.memory_space<vmem>>
    %dma_start3A_423 = arith.constant 0 : i32
    %dma_start3A_424 = arith.constant 0 : i32
    %dma_start3A_425 = tpu.memref_slice %arg2[%dma_start3A_423, %dma_start3A_424] : memref<10000x128xf32, #tpu.memory_space<hbm>> -> memref<10000x128xf32, #tpu.memory_space<hbm>>
    tpu.enqueue_indirect_dma source(%dma_start3A_425 : memref<10000x128xf32, #tpu.memory_space<hbm>>) target(%arg10 : memref<80x128xf32, #tpu.memory_space<vmem>>) offsets(%dma_start3A_422 : memref<80xi32, #tpu.memory_space<vmem>>) semaphore(%arg19 : memref<!tpu.dma_semaphore, #tpu.memory_space<semaphore_mem>>)
    %add3A_426 = arith.constant 320 : i32
    %add3A_427 = arith.addi %mul3A_2, %add3A_426 : i32
    %dma_start3A_428 = arith.constant 0 : i32
    %dma_start3A_429 = arith.constant 0 : i32
    %dma_start3A_430 = tpu.memref_slice %arg17[%dma_start3A_428, %dma_start3A_429] : memref<8x80xi32, #tpu.memory_space<vmem>> -> memref<1x80xi32, #tpu.memory_space<vmem>>
    %dma_start3A_431 = tpu.memref_squeeze %dma_start3A_430 : memref<1x80xi32, #tpu.memory_space<vmem>> -> memref<80xi32, #tpu.memory_space<vmem>>
    %dma_start3A_432 = tpu.memref_slice %arg3[%add3A_427] : memref<320000xi32, #tpu.memory_space<hbm>> -> memref<80xi32, #tpu.memory_space<hbm>>
    %dma_start3A_433 = arith.constant 0 : i32
    %dma_start3A_434 = tpu.memref_slice %arg17[%dma_start3A_428, %dma_start3A_433] : memref<8x80xi32, #tpu.memory_space<vmem>> -> memref<1x80xi32, #tpu.memory_space<vmem>>
    %dma_start3A_435 = tpu.memref_squeeze %dma_start3A_434 : memref<1x80xi32, #tpu.memory_space<vmem>> -> memref<80xi32, #tpu.memory_space<vmem>>
    %dma_start3A_436 = tpu.memref_slice %arg3[%add3A_427] : memref<320000xi32, #tpu.memory_space<hbm>> -> memref<80xi32, #tpu.memory_space<hbm>>
    tpu.enqueue_dma source(%dma_start3A_436 : memref<80xi32, #tpu.memory_space<hbm>>) target(%dma_start3A_435 : memref<80xi32, #tpu.memory_space<vmem>>) target_semaphore(%arg29 : memref<!tpu.dma_semaphore, #tpu.memory_space<semaphore_mem>>)
    %add3A_437 = arith.constant 160 : i32
    %add3A_438 = arith.addi %mul3A_2, %add3A_437 : i32
    %dma_wait3A_439 = arith.constant 0 : i32
    %dma_wait3A_440 = arith.constant 0 : i32
    %dma_wait3A_441 = tpu.memref_slice %arg15[%dma_wait3A_439, %dma_wait3A_440] : memref<8x80xi32, #tpu.memory_space<vmem>> -> memref<1x80xi32, #tpu.memory_space<vmem>>
    %dma_wait3A_442 = tpu.memref_squeeze %dma_wait3A_441 : memref<1x80xi32, #tpu.memory_space<vmem>> -> memref<80xi32, #tpu.memory_space<vmem>>
    %dma_wait3A_443 = tpu.memref_slice %arg4[%add3A_438] : memref<320000xi32, #tpu.memory_space<hbm>> -> memref<80xi32, #tpu.memory_space<hbm>>
    %dma_wait3A_444 = arith.constant 0 : i32
    %dma_wait3A_445 = tpu.memref_slice %arg15[%dma_wait3A_439, %dma_wait3A_444] : memref<8x80xi32, #tpu.memory_space<vmem>> -> memref<1x80xi32, #tpu.memory_space<vmem>>
    %dma_wait3A_446 = tpu.memref_squeeze %dma_wait3A_445 : memref<1x80xi32, #tpu.memory_space<vmem>> -> memref<80xi32, #tpu.memory_space<vmem>>
    %dma_wait3A_447 = tpu.memref_slice %arg4[%add3A_438] : memref<320000xi32, #tpu.memory_space<hbm>> -> memref<80xi32, #tpu.memory_space<hbm>>
    tpu.wait_dma2 semaphore(%arg27 : memref<!tpu.dma_semaphore, #tpu.memory_space<semaphore_mem>>) src(%dma_wait3A_447 : memref<80xi32, #tpu.memory_space<hbm>>) dst(%dma_wait3A_446 : memref<80xi32, #tpu.memory_space<vmem>>)
    %dma_wait3A_448 = arith.constant 0 : i32
    %dma_wait3A_449 = arith.constant 0 : i32
    %dma_wait3A_450 = tpu.memref_slice %arg18[%dma_wait3A_448, %dma_wait3A_449] : memref<8x80xi32, #tpu.memory_space<vmem>> -> memref<1x80xi32, #tpu.memory_space<vmem>>
    %dma_wait3A_451 = tpu.memref_squeeze %dma_wait3A_450 : memref<1x80xi32, #tpu.memory_space<vmem>> -> memref<80xi32, #tpu.memory_space<vmem>>
    %dma_wait3A_452 = arith.constant 0 : i32
    %dma_wait3A_453 = arith.constant 0 : i32
    %dma_wait3A_454 = tpu.memref_slice %arg2[%dma_wait3A_452, %dma_wait3A_453] : memref<10000x128xf32, #tpu.memory_space<hbm>> -> memref<10000x128xf32, #tpu.memory_space<hbm>>
    tpu.wait_indirect_dma semaphore(%arg21 : memref<!tpu.dma_semaphore, #tpu.memory_space<semaphore_mem>>) src(%dma_wait3A_454 : memref<10000x128xf32, #tpu.memory_space<hbm>>) dst(%arg12 : memref<80x128xf32, #tpu.memory_space<vmem>>)
    %dma_start3A_455 = arith.constant 0 : i32
    %dma_start3A_456 = arith.constant 0 : i32
    %dma_start3A_457 = tpu.memref_slice %arg15[%dma_start3A_455, %dma_start3A_456] : memref<8x80xi32, #tpu.memory_space<vmem>> -> memref<1x80xi32, #tpu.memory_space<vmem>>
    %dma_start3A_458 = tpu.memref_squeeze %dma_start3A_457 : memref<1x80xi32, #tpu.memory_space<vmem>> -> memref<80xi32, #tpu.memory_space<vmem>>
    %dma_start3A_459 = arith.constant 0 : i32
    %dma_start3A_460 = arith.constant 0 : i32
    %dma_start3A_461 = tpu.memref_slice %arg9[%dma_start3A_459, %dma_start3A_460] : memref<10000x128xf32, #tpu.memory_space<vmem_shared>> -> memref<10000x128xf32, #tpu.memory_space<vmem_shared>>
    tpu.enqueue_indirect_dma source(%arg12 : memref<80x128xf32, #tpu.memory_space<vmem>>) target(%dma_start3A_461 : memref<10000x128xf32, #tpu.memory_space<vmem_shared>>) offsets(%dma_start3A_458 : memref<80xi32, #tpu.memory_space<vmem>>) semaphore(%arg24 : memref<!tpu.dma_semaphore, #tpu.memory_space<semaphore_mem>>) {add = true}
    %dma_wait3A_462 = arith.constant 0 : i32
    %dma_wait3A_463 = arith.constant 0 : i32
    %dma_wait3A_464 = tpu.memref_slice %arg14[%dma_wait3A_462, %dma_wait3A_463] : memref<8x80xi32, #tpu.memory_space<vmem>> -> memref<1x80xi32, #tpu.memory_space<vmem>>
    %dma_wait3A_465 = tpu.memref_squeeze %dma_wait3A_464 : memref<1x80xi32, #tpu.memory_space<vmem>> -> memref<80xi32, #tpu.memory_space<vmem>>
    %dma_wait3A_466 = arith.constant 0 : i32
    %dma_wait3A_467 = arith.constant 0 : i32
    %dma_wait3A_468 = tpu.memref_slice %arg9[%dma_wait3A_466, %dma_wait3A_467] : memref<10000x128xf32, #tpu.memory_space<vmem_shared>> -> memref<10000x128xf32, #tpu.memory_space<vmem_shared>>
    tpu.wait_indirect_dma semaphore(%arg23 : memref<!tpu.dma_semaphore, #tpu.memory_space<semaphore_mem>>) src(%arg11 : memref<80x128xf32, #tpu.memory_space<vmem>>) dst(%dma_wait3A_468 : memref<10000x128xf32, #tpu.memory_space<vmem_shared>>)
    %add3A_469 = arith.constant 320 : i32
    %add3A_470 = arith.addi %mul3A_2, %add3A_469 : i32
    %dma_start3A_471 = arith.constant 0 : i32
    %dma_start3A_472 = arith.constant 0 : i32
    %dma_start3A_473 = tpu.memref_slice %arg14[%dma_start3A_471, %dma_start3A_472] : memref<8x80xi32, #tpu.memory_space<vmem>> -> memref<1x80xi32, #tpu.memory_space<vmem>>
    %dma_start3A_474 = tpu.memref_squeeze %dma_start3A_473 : memref<1x80xi32, #tpu.memory_space<vmem>> -> memref<80xi32, #tpu.memory_space<vmem>>
    %dma_start3A_475 = tpu.memref_slice %arg4[%add3A_470] : memref<320000xi32, #tpu.memory_space<hbm>> -> memref<80xi32, #tpu.memory_space<hbm>>
    %dma_start3A_476 = arith.constant 0 : i32
    %dma_start3A_477 = tpu.memref_slice %arg14[%dma_start3A_471, %dma_start3A_476] : memref<8x80xi32, #tpu.memory_space<vmem>> -> memref<1x80xi32, #tpu.memory_space<vmem>>
    %dma_start3A_478 = tpu.memref_squeeze %dma_start3A_477 : memref<1x80xi32, #tpu.memory_space<vmem>> -> memref<80xi32, #tpu.memory_space<vmem>>
    %dma_start3A_479 = tpu.memref_slice %arg4[%add3A_470] : memref<320000xi32, #tpu.memory_space<hbm>> -> memref<80xi32, #tpu.memory_space<hbm>>
    tpu.enqueue_dma source(%dma_start3A_479 : memref<80xi32, #tpu.memory_space<hbm>>) target(%dma_start3A_478 : memref<80xi32, #tpu.memory_space<vmem>>) target_semaphore(%arg26 : memref<!tpu.dma_semaphore, #tpu.memory_space<semaphore_mem>>)
    %add3A_480 = arith.constant 320 : i32
    %add3A_481 = arith.addi %mul3A_2, %add3A_480 : i32
    %dma_wait3A_482 = arith.constant 0 : i32
    %dma_wait3A_483 = arith.constant 0 : i32
    %dma_wait3A_484 = tpu.memref_slice %arg17[%dma_wait3A_482, %dma_wait3A_483] : memref<8x80xi32, #tpu.memory_space<vmem>> -> memref<1x80xi32, #tpu.memory_space<vmem>>
    %dma_wait3A_485 = tpu.memref_squeeze %dma_wait3A_484 : memref<1x80xi32, #tpu.memory_space<vmem>> -> memref<80xi32, #tpu.memory_space<vmem>>
    %dma_wait3A_486 = tpu.memref_slice %arg3[%add3A_481] : memref<320000xi32, #tpu.memory_space<hbm>> -> memref<80xi32, #tpu.memory_space<hbm>>
    %dma_wait3A_487 = arith.constant 0 : i32
    %dma_wait3A_488 = tpu.memref_slice %arg17[%dma_wait3A_482, %dma_wait3A_487] : memref<8x80xi32, #tpu.memory_space<vmem>> -> memref<1x80xi32, #tpu.memory_space<vmem>>
    %dma_wait3A_489 = tpu.memref_squeeze %dma_wait3A_488 : memref<1x80xi32, #tpu.memory_space<vmem>> -> memref<80xi32, #tpu.memory_space<vmem>>
    %dma_wait3A_490 = tpu.memref_slice %arg3[%add3A_481] : memref<320000xi32, #tpu.memory_space<hbm>> -> memref<80xi32, #tpu.memory_space<hbm>>
    tpu.wait_dma2 semaphore(%arg29 : memref<!tpu.dma_semaphore, #tpu.memory_space<semaphore_mem>>) src(%dma_wait3A_490 : memref<80xi32, #tpu.memory_space<hbm>>) dst(%dma_wait3A_489 : memref<80xi32, #tpu.memory_space<vmem>>)
    %dma_start3A_491 = arith.constant 0 : i32
    %dma_start3A_492 = arith.constant 0 : i32
    %dma_start3A_493 = tpu.memref_slice %arg17[%dma_start3A_491, %dma_start3A_492] : memref<8x80xi32, #tpu.memory_space<vmem>> -> memref<1x80xi32, #tpu.memory_space<vmem>>
    %dma_start3A_494 = tpu.memref_squeeze %dma_start3A_493 : memref<1x80xi32, #tpu.memory_space<vmem>> -> memref<80xi32, #tpu.memory_space<vmem>>
    %dma_start3A_495 = arith.constant 0 : i32
    %dma_start3A_496 = arith.constant 0 : i32
    %dma_start3A_497 = tpu.memref_slice %arg2[%dma_start3A_495, %dma_start3A_496] : memref<10000x128xf32, #tpu.memory_space<hbm>> -> memref<10000x128xf32, #tpu.memory_space<hbm>>
    tpu.enqueue_indirect_dma source(%dma_start3A_497 : memref<10000x128xf32, #tpu.memory_space<hbm>>) target(%arg11 : memref<80x128xf32, #tpu.memory_space<vmem>>) offsets(%dma_start3A_494 : memref<80xi32, #tpu.memory_space<vmem>>) semaphore(%arg20 : memref<!tpu.dma_semaphore, #tpu.memory_space<semaphore_mem>>)
    %add3A_498 = arith.constant 400 : i32
    %add3A_499 = arith.addi %mul3A_2, %add3A_498 : i32
    %dma_start3A_500 = arith.constant 0 : i32
    %dma_start3A_501 = arith.constant 0 : i32
    %dma_start3A_502 = tpu.memref_slice %arg18[%dma_start3A_500, %dma_start3A_501] : memref<8x80xi32, #tpu.memory_space<vmem>> -> memref<1x80xi32, #tpu.memory_space<vmem>>
    %dma_start3A_503 = tpu.memref_squeeze %dma_start3A_502 : memref<1x80xi32, #tpu.memory_space<vmem>> -> memref<80xi32, #tpu.memory_space<vmem>>
    %dma_start3A_504 = tpu.memref_slice %arg3[%add3A_499] : memref<320000xi32, #tpu.memory_space<hbm>> -> memref<80xi32, #tpu.memory_space<hbm>>
    %dma_start3A_505 = arith.constant 0 : i32
    %dma_start3A_506 = tpu.memref_slice %arg18[%dma_start3A_500, %dma_start3A_505] : memref<8x80xi32, #tpu.memory_space<vmem>> -> memref<1x80xi32, #tpu.memory_space<vmem>>
    %dma_start3A_507 = tpu.memref_squeeze %dma_start3A_506 : memref<1x80xi32, #tpu.memory_space<vmem>> -> memref<80xi32, #tpu.memory_space<vmem>>
    %dma_start3A_508 = tpu.memref_slice %arg3[%add3A_499] : memref<320000xi32, #tpu.memory_space<hbm>> -> memref<80xi32, #tpu.memory_space<hbm>>
    tpu.enqueue_dma source(%dma_start3A_508 : memref<80xi32, #tpu.memory_space<hbm>>) target(%dma_start3A_507 : memref<80xi32, #tpu.memory_space<vmem>>) target_semaphore(%arg30 : memref<!tpu.dma_semaphore, #tpu.memory_space<semaphore_mem>>)
    %scan3A_509 = arith.constant 0 : i32
    %scan3A_510 = arith.constant 1 : i32
    %scan3A_511 = arith.constant 40 : i32
    %scan3A_512 = arith.addi %scan3A_510, %scan3A_511 : i32
    %scan3A_513 = arith.constant 1 : i32
    scf.for %scan3A_594 = %scan3A_510 to %scan3A_512 step %scan3A_513  : i32 {
      %mul3A_595 = arith.constant 3 : i32
      %mul3A_596 = arith.muli %scan3A_594, %mul3A_595 : i32
      %add3A_597 = arith.constant 0 : i32
      %add3A_598 = arith.addi %mul3A_596, %add3A_597 : i32
      %mul3A_599 = arith.constant 80 : i32
      %mul3A_600 = arith.muli %add3A_598, %mul3A_599 : i32
      %add3A_601 = arith.addi %mul3A_2, %mul3A_600 : i32
      %dma_wait3A_602 = arith.constant 0 : i32
      %dma_wait3A_603 = arith.constant 0 : i32
      %dma_wait3A_604 = tpu.memref_slice %arg13[%dma_wait3A_602, %dma_wait3A_603] : memref<8x80xi32, #tpu.memory_space<vmem>> -> memref<1x80xi32, #tpu.memory_space<vmem>>
      %dma_wait3A_605 = tpu.memref_squeeze %dma_wait3A_604 : memref<1x80xi32, #tpu.memory_space<vmem>> -> memref<80xi32, #tpu.memory_space<vmem>>
      %dma_wait3A_606 = tpu.memref_slice %arg4[%add3A_601] : memref<320000xi32, #tpu.memory_space<hbm>> -> memref<80xi32, #tpu.memory_space<hbm>>
      %dma_wait3A_607 = arith.constant 0 : i32
      %dma_wait3A_608 = tpu.memref_slice %arg13[%dma_wait3A_602, %dma_wait3A_607] : memref<8x80xi32, #tpu.memory_space<vmem>> -> memref<1x80xi32, #tpu.memory_space<vmem>>
      %dma_wait3A_609 = tpu.memref_squeeze %dma_wait3A_608 : memref<1x80xi32, #tpu.memory_space<vmem>> -> memref<80xi32, #tpu.memory_space<vmem>>
      %dma_wait3A_610 = tpu.memref_slice %arg4[%add3A_601] : memref<320000xi32, #tpu.memory_space<hbm>> -> memref<80xi32, #tpu.memory_space<hbm>>
      tpu.wait_dma2 semaphore(%arg25 : memref<!tpu.dma_semaphore, #tpu.memory_space<semaphore_mem>>) src(%dma_wait3A_610 : memref<80xi32, #tpu.memory_space<hbm>>) dst(%dma_wait3A_609 : memref<80xi32, #tpu.memory_space<vmem>>)
      %dma_wait3A_611 = arith.constant 0 : i32
      %dma_wait3A_612 = arith.constant 0 : i32
      %dma_wait3A_613 = tpu.memref_slice %arg16[%dma_wait3A_611, %dma_wait3A_612] : memref<8x80xi32, #tpu.memory_space<vmem>> -> memref<1x80xi32, #tpu.memory_space<vmem>>
      %dma_wait3A_614 = tpu.memref_squeeze %dma_wait3A_613 : memref<1x80xi32, #tpu.memory_space<vmem>> -> memref<80xi32, #tpu.memory_space<vmem>>
      %dma_wait3A_615 = arith.constant 0 : i32
      %dma_wait3A_616 = arith.constant 0 : i32
      %dma_wait3A_617 = tpu.memref_slice %arg2[%dma_wait3A_615, %dma_wait3A_616] : memref<10000x128xf32, #tpu.memory_space<hbm>> -> memref<10000x128xf32, #tpu.memory_space<hbm>>
      tpu.wait_indirect_dma semaphore(%arg19 : memref<!tpu.dma_semaphore, #tpu.memory_space<semaphore_mem>>) src(%dma_wait3A_617 : memref<10000x128xf32, #tpu.memory_space<hbm>>) dst(%arg10 : memref<80x128xf32, #tpu.memory_space<vmem>>)
      %dma_start3A_618 = arith.constant 0 : i32
      %dma_start3A_619 = arith.constant 0 : i32
      %dma_start3A_620 = tpu.memref_slice %arg13[%dma_start3A_618, %dma_start3A_619] : memref<8x80xi32, #tpu.memory_space<vmem>> -> memref<1x80xi32, #tpu.memory_space<vmem>>
      %dma_start3A_621 = tpu.memref_squeeze %dma_start3A_620 : memref<1x80xi32, #tpu.memory_space<vmem>> -> memref<80xi32, #tpu.memory_space<vmem>>
      %dma_start3A_622 = arith.constant 0 : i32
      %dma_start3A_623 = arith.constant 0 : i32
      %dma_start3A_624 = tpu.memref_slice %arg9[%dma_start3A_622, %dma_start3A_623] : memref<10000x128xf32, #tpu.memory_space<vmem_shared>> -> memref<10000x128xf32, #tpu.memory_space<vmem_shared>>
      tpu.enqueue_indirect_dma source(%arg10 : memref<80x128xf32, #tpu.memory_space<vmem>>) target(%dma_start3A_624 : memref<10000x128xf32, #tpu.memory_space<vmem_shared>>) offsets(%dma_start3A_621 : memref<80xi32, #tpu.memory_space<vmem>>) semaphore(%arg22 : memref<!tpu.dma_semaphore, #tpu.memory_space<semaphore_mem>>) {add = true}
      %dma_wait3A_625 = arith.constant 0 : i32
      %dma_wait3A_626 = arith.constant 0 : i32
      %dma_wait3A_627 = tpu.memref_slice %arg15[%dma_wait3A_625, %dma_wait3A_626] : memref<8x80xi32, #tpu.memory_space<vmem>> -> memref<1x80xi32, #tpu.memory_space<vmem>>
      %dma_wait3A_628 = tpu.memref_squeeze %dma_wait3A_627 : memref<1x80xi32, #tpu.memory_space<vmem>> -> memref<80xi32, #tpu.memory_space<vmem>>
      %dma_wait3A_629 = arith.constant 0 : i32
      %dma_wait3A_630 = arith.constant 0 : i32
      %dma_wait3A_631 = tpu.memref_slice %arg9[%dma_wait3A_629, %dma_wait3A_630] : memref<10000x128xf32, #tpu.memory_space<vmem_shared>> -> memref<10000x128xf32, #tpu.memory_space<vmem_shared>>
      tpu.wait_indirect_dma semaphore(%arg24 : memref<!tpu.dma_semaphore, #tpu.memory_space<semaphore_mem>>) src(%arg12 : memref<80x128xf32, #tpu.memory_space<vmem>>) dst(%dma_wait3A_631 : memref<10000x128xf32, #tpu.memory_space<vmem_shared>>)
      %add3A_632 = arith.constant 3 : i32
      %add3A_633 = arith.addi %add3A_598, %add3A_632 : i32
      %sub3A = arith.constant 1 : i32
      %sub3A_634 = arith.subi %add3A_633, %sub3A : i32
      %mul3A_635 = arith.constant 80 : i32
      %mul3A_636 = arith.muli %sub3A_634, %mul3A_635 : i32
      %add3A_637 = arith.addi %mul3A_2, %mul3A_636 : i32
      %dma_start3A_638 = arith.constant 0 : i32
      %dma_start3A_639 = arith.constant 0 : i32
      %dma_start3A_640 = tpu.memref_slice %arg15[%dma_start3A_638, %dma_start3A_639] : memref<8x80xi32, #tpu.memory_space<vmem>> -> memref<1x80xi32, #tpu.memory_space<vmem>>
      %dma_start3A_641 = tpu.memref_squeeze %dma_start3A_640 : memref<1x80xi32, #tpu.memory_space<vmem>> -> memref<80xi32, #tpu.memory_space<vmem>>
      %dma_start3A_642 = tpu.memref_slice %arg4[%add3A_637] : memref<320000xi32, #tpu.memory_space<hbm>> -> memref<80xi32, #tpu.memory_space<hbm>>
      %dma_start3A_643 = arith.constant 0 : i32
      %dma_start3A_644 = tpu.memref_slice %arg15[%dma_start3A_638, %dma_start3A_643] : memref<8x80xi32, #tpu.memory_space<vmem>> -> memref<1x80xi32, #tpu.memory_space<vmem>>
      %dma_start3A_645 = tpu.memref_squeeze %dma_start3A_644 : memref<1x80xi32, #tpu.memory_space<vmem>> -> memref<80xi32, #tpu.memory_space<vmem>>
      %dma_start3A_646 = tpu.memref_slice %arg4[%add3A_637] : memref<320000xi32, #tpu.memory_space<hbm>> -> memref<80xi32, #tpu.memory_space<hbm>>
      tpu.enqueue_dma source(%dma_start3A_646 : memref<80xi32, #tpu.memory_space<hbm>>) target(%dma_start3A_645 : memref<80xi32, #tpu.memory_space<vmem>>) target_semaphore(%arg27 : memref<!tpu.dma_semaphore, #tpu.memory_space<semaphore_mem>>)
      %add3A_647 = arith.constant 3 : i32
      %add3A_648 = arith.addi %add3A_598, %add3A_647 : i32
      %sub3A_649 = arith.constant 1 : i32
      %sub3A_650 = arith.subi %add3A_648, %sub3A_649 : i32
      %mul3A_651 = arith.constant 80 : i32
      %mul3A_652 = arith.muli %sub3A_650, %mul3A_651 : i32
      %add3A_653 = arith.addi %mul3A_2, %mul3A_652 : i32
      %dma_wait3A_654 = arith.constant 0 : i32
      %dma_wait3A_655 = arith.constant 0 : i32
      %dma_wait3A_656 = tpu.memref_slice %arg18[%dma_wait3A_654, %dma_wait3A_655] : memref<8x80xi32, #tpu.memory_space<vmem>> -> memref<1x80xi32, #tpu.memory_space<vmem>>
      %dma_wait3A_657 = tpu.memref_squeeze %dma_wait3A_656 : memref<1x80xi32, #tpu.memory_space<vmem>> -> memref<80xi32, #tpu.memory_space<vmem>>
      %dma_wait3A_658 = tpu.memref_slice %arg3[%add3A_653] : memref<320000xi32, #tpu.memory_space<hbm>> -> memref<80xi32, #tpu.memory_space<hbm>>
      %dma_wait3A_659 = arith.constant 0 : i32
      %dma_wait3A_660 = tpu.memref_slice %arg18[%dma_wait3A_654, %dma_wait3A_659] : memref<8x80xi32, #tpu.memory_space<vmem>> -> memref<1x80xi32, #tpu.memory_space<vmem>>
      %dma_wait3A_661 = tpu.memref_squeeze %dma_wait3A_660 : memref<1x80xi32, #tpu.memory_space<vmem>> -> memref<80xi32, #tpu.memory_space<vmem>>
      %dma_wait3A_662 = tpu.memref_slice %arg3[%add3A_653] : memref<320000xi32, #tpu.memory_space<hbm>> -> memref<80xi32, #tpu.memory_space<hbm>>
      tpu.wait_dma2 semaphore(%arg30 : memref<!tpu.dma_semaphore, #tpu.memory_space<semaphore_mem>>) src(%dma_wait3A_662 : memref<80xi32, #tpu.memory_space<hbm>>) dst(%dma_wait3A_661 : memref<80xi32, #tpu.memory_space<vmem>>)
      %add3A_663 = arith.constant 3 : i32
      %add3A_664 = arith.addi %add3A_598, %add3A_663 : i32
      %sub3A_665 = arith.constant 1 : i32
      %sub3A_666 = arith.subi %add3A_664, %sub3A_665 : i32
      %dma_start3A_667 = arith.constant 0 : i32
      %dma_start3A_668 = arith.constant 0 : i32
      %dma_start3A_669 = tpu.memref_slice %arg18[%dma_start3A_667, %dma_start3A_668] : memref<8x80xi32, #tpu.memory_space<vmem>> -> memref<1x80xi32, #tpu.memory_space<vmem>>
      %dma_start3A_670 = tpu.memref_squeeze %dma_start3A_669 : memref<1x80xi32, #tpu.memory_space<vmem>> -> memref<80xi32, #tpu.memory_space<vmem>>
      %dma_start3A_671 = arith.constant 0 : i32
      %dma_start3A_672 = arith.constant 0 : i32
      %dma_start3A_673 = tpu.memref_slice %arg2[%dma_start3A_671, %dma_start3A_672] : memref<10000x128xf32, #tpu.memory_space<hbm>> -> memref<10000x128xf32, #tpu.memory_space<hbm>>
      tpu.enqueue_indirect_dma source(%dma_start3A_673 : memref<10000x128xf32, #tpu.memory_space<hbm>>) target(%arg12 : memref<80x128xf32, #tpu.memory_space<vmem>>) offsets(%dma_start3A_670 : memref<80xi32, #tpu.memory_space<vmem>>) semaphore(%arg21 : memref<!tpu.dma_semaphore, #tpu.memory_space<semaphore_mem>>)
      %add3A_674 = arith.constant 3 : i32
      %add3A_675 = arith.addi %add3A_598, %add3A_674 : i32
      %lt3A = arith.constant 125 : i32
      %lt3A_676 = arith.cmpi slt, %add3A_675, %lt3A : i32
      %convert_element_type3A_677 = arith.extui %lt3A_676 : i1 to i32
      %cond3A_678 = arith.constant 0 : i32
      %cond3A_679 = arith.cmpi ne, %convert_element_type3A_677, %cond3A_678 : i32
      scf.if %cond3A_679 {
        %add3A_854 = arith.constant 3 : i32
        %add3A_855 = arith.addi %add3A_598, %add3A_854 : i32
        %mul3A_856 = arith.constant 80 : i32
        %mul3A_857 = arith.muli %add3A_855, %mul3A_856 : i32
        %add3A_858 = arith.addi %mul3A_2, %mul3A_857 : i32
        %dma_start3A_859 = arith.constant 0 : i32
        %dma_start3A_860 = arith.constant 0 : i32
        %dma_start3A_861 = tpu.memref_slice %arg16[%dma_start3A_859, %dma_start3A_860] : memref<8x80xi32, #tpu.memory_space<vmem>> -> memref<1x80xi32, #tpu.memory_space<vmem>>
        %dma_start3A_862 = tpu.memref_squeeze %dma_start3A_861 : memref<1x80xi32, #tpu.memory_space<vmem>> -> memref<80xi32, #tpu.memory_space<vmem>>
        %dma_start3A_863 = tpu.memref_slice %arg3[%add3A_858] : memref<320000xi32, #tpu.memory_space<hbm>> -> memref<80xi32, #tpu.memory_space<hbm>>
        %dma_start3A_864 = arith.constant 0 : i32
        %dma_start3A_865 = tpu.memref_slice %arg16[%dma_start3A_859, %dma_start3A_864] : memref<8x80xi32, #tpu.memory_space<vmem>> -> memref<1x80xi32, #tpu.memory_space<vmem>>
        %dma_start3A_866 = tpu.memref_squeeze %dma_start3A_865 : memref<1x80xi32, #tpu.memory_space<vmem>> -> memref<80xi32, #tpu.memory_space<vmem>>
        %dma_start3A_867 = tpu.memref_slice %arg3[%add3A_858] : memref<320000xi32, #tpu.memory_space<hbm>> -> memref<80xi32, #tpu.memory_space<hbm>>
        tpu.enqueue_dma source(%dma_start3A_867 : memref<80xi32, #tpu.memory_space<hbm>>) target(%dma_start3A_866 : memref<80xi32, #tpu.memory_space<vmem>>) target_semaphore(%arg28 : memref<!tpu.dma_semaphore, #tpu.memory_space<semaphore_mem>>)
      } else {
      }
      %mul3A_680 = arith.constant 3 : i32
      %mul3A_681 = arith.muli %scan3A_594, %mul3A_680 : i32
      %add3A_682 = arith.constant 1 : i32
      %add3A_683 = arith.addi %mul3A_681, %add3A_682 : i32
      %mul3A_684 = arith.constant 80 : i32
      %mul3A_685 = arith.muli %add3A_683, %mul3A_684 : i32
      %add3A_686 = arith.addi %mul3A_2, %mul3A_685 : i32
      %dma_wait3A_687 = arith.constant 0 : i32
      %dma_wait3A_688 = arith.constant 0 : i32
      %dma_wait3A_689 = tpu.memref_slice %arg14[%dma_wait3A_687, %dma_wait3A_688] : memref<8x80xi32, #tpu.memory_space<vmem>> -> memref<1x80xi32, #tpu.memory_space<vmem>>
      %dma_wait3A_690 = tpu.memref_squeeze %dma_wait3A_689 : memref<1x80xi32, #tpu.memory_space<vmem>> -> memref<80xi32, #tpu.memory_space<vmem>>
      %dma_wait3A_691 = tpu.memref_slice %arg4[%add3A_686] : memref<320000xi32, #tpu.memory_space<hbm>> -> memref<80xi32, #tpu.memory_space<hbm>>
      %dma_wait3A_692 = arith.constant 0 : i32
      %dma_wait3A_693 = tpu.memref_slice %arg14[%dma_wait3A_687, %dma_wait3A_692] : memref<8x80xi32, #tpu.memory_space<vmem>> -> memref<1x80xi32, #tpu.memory_space<vmem>>
      %dma_wait3A_694 = tpu.memref_squeeze %dma_wait3A_693 : memref<1x80xi32, #tpu.memory_space<vmem>> -> memref<80xi32, #tpu.memory_space<vmem>>
      %dma_wait3A_695 = tpu.memref_slice %arg4[%add3A_686] : memref<320000xi32, #tpu.memory_space<hbm>> -> memref<80xi32, #tpu.memory_space<hbm>>
      tpu.wait_dma2 semaphore(%arg26 : memref<!tpu.dma_semaphore, #tpu.memory_space<semaphore_mem>>) src(%dma_wait3A_695 : memref<80xi32, #tpu.memory_space<hbm>>) dst(%dma_wait3A_694 : memref<80xi32, #tpu.memory_space<vmem>>)
      %dma_wait3A_696 = arith.constant 0 : i32
      %dma_wait3A_697 = arith.constant 0 : i32
      %dma_wait3A_698 = tpu.memref_slice %arg17[%dma_wait3A_696, %dma_wait3A_697] : memref<8x80xi32, #tpu.memory_space<vmem>> -> memref<1x80xi32, #tpu.memory_space<vmem>>
      %dma_wait3A_699 = tpu.memref_squeeze %dma_wait3A_698 : memref<1x80xi32, #tpu.memory_space<vmem>> -> memref<80xi32, #tpu.memory_space<vmem>>
      %dma_wait3A_700 = arith.constant 0 : i32
      %dma_wait3A_701 = arith.constant 0 : i32
      %dma_wait3A_702 = tpu.memref_slice %arg2[%dma_wait3A_700, %dma_wait3A_701] : memref<10000x128xf32, #tpu.memory_space<hbm>> -> memref<10000x128xf32, #tpu.memory_space<hbm>>
      tpu.wait_indirect_dma semaphore(%arg20 : memref<!tpu.dma_semaphore, #tpu.memory_space<semaphore_mem>>) src(%dma_wait3A_702 : memref<10000x128xf32, #tpu.memory_space<hbm>>) dst(%arg11 : memref<80x128xf32, #tpu.memory_space<vmem>>)
      %dma_start3A_703 = arith.constant 0 : i32
      %dma_start3A_704 = arith.constant 0 : i32
      %dma_start3A_705 = tpu.memref_slice %arg14[%dma_start3A_703, %dma_start3A_704] : memref<8x80xi32, #tpu.memory_space<vmem>> -> memref<1x80xi32, #tpu.memory_space<vmem>>
      %dma_start3A_706 = tpu.memref_squeeze %dma_start3A_705 : memref<1x80xi32, #tpu.memory_space<vmem>> -> memref<80xi32, #tpu.memory_space<vmem>>
      %dma_start3A_707 = arith.constant 0 : i32
      %dma_start3A_708 = arith.constant 0 : i32
      %dma_start3A_709 = tpu.memref_slice %arg9[%dma_start3A_707, %dma_start3A_708] : memref<10000x128xf32, #tpu.memory_space<vmem_shared>> -> memref<10000x128xf32, #tpu.memory_space<vmem_shared>>
      tpu.enqueue_indirect_dma source(%arg11 : memref<80x128xf32, #tpu.memory_space<vmem>>) target(%dma_start3A_709 : memref<10000x128xf32, #tpu.memory_space<vmem_shared>>) offsets(%dma_start3A_706 : memref<80xi32, #tpu.memory_space<vmem>>) semaphore(%arg23 : memref<!tpu.dma_semaphore, #tpu.memory_space<semaphore_mem>>) {add = true}
      %dma_wait3A_710 = arith.constant 0 : i32
      %dma_wait3A_711 = arith.constant 0 : i32
      %dma_wait3A_712 = tpu.memref_slice %arg13[%dma_wait3A_710, %dma_wait3A_711] : memref<8x80xi32, #tpu.memory_space<vmem>> -> memref<1x80xi32, #tpu.memory_space<vmem>>
      %dma_wait3A_713 = tpu.memref_squeeze %dma_wait3A_712 : memref<1x80xi32, #tpu.memory_space<vmem>> -> memref<80xi32, #tpu.memory_space<vmem>>
      %dma_wait3A_714 = arith.constant 0 : i32
      %dma_wait3A_715 = arith.constant 0 : i32
      %dma_wait3A_716 = tpu.memref_slice %arg9[%dma_wait3A_714, %dma_wait3A_715] : memref<10000x128xf32, #tpu.memory_space<vmem_shared>> -> memref<10000x128xf32, #tpu.memory_space<vmem_shared>>
      tpu.wait_indirect_dma semaphore(%arg22 : memref<!tpu.dma_semaphore, #tpu.memory_space<semaphore_mem>>) src(%arg10 : memref<80x128xf32, #tpu.memory_space<vmem>>) dst(%dma_wait3A_716 : memref<10000x128xf32, #tpu.memory_space<vmem_shared>>)
      %add3A_717 = arith.constant 3 : i32
      %add3A_718 = arith.addi %add3A_683, %add3A_717 : i32
      %sub3A_719 = arith.constant 1 : i32
      %sub3A_720 = arith.subi %add3A_718, %sub3A_719 : i32
      %mul3A_721 = arith.constant 80 : i32
      %mul3A_722 = arith.muli %sub3A_720, %mul3A_721 : i32
      %add3A_723 = arith.addi %mul3A_2, %mul3A_722 : i32
      %dma_start3A_724 = arith.constant 0 : i32
      %dma_start3A_725 = arith.constant 0 : i32
      %dma_start3A_726 = tpu.memref_slice %arg13[%dma_start3A_724, %dma_start3A_725] : memref<8x80xi32, #tpu.memory_space<vmem>> -> memref<1x80xi32, #tpu.memory_space<vmem>>
      %dma_start3A_727 = tpu.memref_squeeze %dma_start3A_726 : memref<1x80xi32, #tpu.memory_space<vmem>> -> memref<80xi32, #tpu.memory_space<vmem>>
      %dma_start3A_728 = tpu.memref_slice %arg4[%add3A_723] : memref<320000xi32, #tpu.memory_space<hbm>> -> memref<80xi32, #tpu.memory_space<hbm>>
      %dma_start3A_729 = arith.constant 0 : i32
      %dma_start3A_730 = tpu.memref_slice %arg13[%dma_start3A_724, %dma_start3A_729] : memref<8x80xi32, #tpu.memory_space<vmem>> -> memref<1x80xi32, #tpu.memory_space<vmem>>
      %dma_start3A_731 = tpu.memref_squeeze %dma_start3A_730 : memref<1x80xi32, #tpu.memory_space<vmem>> -> memref<80xi32, #tpu.memory_space<vmem>>
      %dma_start3A_732 = tpu.memref_slice %arg4[%add3A_723] : memref<320000xi32, #tpu.memory_space<hbm>> -> memref<80xi32, #tpu.memory_space<hbm>>
      tpu.enqueue_dma source(%dma_start3A_732 : memref<80xi32, #tpu.memory_space<hbm>>) target(%dma_start3A_731 : memref<80xi32, #tpu.memory_space<vmem>>) target_semaphore(%arg25 : memref<!tpu.dma_semaphore, #tpu.memory_space<semaphore_mem>>)
      %add3A_733 = arith.constant 3 : i32
      %add3A_734 = arith.addi %add3A_683, %add3A_733 : i32
      %sub3A_735 = arith.constant 1 : i32
      %sub3A_736 = arith.subi %add3A_734, %sub3A_735 : i32
      %mul3A_737 = arith.constant 80 : i32
      %mul3A_738 = arith.muli %sub3A_736, %mul3A_737 : i32
      %add3A_739 = arith.addi %mul3A_2, %mul3A_738 : i32
      %dma_wait3A_740 = arith.constant 0 : i32
      %dma_wait3A_741 = arith.constant 0 : i32
      %dma_wait3A_742 = tpu.memref_slice %arg16[%dma_wait3A_740, %dma_wait3A_741] : memref<8x80xi32, #tpu.memory_space<vmem>> -> memref<1x80xi32, #tpu.memory_space<vmem>>
      %dma_wait3A_743 = tpu.memref_squeeze %dma_wait3A_742 : memref<1x80xi32, #tpu.memory_space<vmem>> -> memref<80xi32, #tpu.memory_space<vmem>>
      %dma_wait3A_744 = tpu.memref_slice %arg3[%add3A_739] : memref<320000xi32, #tpu.memory_space<hbm>> -> memref<80xi32, #tpu.memory_space<hbm>>
      %dma_wait3A_745 = arith.constant 0 : i32
      %dma_wait3A_746 = tpu.memref_slice %arg16[%dma_wait3A_740, %dma_wait3A_745] : memref<8x80xi32, #tpu.memory_space<vmem>> -> memref<1x80xi32, #tpu.memory_space<vmem>>
      %dma_wait3A_747 = tpu.memref_squeeze %dma_wait3A_746 : memref<1x80xi32, #tpu.memory_space<vmem>> -> memref<80xi32, #tpu.memory_space<vmem>>
      %dma_wait3A_748 = tpu.memref_slice %arg3[%add3A_739] : memref<320000xi32, #tpu.memory_space<hbm>> -> memref<80xi32, #tpu.memory_space<hbm>>
      tpu.wait_dma2 semaphore(%arg28 : memref<!tpu.dma_semaphore, #tpu.memory_space<semaphore_mem>>) src(%dma_wait3A_748 : memref<80xi32, #tpu.memory_space<hbm>>) dst(%dma_wait3A_747 : memref<80xi32, #tpu.memory_space<vmem>>)
      %add3A_749 = arith.constant 3 : i32
      %add3A_750 = arith.addi %add3A_683, %add3A_749 : i32
      %sub3A_751 = arith.constant 1 : i32
      %sub3A_752 = arith.subi %add3A_750, %sub3A_751 : i32
      %dma_start3A_753 = arith.constant 0 : i32
      %dma_start3A_754 = arith.constant 0 : i32
      %dma_start3A_755 = tpu.memref_slice %arg16[%dma_start3A_753, %dma_start3A_754] : memref<8x80xi32, #tpu.memory_space<vmem>> -> memref<1x80xi32, #tpu.memory_space<vmem>>
      %dma_start3A_756 = tpu.memref_squeeze %dma_start3A_755 : memref<1x80xi32, #tpu.memory_space<vmem>> -> memref<80xi32, #tpu.memory_space<vmem>>
      %dma_start3A_757 = arith.constant 0 : i32
      %dma_start3A_758 = arith.constant 0 : i32
      %dma_start3A_759 = tpu.memref_slice %arg2[%dma_start3A_757, %dma_start3A_758] : memref<10000x128xf32, #tpu.memory_space<hbm>> -> memref<10000x128xf32, #tpu.memory_space<hbm>>
      tpu.enqueue_indirect_dma source(%dma_start3A_759 : memref<10000x128xf32, #tpu.memory_space<hbm>>) target(%arg10 : memref<80x128xf32, #tpu.memory_space<vmem>>) offsets(%dma_start3A_756 : memref<80xi32, #tpu.memory_space<vmem>>) semaphore(%arg19 : memref<!tpu.dma_semaphore, #tpu.memory_space<semaphore_mem>>)
      %add3A_760 = arith.constant 3 : i32
      %add3A_761 = arith.addi %add3A_683, %add3A_760 : i32
      %lt3A_762 = arith.constant 125 : i32
      %lt3A_763 = arith.cmpi slt, %add3A_761, %lt3A_762 : i32
      %convert_element_type3A_764 = arith.extui %lt3A_763 : i1 to i32
      %cond3A_765 = arith.constant 0 : i32
      %cond3A_766 = arith.cmpi ne, %convert_element_type3A_764, %cond3A_765 : i32
      scf.if %cond3A_766 {
        %add3A_854 = arith.constant 3 : i32
        %add3A_855 = arith.addi %add3A_683, %add3A_854 : i32
        %mul3A_856 = arith.constant 80 : i32
        %mul3A_857 = arith.muli %add3A_855, %mul3A_856 : i32
        %add3A_858 = arith.addi %mul3A_2, %mul3A_857 : i32
        %dma_start3A_859 = arith.constant 0 : i32
        %dma_start3A_860 = arith.constant 0 : i32
        %dma_start3A_861 = tpu.memref_slice %arg17[%dma_start3A_859, %dma_start3A_860] : memref<8x80xi32, #tpu.memory_space<vmem>> -> memref<1x80xi32, #tpu.memory_space<vmem>>
        %dma_start3A_862 = tpu.memref_squeeze %dma_start3A_861 : memref<1x80xi32, #tpu.memory_space<vmem>> -> memref<80xi32, #tpu.memory_space<vmem>>
        %dma_start3A_863 = tpu.memref_slice %arg3[%add3A_858] : memref<320000xi32, #tpu.memory_space<hbm>> -> memref<80xi32, #tpu.memory_space<hbm>>
        %dma_start3A_864 = arith.constant 0 : i32
        %dma_start3A_865 = tpu.memref_slice %arg17[%dma_start3A_859, %dma_start3A_864] : memref<8x80xi32, #tpu.memory_space<vmem>> -> memref<1x80xi32, #tpu.memory_space<vmem>>
        %dma_start3A_866 = tpu.memref_squeeze %dma_start3A_865 : memref<1x80xi32, #tpu.memory_space<vmem>> -> memref<80xi32, #tpu.memory_space<vmem>>
        %dma_start3A_867 = tpu.memref_slice %arg3[%add3A_858] : memref<320000xi32, #tpu.memory_space<hbm>> -> memref<80xi32, #tpu.memory_space<hbm>>
        tpu.enqueue_dma source(%dma_start3A_867 : memref<80xi32, #tpu.memory_space<hbm>>) target(%dma_start3A_866 : memref<80xi32, #tpu.memory_space<vmem>>) target_semaphore(%arg29 : memref<!tpu.dma_semaphore, #tpu.memory_space<semaphore_mem>>)
      } else {
      }
      %mul3A_767 = arith.constant 3 : i32
      %mul3A_768 = arith.muli %scan3A_594, %mul3A_767 : i32
      %add3A_769 = arith.constant 2 : i32
      %add3A_770 = arith.addi %mul3A_768, %add3A_769 : i32
      %mul3A_771 = arith.constant 80 : i32
      %mul3A_772 = arith.muli %add3A_770, %mul3A_771 : i32
      %add3A_773 = arith.addi %mul3A_2, %mul3A_772 : i32
      %dma_wait3A_774 = arith.constant 0 : i32
      %dma_wait3A_775 = arith.constant 0 : i32
      %dma_wait3A_776 = tpu.memref_slice %arg15[%dma_wait3A_774, %dma_wait3A_775] : memref<8x80xi32, #tpu.memory_space<vmem>> -> memref<1x80xi32, #tpu.memory_space<vmem>>
      %dma_wait3A_777 = tpu.memref_squeeze %dma_wait3A_776 : memref<1x80xi32, #tpu.memory_space<vmem>> -> memref<80xi32, #tpu.memory_space<vmem>>
      %dma_wait3A_778 = tpu.memref_slice %arg4[%add3A_773] : memref<320000xi32, #tpu.memory_space<hbm>> -> memref<80xi32, #tpu.memory_space<hbm>>
      %dma_wait3A_779 = arith.constant 0 : i32
      %dma_wait3A_780 = tpu.memref_slice %arg15[%dma_wait3A_774, %dma_wait3A_779] : memref<8x80xi32, #tpu.memory_space<vmem>> -> memref<1x80xi32, #tpu.memory_space<vmem>>
      %dma_wait3A_781 = tpu.memref_squeeze %dma_wait3A_780 : memref<1x80xi32, #tpu.memory_space<vmem>> -> memref<80xi32, #tpu.memory_space<vmem>>
      %dma_wait3A_782 = tpu.memref_slice %arg4[%add3A_773] : memref<320000xi32, #tpu.memory_space<hbm>> -> memref<80xi32, #tpu.memory_space<hbm>>
      tpu.wait_dma2 semaphore(%arg27 : memref<!tpu.dma_semaphore, #tpu.memory_space<semaphore_mem>>) src(%dma_wait3A_782 : memref<80xi32, #tpu.memory_space<hbm>>) dst(%dma_wait3A_781 : memref<80xi32, #tpu.memory_space<vmem>>)
      %dma_wait3A_783 = arith.constant 0 : i32
      %dma_wait3A_784 = arith.constant 0 : i32
      %dma_wait3A_785 = tpu.memref_slice %arg18[%dma_wait3A_783, %dma_wait3A_784] : memref<8x80xi32, #tpu.memory_space<vmem>> -> memref<1x80xi32, #tpu.memory_space<vmem>>
      %dma_wait3A_786 = tpu.memref_squeeze %dma_wait3A_785 : memref<1x80xi32, #tpu.memory_space<vmem>> -> memref<80xi32, #tpu.memory_space<vmem>>
      %dma_wait3A_787 = arith.constant 0 : i32
      %dma_wait3A_788 = arith.constant 0 : i32
      %dma_wait3A_789 = tpu.memref_slice %arg2[%dma_wait3A_787, %dma_wait3A_788] : memref<10000x128xf32, #tpu.memory_space<hbm>> -> memref<10000x128xf32, #tpu.memory_space<hbm>>
      tpu.wait_indirect_dma semaphore(%arg21 : memref<!tpu.dma_semaphore, #tpu.memory_space<semaphore_mem>>) src(%dma_wait3A_789 : memref<10000x128xf32, #tpu.memory_space<hbm>>) dst(%arg12 : memref<80x128xf32, #tpu.memory_space<vmem>>)
      %dma_start3A_790 = arith.constant 0 : i32
      %dma_start3A_791 = arith.constant 0 : i32
      %dma_start3A_792 = tpu.memref_slice %arg15[%dma_start3A_790, %dma_start3A_791] : memref<8x80xi32, #tpu.memory_space<vmem>> -> memref<1x80xi32, #tpu.memory_space<vmem>>
      %dma_start3A_793 = tpu.memref_squeeze %dma_start3A_792 : memref<1x80xi32, #tpu.memory_space<vmem>> -> memref<80xi32, #tpu.memory_space<vmem>>
      %dma_start3A_794 = arith.constant 0 : i32
      %dma_start3A_795 = arith.constant 0 : i32
      %dma_start3A_796 = tpu.memref_slice %arg9[%dma_start3A_794, %dma_start3A_795] : memref<10000x128xf32, #tpu.memory_space<vmem_shared>> -> memref<10000x128xf32, #tpu.memory_space<vmem_shared>>
      tpu.enqueue_indirect_dma source(%arg12 : memref<80x128xf32, #tpu.memory_space<vmem>>) target(%dma_start3A_796 : memref<10000x128xf32, #tpu.memory_space<vmem_shared>>) offsets(%dma_start3A_793 : memref<80xi32, #tpu.memory_space<vmem>>) semaphore(%arg24 : memref<!tpu.dma_semaphore, #tpu.memory_space<semaphore_mem>>) {add = true}
      %dma_wait3A_797 = arith.constant 0 : i32
      %dma_wait3A_798 = arith.constant 0 : i32
      %dma_wait3A_799 = tpu.memref_slice %arg14[%dma_wait3A_797, %dma_wait3A_798] : memref<8x80xi32, #tpu.memory_space<vmem>> -> memref<1x80xi32, #tpu.memory_space<vmem>>
      %dma_wait3A_800 = tpu.memref_squeeze %dma_wait3A_799 : memref<1x80xi32, #tpu.memory_space<vmem>> -> memref<80xi32, #tpu.memory_space<vmem>>
      %dma_wait3A_801 = arith.constant 0 : i32
      %dma_wait3A_802 = arith.constant 0 : i32
      %dma_wait3A_803 = tpu.memref_slice %arg9[%dma_wait3A_801, %dma_wait3A_802] : memref<10000x128xf32, #tpu.memory_space<vmem_shared>> -> memref<10000x128xf32, #tpu.memory_space<vmem_shared>>
      tpu.wait_indirect_dma semaphore(%arg23 : memref<!tpu.dma_semaphore, #tpu.memory_space<semaphore_mem>>) src(%arg11 : memref<80x128xf32, #tpu.memory_space<vmem>>) dst(%dma_wait3A_803 : memref<10000x128xf32, #tpu.memory_space<vmem_shared>>)
      %add3A_804 = arith.constant 3 : i32
      %add3A_805 = arith.addi %add3A_770, %add3A_804 : i32
      %sub3A_806 = arith.constant 1 : i32
      %sub3A_807 = arith.subi %add3A_805, %sub3A_806 : i32
      %mul3A_808 = arith.constant 80 : i32
      %mul3A_809 = arith.muli %sub3A_807, %mul3A_808 : i32
      %add3A_810 = arith.addi %mul3A_2, %mul3A_809 : i32
      %dma_start3A_811 = arith.constant 0 : i32
      %dma_start3A_812 = arith.constant 0 : i32
      %dma_start3A_813 = tpu.memref_slice %arg14[%dma_start3A_811, %dma_start3A_812] : memref<8x80xi32, #tpu.memory_space<vmem>> -> memref<1x80xi32, #tpu.memory_space<vmem>>
      %dma_start3A_814 = tpu.memref_squeeze %dma_start3A_813 : memref<1x80xi32, #tpu.memory_space<vmem>> -> memref<80xi32, #tpu.memory_space<vmem>>
      %dma_start3A_815 = tpu.memref_slice %arg4[%add3A_810] : memref<320000xi32, #tpu.memory_space<hbm>> -> memref<80xi32, #tpu.memory_space<hbm>>
      %dma_start3A_816 = arith.constant 0 : i32
      %dma_start3A_817 = tpu.memref_slice %arg14[%dma_start3A_811, %dma_start3A_816] : memref<8x80xi32, #tpu.memory_space<vmem>> -> memref<1x80xi32, #tpu.memory_space<vmem>>
      %dma_start3A_818 = tpu.memref_squeeze %dma_start3A_817 : memref<1x80xi32, #tpu.memory_space<vmem>> -> memref<80xi32, #tpu.memory_space<vmem>>
      %dma_start3A_819 = tpu.memref_slice %arg4[%add3A_810] : memref<320000xi32, #tpu.memory_space<hbm>> -> memref<80xi32, #tpu.memory_space<hbm>>
      tpu.enqueue_dma source(%dma_start3A_819 : memref<80xi32, #tpu.memory_space<hbm>>) target(%dma_start3A_818 : memref<80xi32, #tpu.memory_space<vmem>>) target_semaphore(%arg26 : memref<!tpu.dma_semaphore, #tpu.memory_space<semaphore_mem>>)
      %add3A_820 = arith.constant 3 : i32
      %add3A_821 = arith.addi %add3A_770, %add3A_820 : i32
      %sub3A_822 = arith.constant 1 : i32
      %sub3A_823 = arith.subi %add3A_821, %sub3A_822 : i32
      %mul3A_824 = arith.constant 80 : i32
      %mul3A_825 = arith.muli %sub3A_823, %mul3A_824 : i32
      %add3A_826 = arith.addi %mul3A_2, %mul3A_825 : i32
      %dma_wait3A_827 = arith.constant 0 : i32
      %dma_wait3A_828 = arith.constant 0 : i32
      %dma_wait3A_829 = tpu.memref_slice %arg17[%dma_wait3A_827, %dma_wait3A_828] : memref<8x80xi32, #tpu.memory_space<vmem>> -> memref<1x80xi32, #tpu.memory_space<vmem>>
      %dma_wait3A_830 = tpu.memref_squeeze %dma_wait3A_829 : memref<1x80xi32, #tpu.memory_space<vmem>> -> memref<80xi32, #tpu.memory_space<vmem>>
      %dma_wait3A_831 = tpu.memref_slice %arg3[%add3A_826] : memref<320000xi32, #tpu.memory_space<hbm>> -> memref<80xi32, #tpu.memory_space<hbm>>
      %dma_wait3A_832 = arith.constant 0 : i32
      %dma_wait3A_833 = tpu.memref_slice %arg17[%dma_wait3A_827, %dma_wait3A_832] : memref<8x80xi32, #tpu.memory_space<vmem>> -> memref<1x80xi32, #tpu.memory_space<vmem>>
      %dma_wait3A_834 = tpu.memref_squeeze %dma_wait3A_833 : memref<1x80xi32, #tpu.memory_space<vmem>> -> memref<80xi32, #tpu.memory_space<vmem>>
      %dma_wait3A_835 = tpu.memref_slice %arg3[%add3A_826] : memref<320000xi32, #tpu.memory_space<hbm>> -> memref<80xi32, #tpu.memory_space<hbm>>
      tpu.wait_dma2 semaphore(%arg29 : memref<!tpu.dma_semaphore, #tpu.memory_space<semaphore_mem>>) src(%dma_wait3A_835 : memref<80xi32, #tpu.memory_space<hbm>>) dst(%dma_wait3A_834 : memref<80xi32, #tpu.memory_space<vmem>>)
      %add3A_836 = arith.constant 3 : i32
      %add3A_837 = arith.addi %add3A_770, %add3A_836 : i32
      %sub3A_838 = arith.constant 1 : i32
      %sub3A_839 = arith.subi %add3A_837, %sub3A_838 : i32
      %dma_start3A_840 = arith.constant 0 : i32
      %dma_start3A_841 = arith.constant 0 : i32
      %dma_start3A_842 = tpu.memref_slice %arg17[%dma_start3A_840, %dma_start3A_841] : memref<8x80xi32, #tpu.memory_space<vmem>> -> memref<1x80xi32, #tpu.memory_space<vmem>>
      %dma_start3A_843 = tpu.memref_squeeze %dma_start3A_842 : memref<1x80xi32, #tpu.memory_space<vmem>> -> memref<80xi32, #tpu.memory_space<vmem>>
      %dma_start3A_844 = arith.constant 0 : i32
      %dma_start3A_845 = arith.constant 0 : i32
      %dma_start3A_846 = tpu.memref_slice %arg2[%dma_start3A_844, %dma_start3A_845] : memref<10000x128xf32, #tpu.memory_space<hbm>> -> memref<10000x128xf32, #tpu.memory_space<hbm>>
      tpu.enqueue_indirect_dma source(%dma_start3A_846 : memref<10000x128xf32, #tpu.memory_space<hbm>>) target(%arg11 : memref<80x128xf32, #tpu.memory_space<vmem>>) offsets(%dma_start3A_843 : memref<80xi32, #tpu.memory_space<vmem>>) semaphore(%arg20 : memref<!tpu.dma_semaphore, #tpu.memory_space<semaphore_mem>>)
      %add3A_847 = arith.constant 3 : i32
      %add3A_848 = arith.addi %add3A_770, %add3A_847 : i32
      %lt3A_849 = arith.constant 125 : i32
      %lt3A_850 = arith.cmpi slt, %add3A_848, %lt3A_849 : i32
      %convert_element_type3A_851 = arith.extui %lt3A_850 : i1 to i32
      %cond3A_852 = arith.constant 0 : i32
      %cond3A_853 = arith.cmpi ne, %convert_element_type3A_851, %cond3A_852 : i32
      scf.if %cond3A_853 {
        %add3A_854 = arith.constant 3 : i32
        %add3A_855 = arith.addi %add3A_770, %add3A_854 : i32
        %mul3A_856 = arith.constant 80 : i32
        %mul3A_857 = arith.muli %add3A_855, %mul3A_856 : i32
        %add3A_858 = arith.addi %mul3A_2, %mul3A_857 : i32
        %dma_start3A_859 = arith.constant 0 : i32
        %dma_start3A_860 = arith.constant 0 : i32
        %dma_start3A_861 = tpu.memref_slice %arg18[%dma_start3A_859, %dma_start3A_860] : memref<8x80xi32, #tpu.memory_space<vmem>> -> memref<1x80xi32, #tpu.memory_space<vmem>>
        %dma_start3A_862 = tpu.memref_squeeze %dma_start3A_861 : memref<1x80xi32, #tpu.memory_space<vmem>> -> memref<80xi32, #tpu.memory_space<vmem>>
        %dma_start3A_863 = tpu.memref_slice %arg3[%add3A_858] : memref<320000xi32, #tpu.memory_space<hbm>> -> memref<80xi32, #tpu.memory_space<hbm>>
        %dma_start3A_864 = arith.constant 0 : i32
        %dma_start3A_865 = tpu.memref_slice %arg18[%dma_start3A_859, %dma_start3A_864] : memref<8x80xi32, #tpu.memory_space<vmem>> -> memref<1x80xi32, #tpu.memory_space<vmem>>
        %dma_start3A_866 = tpu.memref_squeeze %dma_start3A_865 : memref<1x80xi32, #tpu.memory_space<vmem>> -> memref<80xi32, #tpu.memory_space<vmem>>
        %dma_start3A_867 = tpu.memref_slice %arg3[%add3A_858] : memref<320000xi32, #tpu.memory_space<hbm>> -> memref<80xi32, #tpu.memory_space<hbm>>
        tpu.enqueue_dma source(%dma_start3A_867 : memref<80xi32, #tpu.memory_space<hbm>>) target(%dma_start3A_866 : memref<80xi32, #tpu.memory_space<vmem>>) target_semaphore(%arg30 : memref<!tpu.dma_semaphore, #tpu.memory_space<semaphore_mem>>)
      } else {
      }
    }
    %scan3A_514 = arith.constant 40 : i32
    %add3A_515 = arith.constant 9840 : i32
    %add3A_516 = arith.addi %mul3A_2, %add3A_515 : i32
    %dma_wait3A_517 = arith.constant 0 : i32
    %dma_wait3A_518 = arith.constant 0 : i32
    %dma_wait3A_519 = tpu.memref_slice %arg13[%dma_wait3A_517, %dma_wait3A_518] : memref<8x80xi32, #tpu.memory_space<vmem>> -> memref<1x80xi32, #tpu.memory_space<vmem>>
    %dma_wait3A_520 = tpu.memref_squeeze %dma_wait3A_519 : memref<1x80xi32, #tpu.memory_space<vmem>> -> memref<80xi32, #tpu.memory_space<vmem>>
    %dma_wait3A_521 = tpu.memref_slice %arg4[%add3A_516] : memref<320000xi32, #tpu.memory_space<hbm>> -> memref<80xi32, #tpu.memory_space<hbm>>
    %dma_wait3A_522 = arith.constant 0 : i32
    %dma_wait3A_523 = tpu.memref_slice %arg13[%dma_wait3A_517, %dma_wait3A_522] : memref<8x80xi32, #tpu.memory_space<vmem>> -> memref<1x80xi32, #tpu.memory_space<vmem>>
    %dma_wait3A_524 = tpu.memref_squeeze %dma_wait3A_523 : memref<1x80xi32, #tpu.memory_space<vmem>> -> memref<80xi32, #tpu.memory_space<vmem>>
    %dma_wait3A_525 = tpu.memref_slice %arg4[%add3A_516] : memref<320000xi32, #tpu.memory_space<hbm>> -> memref<80xi32, #tpu.memory_space<hbm>>
    tpu.wait_dma2 semaphore(%arg25 : memref<!tpu.dma_semaphore, #tpu.memory_space<semaphore_mem>>) src(%dma_wait3A_525 : memref<80xi32, #tpu.memory_space<hbm>>) dst(%dma_wait3A_524 : memref<80xi32, #tpu.memory_space<vmem>>)
    %dma_wait3A_526 = arith.constant 0 : i32
    %dma_wait3A_527 = arith.constant 0 : i32
    %dma_wait3A_528 = tpu.memref_slice %arg16[%dma_wait3A_526, %dma_wait3A_527] : memref<8x80xi32, #tpu.memory_space<vmem>> -> memref<1x80xi32, #tpu.memory_space<vmem>>
    %dma_wait3A_529 = tpu.memref_squeeze %dma_wait3A_528 : memref<1x80xi32, #tpu.memory_space<vmem>> -> memref<80xi32, #tpu.memory_space<vmem>>
    %dma_wait3A_530 = arith.constant 0 : i32
    %dma_wait3A_531 = arith.constant 0 : i32
    %dma_wait3A_532 = tpu.memref_slice %arg2[%dma_wait3A_530, %dma_wait3A_531] : memref<10000x128xf32, #tpu.memory_space<hbm>> -> memref<10000x128xf32, #tpu.memory_space<hbm>>
    tpu.wait_indirect_dma semaphore(%arg19 : memref<!tpu.dma_semaphore, #tpu.memory_space<semaphore_mem>>) src(%dma_wait3A_532 : memref<10000x128xf32, #tpu.memory_space<hbm>>) dst(%arg10 : memref<80x128xf32, #tpu.memory_space<vmem>>)
    %dma_start3A_533 = arith.constant 0 : i32
    %dma_start3A_534 = arith.constant 0 : i32
    %dma_start3A_535 = tpu.memref_slice %arg13[%dma_start3A_533, %dma_start3A_534] : memref<8x80xi32, #tpu.memory_space<vmem>> -> memref<1x80xi32, #tpu.memory_space<vmem>>
    %dma_start3A_536 = tpu.memref_squeeze %dma_start3A_535 : memref<1x80xi32, #tpu.memory_space<vmem>> -> memref<80xi32, #tpu.memory_space<vmem>>
    %dma_start3A_537 = arith.constant 0 : i32
    %dma_start3A_538 = arith.constant 0 : i32
    %dma_start3A_539 = tpu.memref_slice %arg9[%dma_start3A_537, %dma_start3A_538] : memref<10000x128xf32, #tpu.memory_space<vmem_shared>> -> memref<10000x128xf32, #tpu.memory_space<vmem_shared>>
    tpu.enqueue_indirect_dma source(%arg10 : memref<80x128xf32, #tpu.memory_space<vmem>>) target(%dma_start3A_539 : memref<10000x128xf32, #tpu.memory_space<vmem_shared>>) offsets(%dma_start3A_536 : memref<80xi32, #tpu.memory_space<vmem>>) semaphore(%arg22 : memref<!tpu.dma_semaphore, #tpu.memory_space<semaphore_mem>>) {add = true}
    %dma_wait3A_540 = arith.constant 0 : i32
    %dma_wait3A_541 = arith.constant 0 : i32
    %dma_wait3A_542 = tpu.memref_slice %arg15[%dma_wait3A_540, %dma_wait3A_541] : memref<8x80xi32, #tpu.memory_space<vmem>> -> memref<1x80xi32, #tpu.memory_space<vmem>>
    %dma_wait3A_543 = tpu.memref_squeeze %dma_wait3A_542 : memref<1x80xi32, #tpu.memory_space<vmem>> -> memref<80xi32, #tpu.memory_space<vmem>>
    %dma_wait3A_544 = arith.constant 0 : i32
    %dma_wait3A_545 = arith.constant 0 : i32
    %dma_wait3A_546 = tpu.memref_slice %arg9[%dma_wait3A_544, %dma_wait3A_545] : memref<10000x128xf32, #tpu.memory_space<vmem_shared>> -> memref<10000x128xf32, #tpu.memory_space<vmem_shared>>
    tpu.wait_indirect_dma semaphore(%arg24 : memref<!tpu.dma_semaphore, #tpu.memory_space<semaphore_mem>>) src(%arg12 : memref<80x128xf32, #tpu.memory_space<vmem>>) dst(%dma_wait3A_546 : memref<10000x128xf32, #tpu.memory_space<vmem_shared>>)
    %add3A_547 = arith.constant 9920 : i32
    %add3A_548 = arith.addi %mul3A_2, %add3A_547 : i32
    %dma_wait3A_549 = arith.constant 0 : i32
    %dma_wait3A_550 = arith.constant 0 : i32
    %dma_wait3A_551 = tpu.memref_slice %arg14[%dma_wait3A_549, %dma_wait3A_550] : memref<8x80xi32, #tpu.memory_space<vmem>> -> memref<1x80xi32, #tpu.memory_space<vmem>>
    %dma_wait3A_552 = tpu.memref_squeeze %dma_wait3A_551 : memref<1x80xi32, #tpu.memory_space<vmem>> -> memref<80xi32, #tpu.memory_space<vmem>>
    %dma_wait3A_553 = tpu.memref_slice %arg4[%add3A_548] : memref<320000xi32, #tpu.memory_space<hbm>> -> memref<80xi32, #tpu.memory_space<hbm>>
    %dma_wait3A_554 = arith.constant 0 : i32
    %dma_wait3A_555 = tpu.memref_slice %arg14[%dma_wait3A_549, %dma_wait3A_554] : memref<8x80xi32, #tpu.memory_space<vmem>> -> memref<1x80xi32, #tpu.memory_space<vmem>>
    %dma_wait3A_556 = tpu.memref_squeeze %dma_wait3A_555 : memref<1x80xi32, #tpu.memory_space<vmem>> -> memref<80xi32, #tpu.memory_space<vmem>>
    %dma_wait3A_557 = tpu.memref_slice %arg4[%add3A_548] : memref<320000xi32, #tpu.memory_space<hbm>> -> memref<80xi32, #tpu.memory_space<hbm>>
    tpu.wait_dma2 semaphore(%arg26 : memref<!tpu.dma_semaphore, #tpu.memory_space<semaphore_mem>>) src(%dma_wait3A_557 : memref<80xi32, #tpu.memory_space<hbm>>) dst(%dma_wait3A_556 : memref<80xi32, #tpu.memory_space<vmem>>)
    %dma_wait3A_558 = arith.constant 0 : i32
    %dma_wait3A_559 = arith.constant 0 : i32
    %dma_wait3A_560 = tpu.memref_slice %arg17[%dma_wait3A_558, %dma_wait3A_559] : memref<8x80xi32, #tpu.memory_space<vmem>> -> memref<1x80xi32, #tpu.memory_space<vmem>>
    %dma_wait3A_561 = tpu.memref_squeeze %dma_wait3A_560 : memref<1x80xi32, #tpu.memory_space<vmem>> -> memref<80xi32, #tpu.memory_space<vmem>>
    %dma_wait3A_562 = arith.constant 0 : i32
    %dma_wait3A_563 = arith.constant 0 : i32
    %dma_wait3A_564 = tpu.memref_slice %arg2[%dma_wait3A_562, %dma_wait3A_563] : memref<10000x128xf32, #tpu.memory_space<hbm>> -> memref<10000x128xf32, #tpu.memory_space<hbm>>
    tpu.wait_indirect_dma semaphore(%arg20 : memref<!tpu.dma_semaphore, #tpu.memory_space<semaphore_mem>>) src(%dma_wait3A_564 : memref<10000x128xf32, #tpu.memory_space<hbm>>) dst(%arg11 : memref<80x128xf32, #tpu.memory_space<vmem>>)
    %dma_start3A_565 = arith.constant 0 : i32
    %dma_start3A_566 = arith.constant 0 : i32
    %dma_start3A_567 = tpu.memref_slice %arg14[%dma_start3A_565, %dma_start3A_566] : memref<8x80xi32, #tpu.memory_space<vmem>> -> memref<1x80xi32, #tpu.memory_space<vmem>>
    %dma_start3A_568 = tpu.memref_squeeze %dma_start3A_567 : memref<1x80xi32, #tpu.memory_space<vmem>> -> memref<80xi32, #tpu.memory_space<vmem>>
    %dma_start3A_569 = arith.constant 0 : i32
    %dma_start3A_570 = arith.constant 0 : i32
    %dma_start3A_571 = tpu.memref_slice %arg9[%dma_start3A_569, %dma_start3A_570] : memref<10000x128xf32, #tpu.memory_space<vmem_shared>> -> memref<10000x128xf32, #tpu.memory_space<vmem_shared>>
    tpu.enqueue_indirect_dma source(%arg11 : memref<80x128xf32, #tpu.memory_space<vmem>>) target(%dma_start3A_571 : memref<10000x128xf32, #tpu.memory_space<vmem_shared>>) offsets(%dma_start3A_568 : memref<80xi32, #tpu.memory_space<vmem>>) semaphore(%arg23 : memref<!tpu.dma_semaphore, #tpu.memory_space<semaphore_mem>>) {add = true}
    %dma_wait3A_572 = arith.constant 0 : i32
    %dma_wait3A_573 = arith.constant 0 : i32
    %dma_wait3A_574 = tpu.memref_slice %arg13[%dma_wait3A_572, %dma_wait3A_573] : memref<8x80xi32, #tpu.memory_space<vmem>> -> memref<1x80xi32, #tpu.memory_space<vmem>>
    %dma_wait3A_575 = tpu.memref_squeeze %dma_wait3A_574 : memref<1x80xi32, #tpu.memory_space<vmem>> -> memref<80xi32, #tpu.memory_space<vmem>>
    %dma_wait3A_576 = arith.constant 0 : i32
    %dma_wait3A_577 = arith.constant 0 : i32
    %dma_wait3A_578 = tpu.memref_slice %arg9[%dma_wait3A_576, %dma_wait3A_577] : memref<10000x128xf32, #tpu.memory_space<vmem_shared>> -> memref<10000x128xf32, #tpu.memory_space<vmem_shared>>
    tpu.wait_indirect_dma semaphore(%arg22 : memref<!tpu.dma_semaphore, #tpu.memory_space<semaphore_mem>>) src(%arg10 : memref<80x128xf32, #tpu.memory_space<vmem>>) dst(%dma_wait3A_578 : memref<10000x128xf32, #tpu.memory_space<vmem_shared>>)
    %dma_wait3A_579 = arith.constant 0 : i32
    %dma_wait3A_580 = arith.constant 0 : i32
    %dma_wait3A_581 = tpu.memref_slice %arg14[%dma_wait3A_579, %dma_wait3A_580] : memref<8x80xi32, #tpu.memory_space<vmem>> -> memref<1x80xi32, #tpu.memory_space<vmem>>
    %dma_wait3A_582 = tpu.memref_squeeze %dma_wait3A_581 : memref<1x80xi32, #tpu.memory_space<vmem>> -> memref<80xi32, #tpu.memory_space<vmem>>
    %dma_wait3A_583 = arith.constant 0 : i32
    %dma_wait3A_584 = arith.constant 0 : i32
    %dma_wait3A_585 = tpu.memref_slice %arg9[%dma_wait3A_583, %dma_wait3A_584] : memref<10000x128xf32, #tpu.memory_space<vmem_shared>> -> memref<10000x128xf32, #tpu.memory_space<vmem_shared>>
    tpu.wait_indirect_dma semaphore(%arg23 : memref<!tpu.dma_semaphore, #tpu.memory_space<semaphore_mem>>) src(%arg11 : memref<80x128xf32, #tpu.memory_space<vmem>>) dst(%dma_wait3A_585 : memref<10000x128xf32, #tpu.memory_space<vmem_shared>>)
    %barrier3A_586 = arith.constant 0 : index
    tpu.barrier barrier_id(%barrier3A_586)
    %mul3A_587 = arith.constant 624 : i32
    %mul3A_588 = arith.muli %arg1, %mul3A_587 : i32
    "tpu.region"() ({
      %run_scoped3A = tpu.sem_alloc : memref<!tpu.dma_semaphore, #tpu.memory_space<semaphore_mem>>
      %dma_start3A_594 = arith.constant 0 : i32
      %dma_start3A_595 = tpu.memref_slice %arg7[%arg0, %mul3A_588, %dma_start3A_594] : memref<2x10000x128xf32, #tpu.memory_space<hbm>> -> memref<1x624x128xf32, #tpu.memory_space<hbm>>
      %dma_start3A_596 = tpu.memref_squeeze %dma_start3A_595 : memref<1x624x128xf32, #tpu.memory_space<hbm>> -> memref<624x128xf32, #tpu.memory_space<hbm>>
      %dma_start3A_597 = arith.constant 0 : i32
      %dma_start3A_598 = tpu.memref_slice %arg9[%mul3A_588, %dma_start3A_597] : memref<10000x128xf32, #tpu.memory_space<vmem_shared>> -> memref<624x128xf32, #tpu.memory_space<vmem_shared>>
      tpu.enqueue_dma source(%dma_start3A_598 : memref<624x128xf32, #tpu.memory_space<vmem_shared>>) target(%dma_start3A_596 : memref<624x128xf32, #tpu.memory_space<hbm>>) target_semaphore(%run_scoped3A : memref<!tpu.dma_semaphore, #tpu.memory_space<semaphore_mem>>)
      %dma_wait3A_599 = arith.constant 0 : i32
      %dma_wait3A_600 = tpu.memref_slice %arg7[%arg0, %mul3A_588, %dma_wait3A_599] : memref<2x10000x128xf32, #tpu.memory_space<hbm>> -> memref<1x624x128xf32, #tpu.memory_space<hbm>>
      %dma_wait3A_601 = tpu.memref_squeeze %dma_wait3A_600 : memref<1x624x128xf32, #tpu.memory_space<hbm>> -> memref<624x128xf32, #tpu.memory_space<hbm>>
      %dma_wait3A_602 = arith.constant 0 : i32
      %dma_wait3A_603 = tpu.memref_slice %arg9[%mul3A_588, %dma_wait3A_602] : memref<10000x128xf32, #tpu.memory_space<vmem_shared>> -> memref<624x128xf32, #tpu.memory_space<vmem_shared>>
      tpu.wait_dma2 semaphore(%run_scoped3A : memref<!tpu.dma_semaphore, #tpu.memory_space<semaphore_mem>>) src(%dma_wait3A_603 : memref<624x128xf32, #tpu.memory_space<vmem_shared>>) dst(%dma_wait3A_601 : memref<624x128xf32, #tpu.memory_space<hbm>>)
      tpu.yield
    }) : () -> ()
    %eq3A_589 = arith.constant 15 : i32
    %eq3A_590 = arith.cmpi eq, %arg1, %eq3A_589 : i32
    %convert_element_type3A_591 = arith.extui %eq3A_590 : i1 to i32
    %cond3A_592 = arith.constant 0 : i32
    %cond3A_593 = arith.cmpi ne, %convert_element_type3A_591, %cond3A_592 : i32
    scf.if %cond3A_593 {
      "tpu.region"() ({
        %run_scoped3A = tpu.sem_alloc : memref<!tpu.dma_semaphore, #tpu.memory_space<semaphore_mem>>
        %dma_start3A_594 = arith.constant 9984 : i32
        %dma_start3A_595 = arith.constant 0 : i32
        %dma_start3A_596 = tpu.memref_slice %arg7[%arg0, %dma_start3A_594, %dma_start3A_595] : memref<2x10000x128xf32, #tpu.memory_space<hbm>> -> memref<1x16x128xf32, #tpu.memory_space<hbm>>
        %dma_start3A_597 = tpu.memref_squeeze %dma_start3A_596 : memref<1x16x128xf32, #tpu.memory_space<hbm>> -> memref<16x128xf32, #tpu.memory_space<hbm>>
        %dma_start3A_598 = arith.constant 9984 : i32
        %dma_start3A_599 = arith.constant 0 : i32
        %dma_start3A_600 = tpu.memref_slice %arg9[%dma_start3A_598, %dma_start3A_599] : memref<10000x128xf32, #tpu.memory_space<vmem_shared>> -> memref<16x128xf32, #tpu.memory_space<vmem_shared>>
        tpu.enqueue_dma source(%dma_start3A_600 : memref<16x128xf32, #tpu.memory_space<vmem_shared>>) target(%dma_start3A_597 : memref<16x128xf32, #tpu.memory_space<hbm>>) target_semaphore(%run_scoped3A : memref<!tpu.dma_semaphore, #tpu.memory_space<semaphore_mem>>)
        %dma_wait3A_601 = arith.constant 9984 : i32
        %dma_wait3A_602 = arith.constant 0 : i32
        %dma_wait3A_603 = tpu.memref_slice %arg7[%arg0, %dma_wait3A_601, %dma_wait3A_602] : memref<2x10000x128xf32, #tpu.memory_space<hbm>> -> memref<1x16x128xf32, #tpu.memory_space<hbm>>
        %dma_wait3A_604 = tpu.memref_squeeze %dma_wait3A_603 : memref<1x16x128xf32, #tpu.memory_space<hbm>> -> memref<16x128xf32, #tpu.memory_space<hbm>>
        %dma_wait3A_605 = arith.constant 9984 : i32
        %dma_wait3A_606 = arith.constant 0 : i32
        %dma_wait3A_607 = tpu.memref_slice %arg9[%dma_wait3A_605, %dma_wait3A_606] : memref<10000x128xf32, #tpu.memory_space<vmem_shared>> -> memref<16x128xf32, #tpu.memory_space<vmem_shared>>
        tpu.wait_dma2 semaphore(%run_scoped3A : memref<!tpu.dma_semaphore, #tpu.memory_space<semaphore_mem>>) src(%dma_wait3A_607 : memref<16x128xf32, #tpu.memory_space<vmem_shared>>) dst(%dma_wait3A_604 : memref<16x128xf32, #tpu.memory_space<hbm>>)
        tpu.yield
      }) : () -> ()
    } else {
    }
    return
  }
}

module attributes {stable_mosaic.version = 14 : i64} {
  func.func @sage_tc_relu(%arg0: i32, %arg1: memref<2x2000x128xf32, #tpu.memory_space<vmem>>, %arg2: memref<2x2000x128xf32, #tpu.memory_space<vmem>>, %arg3: memref<2000x128xf32, #tpu.memory_space<vmem>>, %arg4: memref<128x128xf32, #tpu.memory_space<vmem>>, %arg5: memref<128x128xf32, #tpu.memory_space<vmem>>, %arg6: memref<1x128xf32, #tpu.memory_space<vmem>>, %arg7: memref<2000x128xf32, #tpu.memory_space<vmem>>) attributes {dimension_semantics = [#tpu.dimension_semantics<arbitrary>], iteration_bounds = array<i64: 5>, scalar_prefetch = 0 : i64, scratch_operands = 0 : i64, tpu.core_type = #tpu.core_type<tc>, window_params = [{transform_indices = @transform_0, window_bounds = array<i64: 2, 2000, 128>}, {transform_indices = @transform_1, window_bounds = array<i64: 2, 2000, 128>}, {transform_indices = @transform_2, window_bounds = array<i64: 2000, 128>}, {pipeline_mode = #tpu.pipeline_mode<synchronous>, transform_indices = @transform_3, window_bounds = array<i64: 128, 128>}, {pipeline_mode = #tpu.pipeline_mode<synchronous>, transform_indices = @transform_4, window_bounds = array<i64: 128, 128>}, {pipeline_mode = #tpu.pipeline_mode<synchronous>, transform_indices = @transform_5, window_bounds = array<i64: 1, 128>}, {transform_indices = @transform_6, window_bounds = array<i64: 2000, 128>}]} {
    %get3A = arith.constant 0 : index
    %get3A_0 = arith.constant 0 : index
    %get3A_1 = arith.constant 0 : index
    %get3A_2 = vector.load %arg1[%get3A, %get3A_0, %get3A_1] : memref<2x2000x128xf32, #tpu.memory_space<vmem>>, vector<1x2000x128xf32>
    %get3A_3 = vector.shape_cast %get3A_2 : vector<1x2000x128xf32> to vector<2000x128xf32>
    %get3A_4 = arith.constant 1 : index
    %get3A_5 = arith.constant 0 : index
    %get3A_6 = arith.constant 0 : index
    %get3A_7 = vector.load %arg1[%get3A_4, %get3A_5, %get3A_6] : memref<2x2000x128xf32, #tpu.memory_space<vmem>>, vector<1x2000x128xf32>
    %get3A_8 = vector.shape_cast %get3A_7 : vector<1x2000x128xf32> to vector<2000x128xf32>
    %add3A = arith.addf %get3A_3, %get3A_8 : vector<2000x128xf32>
    %get3A_9 = arith.constant 0 : index
    %get3A_10 = arith.constant 0 : index
    %get3A_11 = arith.constant 0 : index
    %get3A_12 = vector.load %arg2[%get3A_9, %get3A_10, %get3A_11] : memref<2x2000x128xf32, #tpu.memory_space<vmem>>, vector<1x2000x1xf32>
    %get3A_13 = vector.shape_cast %get3A_12 : vector<1x2000x1xf32> to vector<2000x1xf32>
    %get3A_14 = arith.constant 1 : index
    %get3A_15 = arith.constant 0 : index
    %get3A_16 = arith.constant 0 : index
    %get3A_17 = vector.load %arg2[%get3A_14, %get3A_15, %get3A_16] : memref<2x2000x128xf32, #tpu.memory_space<vmem>>, vector<1x2000x1xf32>
    %get3A_18 = vector.shape_cast %get3A_17 : vector<1x2000x1xf32> to vector<2000x1xf32>
    %add3A_19 = arith.addf %get3A_13, %get3A_18 : vector<2000x1xf32>
    %max3A = arith.constant 1.000000e+00 : f32
    %max3A_20 = vector.broadcast %max3A : f32 to vector<2000x1xf32>
    %max3A_21 = arith.maximumf %add3A_19, %max3A_20 : vector<2000x1xf32>
    %div3A = vector.broadcast %max3A_21 : vector<2000x1xf32> to vector<2000x128xf32>
    %div3A_22 = arith.divf %add3A, %div3A : vector<2000x128xf32>
    %get3A_23 = arith.constant 0 : index
    %get3A_24 = arith.constant 0 : index
    %get3A_25 = vector.load %arg4[%get3A_23, %get3A_24] : memref<128x128xf32, #tpu.memory_space<vmem>>, vector<128x128xf32>
    %dot_general3A = arith.constant dense<0.000000e+00> : vector<2000x128xf32>
    %dot_general3A_26 = tpu.matmul %div3A_22, %get3A_25, %dot_general3A {dimension_numbers = #tpu.dot_dimension_numbers<[1], [0], [0], [1], [0, 0, 1, 1], [], []>, transpose_lhs_hint = false} : vector<2000x128xf32>, vector<128x128xf32>, vector<2000x128xf32> -> vector<2000x128xf32>
    %get3A_27 = arith.constant 0 : index
    %get3A_28 = arith.constant 0 : index
    %get3A_29 = vector.load %arg3[%get3A_27, %get3A_28] : memref<2000x128xf32, #tpu.memory_space<vmem>>, vector<2000x128xf32>
    %get3A_30 = arith.constant 0 : index
    %get3A_31 = arith.constant 0 : index
    %get3A_32 = vector.load %arg5[%get3A_30, %get3A_31] : memref<128x128xf32, #tpu.memory_space<vmem>>, vector<128x128xf32>
    %dot_general3A_33 = arith.constant dense<0.000000e+00> : vector<2000x128xf32>
    %dot_general3A_34 = tpu.matmul %get3A_29, %get3A_32, %dot_general3A_33 {dimension_numbers = #tpu.dot_dimension_numbers<[1], [0], [0], [1], [0, 0, 1, 1], [], []>, transpose_lhs_hint = false} : vector<2000x128xf32>, vector<128x128xf32>, vector<2000x128xf32> -> vector<2000x128xf32>
    %add3A_35 = arith.addf %dot_general3A_26, %dot_general3A_34 : vector<2000x128xf32>
    %get3A_36 = arith.constant 0 : index
    %get3A_37 = arith.constant 0 : index
    %get3A_38 = vector.load %arg6[%get3A_36, %get3A_37] : memref<1x128xf32, #tpu.memory_space<vmem>>, vector<1x128xf32>
    %add3A_39 = vector.broadcast %get3A_38 : vector<1x128xf32> to vector<2000x128xf32>
    %add3A_40 = arith.addf %add3A_35, %add3A_39 : vector<2000x128xf32>
    %max3A_41 = arith.constant 0.000000e+00 : f32
    %max3A_42 = vector.broadcast %max3A_41 : f32 to vector<2000x128xf32>
    %max3A_43 = arith.maximumf %add3A_40, %max3A_42 : vector<2000x128xf32>
    %swap3A = arith.constant 0 : index
    %swap3A_44 = arith.constant 0 : index
    %swap3A_45 = vector.load %arg7[%swap3A, %swap3A_44] : memref<2000x128xf32, #tpu.memory_space<vmem>>, vector<2000x128xf32>
    tpu.vector_store %arg7[%swap3A, %swap3A_44], %max3A_43 {strides = array<i32>} : memref<2000x128xf32, #tpu.memory_space<vmem>>, vector<2000x128xf32>,
    return
  }
  func.func @transform_0(%arg0: i32) -> (i32, i32, i32) {
    %c0_i32 = arith.constant 0 : i32
    %c0_i32_0 = arith.constant 0 : i32
    %c0_i32_1 = arith.constant 0 : i32
    return %c0_i32, %arg0, %c0_i32_0 : i32, i32, i32
  }
  func.func @transform_1(%arg0: i32) -> (i32, i32, i32) {
    %c0_i32 = arith.constant 0 : i32
    %c0_i32_0 = arith.constant 0 : i32
    %c0_i32_1 = arith.constant 0 : i32
    return %c0_i32, %arg0, %c0_i32_0 : i32, i32, i32
  }
  func.func @transform_2(%arg0: i32) -> (i32, i32) {
    %c0_i32 = arith.constant 0 : i32
    %c0_i32_0 = arith.constant 0 : i32
    return %arg0, %c0_i32 : i32, i32
  }
  func.func @transform_3(%arg0: i32) -> (i32, i32) {
    %c0_i32 = arith.constant 0 : i32
    %c0_i32_0 = arith.constant 0 : i32
    %c0_i32_1 = arith.constant 0 : i32
    return %c0_i32, %c0_i32_0 : i32, i32
  }
  func.func @transform_4(%arg0: i32) -> (i32, i32) {
    %c0_i32 = arith.constant 0 : i32
    %c0_i32_0 = arith.constant 0 : i32
    %c0_i32_1 = arith.constant 0 : i32
    return %c0_i32, %c0_i32_0 : i32, i32
  }
  func.func @transform_5(%arg0: i32) -> (i32, i32) {
    %c0_i32 = arith.constant 0 : i32
    %c0_i32_0 = arith.constant 0 : i32
    %c0_i32_1 = arith.constant 0 : i32
    return %c0_i32, %c0_i32_0 : i32, i32
  }
  func.func @transform_6(%arg0: i32) -> (i32, i32) {
    %c0_i32 = arith.constant 0 : i32
    %c0_i32_0 = arith.constant 0 : i32
    return %arg0, %c0_i32 : i32, i32
  }
}

module attributes {stable_mosaic.version = 14 : i64} {
  func.func @sage_tc(%arg0: i32, %arg1: memref<2x2000x128xf32, #tpu.memory_space<vmem>>, %arg2: memref<2x2000x128xf32, #tpu.memory_space<vmem>>, %arg3: memref<2000x128xf32, #tpu.memory_space<vmem>>, %arg4: memref<128x128xf32, #tpu.memory_space<vmem>>, %arg5: memref<128x128xf32, #tpu.memory_space<vmem>>, %arg6: memref<1x128xf32, #tpu.memory_space<vmem>>, %arg7: memref<2000x128xf32, #tpu.memory_space<vmem>>) attributes {dimension_semantics = [#tpu.dimension_semantics<arbitrary>], iteration_bounds = array<i64: 5>, scalar_prefetch = 0 : i64, scratch_operands = 0 : i64, tpu.core_type = #tpu.core_type<tc>, window_params = [{transform_indices = @transform_0, window_bounds = array<i64: 2, 2000, 128>}, {transform_indices = @transform_1, window_bounds = array<i64: 2, 2000, 128>}, {transform_indices = @transform_2, window_bounds = array<i64: 2000, 128>}, {pipeline_mode = #tpu.pipeline_mode<synchronous>, transform_indices = @transform_3, window_bounds = array<i64: 128, 128>}, {pipeline_mode = #tpu.pipeline_mode<synchronous>, transform_indices = @transform_4, window_bounds = array<i64: 128, 128>}, {pipeline_mode = #tpu.pipeline_mode<synchronous>, transform_indices = @transform_5, window_bounds = array<i64: 1, 128>}, {transform_indices = @transform_6, window_bounds = array<i64: 2000, 128>}]} {
    %get3A = arith.constant 0 : index
    %get3A_0 = arith.constant 0 : index
    %get3A_1 = arith.constant 0 : index
    %get3A_2 = vector.load %arg1[%get3A, %get3A_0, %get3A_1] : memref<2x2000x128xf32, #tpu.memory_space<vmem>>, vector<1x2000x128xf32>
    %get3A_3 = vector.shape_cast %get3A_2 : vector<1x2000x128xf32> to vector<2000x128xf32>
    %get3A_4 = arith.constant 1 : index
    %get3A_5 = arith.constant 0 : index
    %get3A_6 = arith.constant 0 : index
    %get3A_7 = vector.load %arg1[%get3A_4, %get3A_5, %get3A_6] : memref<2x2000x128xf32, #tpu.memory_space<vmem>>, vector<1x2000x128xf32>
    %get3A_8 = vector.shape_cast %get3A_7 : vector<1x2000x128xf32> to vector<2000x128xf32>
    %add3A = arith.addf %get3A_3, %get3A_8 : vector<2000x128xf32>
    %get3A_9 = arith.constant 0 : index
    %get3A_10 = arith.constant 0 : index
    %get3A_11 = arith.constant 0 : index
    %get3A_12 = vector.load %arg2[%get3A_9, %get3A_10, %get3A_11] : memref<2x2000x128xf32, #tpu.memory_space<vmem>>, vector<1x2000x1xf32>
    %get3A_13 = vector.shape_cast %get3A_12 : vector<1x2000x1xf32> to vector<2000x1xf32>
    %get3A_14 = arith.constant 1 : index
    %get3A_15 = arith.constant 0 : index
    %get3A_16 = arith.constant 0 : index
    %get3A_17 = vector.load %arg2[%get3A_14, %get3A_15, %get3A_16] : memref<2x2000x128xf32, #tpu.memory_space<vmem>>, vector<1x2000x1xf32>
    %get3A_18 = vector.shape_cast %get3A_17 : vector<1x2000x1xf32> to vector<2000x1xf32>
    %add3A_19 = arith.addf %get3A_13, %get3A_18 : vector<2000x1xf32>
    %max3A = arith.constant 1.000000e+00 : f32
    %max3A_20 = vector.broadcast %max3A : f32 to vector<2000x1xf32>
    %max3A_21 = arith.maximumf %add3A_19, %max3A_20 : vector<2000x1xf32>
    %div3A = vector.broadcast %max3A_21 : vector<2000x1xf32> to vector<2000x128xf32>
    %div3A_22 = arith.divf %add3A, %div3A : vector<2000x128xf32>
    %get3A_23 = arith.constant 0 : index
    %get3A_24 = arith.constant 0 : index
    %get3A_25 = vector.load %arg4[%get3A_23, %get3A_24] : memref<128x128xf32, #tpu.memory_space<vmem>>, vector<128x128xf32>
    %dot_general3A = arith.constant dense<0.000000e+00> : vector<2000x128xf32>
    %dot_general3A_26 = tpu.matmul %div3A_22, %get3A_25, %dot_general3A {dimension_numbers = #tpu.dot_dimension_numbers<[1], [0], [0], [1], [0, 0, 1, 1], [], []>, transpose_lhs_hint = false} : vector<2000x128xf32>, vector<128x128xf32>, vector<2000x128xf32> -> vector<2000x128xf32>
    %get3A_27 = arith.constant 0 : index
    %get3A_28 = arith.constant 0 : index
    %get3A_29 = vector.load %arg3[%get3A_27, %get3A_28] : memref<2000x128xf32, #tpu.memory_space<vmem>>, vector<2000x128xf32>
    %get3A_30 = arith.constant 0 : index
    %get3A_31 = arith.constant 0 : index
    %get3A_32 = vector.load %arg5[%get3A_30, %get3A_31] : memref<128x128xf32, #tpu.memory_space<vmem>>, vector<128x128xf32>
    %dot_general3A_33 = arith.constant dense<0.000000e+00> : vector<2000x128xf32>
    %dot_general3A_34 = tpu.matmul %get3A_29, %get3A_32, %dot_general3A_33 {dimension_numbers = #tpu.dot_dimension_numbers<[1], [0], [0], [1], [0, 0, 1, 1], [], []>, transpose_lhs_hint = false} : vector<2000x128xf32>, vector<128x128xf32>, vector<2000x128xf32> -> vector<2000x128xf32>
    %add3A_35 = arith.addf %dot_general3A_26, %dot_general3A_34 : vector<2000x128xf32>
    %get3A_36 = arith.constant 0 : index
    %get3A_37 = arith.constant 0 : index
    %get3A_38 = vector.load %arg6[%get3A_36, %get3A_37] : memref<1x128xf32, #tpu.memory_space<vmem>>, vector<1x128xf32>
    %add3A_39 = vector.broadcast %get3A_38 : vector<1x128xf32> to vector<2000x128xf32>
    %add3A_40 = arith.addf %add3A_35, %add3A_39 : vector<2000x128xf32>
    %swap3A = arith.constant 0 : index
    %swap3A_41 = arith.constant 0 : index
    %swap3A_42 = vector.load %arg7[%swap3A, %swap3A_41] : memref<2000x128xf32, #tpu.memory_space<vmem>>, vector<2000x128xf32>
    tpu.vector_store %arg7[%swap3A, %swap3A_41], %add3A_40 {strides = array<i32>} : memref<2000x128xf32, #tpu.memory_space<vmem>>, vector<2000x128xf32>,
    return
  }
  func.func @transform_0(%arg0: i32) -> (i32, i32, i32) {
    %c0_i32 = arith.constant 0 : i32
    %c0_i32_0 = arith.constant 0 : i32
    %c0_i32_1 = arith.constant 0 : i32
    return %c0_i32, %arg0, %c0_i32_0 : i32, i32, i32
  }
  func.func @transform_1(%arg0: i32) -> (i32, i32, i32) {
    %c0_i32 = arith.constant 0 : i32
    %c0_i32_0 = arith.constant 0 : i32
    %c0_i32_1 = arith.constant 0 : i32
    return %c0_i32, %arg0, %c0_i32_0 : i32, i32, i32
  }
  func.func @transform_2(%arg0: i32) -> (i32, i32) {
    %c0_i32 = arith.constant 0 : i32
    %c0_i32_0 = arith.constant 0 : i32
    return %arg0, %c0_i32 : i32, i32
  }
  func.func @transform_3(%arg0: i32) -> (i32, i32) {
    %c0_i32 = arith.constant 0 : i32
    %c0_i32_0 = arith.constant 0 : i32
    %c0_i32_1 = arith.constant 0 : i32
    return %c0_i32, %c0_i32_0 : i32, i32
  }
  func.func @transform_4(%arg0: i32) -> (i32, i32) {
    %c0_i32 = arith.constant 0 : i32
    %c0_i32_0 = arith.constant 0 : i32
    %c0_i32_1 = arith.constant 0 : i32
    return %c0_i32, %c0_i32_0 : i32, i32
  }
  func.func @transform_5(%arg0: i32) -> (i32, i32) {
    %c0_i32 = arith.constant 0 : i32
    %c0_i32_0 = arith.constant 0 : i32
    %c0_i32_1 = arith.constant 0 : i32
    return %c0_i32, %c0_i32_0 : i32, i32
  }
  func.func @transform_6(%arg0: i32) -> (i32, i32) {
    %c0_i32 = arith.constant 0 : i32
    %c0_i32_0 = arith.constant 0 : i32
    return %arg0, %c0_i32 : i32, i32
  }
}

</mosaic_0001>

<sc_bundles>
// kernel: sage_sc_agg.3.cloned.1.call-start
scs
__scs_entry_jumppad:
0x0: {  	(pc) =	sbr.rel $0x88, $3  }
0x1: {  	(tag) =	ssettag $0x0;
	lr =	simm.s32 $0x1  }
0x2: {  	[smem:$0x3F99] =	sst lr;
	_ =	strace $0xD0000000  }
0x3: {  	_ = 	snop  }
0x4: {  	_ = 	snop  }
0x5: {  	_ = 	snop  }
0x6: {  	_ = 	snop  }
0x7: {  	_ = 	snop  }
__scs_overlays_trampoline_lowered:
0x8: {  	[smem:$0x3FA8] =	sst s0  }
0x9: {  	[smem:$0x3FA9] =	sst s1  }
0xa: {  	[smem:$0x3FAA] =	sst s2  }
0xb: {  	[smem:$0x3FAB] =	sst s3  }
0xc: {  	[smem:$0x3FAC] =	sst s4  }
0xd: {  	[smem:$0x3FAD] =	sst s5  }
0xe: {  	[smem:$0x3FAE] =	sst s6  }
0xf: {  	[smem:$0x3FAF] =	sst s7  }
0x10: {  	[smem:$0x3FB0] =	sst s8  }
0x11: {  	[smem:$0x3FB1] =	sst s9;
	s0 =	simm.s32 @!p0 $0x0  }
0x12: {  	s1 =	sld [smem:$0x3F97];
	s0 =	simm.s32 @p0 $0x1  }
0x13: {  	[smem:$0x3FB2] =	sst s0;
	s0 =	simm.s32 @!p1 $0x0  }
0x14: {  	s2 =	sld [smem:$0x3F96];
	s0 =	simm.s32 @p1 $0x1  }
0x15: {  	[smem:$0x3FB3] =	sst s0;
	s0 =	simm.s32 @!p2 $0x0  }
0x16: {  	s3 =	sld [smem:$0x3FDB];
	s0 =	simm.s32 @p2 $0x1  }
0x17: {  	s4 =	simm.s32 $0x1BF5;
	[smem:$0x3FB5] =	sst s0  }
0x18: {  	s0 =	sld [smem:$0x3F98];
	_ =	swait.ge [sflag:s4], $0x0  }
0x19: {  	s7 =	sld [smem:$0x3F99]  }
0x1a: {  	s8 =	sadd.s32 $0xFFFFE003, lr  }
0x1b: {  	s9 =	sadd.s32 $0xFFFFFEF7, lr;
	s5 =	simm.s32 $0xFFFFFFFF;
	p2 =	slt.u32 s8, $0xFFFFF086  }
0x1c: {  	p1 =	slt.u32 s9, $0xF7A;
	s5 =	simm.s32 @!p2 $0x0  }
0x1d: {  	s5 =	simm.s32 @p1 $0x1;
	p0 =	seq.s32 s7, s2  }
0x1e: {  	s7 =	smul.u32 @!p0 $0xF7A, s2;
	p2 =	seq.s32 @!p0 s5, $0x0  }
0x1f: {  	s9 =	smul.u32 $0xF7A, s1;
	s8 =	simm.s32 @!p0 $0x1BF5;
	p2 =	por !p2, p0  }
0x20: {  	[sflag:s8] =	ssyncset.s32 @!p0 $0xFFFFF086;
	s6 =	sadd.s32 @!p0 s3, s7;
	s7 =	simm.s32 @!p0 $0x108  }
0x21: {  	s3 =	sadd.s32 s3, s9;
	s6 =	sadd.s32 @!p0 $0x88, s6;
	s7 =	simm.s32 @p2 $0x1082  }
0x22: {  	[simem:s7], [sflag:s8] =	dma.local @!p0 [hbm:s6], $0xF7A  }
0x23: {  	s9 =	sor.u32 $0xD0000000, s2;
	s6 =	simm.s32 $0x108;
	_ =	swait.ge @!p0 [sflag:s8], $0x0  }
0x24: {  	s3 =	sadd.s32 $0x88, s3;
	s6 =	simm.s32 @!p1 $0x1082;
	[sflag:s4] =	ssyncset.s32 $0xFFFFF086  }
0x25: {  	[simem:s6], [sflag:s4] =	dma.local [hbm:s3], $0xF7A  }
0x26: {  	[smem:$0x3F99] =	sst s1;
	(tag) =	ssettag s2;
	_ =	strace s9  }
0x27: {  	s1 =	sld [smem:$0x3FA9]  }
0x28: {  	s2 =	sld [smem:$0x3FAA]  }
0x29: {  	s4 =	sld [smem:$0x3FAC]  }
0x2a: {  	p0 =	seq.s32 s5, $0x0;
	s5 =	sld [smem:$0x3FAD]  }
0x2b: {  	s6 =	sld [smem:$0x3FAE]  }
0x2c: {  	s7 =	sld [smem:$0x3FAF]  }
0x2d: {  	s3 =	simm.s32 $0x108;
	s8 =	sld [smem:$0x3FB0]  }
0x2e: {  	s3 =	simm.s32 @!p0 $0x1082;
	s9 =	sld [smem:$0x3FB1]  }
0x2f: {  	lr =	sadd.s32 s0, s3;
	s0 =	sld [smem:$0x3FA8]  }
0x30: {  	s3 =	sld [smem:$0x3FAB]  }
0x31: {  	[smem:$0x3FB4] =	sst s10  }
0x32: {  	s10 =	sld [smem:$0x3FB2];
	_ =	sdelay $0x3  }
0x33: {  	p0 =	seq.s32 s10, $0x1;
	s10 =	sld [smem:$0x3FB4];
	_ =	sdelay $0x3  }
0x34: {  	[smem:$0x3FB4] =	sst s10  }
0x35: {  	s10 =	sld [smem:$0x3FB3];
	_ =	sdelay $0x3  }
0x36: {  	p1 =	seq.s32 s10, $0x1;
	s10 =	sld [smem:$0x3FB4];
	_ =	sdelay $0x3  }
0x37: {  	[smem:$0x3FB4] =	sst s10  }
0x38: {  	s10 =	sld [smem:$0x3FB5]  }
0x39: {  	_ = 	snop;
	(pc) =	sbr.ind lr, $3  }
0x3a: {  	_ = 	snop  }
0x3b: {  	_ = 	snop  }
0x3c: {  	p2 =	seq.s32 s10, $0x1;
	s10 =	sld [smem:$0x3FB4]  }
0x3d: {  	_ =	shalt  }
0x3e: {  	_ =	shalt  }
0x3f: {  	_ =	shalt  }
0x40: {  	_ =	shalt  }
0x41: {  	_ =	shalt  }
0x42: {  	_ =	shalt  }
0x43: {  	_ =	shalt  }
0x44: {  	_ =	shalt  }
0x45: {  	_ =	shalt  }
0x46: {  	_ =	shalt  }
0x47: {  	_ =	shalt  }
0x48: {  	_ =	shalt  }
0x49: {  	_ =	shalt  }
0x4a: {  	_ =	shalt  }
0x4b: {  	_ =	shalt  }
0x4c: {  	_ =	shalt  }
0x4d: {  	_ =	shalt  }
0x4e: {  	_ =	shalt  }
0x4f: {  	_ =	shalt  }
0x50: {  	_ =	shalt  }
0x51: {  	_ =	shalt  }
0x52: {  	_ =	shalt  }
0x53: {  	_ =	shalt  }
0x54: {  	_ =	shalt  }
0x55: {  	_ =	shalt  }
0x56: {  	_ =	shalt  }
0x57: {  	_ =	shalt  }
0x58: {  	_ =	shalt  }
0x59: {  	_ =	shalt  }
0x5a: {  	_ =	shalt  }
0x5b: {  	_ =	shalt  }
0x5c: {  	_ =	shalt  }
0x5d: {  	_ =	shalt  }
0x5e: {  	_ =	shalt  }
0x5f: {  	_ =	shalt  }
0x60: {  	_ =	shalt  }
0x61: {  	_ =	shalt  }
0x62: {  	_ =	shalt  }
0x63: {  	_ =	shalt  }
0x64: {  	_ =	shalt  }
0x65: {  	_ =	shalt  }
0x66: {  	_ =	shalt  }
0x67: {  	_ =	shalt  }
0x68: {  	_ =	shalt  }
0x69: {  	_ =	shalt  }
0x6a: {  	_ =	shalt  }
0x6b: {  	_ =	shalt  }
0x6c: {  	_ =	shalt  }
0x6d: {  	_ =	shalt  }
0x6e: {  	_ =	shalt  }
0x6f: {  	_ =	shalt  }
0x70: {  	_ =	shalt  }
0x71: {  	_ =	shalt  }
0x72: {  	_ =	shalt  }
0x73: {  	_ =	shalt  }
0x74: {  	_ =	shalt  }
0x75: {  	_ =	shalt  }
0x76: {  	_ =	shalt  }
0x77: {  	_ =	shalt  }
0x78: {  	_ =	shalt  }
0x79: {  	_ =	shalt  }
0x7a: {  	_ =	shalt  }
0x7b: {  	_ =	shalt  }
0x7c: {  	_ =	shalt  }
0x7d: {  	_ =	shalt  }
0x7e: {  	_ =	shalt  }
0x7f: {  	_ =	shalt  }
0x80: {  	_ =	shalt  }
0x81: {  	_ =	shalt  }
0x82: {  	_ =	shalt  }
0x83: {  	_ =	shalt  }
0x84: {  	_ =	shalt  }
0x85: {  	_ =	shalt  }
0x86: {  	_ =	shalt  }
0x87: {  	_ =	shalt  }
.Lfunc_end0:
.L_simem_size_0:
called_computation.1_lowered:
.L_overlay_start_0:
0x88: {  	s2 =	sld [smem:$0x3FD9]  }
0x89: {  	s3 =	sld [smem:$0x3FFE];
	_ =	sdelay $0x1  }
0x8a: {  	s1 =	srdreg.scid  }
0x8b: {  	s0 =	sand.u32 $0x1, s1  }
0x8c: {  	s17 =	sshll.u32 s0, $0xA;
	s2 =	sadd.s32 s3, s2  }
0x8d: {  	s2 =	sadd.s32 s2, s17  }
0x8e: {  	[smem:$0x3FC0] =	sst s2  }
0x8f: {  	_ = 	snop  }
0x90: {  	s2 =	sld [smem:$0x3FD0];
	(tm) =	ssettm $0x1  }
0x91: {  	s18 =	sld [smem:$0x3FFB];
	_ =	sdelay $0x3  }
0x92: {  	_ =	strace s18  }
0x93: {  	s3 =	sld [smem:$0x3FFC];
	_ =	sdelay $0x3  }
0x94: {  	_ =	strace s3  }
0x95: {  	s3 =	sld [smem:$0x3FFD];
	_ =	sdelay $0x3  }
0x96: {  	_ =	strace s3  }
0x97: {  	_ =	strace $0x8FFFFFFF  }
0x98: {  	s19 =	sld [smem:$0x3FDB];
	_ =	sdelay $0x1  }
0x99: {  	s4 =	simm.s32 $_scs_section_size  }
0x9a: {  	s5 =	simm.s32 $_size__tile_overlayer_lowered;
	s6 =	simm.s32 $_tile_overlayer_lowered  }
0x9b: {  	s22 =	simm.s32 $0x1BFF;
	s21 =	sshll.u32 s6, $0x1;
	s3 =	sadd.s32 s4, s19  }
0x9c: {  	s7 =	simm.s32 $0x0;
	s20 =	sshll.u32 s5, $0x1;
	s5 =	sadd.s32 s21, s3  }
0x9d: {  	[timem:s7], [sflag:s22] =	dma.local [hbm:s5], s20  }
0x9e: {  	_ =	swait.ge [sflag:s22], s20  }
0x9f: {  	s4 =	ssub.s32 $0x0, s20;
	[sflag:s22] =	ssyncset.done $0x0  }
0xa0: {  	[sflag:s22] =	ssyncadd.s32 s4;
	_ =	sdelay $0x1  }
0xa1: {  	s23 =	simm.s32 $0x1B8B  }
0xa2: {  	_ =	swait.ge [sflag:s23], $0x1  }
0xa3: {  	[sflag:s23] =	ssyncset.done $0x0  }
0xa4: {  	s25 =	simm.s32 $0x1B8E;
	s24 =	sld [smem:$0x3FFE];
	[sflag:s23] =	ssyncadd.s32 $0xFFFFFFFF  }
0xa5: {  	s26 =	simm.s32 $execute0_lowered;
	[smem:$0x3FD2] =	sst s25  }
0xa6: {  	s5 =	sshll.u32 s26, $0x1;
	_ =	strace $0x80000049;
	[dreg:$0x1] =	wrdreg $0xFFFFFFFF  }
0xa7: {  	s28 =	simm.s32 $_size_execute0_lowered;
	s3 =	sadd.s32 s3, s5;
	[dreg:$0x0] =	wrdreg $0x0  }
0xa8: {  	s5 =	sshll.u32 s28, $0x1;
	[dreg:$0x2] =	wrdreg s3  }
0xa9: {  	[dreg:$0x3] =	wrdreg s5  }
0xaa: {  	[dreg:$0x4] =	wrdreg $0xC0  }
0xab: {  	_ =	task [dreg:s7], $0x5FFFF  }
0xac: {  	[dreg:$0x1] =	wrdreg $0xFFFFFFFF  }
0xad: {  	[dreg:$0x0] =	wrdreg $0x60  }
0xae: {  	[dreg:$0x2] =	wrdreg s24  }
0xaf: {  	[dreg:$0x3] =	wrdreg s2  }
0xb0: {  	[dreg:$0x4] =	wrdreg $0x0  }
0xb1: {  	[dreg:$0x5] =	wrdreg $0x9  }
0xb2: {  	_ =	task.clear_ibuf [dreg:s7], $0x6FFFF;
	_ =	strace $0x90000049  }
0xb3: {  	s29 =	simm.s32 $0x9;
	_ =	strace $0x8000004B  }
0xb4: {  	_ =	swait.ge [sflag:s29], $0x1  }
0xb5: {  	[sflag:s29] =	ssyncadd.s32 $0xFFFFFFFF  }
0xb6: {  	_ =	strace $0x9000004B  }
0xb7: {  	_ =	sfence  }
0xb8: {  	s30 =	sld [smem:$0x0];
	_ =	sdelay $0x2  }
0xb9: {  	s31 =	sshll.u32 s1, $0xD;
	s1 =	sshrl.u32 s1, $0x2  }
0xba: {  	s3 =	sand.u32 $0x4000, s31;
	s1 =	sadd.s32 s1, s30  }
0xbb: {  	s0 =	sor.u32 s3, s0;
	s1 =	sshll.u32 s1, $0x11  }
0xbc: {  	s0 =	sor.u32 s1, s0  }
0xbd: {  	s0 =	sadd.s32 $0x8F2B, s0  }
0xbe: {  	[sflag:s0] =	ssyncadd.remote.s32 $0x1  }
0xbf: {  	_ =	sfence.sel $0xFFFF  }
0xc0: {  	[dreg:$0x0] =	wrdreg $0xFFFFFFFF;
	(pc) =	sbr.abs _section_cstart, $3  }
0xc1: {  	[dreg:$0x1] =	wrdreg $0xFFFFFFFF  }
0xc2: {  	_ =	task.clear_ibuf [dreg:s7], $0x2FFFF;
	_ =	strace $0x9FFFFFFF  }
0xc3: {  	(tm) =	ssettm $0x7FFFFFFF  }
tec
execute0_lowered:
.L_overlay_start_1:
0x0: {  	(tag) =	ssettag $0x1  }
0x1: {  	s0 =	srdreg.scid;
	s3 =	rddreg [dreg:$0x0]  }
0x2: {  	s14 =	stileid.u32;
	s1 =	rddreg [dreg:$0x2]  }
0x3: {  	s2 =	simm.s32 $0x0;
	s28 =	simm.s32 $0x4;
	s29 =	simm.s32 $0x9  }
0x4: {  	s30 =	simm.s32 $0x3;
	s4 =	sand.u32 $0x1, s0;
	s0 =	rddreg [dreg:$0x1]  }
0x5: {  	s31 =	simm.s32 $0x5;
	[smem:$0x7FF] =	sst s2;
	s7 =	sadd.s32 $0xBE00, s3  }
0x6: {  	s8 =	sadd.s32 $0x2000, s3;
	s10 =	sadd.s32 $0xB2600, s3;
	s26 =	smul.u32 $0x2710, s14  }
0x7: {  	s5 =	sshll.u32 s4, $0x4;
	s6 =	ssub.s32 $0x2, s4;
	s24 =	smul.u32 $0x138800, s4  }
0x8: {  	s4 =	smul.u32 $0x27100, s4;
	s5 =	sor.u32 s14, s5;
	s9 =	sshrl.u32 s6, $0x1  }
0x9: {  	p0 =	sne.s32 s14, $0xF;
	s5 =	smul.u32 $0x2710, s5;
	s6 =	ssub.s32 s6, s9  }
0xa: {  	s9 =	smul.u32 $0x13800, s14;
	s4 =	sadd.s32 s26, s4;
	s19 =	sshrl.u32 s24, $0x3  }
0xb: {  	s26 =	smul.u32 $0x4E000, s14;
	s20 =	sadd.s32 $0x230, s4;
	s5 =	sshrl.u32 s5, $0x3  }
0xc: {  	s17 =	sadd.s32 s9, s24;
	s24 =	sadd.s32 $0x1E0, s4;
	s11 =	sadd.s32 s8, s5  }
0xd: {  	s21 =	sadd.s32 $0xA, s5;
	s16 =	sadd.s32 s7, s5;
	s22 =	sadd.s32 $0x14, s5  }
0xe: {  	s25 =	sadd.s32 $0x1E, s5;
	[dreg:$0x4] =	wrdreg s11;
	s12 =	sadd.s32 s8, s21  }
0xf: {  	s5 =	sadd.s32 $0x28, s5;
	s11 =	sadd.s32 s7, s21;
	[dreg:$0x6] =	wrdreg s12  }
0x10: {  	s18 =	sshrl.u32 s17, $0x3;
	s23 =	sadd.s32 s7, s22;
	[dreg:$0x7] =	wrdreg s11  }
0x11: {  	s13 =	sadd.s32 s7, s25;
	s15 =	sadd.s32 s7, s5;
	[dreg:$0x8] =	wrdreg s23  }
0x12: {  	s5 =	sadd.s32 s8, s5;
	s21 =	sshrl.u32 s20, $0x3;
	[dreg:$0xa] =	wrdreg s13  }
0x13: {  	s17 =	sadd.s32 $0x32, s16;
	s20 =	simm.s32 $0x0;
	[dreg:$0xc] =	wrdreg s15  }
0x14: {  	s12 =	sadd.s32 s8, s22;
	[dreg:$0xd] =	wrdreg s5;
	s5 =	sadd.s32 s10, s18  }
0x15: {  	s22 =	sadd.s32 $0x280, s4;
	s23 =	sadd.s32 s21, s8;
	s15 =	sadd.s32 s21, s7  }
0x16: {  	s4 =	sadd.s32 $0x190, s4;
	s21 =	sadd.s32 $0x15C00, s3;
	[dreg:$0x9] =	wrdreg s12  }
0x17: {  	s12 =	sadd.s32 s8, s25;
	[dreg:$0xe] =	wrdreg s5;
	s5 =	sadd.s32 s10, s19  }
0x18: {  	[dreg:$0xf] =	wrdreg s23;
	s11 =	sshrl.u32 s22, $0x3;
	s25 =	sshrl.u32 s24, $0x3  }
0x19: {  	s4 =	sshrl.u32 s4, $0x3;
	[dreg:$0xb] =	wrdreg s12;
	s11 =	sadd.s32 s11, s7  }
0x1a: {  	s18 =	sadd.s32 s25, s7;
	s19 =	sadd.s32 s25, s8;
	s4 =	sadd.s32 s4, s8  }
0x1b: {  	s7 =	sshrl.u32 s26, $0x2;
	s8 =	sshrl.u32 s9, $0x3;
	[dreg:$0x10] =	wrdreg s11  }
0x1c: {  	s9 =	sshll.u32 s14, $0x6;
	[dreg:$0x1f] =	wrdreg s4;
	s3 =	sadd.s32 s7, s1  }
0x1d: {  	s10 =	sadd.s32 s0, s8;
	_ =	strace $0x8000004A;
	[dreg:$0x11] =	wrdreg s3  }
0x1e: {  	s13 =	smax.u32 s6, $0x1;
	s11 =	sor.u32 $0x1C0D, s9;
	[dreg:$0x12] =	wrdreg s10  }
0x1f: {  	s6 =	simm.s32 $0x1C480;
	s0 =	sadd.s32 $0x27000, s0;
	[dreg:$0x13] =	wrdreg s11  }
0x20: {  	s22 =	simm.s32 $0xC;
	s12 =	sadd.s32 $0x27000, s5;
	[dreg:$0x14] =	wrdreg s0  }
0x21: {  	s23 =	simm.s32 $0x18880;
	s24 =	simm.s32 $0x6;
	[dreg:$0x15] =	wrdreg s12  }
0x22: {  	s14 =	sadd.s32 $0x138000, s1;
	s5 =	simm.s32 $0x1C080;
	[dreg:$0x16] =	wrdreg s13  }
0x23: {  	s25 =	simm.s32 $0x8;
	s26 =	simm.s32 $0x2;
	[dreg:$0x17] =	wrdreg s14  }
0x24: {  	s7 =	simm.s32 $0xA;
	s8 =	simm.s32 $0x50;
	[dreg:$0x5] =	wrdreg s16  }
.Ltmp0:
0x25: {  	s4 =	simm.s32 $0x13880;
	[dreg:$0x18] =	wrdreg s17;
	(pc) =	sbr.rel .LBB2_1-.Ltmp0, $4  }
0x26: {  	s9 =	simm.s32 $0xB;
	s16 =	simm.s32 $0x1B080;
	[dreg:$0x19] =	wrdreg s20  }
0x27: {  	s0 =	simm.s32 $0x1BC80;
	s3 =	simm.s32 $0x1B480;
	[dreg:$0x1a] =	wrdreg s15  }
0x28: {  	s10 =	simm.s32 $0x16080;
	s11 =	simm.s32 $0x7;
	[dreg:$0x1d] =	wrdreg s18  }
0x29: {  	s12 =	simm.s32 $0x1;
	s13 =	simm.s32 $0x1B880;
	[dreg:$0x1e] =	wrdreg s19  }
.LBB2_4:
0x2a: {  	_ =	swait.ge [sflag:s11], $0x50  }
0x2b: {  	[sflag:s11] =	ssyncset.done $0x0  }
0x2c: {  	[sflag:s11] =	ssyncadd.s32 $0xFFFFFFB0  }
0x2d: {  	_ =	swait.ge [sflag:s12], $0x2800  }
0x2e: {  	[sflag:s12] =	ssyncset.done $0x0  }
0x2f: {  	[sflag:s12] =	ssyncadd.s32 $0xFFFFD800  }
0x30: {  	[spmem:s1] =	stream.indirect.scatter.add.f32 [tilespmem:s4], [sflag:$0x4], $0x80, s16, s8, $0xb8;
	[tilespmem:$0x1C880] =	vst v63  }
0x31: {  	_ =	swait.ge [sflag:s24], $0x2800  }
0x32: {  	[sflag:s24] =	ssyncset.done $0x0  }
0x33: {  	[sflag:s24] =	ssyncadd.s32 $0xFFFFD800  }
0x34: {  	_ =	swait.ge [sflag:s25], $0x50  }
0x35: {  	[sflag:s25] =	ssyncset.done $0x0  }
0x36: {  	[sflag:s25] =	ssyncadd.s32 $0xFFFFFFB0  }
0x37: {  	_ =	swait.ge [sflag:s26], $0x2800  }
0x38: {  	[sflag:s26] =	ssyncset.done $0x0  }
0x39: {  	[sflag:s26] =	ssyncadd.s32 $0xFFFFD800  }
0x3a: {  	[spmem:s1] =	stream.indirect.scatter.add.f32 [tilespmem:s10], [sflag:$0x5], $0x80, s3, s8, $0xb8;
	[tilespmem:$0x1C880] =	vst v63  }
0x3b: {  	_ =	swait.ge [sflag:s28], $0x2800  }
0x3c: {  	[sflag:s28] =	ssyncset.done $0x0  }
0x3d: {  	[sflag:s28] =	ssyncadd.s32 $0xFFFFD800  }
0x3e: {  	_ =	swait.ge [sflag:s31], $0x2800  }
0x3f: {  	[sflag:s31] =	ssyncset.done $0x0  }
0x40: {  	[sflag:s31] =	ssyncadd.s32 $0xFFFFD800  }
0x41: {  	[bflag:$0x0] =	sbarrier.arrive $0xFFFF  }
0x42: {  	s14 =	rddreg [dreg:$0xe]  }
0x43: {  	s19 =	rddreg [dreg:$0x13]  }
0x44: {  	s18 =	simm.s32 $0xD;
	s17 =	rddreg [dreg:$0x1b]  }
0x45: {  	[hbm:s14], [sflag:s19] =	dma.local [spmem:s17], $0x2700  }
0x46: {  	_ =	swait.ge [sflag:s18], $0x2700  }
0x47: {  	[sflag:s18] =	ssyncset.done $0x0;
	s14 =	rddreg [dreg:$0x15]  }
0x48: {  	[sflag:s18] =	ssyncadd.s32 $0xFFFFD900;
	s18 =	rddreg [dreg:$0x1c]  }
0x49: {  	[hbm:s14], [sflag:s19] =	dma.local @!p0 [spmem:s18], $0x100  }
0x4a: {  	s17 =	simm.s32 @!p0 $0xD;
	s19 =	rddreg [dreg:$0x1e]  }
0x4b: {  	s18 =	rddreg [dreg:$0x1d];
	_ =	swait.ge @!p0 [sflag:s17], $0x100  }
0x4c: {  	s15 =	rddreg [dreg:$0x19]  }
0x4d: {  	s20 =	rddreg [dreg:$0x16];
	s15 =	sadd.s32 $0x1, s15  }
0x4e: {  	p1 =	sne.s32 s15, s20  }
.Ltmp1:
0x4f: {  	_ = 	snop;
	(pc) =	sbr.rel @!p1 .LBB2_5-.Ltmp1, $3  }
0x50: {  	_ =	sdelay $0x1  }
0x51: {  	[sflag:s17] =	ssyncset.done @!p0 $0x0;
	[dreg:$0x19] =	wrdreg s15  }
0x52: {  	[sflag:s17] =	ssyncadd.s32 @!p0 $0xFFFFFF00;
	s15 =	rddreg [dreg:$0x1a]  }
.LBB2_1:
0x53: {  	s14 =	rddreg [dreg:$0x11]  }
0x54: {  	s17 =	sshrl.u32 s14, $0x3;
	s14 =	rddreg [dreg:$0x12]  }
0x55: {  	[dreg:$0x1b] =	wrdreg s17  }
0x56: {  	s17 =	rddreg [dreg:$0x13]  }
0x57: {  	s20 =	rddreg [dreg:$0x1b]  }
0x58: {  	[spmem:s20], [sflag:s17] =	dma.local [hbm:s14], $0x2700  }
0x59: {  	s17 =	simm.s32 $0xD  }
0x5a: {  	_ =	swait.ge [sflag:s17], $0x2700  }
0x5b: {  	[sflag:s17] =	ssyncset.done $0x0;
	s14 =	rddreg [dreg:$0x17]  }
0x5c: {  	[sflag:s17] =	ssyncadd.s32 $0xFFFFD900;
	s17 =	sshrl.u32 @!p0 s14, $0x3;
	s14 =	rddreg [dreg:$0x14]  }
0x5d: {  	[dreg:$0x1c] =	wrdreg s17  }
0x5e: {  	s17 =	rddreg [dreg:$0x13]  }
0x5f: {  	s20 =	rddreg [dreg:$0x1c]  }
0x60: {  	[spmem:s20], [sflag:s17] =	dma.local @!p0 [hbm:s14], $0x100  }
0x61: {  	s17 =	simm.s32 @!p0 $0xD  }
0x62: {  	_ =	swait.ge @!p0 [sflag:s17], $0x100  }
0x63: {  	[sflag:s17] =	ssyncset.done @!p0 $0x0  }
0x64: {  	[sflag:s17] =	ssyncadd.s32 @!p0 $0xFFFFFF00  }
0x65: {  	[bflag:$0x0] =	sbarrier.arrive $0xFFFF  }
0x66: {  	s20 =	rddreg [dreg:$0x4]  }
0x67: {  	[tilespmem:s16], [sflag:$0x7] =	stream.linear.gather [hbm4b:s20+s2], $0x50, $0x38;
	[tilespmem:$0x1C880] =	vst v63  }
0x68: {  	s17 =	rddreg [dreg:$0x5]  }
0x69: {  	[tilespmem:s0], [sflag:$0xA] =	stream.linear.gather [hbm4b:s17+s2], $0x50, $0x38;
	[tilespmem:$0x1C880] =	vst v63  }
0x6a: {  	s20 =	rddreg [dreg:$0x6]  }
0x6b: {  	[tilespmem:s3], [sflag:$0x8] =	stream.linear.gather [hbm4b:s20+s2], $0x50, $0x38;
	[tilespmem:$0x1C880] =	vst v63  }
0x6c: {  	s17 =	rddreg [dreg:$0x7]  }
0x6d: {  	[tilespmem:s5], [sflag:$0xB] =	stream.linear.gather [hbm4b:s17+s2], $0x50, $0x38;
	[tilespmem:$0x1C880] =	vst v63  }
0x6e: {  	s20 =	rddreg [dreg:$0x8]  }
0x6f: {  	[tilespmem:s6], [sflag:$0xC] =	stream.linear.gather [hbm4b:s20+s2], $0x50, $0x38;
	[tilespmem:$0x1C880] =	vst v63  }
0x70: {  	_ =	swait.ge [sflag:s7], $0x50  }
0x71: {  	[sflag:s7] =	ssyncset.done $0x0  }
0x72: {  	[sflag:s7] =	ssyncadd.s32 $0xFFFFFFB0  }
0x73: {  	[tilespmem:s4], [sflag:$0x1] =	stream.indirect.gather [hbm4b:s21+s8], $0x80, s0, s8, $0xb8;
	[tilespmem:$0x1C880] =	vst v63  }
0x74: {  	_ =	swait.ge [sflag:s9], $0x50  }
0x75: {  	[sflag:s9] =	ssyncset.done $0x0  }
0x76: {  	[sflag:s9] =	ssyncadd.s32 $0xFFFFFFB0  }
0x77: {  	[tilespmem:s10], [sflag:$0x2] =	stream.indirect.gather [hbm4b:s21+s8], $0x80, s5, s8, $0xb8;
	[tilespmem:$0x1C880] =	vst v63  }
0x78: {  	_ =	swait.ge [sflag:s11], $0x50  }
0x79: {  	[sflag:s11] =	ssyncset.done $0x0  }
0x7a: {  	[sflag:s11] =	ssyncadd.s32 $0xFFFFFFB0  }
0x7b: {  	_ =	swait.ge [sflag:s12], $0x2800  }
0x7c: {  	[sflag:s12] =	ssyncset.done $0x0  }
0x7d: {  	[sflag:s12] =	ssyncadd.s32 $0xFFFFD800  }
0x7e: {  	[spmem:s1] =	stream.indirect.scatter.add.f32 [tilespmem:s4], [sflag:$0x4], $0x80, s16, s8, $0xb8;
	[tilespmem:$0x1C880] =	vst v63  }
0x7f: {  	s17 =	rddreg [dreg:$0x9]  }
0x80: {  	[tilespmem:s13], [sflag:$0x9] =	stream.linear.gather [hbm4b:s17+s2], $0x50, $0x38;
	[tilespmem:$0x1C880] =	vst v63  }
0x81: {  	_ =	swait.ge [sflag:s22], $0x50  }
0x82: {  	[sflag:s22] =	ssyncset.done $0x0  }
0x83: {  	[sflag:s22] =	ssyncadd.s32 $0xFFFFFFB0  }
0x84: {  	[tilespmem:s23], [sflag:$0x3] =	stream.indirect.gather [hbm4b:s21+s8], $0x80, s6, s8, $0xb8;
	[tilespmem:$0x1C880] =	vst v63  }
0x85: {  	s20 =	rddreg [dreg:$0xa]  }
0x86: {  	[tilespmem:s0], [sflag:$0xA] =	stream.linear.gather [hbm4b:s20+s2], $0x50, $0x38;
	[tilespmem:$0x1C880] =	vst v63  }
0x87: {  	_ =	swait.ge [sflag:s25], $0x50  }
0x88: {  	[sflag:s25] =	ssyncset.done $0x0  }
0x89: {  	[sflag:s25] =	ssyncadd.s32 $0xFFFFFFB0  }
0x8a: {  	_ =	swait.ge [sflag:s26], $0x2800  }
0x8b: {  	[sflag:s26] =	ssyncset.done $0x0  }
0x8c: {  	[sflag:s26] =	ssyncadd.s32 $0xFFFFD800  }
0x8d: {  	[spmem:s1] =	stream.indirect.scatter.add.f32 [tilespmem:s10], [sflag:$0x5], $0x80, s3, s8, $0xb8;
	[tilespmem:$0x1C880] =	vst v63  }
0x8e: {  	_ =	swait.ge [sflag:s28], $0x2800  }
0x8f: {  	[sflag:s28] =	ssyncset.done $0x0  }
0x90: {  	s17 =	rddreg [dreg:$0xb];
	[sflag:s28] =	ssyncadd.s32 $0xFFFFD800  }
0x91: {  	[tilespmem:s16], [sflag:$0x7] =	stream.linear.gather [hbm4b:s17+s2], $0x50, $0x38;
	[tilespmem:$0x1C880] =	vst v63  }
0x92: {  	_ =	swait.ge [sflag:s7], $0x50  }
0x93: {  	[sflag:s7] =	ssyncset.done $0x0  }
0x94: {  	[sflag:s7] =	ssyncadd.s32 $0xFFFFFFB0  }
0x95: {  	[tilespmem:s4], [sflag:$0x1] =	stream.indirect.gather [hbm4b:s21+s8], $0x80, s0, s8, $0xb8;
	[tilespmem:$0x1C880] =	vst v63  }
0x96: {  	s20 =	rddreg [dreg:$0xc]  }
0x97: {  	[tilespmem:s5], [sflag:$0xB] =	stream.linear.gather [hbm4b:s20+s2], $0x50, $0x38;
	[tilespmem:$0x1C880] =	vst v63  }
0x98: {  	_ =	swait.ge [sflag:s29], $0x50  }
0x99: {  	[sflag:s29] =	ssyncset.done $0x0  }
0x9a: {  	[sflag:s29] =	ssyncadd.s32 $0xFFFFFFB0  }
0x9b: {  	_ =	swait.ge [sflag:s30], $0x2800  }
0x9c: {  	[sflag:s30] =	ssyncset.done $0x0  }
0x9d: {  	[sflag:s30] =	ssyncadd.s32 $0xFFFFD800  }
0x9e: {  	[spmem:s1] =	stream.indirect.scatter.add.f32 [tilespmem:s23], [sflag:$0x6], $0x80, s13, s8, $0xb8;
	[tilespmem:$0x1C880] =	vst v63  }
0x9f: {  	_ =	swait.ge [sflag:s31], $0x2800  }
0xa0: {  	[sflag:s31] =	ssyncset.done $0x0  }
0xa1: {  	s17 =	rddreg [dreg:$0xd];
	[sflag:s31] =	ssyncadd.s32 $0xFFFFD800  }
0xa2: {  	[tilespmem:s3], [sflag:$0x8] =	stream.linear.gather [hbm4b:s17+s2], $0x50, $0x38;
	[tilespmem:$0x1C880] =	vst v63  }
0xa3: {  	_ =	swait.ge [sflag:s9], $0x50  }
0xa4: {  	[sflag:s9] =	ssyncset.done $0x0  }
0xa5: {  	[sflag:s9] =	ssyncadd.s32 $0xFFFFFFB0  }
0xa6: {  	[tilespmem:s10], [sflag:$0x2] =	stream.indirect.gather [hbm4b:s21+s8], $0x80, s5, s8, $0xb8;
	[tilespmem:$0x1C880] =	vst v63  }
0xa7: {  	s17 =	simm.s32 $0x0;
	s20 =	rddreg [dreg:$0x18]  }
0xa8: {  	[tilespmem:s6], [sflag:$0xC] =	stream.linear.gather [hbm4b:s20+s2], $0x50, $0x38;
	[tilespmem:$0x1C880] =	vst v63  }
.LBB2_2:
0xa9: {  	_ =	swait.ge [sflag:s11], $0x50  }
0xaa: {  	[sflag:s11] =	ssyncset.done $0x0  }
0xab: {  	[sflag:s11] =	ssyncadd.s32 $0xFFFFFFB0  }
0xac: {  	_ =	swait.ge [sflag:s12], $0x2800  }
0xad: {  	[sflag:s12] =	ssyncset.done $0x0  }
0xae: {  	[sflag:s12] =	ssyncadd.s32 $0xFFFFD800  }
0xaf: {  	[spmem:s1] =	stream.indirect.scatter.add.f32 [tilespmem:s4], [sflag:$0x4], $0x80, s16, s8, $0xb8;
	[tilespmem:$0x1C880] =	vst v63  }
0xb0: {  	_ =	swait.ge [sflag:s24], $0x2800  }
0xb1: {  	[sflag:s24] =	ssyncset.done $0x0;
	s14 =	rddreg [dreg:$0x1f]  }
0xb2: {  	[sflag:s24] =	ssyncadd.s32 $0xFFFFD800;
	s14 =	sadd.s32 s17, s14  }
0xb3: {  	[tilespmem:s13], [sflag:$0x9] =	stream.linear.gather [hbm4b:s14+s2], $0x50, $0x38;
	[tilespmem:$0x1C880] =	vst v63  }
0xb4: {  	_ =	swait.ge [sflag:s22], $0x50  }
0xb5: {  	[sflag:s22] =	ssyncset.done $0x0  }
0xb6: {  	[sflag:s22] =	ssyncadd.s32 $0xFFFFFFB0  }
0xb7: {  	[tilespmem:s23], [sflag:$0x3] =	stream.indirect.gather [hbm4b:s21+s8], $0x80, s6, s8, $0xb8;
	[tilespmem:$0x1C880] =	vst v63  }
0xb8: {  	s20 =	sadd.s32 s17, s18  }
0xb9: {  	[tilespmem:s0], [sflag:$0xA] =	stream.linear.gather [hbm4b:s20+s2], $0x50, $0x38;
	[tilespmem:$0x1C880] =	vst v63  }
0xba: {  	_ =	swait.ge [sflag:s25], $0x50  }
0xbb: {  	[sflag:s25] =	ssyncset.done $0x0  }
0xbc: {  	[sflag:s25] =	ssyncadd.s32 $0xFFFFFFB0  }
0xbd: {  	_ =	swait.ge [sflag:s26], $0x2800  }
0xbe: {  	[sflag:s26] =	ssyncset.done $0x0  }
0xbf: {  	[sflag:s26] =	ssyncadd.s32 $0xFFFFD800  }
0xc0: {  	[spmem:s1] =	stream.indirect.scatter.add.f32 [tilespmem:s10], [sflag:$0x5], $0x80, s3, s8, $0xb8;
	[tilespmem:$0x1C880] =	vst v63  }
0xc1: {  	_ =	swait.ge [sflag:s28], $0x2800  }
0xc2: {  	[sflag:s28] =	ssyncset.done $0x0  }
0xc3: {  	s20 =	sadd.s32 s17, s19;
	[sflag:s28] =	ssyncadd.s32 $0xFFFFD800  }
0xc4: {  	[tilespmem:s16], [sflag:$0x7] =	stream.linear.gather [hbm4b:s20+s2], $0x50, $0x38;
	[tilespmem:$0x1C880] =	vst v63  }
0xc5: {  	_ =	swait.ge [sflag:s7], $0x50  }
0xc6: {  	[sflag:s7] =	ssyncset.done $0x0  }
0xc7: {  	[sflag:s7] =	ssyncadd.s32 $0xFFFFFFB0  }
0xc8: {  	[tilespmem:s4], [sflag:$0x1] =	stream.indirect.gather [hbm4b:s21+s8], $0x80, s0, s8, $0xb8;
	[tilespmem:$0x1C880] =	vst v63  }
0xc9: {  	s20 =	sadd.s32 s17, s15  }
0xca: {  	[tilespmem:s5], [sflag:$0xB] =	stream.linear.gather [hbm4b:s20+s2], $0x50, $0x38;
	[tilespmem:$0x1C880] =	vst v63  }
0xcb: {  	_ =	swait.ge [sflag:s29], $0x50  }
0xcc: {  	[sflag:s29] =	ssyncset.done $0x0  }
0xcd: {  	[sflag:s29] =	ssyncadd.s32 $0xFFFFFFB0  }
0xce: {  	_ =	swait.ge [sflag:s30], $0x2800  }
0xcf: {  	[sflag:s30] =	ssyncset.done $0x0  }
0xd0: {  	[sflag:s30] =	ssyncadd.s32 $0xFFFFD800  }
0xd1: {  	[spmem:s1] =	stream.indirect.scatter.add.f32 [tilespmem:s23], [sflag:$0x6], $0x80, s13, s8, $0xb8;
	[tilespmem:$0x1C880] =	vst v63  }
0xd2: {  	_ =	swait.ge [sflag:s31], $0x2800  }
0xd3: {  	[sflag:s31] =	ssyncset.done $0x0;
	s20 =	rddreg [dreg:$0xf]  }
0xd4: {  	p1 =	seq.s32 s17, $0x492;
	[sflag:s31] =	ssyncadd.s32 $0xFFFFD800;
	s14 =	sadd.s32 s17, s20  }
0xd5: {  	[tilespmem:s3], [sflag:$0x8] =	stream.linear.gather [hbm4b:s14+s2], $0x50, $0x38;
	[tilespmem:$0x1C880] =	vst v63  }
.Ltmp2:
0xd6: {  	_ = 	snop;
	(pc) =	sbr.rel @p1 .LBB2_4-.Ltmp2, $4  }
0xd7: {  	_ =	swait.ge [sflag:s9], $0x50  }
0xd8: {  	[sflag:s9] =	ssyncset.done $0x0  }
0xd9: {  	[sflag:s9] =	ssyncadd.s32 $0xFFFFFFB0  }
0xda: {  	[tilespmem:s10], [sflag:$0x2] =	stream.indirect.gather [hbm4b:s21+s8], $0x80, s5, s8, $0xb8;
	[tilespmem:$0x1C880] =	vst v63  }
.Ltmp3:
0xdb: {  	(pc) =	sbr.rel .LBB2_2-.Ltmp3, $4  }
0xdc: {  	_ = 	snop  }
0xdd: {  	s14 =	rddreg [dreg:$0x10]  }
0xde: {  	s14 =	sadd.s32 s17, s14;
	s17 =	sadd.s32 $0x1E, s17  }
0xdf: {  	[tilespmem:s6], [sflag:$0xC] =	stream.linear.gather [hbm4b:s14+s2], $0x50, $0x38;
	[tilespmem:$0x1C880] =	vst v63  }
.LBB2_5:
0xe0: {  	_ =	sfence.sel $0x180000  }
0xe1: {  	[bflag:$0x0] =	sbarrier.arrive $0xFFFF  }
0xe2: {  	_ =	strace $0x9000004A  }
0xe3: {  	s0 =	stileid.u32;
	[bflag:$0x2] =	sbarrier.arrive $0xFFFF  }
0xe4: {  	p0 =	sne.s32 s0, $0x0;
	s0 =	rddreg [dreg:$0x3]  }
0xe5: {  	s0 =	sadd.s32 @!p0 $0x100000, s0  }
0xe6: {  	[sflag:s0] =	ssyncadd.tile.s32 @!p0 $0x1;
	_ =	shalt  }
.Lfunc_end2:
_tile_overlayer_lowered:
.L_overlay_start_2:
0xe7: {  	(tag) =	ssettag $0x2  }
0xe8: {  	s0 =	rddreg [dreg:$0x0];
	s2 =	stileid.u32  }
0xe9: {  	s1 =	rddreg [dreg:$0x1];
	p0 =	sne.s32 s2, $0x0  }
0xea: {  	s3 =	rddreg [dreg:$0x2];
	[bflag:$0x3] =	sbarrier.arrive $0xFFFF;
	s2 =	simm.s32 @!p0 $0x1C0D  }
0xeb: {  	[timem:s3], [sflag:s2] =	dma.local @!p0 [hbm:s0], s1  }
0xec: {  	s0 =	simm.s32 @!p0 $0xD  }
0xed: {  	_ =	swait.ge @!p0 [sflag:s0], s1  }
0xee: {  	s1 =	ssub.s32 @!p0 $0x0, s1;
	[sflag:s0] =	ssyncset.done @!p0 $0x0  }
0xef: {  	[sflag:s0] =	ssyncadd.s32 @!p0 s1  }
0xf0: {  	[bflag:$0x3] =	sbarrier.arrive $0xFFFF  }
0xf1: {  	_ =	shalt  }

// kernel: sage_sc_agg_cnt.3.cloned.1.call-start
scs
__scs_entry_jumppad:
0x0: {  	(pc) =	sbr.rel $0x88, $3  }
0x1: {  	(tag) =	ssettag $0x0;
	lr =	simm.s32 $0x1  }
0x2: {  	[smem:$0x3F99] =	sst lr;
	_ =	strace $0xD0000000  }
0x3: {  	_ = 	snop  }
0x4: {  	_ = 	snop  }
0x5: {  	_ = 	snop  }
0x6: {  	_ = 	snop  }
0x7: {  	_ = 	snop  }
__scs_overlays_trampoline_lowered:
0x8: {  	[smem:$0x3FA8] =	sst s0  }
0x9: {  	[smem:$0x3FA9] =	sst s1  }
0xa: {  	[smem:$0x3FAA] =	sst s2  }
0xb: {  	[smem:$0x3FAB] =	sst s3  }
0xc: {  	[smem:$0x3FAC] =	sst s4  }
0xd: {  	[smem:$0x3FAD] =	sst s5  }
0xe: {  	[smem:$0x3FAE] =	sst s6  }
0xf: {  	[smem:$0x3FAF] =	sst s7  }
0x10: {  	[smem:$0x3FB0] =	sst s8  }
0x11: {  	[smem:$0x3FB1] =	sst s9;
	s0 =	simm.s32 @!p0 $0x0  }
0x12: {  	s1 =	sld [smem:$0x3F97];
	s0 =	simm.s32 @p0 $0x1  }
0x13: {  	[smem:$0x3FB2] =	sst s0;
	s0 =	simm.s32 @!p1 $0x0  }
0x14: {  	s2 =	sld [smem:$0x3F96];
	s0 =	simm.s32 @p1 $0x1  }
0x15: {  	[smem:$0x3FB3] =	sst s0;
	s0 =	simm.s32 @!p2 $0x0  }
0x16: {  	s3 =	sld [smem:$0x3FDB];
	s0 =	simm.s32 @p2 $0x1  }
0x17: {  	s4 =	simm.s32 $0x1BF5;
	[smem:$0x3FB5] =	sst s0  }
0x18: {  	s0 =	sld [smem:$0x3F98];
	_ =	swait.ge [sflag:s4], $0x0  }
0x19: {  	s7 =	sld [smem:$0x3F99]  }
0x1a: {  	s8 =	sadd.s32 $0xFFFFE003, lr  }
0x1b: {  	s9 =	sadd.s32 $0xFFFFFEF7, lr;
	s5 =	simm.s32 $0xFFFFFFFF;
	p2 =	slt.u32 s8, $0xFFFFF086  }
0x1c: {  	p1 =	slt.u32 s9, $0xF7A;
	s5 =	simm.s32 @!p2 $0x0  }
0x1d: {  	s5 =	simm.s32 @p1 $0x1;
	p0 =	seq.s32 s7, s2  }
0x1e: {  	s7 =	smul.u32 @!p0 $0xF7A, s2;
	p2 =	seq.s32 @!p0 s5, $0x0  }
0x1f: {  	s9 =	smul.u32 $0xF7A, s1;
	s8 =	simm.s32 @!p0 $0x1BF5;
	p2 =	por !p2, p0  }
0x20: {  	[sflag:s8] =	ssyncset.s32 @!p0 $0xFFFFF086;
	s6 =	sadd.s32 @!p0 s3, s7;
	s7 =	simm.s32 @!p0 $0x108  }
0x21: {  	s3 =	sadd.s32 s3, s9;
	s6 =	sadd.s32 @!p0 $0x88, s6;
	s7 =	simm.s32 @p2 $0x1082  }
0x22: {  	[simem:s7], [sflag:s8] =	dma.local @!p0 [hbm:s6], $0xF7A  }
0x23: {  	s9 =	sor.u32 $0xD0000000, s2;
	s6 =	simm.s32 $0x108;
	_ =	swait.ge @!p0 [sflag:s8], $0x0  }
0x24: {  	s3 =	sadd.s32 $0x88, s3;
	s6 =	simm.s32 @!p1 $0x1082;
	[sflag:s4] =	ssyncset.s32 $0xFFFFF086  }
0x25: {  	[simem:s6], [sflag:s4] =	dma.local [hbm:s3], $0xF7A  }
0x26: {  	[smem:$0x3F99] =	sst s1;
	(tag) =	ssettag s2;
	_ =	strace s9  }
0x27: {  	s1 =	sld [smem:$0x3FA9]  }
0x28: {  	s2 =	sld [smem:$0x3FAA]  }
0x29: {  	s4 =	sld [smem:$0x3FAC]  }
0x2a: {  	p0 =	seq.s32 s5, $0x0;
	s5 =	sld [smem:$0x3FAD]  }
0x2b: {  	s6 =	sld [smem:$0x3FAE]  }
0x2c: {  	s7 =	sld [smem:$0x3FAF]  }
0x2d: {  	s3 =	simm.s32 $0x108;
	s8 =	sld [smem:$0x3FB0]  }
0x2e: {  	s3 =	simm.s32 @!p0 $0x1082;
	s9 =	sld [smem:$0x3FB1]  }
0x2f: {  	lr =	sadd.s32 s0, s3;
	s0 =	sld [smem:$0x3FA8]  }
0x30: {  	s3 =	sld [smem:$0x3FAB]  }
0x31: {  	[smem:$0x3FB4] =	sst s10  }
0x32: {  	s10 =	sld [smem:$0x3FB2];
	_ =	sdelay $0x3  }
0x33: {  	p0 =	seq.s32 s10, $0x1;
	s10 =	sld [smem:$0x3FB4];
	_ =	sdelay $0x3  }
0x34: {  	[smem:$0x3FB4] =	sst s10  }
0x35: {  	s10 =	sld [smem:$0x3FB3];
	_ =	sdelay $0x3  }
0x36: {  	p1 =	seq.s32 s10, $0x1;
	s10 =	sld [smem:$0x3FB4];
	_ =	sdelay $0x3  }
0x37: {  	[smem:$0x3FB4] =	sst s10  }
0x38: {  	s10 =	sld [smem:$0x3FB5]  }
0x39: {  	_ = 	snop;
	(pc) =	sbr.ind lr, $3  }
0x3a: {  	_ = 	snop  }
0x3b: {  	_ = 	snop  }
0x3c: {  	p2 =	seq.s32 s10, $0x1;
	s10 =	sld [smem:$0x3FB4]  }
0x3d: {  	_ =	shalt  }
0x3e: {  	_ =	shalt  }
0x3f: {  	_ =	shalt  }
0x40: {  	_ =	shalt  }
0x41: {  	_ =	shalt  }
0x42: {  	_ =	shalt  }
0x43: {  	_ =	shalt  }
0x44: {  	_ =	shalt  }
0x45: {  	_ =	shalt  }
0x46: {  	_ =	shalt  }
0x47: {  	_ =	shalt  }
0x48: {  	_ =	shalt  }
0x49: {  	_ =	shalt  }
0x4a: {  	_ =	shalt  }
0x4b: {  	_ =	shalt  }
0x4c: {  	_ =	shalt  }
0x4d: {  	_ =	shalt  }
0x4e: {  	_ =	shalt  }
0x4f: {  	_ =	shalt  }
0x50: {  	_ =	shalt  }
0x51: {  	_ =	shalt  }
0x52: {  	_ =	shalt  }
0x53: {  	_ =	shalt  }
0x54: {  	_ =	shalt  }
0x55: {  	_ =	shalt  }
0x56: {  	_ =	shalt  }
0x57: {  	_ =	shalt  }
0x58: {  	_ =	shalt  }
0x59: {  	_ =	shalt  }
0x5a: {  	_ =	shalt  }
0x5b: {  	_ =	shalt  }
0x5c: {  	_ =	shalt  }
0x5d: {  	_ =	shalt  }
0x5e: {  	_ =	shalt  }
0x5f: {  	_ =	shalt  }
0x60: {  	_ =	shalt  }
0x61: {  	_ =	shalt  }
0x62: {  	_ =	shalt  }
0x63: {  	_ =	shalt  }
0x64: {  	_ =	shalt  }
0x65: {  	_ =	shalt  }
0x66: {  	_ =	shalt  }
0x67: {  	_ =	shalt  }
0x68: {  	_ =	shalt  }
0x69: {  	_ =	shalt  }
0x6a: {  	_ =	shalt  }
0x6b: {  	_ =	shalt  }
0x6c: {  	_ =	shalt  }
0x6d: {  	_ =	shalt  }
0x6e: {  	_ =	shalt  }
0x6f: {  	_ =	shalt  }
0x70: {  	_ =	shalt  }
0x71: {  	_ =	shalt  }
0x72: {  	_ =	shalt  }
0x73: {  	_ =	shalt  }
0x74: {  	_ =	shalt  }
0x75: {  	_ =	shalt  }
0x76: {  	_ =	shalt  }
0x77: {  	_ =	shalt  }
0x78: {  	_ =	shalt  }
0x79: {  	_ =	shalt  }
0x7a: {  	_ =	shalt  }
0x7b: {  	_ =	shalt  }
0x7c: {  	_ =	shalt  }
0x7d: {  	_ =	shalt  }
0x7e: {  	_ =	shalt  }
0x7f: {  	_ =	shalt  }
0x80: {  	_ =	shalt  }
0x81: {  	_ =	shalt  }
0x82: {  	_ =	shalt  }
0x83: {  	_ =	shalt  }
0x84: {  	_ =	shalt  }
0x85: {  	_ =	shalt  }
0x86: {  	_ =	shalt  }
0x87: {  	_ =	shalt  }
.Lfunc_end0:
.L_simem_size_0:
called_computation_lowered:
.L_overlay_start_0:
0x88: {  	s2 =	sld [smem:$0x3FD9]  }
0x89: {  	s3 =	sld [smem:$0x3FFE];
	_ =	sdelay $0x1  }
0x8a: {  	s1 =	srdreg.scid  }
0x8b: {  	s0 =	sand.u32 $0x1, s1  }
0x8c: {  	s17 =	sshll.u32 s0, $0xA;
	s2 =	sadd.s32 s3, s2  }
0x8d: {  	s2 =	sadd.s32 s2, s17  }
0x8e: {  	[smem:$0x3FC0] =	sst s2  }
0x8f: {  	_ = 	snop  }
0x90: {  	s2 =	sld [smem:$0x3FC9]  }
0x91: {  	s18 =	sld [smem:$0x3FD0];
	(tm) =	ssettm $0x1  }
0x92: {  	s4 =	sld [smem:$0x3FFB];
	_ =	sdelay $0x3  }
0x93: {  	_ =	strace s4  }
0x94: {  	s4 =	sld [smem:$0x3FFC];
	_ =	sdelay $0x3  }
0x95: {  	_ =	strace s4  }
0x96: {  	s4 =	sld [smem:$0x3FFD];
	_ =	sdelay $0x3  }
0x97: {  	_ =	strace s4  }
0x98: {  	_ =	strace $0x8FFFFFFF  }
0x99: {  	s19 =	sld [smem:$0x3FDB];
	_ =	sdelay $0x1  }
0x9a: {  	s5 =	simm.s32 $_scs_section_size  }
0x9b: {  	s6 =	simm.s32 $_size__tile_overlayer_lowered;
	s7 =	simm.s32 $_tile_overlayer_lowered  }
0x9c: {  	s22 =	simm.s32 $0x1BFF;
	s21 =	sshll.u32 s7, $0x1;
	s4 =	sadd.s32 s5, s19  }
0x9d: {  	s8 =	simm.s32 $0x0;
	s20 =	sshll.u32 s6, $0x1;
	s6 =	sadd.s32 s21, s4  }
0x9e: {  	[timem:s8], [sflag:s22] =	dma.local [hbm:s6], s20  }
0x9f: {  	_ =	swait.ge [sflag:s22], s20  }
0xa0: {  	s5 =	ssub.s32 $0x0, s20;
	[sflag:s22] =	ssyncset.done $0x0  }
0xa1: {  	[sflag:s22] =	ssyncadd.s32 s5;
	_ =	sdelay $0x1  }
0xa2: {  	s23 =	simm.s32 $0x1B8B  }
0xa3: {  	_ =	swait.ge [sflag:s23], $0x1  }
0xa4: {  	[sflag:s23] =	ssyncset.done $0x0  }
0xa5: {  	s25 =	simm.s32 $0x1B8E;
	s24 =	sld [smem:$0x3FFE];
	[sflag:s23] =	ssyncadd.s32 $0xFFFFFFFF  }
0xa6: {  	s26 =	simm.s32 $execute0_lowered;
	[smem:$0x3FD2] =	sst s25  }
0xa7: {  	s6 =	sshll.u32 s26, $0x1;
	_ =	strace $0x80000046;
	[dreg:$0x1] =	wrdreg $0xFFFFFFFF  }
0xa8: {  	s28 =	simm.s32 $_size_execute0_lowered;
	s4 =	sadd.s32 s4, s6;
	[dreg:$0x0] =	wrdreg $0x0  }
0xa9: {  	s6 =	sshll.u32 s28, $0x1;
	[dreg:$0x2] =	wrdreg s4  }
0xaa: {  	[dreg:$0x3] =	wrdreg s6  }
0xab: {  	[dreg:$0x4] =	wrdreg $0xC0  }
0xac: {  	_ =	task [dreg:s8], $0x5FFFF  }
0xad: {  	[dreg:$0x1] =	wrdreg $0xFFFFFFFF  }
0xae: {  	[dreg:$0x0] =	wrdreg $0x60  }
0xaf: {  	[dreg:$0x2] =	wrdreg s2  }
0xb0: {  	[dreg:$0x3] =	wrdreg s24  }
0xb1: {  	[dreg:$0x4] =	wrdreg s18  }
0xb2: {  	[dreg:$0x5] =	wrdreg $0x0  }
0xb3: {  	[dreg:$0x6] =	wrdreg $0x9  }
0xb4: {  	_ =	task.clear_ibuf [dreg:s8], $0x7FFFF;
	_ =	strace $0x90000046  }
0xb5: {  	s29 =	simm.s32 $0x9;
	_ =	strace $0x80000048  }
0xb6: {  	_ =	swait.ge [sflag:s29], $0x1  }
0xb7: {  	[sflag:s29] =	ssyncadd.s32 $0xFFFFFFFF  }
0xb8: {  	_ =	strace $0x90000048  }
0xb9: {  	_ =	sfence  }
0xba: {  	s30 =	sld [smem:$0x0];
	_ =	sdelay $0x2  }
0xbb: {  	s31 =	sshll.u32 s1, $0xD;
	s1 =	sshrl.u32 s1, $0x2  }
0xbc: {  	s3 =	sand.u32 $0x4000, s31;
	s1 =	sadd.s32 s1, s30  }
0xbd: {  	s0 =	sor.u32 s3, s0;
	s1 =	sshll.u32 s1, $0x11  }
0xbe: {  	s0 =	sor.u32 s1, s0  }
0xbf: {  	s0 =	sadd.s32 $0x8F2B, s0  }
0xc0: {  	[sflag:s0] =	ssyncadd.remote.s32 $0x1  }
0xc1: {  	_ =	sfence.sel $0xFFFF  }
0xc2: {  	[dreg:$0x0] =	wrdreg $0xFFFFFFFF;
	(pc) =	sbr.abs _section_cstart, $3  }
0xc3: {  	[dreg:$0x1] =	wrdreg $0xFFFFFFFF  }
0xc4: {  	_ =	task.clear_ibuf [dreg:s8], $0x2FFFF;
	_ =	strace $0x9FFFFFFF  }
0xc5: {  	(tm) =	ssettm $0x7FFFFFFF  }
tec
execute0_lowered:
.L_overlay_start_1:
0x0: {  	(tag) =	ssettag $0x1  }
0x1: {  	s0 =	srdreg.scid;
	s1 =	rddreg [dreg:$0x0]  }
0x2: {  	s20 =	stileid.u32;
	s4 =	rddreg [dreg:$0x1];
	s2 =	simm.s32 $0x0  }
0x3: {  	s30 =	simm.s32 $0x6;
	s31 =	simm.s32 $0x1BC80;
	s29 =	simm.s32 $0xC  }
0x4: {  	s28 =	simm.s32 $0x2;
	s0 =	sand.u32 $0x1, s0;
	s26 =	smul.u32 $0x2710, s20  }
0x5: {  	[smem:$0x7FF] =	sst s2;
	s3 =	sshll.u32 s0, $0x4;
	s13 =	smul.u32 $0x138800, s0  }
0x6: {  	s8 =	ssub.s32 $0x2, s0;
	s0 =	smul.u32 $0x27100, s0;
	s3 =	sor.u32 s20, s3  }
0x7: {  	s5 =	sadd.s32 $0xBE00, s4;
	s10 =	sshrl.u32 s8, $0x1;
	s3 =	smul.u32 $0x2710, s3  }
0x8: {  	s6 =	sadd.s32 $0x2000, s4;
	s8 =	ssub.s32 s8, s10;
	s10 =	smul.u32 $0x13800, s20  }
0x9: {  	s7 =	sadd.s32 $0x16200, s4;
	s9 =	sadd.s32 $0x64400, s4;
	s0 =	sadd.s32 s26, s0  }
0xa: {  	s26 =	rddreg [dreg:$0x2];
	s3 =	sshrl.u32 s3, $0x3;
	s16 =	sadd.s32 s10, s13  }
0xb: {  	s13 =	sshrl.u32 s13, $0x3;
	s11 =	sadd.s32 s6, s3;
	s19 =	sadd.s32 $0xA, s3  }
0xc: {  	s12 =	sadd.s32 $0x14, s3;
	[dreg:$0x5] =	wrdreg s11;
	s14 =	sadd.s32 s6, s19  }
0xd: {  	s23 =	sadd.s32 $0x1E, s3;
	s22 =	sadd.s32 s6, s12;
	[dreg:$0x6] =	wrdreg s14  }
0xe: {  	s24 =	sadd.s32 $0x28, s3;
	s15 =	sadd.s32 s6, s23;
	[dreg:$0x7] =	wrdreg s22  }
0xf: {  	s16 =	sshrl.u32 s16, $0x3;
	s17 =	sadd.s32 s6, s24;
	[dreg:$0x8] =	wrdreg s15  }
0x10: {  	s13 =	sadd.s32 $0x27000, s13;
	s25 =	sadd.s32 s9, s16;
	[dreg:$0x9] =	wrdreg s17  }
0x11: {  	s4 =	sadd.s32 $0x15C00, s4;
	s9 =	sadd.s32 s9, s13;
	[dreg:$0xa] =	wrdreg s25  }
0x12: {  	p0 =	sne.s32 s20, $0xF;
	s11 =	sadd.s32 s5, s19;
	[dreg:$0xb] =	wrdreg s9  }
0x13: {  	s21 =	sadd.s32 s5, s3;
	s12 =	sadd.s32 s5, s12;
	[dreg:$0xd] =	wrdreg s11  }
0x14: {  	s18 =	sadd.s32 s5, s24;
	s19 =	sadd.s32 s7, s16;
	[dreg:$0xe] =	wrdreg s12  }
0x15: {  	s24 =	sadd.s32 $0x190, s0;
	s16 =	smax.u32 s8, $0x1;
	[dreg:$0x10] =	wrdreg s18  }
0x16: {  	s8 =	simm.s32 $0x3;
	s17 =	sadd.s32 s5, s23;
	[dreg:$0x11] =	wrdreg s19  }
0x17: {  	s22 =	sadd.s32 s7, s13;
	s23 =	sadd.s32 $0x230, s0;
	s25 =	sadd.s32 $0x1E0, s0  }
0x18: {  	s7 =	sshrl.u32 s24, $0x3;
	s0 =	sadd.s32 $0x280, s0;
	s11 =	smul.u32 $0x4E000, s20  }
0x19: {  	s14 =	sshrl.u32 s10, $0x3;
	s15 =	sadd.s32 $0x27000, s26;
	[dreg:$0xf] =	wrdreg s17  }
0x1a: {  	s24 =	simm.s32 $0xD;
	s10 =	simm.s32 $0x9;
	[dreg:$0x12] =	wrdreg s22  }
0x1b: {  	s3 =	sshrl.u32 s23, $0x3;
	s9 =	sshrl.u32 s25, $0x3;
	s17 =	sadd.s32 s7, s6  }
0x1c: {  	s22 =	rddreg [dreg:$0x3];
	s0 =	sshrl.u32 s0, $0x3;
	s25 =	simm.s32 $0x5  }
0x1d: {  	s7 =	simm.s32 $0x1;
	s18 =	sadd.s32 s3, s6;
	s3 =	sadd.s32 s3, s5  }
0x1e: {  	s23 =	simm.s32 $0x0;
	s12 =	sadd.s32 s9, s5;
	[dreg:$0x13] =	wrdreg s3  }
0x1f: {  	s19 =	sadd.s32 s9, s6;
	s0 =	sadd.s32 s0, s5;
	[dreg:$0x14] =	wrdreg s12  }
0x20: {  	s13 =	sshrl.u32 s11, $0x2;
	s20 =	sadd.s32 $0x138000, s22;
	[dreg:$0x15] =	wrdreg s0  }
0x21: {  	s0 =	sadd.s32 s13, s22;
	_ =	strace $0x80000047;
	[dreg:$0x16] =	wrdreg s4  }
0x22: {  	s9 =	simm.s32 $0x1B080;
	s11 =	simm.s32 $0x1B480;
	[dreg:$0x17] =	wrdreg s0  }
0x23: {  	s5 =	simm.s32 $0xB;
	s6 =	simm.s32 $0x16080;
	[dreg:$0x19] =	wrdreg s15  }
0x24: {  	s12 =	simm.s32 $0x7;
	s13 =	simm.s32 $0x50;
	[dreg:$0x1a] =	wrdreg s16  }
.Ltmp0:
0x25: {  	s0 =	sadd.s32 s26, s14;
	[dreg:$0x1b] =	wrdreg s20;
	(pc) =	sbr.rel .LBB2_1-.Ltmp0, $4  }
0x26: {  	[dreg:$0xc] =	wrdreg s21;
	s21 =	sadd.s32 $0x32, s21;
	s14 =	simm.s32 $0x1B880  }
0x27: {  	s15 =	simm.s32 $0x8;
	s16 =	simm.s32 $0x4;
	[dreg:$0x1d] =	wrdreg s23  }
0x28: {  	s4 =	simm.s32 $0xA;
	s26 =	simm.s32 $0x18880;
	[dreg:$0x18] =	wrdreg s0  }
0x29: {  	[dreg:$0x1c] =	wrdreg s21;
	s0 =	simm.s32 $0x13880;
	s21 =	simm.s32 $0x1C080  }
.LBB2_6:
0x2a: {  	_ =	swait.ge [sflag:s12], $0x50  }
0x2b: {  	[sflag:s12] =	ssyncset.done $0x0  }
0x2c: {  	[sflag:s12] =	ssyncadd.s32 $0xFFFFFFB0  }
0x2d: {  	_ =	swait.ge [sflag:s7], $0x2800  }
0x2e: {  	[sflag:s7] =	ssyncset.done $0x0  }
0x2f: {  	[sflag:s7] =	ssyncadd.s32 $0xFFFFD800  }
0x30: {  	[spmem:s22] =	stream.indirect.scatter.add.f32 [tilespmem:s0], [sflag:$0x4], $0x80, s9, s13, $0xb8;
	[tilespmem:$0x1C880] =	vst v63  }
0x31: {  	_ =	swait.ge [sflag:s30], $0x2800  }
0x32: {  	[sflag:s30] =	ssyncset.done $0x0  }
0x33: {  	[sflag:s30] =	ssyncadd.s32 $0xFFFFD800  }
0x34: {  	_ =	swait.ge [sflag:s15], $0x50  }
0x35: {  	[sflag:s15] =	ssyncset.done $0x0  }
0x36: {  	[sflag:s15] =	ssyncadd.s32 $0xFFFFFFB0  }
0x37: {  	_ =	swait.ge [sflag:s28], $0x2800  }
0x38: {  	[sflag:s28] =	ssyncset.done $0x0  }
0x39: {  	[sflag:s28] =	ssyncadd.s32 $0xFFFFD800  }
0x3a: {  	[spmem:s22] =	stream.indirect.scatter.add.f32 [tilespmem:s6], [sflag:$0x5], $0x80, s11, s13, $0xb8;
	[tilespmem:$0x1C880] =	vst v63  }
0x3b: {  	_ =	swait.ge [sflag:s16], $0x2800  }
0x3c: {  	[sflag:s16] =	ssyncset.done $0x0  }
0x3d: {  	[sflag:s16] =	ssyncadd.s32 $0xFFFFD800  }
0x3e: {  	_ =	swait.ge [sflag:s25], $0x2800  }
0x3f: {  	[sflag:s25] =	ssyncset.done $0x0  }
0x40: {  	[sflag:s25] =	ssyncadd.s32 $0xFFFFD800  }
0x41: {  	[bflag:$0x0] =	sbarrier.arrive $0xFFFF  }
0x42: {  	s20 =	rddreg [dreg:$0x11]  }
0x43: {  	s3 =	rddreg [dreg:$0x1e]  }
0x44: {  	s23 =	rddreg [dreg:$0x1f]  }
0x45: {  	[hbm:s20], [sflag:s3] =	dma.local [spmem:s23], $0x2700  }
0x46: {  	s23 =	simm.s32 $0xD  }
0x47: {  	_ =	swait.ge [sflag:s23], $0x2700  }
0x48: {  	[sflag:s23] =	ssyncset.done $0x0  }
0x49: {  	[sflag:s23] =	ssyncadd.s32 $0xFFFFD900;
	s23 =	sld [smem:$0x7FD];
	_ =	sdelay $0x1  }
0x4a: {  	s20 =	rddreg [dreg:$0x12]  }
0x4b: {  	[hbm:s20], [sflag:s3] =	dma.local @!p0 [spmem:s23], $0x100  }
0x4c: {  	s20 =	simm.s32 @!p0 $0xD  }
0x4d: {  	_ =	swait.ge @!p0 [sflag:s20], $0x100  }
0x4e: {  	s24 =	rddreg [dreg:$0x1d]  }
0x4f: {  	s23 =	sadd.s32 $0x1, s24;
	s24 =	rddreg [dreg:$0x1a]  }
0x50: {  	p1 =	sne.s32 s23, s24  }
.Ltmp1:
0x51: {  	_ = 	snop;
	(pc) =	sbr.rel @!p1 .LBB2_7-.Ltmp1, $3  }
0x52: {  	_ =	sdelay $0x1  }
0x53: {  	[sflag:s20] =	ssyncset.done @!p0 $0x0  }
0x54: {  	[sflag:s20] =	ssyncadd.s32 @!p0 $0xFFFFFF00;
	[dreg:$0x1d] =	wrdreg s23;
	s24 =	simm.s32 $0xD  }
.LBB2_1:
0x55: {  	s20 =	rddreg [dreg:$0x16];
	s23 =	stileid.u32  }
0x56: {  	[tilespmem:s0], [sflag:$0xD] =	stream.linear.gather [hbm4b:s20+s2], $0x2800, $0x38;
	[tilespmem:$0x1C880] =	vst v63  }
0x57: {  	s20 =	sshll.u32 s23, $0x6;
	_ =	swait.ge [sflag:s24], $0x2800  }
0x58: {  	s23 =	sor.u32 $0x1C0D, s20;
	s3 =	rddreg [dreg:$0x17]  }
0x59: {  	[sflag:s24] =	ssyncset.done $0x0;
	s20 =	rddreg [dreg:$0x18];
	s3 =	sshrl.u32 s3, $0x3  }
0x5a: {  	[sflag:s24] =	ssyncadd.s32 $0xFFFFD800;
	[dreg:$0x1f] =	wrdreg s3  }
0x5b: {  	[spmem:s3], [sflag:s23] =	dma.local [hbm:s20], $0x2700  }
0x5c: {  	_ =	swait.ge [sflag:s24], $0x2700;
	[dreg:$0x1e] =	wrdreg s23  }
0x5d: {  	s20 =	rddreg [dreg:$0x1b]  }
0x5e: {  	[sflag:s24] =	ssyncset.done $0x0;
	s3 =	sshrl.u32 @!p0 s20, $0x3;
	s20 =	rddreg [dreg:$0x19]  }
0x5f: {  	[sflag:s24] =	ssyncadd.s32 $0xFFFFD900;
	[smem:$0x7FD] =	sst s3  }
0x60: {  	[spmem:s3], [sflag:s23] =	dma.local @!p0 [hbm:s20], $0x100  }
0x61: {  	s20 =	simm.s32 @!p0 $0xD  }
0x62: {  	_ =	swait.ge @!p0 [sflag:s20], $0x100  }
0x63: {  	[sflag:s20] =	ssyncset.done @!p0 $0x0  }
0x64: {  	[sflag:s20] =	ssyncadd.s32 @!p0 $0xFFFFFF00  }
0x65: {  	[bflag:$0x0] =	sbarrier.arrive $0xFFFF  }
0x66: {  	s24 =	rddreg [dreg:$0x5]  }
0x67: {  	[tilespmem:s9], [sflag:$0x7] =	stream.linear.gather [hbm4b:s24+s2], $0x50, $0x38;
	[tilespmem:$0x1C880] =	vst v63  }
0x68: {  	s3 =	rddreg [dreg:$0x6]  }
0x69: {  	[tilespmem:s11], [sflag:$0x8] =	stream.linear.gather [hbm4b:s3+s2], $0x50, $0x38;
	[tilespmem:$0x1C880] =	vst v63  }
0x6a: {  	_ =	swait.ge [sflag:s12], $0x50  }
0x6b: {  	[sflag:s12] =	ssyncset.done $0x0  }
0x6c: {  	[sflag:s12] =	ssyncadd.s32 $0xFFFFFFB0  }
0x6d: {  	[spmem:s22] =	stream.indirect.scatter.add.f32 [tilespmem:s0], [sflag:$0x4], $0x80, s9, s13, $0xb8;
	[tilespmem:$0x1C880] =	vst v63  }
0x6e: {  	s23 =	rddreg [dreg:$0x7]  }
0x6f: {  	[tilespmem:s14], [sflag:$0x9] =	stream.linear.gather [hbm4b:s23+s2], $0x50, $0x38;
	[tilespmem:$0x1C880] =	vst v63  }
0x70: {  	_ =	swait.ge [sflag:s15], $0x50  }
0x71: {  	[sflag:s15] =	ssyncset.done $0x0  }
0x72: {  	[sflag:s15] =	ssyncadd.s32 $0xFFFFFFB0  }
0x73: {  	[spmem:s22] =	stream.indirect.scatter.add.f32 [tilespmem:s0], [sflag:$0x5], $0x80, s11, s13, $0xb8;
	[tilespmem:$0x1C880] =	vst v63  }
0x74: {  	_ =	swait.ge [sflag:s16], $0x2800  }
0x75: {  	[sflag:s16] =	ssyncset.done $0x0  }
0x76: {  	s24 =	rddreg [dreg:$0x8];
	[sflag:s16] =	ssyncadd.s32 $0xFFFFD800  }
0x77: {  	[tilespmem:s9], [sflag:$0x7] =	stream.linear.gather [hbm4b:s24+s2], $0x50, $0x38;
	[tilespmem:$0x1C880] =	vst v63  }
0x78: {  	_ =	swait.ge [sflag:s10], $0x50  }
0x79: {  	[sflag:s10] =	ssyncset.done $0x0  }
0x7a: {  	[sflag:s10] =	ssyncadd.s32 $0xFFFFFFB0  }
0x7b: {  	[spmem:s22] =	stream.indirect.scatter.add.f32 [tilespmem:s0], [sflag:$0x6], $0x80, s14, s13, $0xb8;
	[tilespmem:$0x1C880] =	vst v63  }
0x7c: {  	_ =	swait.ge [sflag:s25], $0x2800  }
0x7d: {  	[sflag:s25] =	ssyncset.done $0x0  }
0x7e: {  	s3 =	rddreg [dreg:$0x9];
	[sflag:s25] =	ssyncadd.s32 $0xFFFFD800  }
0x7f: {  	[tilespmem:s11], [sflag:$0x8] =	stream.linear.gather [hbm4b:s3+s2], $0x50, $0x38;
	[tilespmem:$0x1C880] =	vst v63  }
0x80: {  	_ =	swait.ge [sflag:s12], $0x50  }
0x81: {  	[sflag:s12] =	ssyncset.done $0x0  }
0x82: {  	[sflag:s12] =	ssyncadd.s32 $0xFFFFFFB0  }
0x83: {  	[spmem:s22] =	stream.indirect.scatter.add.f32 [tilespmem:s0], [sflag:$0x4], $0x80, s9, s13, $0xb8;
	[tilespmem:$0x1C880] =	vst v63  }
0x84: {  	_ =	swait.ge [sflag:s30], $0x2800  }
0x85: {  	[sflag:s30] =	ssyncset.done $0x0  }
0x86: {  	s23 =	sadd.s32 $0x0, s17;
	[sflag:s30] =	ssyncadd.s32 $0xFFFFD800  }
0x87: {  	[tilespmem:s14], [sflag:$0x9] =	stream.linear.gather [hbm4b:s23+s2], $0x50, $0x38;
	[tilespmem:$0x1C880] =	vst v63  }
0x88: {  	_ =	swait.ge [sflag:s15], $0x50  }
0x89: {  	[sflag:s15] =	ssyncset.done $0x0  }
0x8a: {  	[sflag:s15] =	ssyncadd.s32 $0xFFFFFFB0  }
0x8b: {  	[spmem:s22] =	stream.indirect.scatter.add.f32 [tilespmem:s0], [sflag:$0x5], $0x80, s11, s13, $0xb8;
	[tilespmem:$0x1C880] =	vst v63  }
0x8c: {  	_ =	swait.ge [sflag:s16], $0x2800  }
0x8d: {  	[sflag:s16] =	ssyncset.done $0x0  }
0x8e: {  	s24 =	sadd.s32 $0x0, s19;
	[sflag:s16] =	ssyncadd.s32 $0xFFFFD800  }
0x8f: {  	[tilespmem:s9], [sflag:$0x7] =	stream.linear.gather [hbm4b:s24+s2], $0x50, $0x38;
	[tilespmem:$0x1C880] =	vst v63  }
0x90: {  	_ =	swait.ge [sflag:s10], $0x50  }
0x91: {  	[sflag:s10] =	ssyncset.done $0x0  }
0x92: {  	[sflag:s10] =	ssyncadd.s32 $0xFFFFFFB0  }
0x93: {  	[spmem:s22] =	stream.indirect.scatter.add.f32 [tilespmem:s0], [sflag:$0x6], $0x80, s14, s13, $0xb8;
	[tilespmem:$0x1C880] =	vst v63  }
0x94: {  	_ =	swait.ge [sflag:s25], $0x2800  }
0x95: {  	[sflag:s25] =	ssyncset.done $0x0  }
0x96: {  	s20 =	sadd.s32 $0x0, s18;
	s24 =	simm.s32 $0x1E;
	[sflag:s25] =	ssyncadd.s32 $0xFFFFD800  }
.LBB2_2:
0x97: {  	[tilespmem:s11], [sflag:$0x8] =	stream.linear.gather [hbm4b:s20+s2], $0x50, $0x38;
	[tilespmem:$0x1C880] =	vst v63  }
0x98: {  	s20 =	smov.u32 s24  }
0x99: {  	p1 =	sne.s32 s24, $0x492;
	s24 =	sadd.s32 $0x1E, s24;
	_ =	swait.ge [sflag:s12], $0x50  }
0x9a: {  	[sflag:s12] =	ssyncset.done $0x0  }
0x9b: {  	[sflag:s12] =	ssyncadd.s32 $0xFFFFFFB0  }
0x9c: {  	[spmem:s22] =	stream.indirect.scatter.add.f32 [tilespmem:s0], [sflag:$0x4], $0x80, s9, s13, $0xb8;
	[tilespmem:$0x1C880] =	vst v63  }
0x9d: {  	_ =	swait.ge [sflag:s30], $0x2800  }
0x9e: {  	[sflag:s30] =	ssyncset.done $0x0  }
0x9f: {  	s23 =	sadd.s32 s20, s17;
	[sflag:s30] =	ssyncadd.s32 $0xFFFFD800  }
0xa0: {  	[tilespmem:s14], [sflag:$0x9] =	stream.linear.gather [hbm4b:s23+s2], $0x50, $0x38;
	[tilespmem:$0x1C880] =	vst v63  }
0xa1: {  	_ =	swait.ge [sflag:s15], $0x50  }
0xa2: {  	[sflag:s15] =	ssyncset.done $0x0  }
0xa3: {  	[sflag:s15] =	ssyncadd.s32 $0xFFFFFFB0  }
0xa4: {  	[spmem:s22] =	stream.indirect.scatter.add.f32 [tilespmem:s0], [sflag:$0x5], $0x80, s11, s13, $0xb8;
	[tilespmem:$0x1C880] =	vst v63  }
0xa5: {  	_ =	swait.ge [sflag:s16], $0x2800  }
0xa6: {  	[sflag:s16] =	ssyncset.done $0x0  }
0xa7: {  	s23 =	sadd.s32 s20, s19;
	[sflag:s16] =	ssyncadd.s32 $0xFFFFD800  }
0xa8: {  	[tilespmem:s9], [sflag:$0x7] =	stream.linear.gather [hbm4b:s23+s2], $0x50, $0x38;
	[tilespmem:$0x1C880] =	vst v63  }
0xa9: {  	_ =	swait.ge [sflag:s10], $0x50  }
0xaa: {  	[sflag:s10] =	ssyncset.done $0x0  }
.Ltmp2:
0xab: {  	[sflag:s10] =	ssyncadd.s32 $0xFFFFFFB0;
	(pc) =	sbr.rel @p1 .LBB2_2-.Ltmp2, $4  }
0xac: {  	[spmem:s22] =	stream.indirect.scatter.add.f32 [tilespmem:s0], [sflag:$0x6], $0x80, s14, s13, $0xb8;
	[tilespmem:$0x1C880] =	vst v63  }
0xad: {  	_ =	swait.ge [sflag:s25], $0x2800  }
0xae: {  	[sflag:s25] =	ssyncset.done $0x0  }
0xaf: {  	s20 =	sadd.s32 s20, s18;
	[sflag:s25] =	ssyncadd.s32 $0xFFFFD800  }
0xb0: {  	[tilespmem:s11], [sflag:$0x8] =	stream.linear.gather [hbm4b:s20+s2], $0x50, $0x38;
	[tilespmem:$0x1C880] =	vst v63  }
0xb1: {  	_ =	swait.ge [sflag:s12], $0x50  }
0xb2: {  	[sflag:s12] =	ssyncset.done $0x0  }
0xb3: {  	[sflag:s12] =	ssyncadd.s32 $0xFFFFFFB0  }
0xb4: {  	[spmem:s22] =	stream.indirect.scatter.add.f32 [tilespmem:s0], [sflag:$0x4], $0x80, s9, s13, $0xb8;
	[tilespmem:$0x1C880] =	vst v63  }
0xb5: {  	_ =	swait.ge [sflag:s30], $0x2800  }
0xb6: {  	[sflag:s30] =	ssyncset.done $0x0  }
0xb7: {  	[sflag:s30] =	ssyncadd.s32 $0xFFFFD800  }
0xb8: {  	_ =	swait.ge [sflag:s15], $0x50  }
0xb9: {  	[sflag:s15] =	ssyncset.done $0x0  }
0xba: {  	[sflag:s15] =	ssyncadd.s32 $0xFFFFFFB0  }
0xbb: {  	[spmem:s22] =	stream.indirect.scatter.add.f32 [tilespmem:s0], [sflag:$0x5], $0x80, s11, s13, $0xb8;
	[tilespmem:$0x1C880] =	vst v63  }
0xbc: {  	_ =	swait.ge [sflag:s16], $0x2800  }
0xbd: {  	[sflag:s16] =	ssyncset.done $0x0  }
0xbe: {  	[sflag:s16] =	ssyncadd.s32 $0xFFFFD800  }
0xbf: {  	_ =	swait.ge [sflag:s25], $0x2800  }
0xc0: {  	[sflag:s25] =	ssyncset.done $0x0  }
0xc1: {  	[sflag:s25] =	ssyncadd.s32 $0xFFFFD800  }
0xc2: {  	[bflag:$0x0] =	sbarrier.arrive $0xFFFF  }
0xc3: {  	s24 =	rddreg [dreg:$0xa]  }
0xc4: {  	s3 =	rddreg [dreg:$0x1e]  }
0xc5: {  	s23 =	rddreg [dreg:$0x1f]  }
0xc6: {  	[hbm:s24], [sflag:s3] =	dma.local [spmem:s23], $0x2700  }
0xc7: {  	s24 =	simm.s32 $0xD  }
0xc8: {  	_ =	swait.ge [sflag:s24], $0x2700  }
0xc9: {  	[sflag:s24] =	ssyncset.done $0x0  }
0xca: {  	[sflag:s24] =	ssyncadd.s32 $0xFFFFD900  }
0xcb: {  	[bflag:$0x0] =	sbarrier.arrive @p0 $0xFFFF  }
0xcc: {  	s23 =	rddreg [dreg:$0x17]  }
0xcd: {  	s24 =	rddreg [dreg:$0x18];
	s20 =	sshrl.u32 @p0 s23, $0x3  }
0xce: {  	[spmem:s20], [sflag:s3] =	dma.local @p0 [hbm:s24], $0x2700  }
0xcf: {  	s20 =	simm.s32 @p0 $0xD  }
0xd0: {  	_ =	swait.ge @p0 [sflag:s20], $0x2700  }
0xd1: {  	s24 =	sld [smem:$0x7FD]  }
0xd2: {  	[sflag:s20] =	ssyncset.done @p0 $0x0  }
0xd3: {  	[sflag:s20] =	ssyncadd.s32 @p0 $0xFFFFD900;
	s20 =	rddreg [dreg:$0xb]  }
0xd4: {  	[hbm:s20], [sflag:s3] =	dma.local @!p0 [spmem:s24], $0x100  }
0xd5: {  	s20 =	simm.s32 @!p0 $0xD  }
0xd6: {  	_ =	swait.ge @!p0 [sflag:s20], $0x100  }
0xd7: {  	[sflag:s20] =	ssyncset.done @!p0 $0x0  }
0xd8: {  	[sflag:s20] =	ssyncadd.s32 @!p0 $0xFFFFFF00  }
0xd9: {  	[bflag:$0x0] =	sbarrier.arrive @!p0 $0xFFFF  }
0xda: {  	s23 =	sshrl.u32 @!p0 s23, $0x3;
	s24 =	rddreg [dreg:$0x18]  }
0xdb: {  	[spmem:s23], [sflag:s3] =	dma.local @!p0 [hbm:s24], $0x2700  }
0xdc: {  	_ =	swait.ge @!p0 [sflag:s20], $0x2700  }
0xdd: {  	s24 =	sld [smem:$0x7FD]  }
0xde: {  	[sflag:s20] =	ssyncset.done @!p0 $0x0  }
0xdf: {  	s23 =	rddreg [dreg:$0x19];
	[sflag:s20] =	ssyncadd.s32 @!p0 $0xFFFFD900  }
0xe0: {  	[spmem:s24], [sflag:s3] =	dma.local @!p0 [hbm:s23], $0x100  }
0xe1: {  	_ =	swait.ge @!p0 [sflag:s20], $0x100  }
0xe2: {  	[sflag:s20] =	ssyncset.done @!p0 $0x0  }
0xe3: {  	[sflag:s20] =	ssyncadd.s32 @!p0 $0xFFFFFF00  }
0xe4: {  	[bflag:$0x0] =	sbarrier.arrive $0xFFFF  }
0xe5: {  	s24 =	simm.s32 $0x0;
	s23 =	rddreg [dreg:$0x5]  }
0xe6: {  	[tilespmem:s9], [sflag:$0x7] =	stream.linear.gather [hbm4b:s23+s24], $0x50, $0x38;
	[tilespmem:$0x1C880] =	vst v63  }
0xe7: {  	s3 =	rddreg [dreg:$0xc]  }
0xe8: {  	[tilespmem:s31], [sflag:$0xA] =	stream.linear.gather [hbm4b:s3+s24], $0x50, $0x38;
	[tilespmem:$0x1C880] =	vst v63  }
0xe9: {  	s23 =	rddreg [dreg:$0x6]  }
0xea: {  	[tilespmem:s11], [sflag:$0x8] =	stream.linear.gather [hbm4b:s23+s24], $0x50, $0x38;
	[tilespmem:$0x1C880] =	vst v63  }
0xeb: {  	s3 =	rddreg [dreg:$0xd]  }
0xec: {  	[tilespmem:s21], [sflag:$0xB] =	stream.linear.gather [hbm4b:s3+s24], $0x50, $0x38;
	[tilespmem:$0x1C880] =	vst v63  }
0xed: {  	s23 =	rddreg [dreg:$0xe];
	s3 =	simm.s32 $0x1C480  }
0xee: {  	[tilespmem:s3], [sflag:$0xC] =	stream.linear.gather [hbm4b:s23+s24], $0x50, $0x38;
	[tilespmem:$0x1C880] =	vst v63  }
0xef: {  	_ =	swait.ge [sflag:s4], $0x50  }
0xf0: {  	[sflag:s4] =	ssyncset.done $0x0  }
0xf1: {  	[sflag:s4] =	ssyncadd.s32 $0xFFFFFFB0  }
0xf2: {  	[tilespmem:s0], [sflag:$0x1] =	stream.indirect.gather [hbm4b:s1+s13], $0x80, s31, s13, $0xb8;
	[tilespmem:$0x1C880] =	vst v63  }
0xf3: {  	_ =	swait.ge [sflag:s5], $0x50  }
0xf4: {  	[sflag:s5] =	ssyncset.done $0x0  }
0xf5: {  	[sflag:s5] =	ssyncadd.s32 $0xFFFFFFB0  }
0xf6: {  	[tilespmem:s6], [sflag:$0x2] =	stream.indirect.gather [hbm4b:s1+s13], $0x80, s21, s13, $0xb8;
	[tilespmem:$0x1C880] =	vst v63  }
0xf7: {  	_ =	swait.ge [sflag:s12], $0x50  }
0xf8: {  	[sflag:s12] =	ssyncset.done $0x0  }
0xf9: {  	[sflag:s12] =	ssyncadd.s32 $0xFFFFFFB0  }
0xfa: {  	_ =	swait.ge [sflag:s7], $0x2800  }
0xfb: {  	[sflag:s7] =	ssyncset.done $0x0  }
0xfc: {  	[sflag:s7] =	ssyncadd.s32 $0xFFFFD800  }
0xfd: {  	[spmem:s22] =	stream.indirect.scatter.add.f32 [tilespmem:s0], [sflag:$0x4], $0x80, s9, s13, $0xb8;
	[tilespmem:$0x1C880] =	vst v63  }
0xfe: {  	s23 =	rddreg [dreg:$0x7]  }
0xff: {  	[tilespmem:s14], [sflag:$0x9] =	stream.linear.gather [hbm4b:s23+s24], $0x50, $0x38;
	[tilespmem:$0x1C880] =	vst v63  }
0x100: {  	_ =	swait.ge [sflag:s29], $0x50  }
0x101: {  	[sflag:s29] =	ssyncset.done $0x0  }
0x102: {  	[sflag:s29] =	ssyncadd.s32 $0xFFFFFFB0  }
0x103: {  	[tilespmem:s26], [sflag:$0x3] =	stream.indirect.gather [hbm4b:s1+s13], $0x80, s3, s13, $0xb8;
	[tilespmem:$0x1C880] =	vst v63  }
0x104: {  	s23 =	rddreg [dreg:$0xf]  }
0x105: {  	[tilespmem:s31], [sflag:$0xA] =	stream.linear.gather [hbm4b:s23+s24], $0x50, $0x38;
	[tilespmem:$0x1C880] =	vst v63  }
0x106: {  	_ =	swait.ge [sflag:s15], $0x50  }
0x107: {  	[sflag:s15] =	ssyncset.done $0x0  }
0x108: {  	[sflag:s15] =	ssyncadd.s32 $0xFFFFFFB0  }
0x109: {  	_ =	swait.ge [sflag:s28], $0x2800  }
0x10a: {  	[sflag:s28] =	ssyncset.done $0x0  }
0x10b: {  	[sflag:s28] =	ssyncadd.s32 $0xFFFFD800  }
0x10c: {  	[spmem:s22] =	stream.indirect.scatter.add.f32 [tilespmem:s6], [sflag:$0x5], $0x80, s11, s13, $0xb8;
	[tilespmem:$0x1C880] =	vst v63  }
0x10d: {  	_ =	swait.ge [sflag:s16], $0x2800  }
0x10e: {  	[sflag:s16] =	ssyncset.done $0x0  }
0x10f: {  	s23 =	rddreg [dreg:$0x8];
	[sflag:s16] =	ssyncadd.s32 $0xFFFFD800  }
0x110: {  	[tilespmem:s9], [sflag:$0x7] =	stream.linear.gather [hbm4b:s23+s24], $0x50, $0x38;
	[tilespmem:$0x1C880] =	vst v63  }
0x111: {  	_ =	swait.ge [sflag:s4], $0x50  }
0x112: {  	[sflag:s4] =	ssyncset.done $0x0  }
0x113: {  	[sflag:s4] =	ssyncadd.s32 $0xFFFFFFB0  }
0x114: {  	[tilespmem:s0], [sflag:$0x1] =	stream.indirect.gather [hbm4b:s1+s13], $0x80, s31, s13, $0xb8;
	[tilespmem:$0x1C880] =	vst v63  }
0x115: {  	s23 =	rddreg [dreg:$0x10]  }
0x116: {  	[tilespmem:s21], [sflag:$0xB] =	stream.linear.gather [hbm4b:s23+s24], $0x50, $0x38;
	[tilespmem:$0x1C880] =	vst v63  }
0x117: {  	_ =	swait.ge [sflag:s10], $0x50  }
0x118: {  	[sflag:s10] =	ssyncset.done $0x0  }
0x119: {  	[sflag:s10] =	ssyncadd.s32 $0xFFFFFFB0  }
0x11a: {  	_ =	swait.ge [sflag:s8], $0x2800  }
0x11b: {  	[sflag:s8] =	ssyncset.done $0x0  }
0x11c: {  	[sflag:s8] =	ssyncadd.s32 $0xFFFFD800  }
0x11d: {  	[spmem:s22] =	stream.indirect.scatter.add.f32 [tilespmem:s26], [sflag:$0x6], $0x80, s14, s13, $0xb8;
	[tilespmem:$0x1C880] =	vst v63  }
0x11e: {  	_ =	swait.ge [sflag:s25], $0x2800  }
0x11f: {  	[sflag:s25] =	ssyncset.done $0x0  }
0x120: {  	s23 =	rddreg [dreg:$0x9];
	[sflag:s25] =	ssyncadd.s32 $0xFFFFD800  }
0x121: {  	[tilespmem:s11], [sflag:$0x8] =	stream.linear.gather [hbm4b:s23+s24], $0x50, $0x38;
	[tilespmem:$0x1C880] =	vst v63  }
0x122: {  	_ =	swait.ge [sflag:s5], $0x50  }
0x123: {  	[sflag:s5] =	ssyncset.done $0x0  }
0x124: {  	[sflag:s5] =	ssyncadd.s32 $0xFFFFFFB0  }
0x125: {  	[tilespmem:s6], [sflag:$0x2] =	stream.indirect.gather [hbm4b:s1+s13], $0x80, s21, s13, $0xb8;
	[tilespmem:$0x1C880] =	vst v63  }
0x126: {  	s23 =	rddreg [dreg:$0x1c]  }
0x127: {  	[tilespmem:s3], [sflag:$0xC] =	stream.linear.gather [hbm4b:s23+s24], $0x50, $0x38;
	[tilespmem:$0x1C880] =	vst v63  }
.LBB2_4:
0x128: {  	_ =	swait.ge [sflag:s12], $0x50  }
0x129: {  	[sflag:s12] =	ssyncset.done $0x0  }
0x12a: {  	[sflag:s12] =	ssyncadd.s32 $0xFFFFFFB0  }
0x12b: {  	_ =	swait.ge [sflag:s7], $0x2800  }
0x12c: {  	[sflag:s7] =	ssyncset.done $0x0  }
0x12d: {  	[sflag:s7] =	ssyncadd.s32 $0xFFFFD800  }
0x12e: {  	[spmem:s22] =	stream.indirect.scatter.add.f32 [tilespmem:s0], [sflag:$0x4], $0x80, s9, s13, $0xb8;
	[tilespmem:$0x1C880] =	vst v63  }
0x12f: {  	_ =	swait.ge [sflag:s30], $0x2800  }
0x130: {  	[sflag:s30] =	ssyncset.done $0x0  }
0x131: {  	s20 =	sadd.s32 s24, s17;
	[sflag:s30] =	ssyncadd.s32 $0xFFFFD800  }
0x132: {  	[tilespmem:s14], [sflag:$0x9] =	stream.linear.gather [hbm4b:s20+s2], $0x50, $0x38;
	[tilespmem:$0x1C880] =	vst v63  }
0x133: {  	_ =	swait.ge [sflag:s29], $0x50  }
0x134: {  	[sflag:s29] =	ssyncset.done $0x0  }
0x135: {  	s23 =	rddreg [dreg:$0x14];
	[sflag:s29] =	ssyncadd.s32 $0xFFFFFFB0  }
0x136: {  	[tilespmem:s26], [sflag:$0x3] =	stream.indirect.gather [hbm4b:s1+s13], $0x80, s3, s13, $0xb8;
	[tilespmem:$0x1C880] =	vst v63  }
0x137: {  	s20 =	sadd.s32 s24, s23  }
0x138: {  	[tilespmem:s31], [sflag:$0xA] =	stream.linear.gather [hbm4b:s20+s2], $0x50, $0x38;
	[tilespmem:$0x1C880] =	vst v63  }
0x139: {  	_ =	swait.ge [sflag:s15], $0x50  }
0x13a: {  	[sflag:s15] =	ssyncset.done $0x0  }
0x13b: {  	[sflag:s15] =	ssyncadd.s32 $0xFFFFFFB0  }
0x13c: {  	_ =	swait.ge [sflag:s28], $0x2800  }
0x13d: {  	[sflag:s28] =	ssyncset.done $0x0  }
0x13e: {  	[sflag:s28] =	ssyncadd.s32 $0xFFFFD800  }
0x13f: {  	[spmem:s22] =	stream.indirect.scatter.add.f32 [tilespmem:s6], [sflag:$0x5], $0x80, s11, s13, $0xb8;
	[tilespmem:$0x1C880] =	vst v63  }
0x140: {  	_ =	swait.ge [sflag:s16], $0x2800  }
0x141: {  	[sflag:s16] =	ssyncset.done $0x0  }
0x142: {  	s23 =	sadd.s32 s24, s19;
	[sflag:s16] =	ssyncadd.s32 $0xFFFFD800  }
0x143: {  	[tilespmem:s9], [sflag:$0x7] =	stream.linear.gather [hbm4b:s23+s2], $0x50, $0x38;
	[tilespmem:$0x1C880] =	vst v63  }
0x144: {  	_ =	swait.ge [sflag:s4], $0x50  }
0x145: {  	[sflag:s4] =	ssyncset.done $0x0  }
0x146: {  	s23 =	rddreg [dreg:$0x13];
	[sflag:s4] =	ssyncadd.s32 $0xFFFFFFB0  }
0x147: {  	[tilespmem:s0], [sflag:$0x1] =	stream.indirect.gather [hbm4b:s1+s13], $0x80, s31, s13, $0xb8;
	[tilespmem:$0x1C880] =	vst v63  }
0x148: {  	s20 =	sadd.s32 s24, s23  }
0x149: {  	[tilespmem:s21], [sflag:$0xB] =	stream.linear.gather [hbm4b:s20+s2], $0x50, $0x38;
	[tilespmem:$0x1C880] =	vst v63  }
0x14a: {  	_ =	swait.ge [sflag:s10], $0x50  }
0x14b: {  	[sflag:s10] =	ssyncset.done $0x0  }
0x14c: {  	[sflag:s10] =	ssyncadd.s32 $0xFFFFFFB0  }
0x14d: {  	_ =	swait.ge [sflag:s8], $0x2800  }
0x14e: {  	[sflag:s8] =	ssyncset.done $0x0  }
0x14f: {  	[sflag:s8] =	ssyncadd.s32 $0xFFFFD800  }
0x150: {  	[spmem:s22] =	stream.indirect.scatter.add.f32 [tilespmem:s26], [sflag:$0x6], $0x80, s14, s13, $0xb8;
	[tilespmem:$0x1C880] =	vst v63  }
0x151: {  	_ =	swait.ge [sflag:s25], $0x2800  }
0x152: {  	[sflag:s25] =	ssyncset.done $0x0  }
0x153: {  	p1 =	seq.s32 s24, $0x492;
	s23 =	sadd.s32 s24, s18;
	[sflag:s25] =	ssyncadd.s32 $0xFFFFD800  }
0x154: {  	[tilespmem:s11], [sflag:$0x8] =	stream.linear.gather [hbm4b:s23+s2], $0x50, $0x38;
	[tilespmem:$0x1C880] =	vst v63  }
.Ltmp3:
0x155: {  	_ = 	snop;
	(pc) =	sbr.rel @p1 .LBB2_6-.Ltmp3, $4  }
0x156: {  	_ =	swait.ge [sflag:s5], $0x50  }
0x157: {  	[sflag:s5] =	ssyncset.done $0x0  }
0x158: {  	[sflag:s5] =	ssyncadd.s32 $0xFFFFFFB0  }
0x159: {  	[tilespmem:s6], [sflag:$0x2] =	stream.indirect.gather [hbm4b:s1+s13], $0x80, s21, s13, $0xb8;
	[tilespmem:$0x1C880] =	vst v63  }
.Ltmp4:
0x15a: {  	(pc) =	sbr.rel .LBB2_4-.Ltmp4, $4  }
0x15b: {  	_ = 	snop  }
0x15c: {  	s20 =	rddreg [dreg:$0x15]  }
0x15d: {  	s20 =	sadd.s32 s24, s20;
	s24 =	sadd.s32 $0x1E, s24  }
0x15e: {  	[tilespmem:s3], [sflag:$0xC] =	stream.linear.gather [hbm4b:s20+s2], $0x50, $0x38;
	[tilespmem:$0x1C880] =	vst v63  }
.LBB2_7:
0x15f: {  	_ =	sfence.sel $0x180000  }
0x160: {  	[bflag:$0x0] =	sbarrier.arrive $0xFFFF  }
0x161: {  	_ =	strace $0x90000047  }
0x162: {  	s0 =	stileid.u32;
	[bflag:$0x2] =	sbarrier.arrive $0xFFFF  }
0x163: {  	p0 =	sne.s32 s0, $0x0;
	s0 =	rddreg [dreg:$0x4]  }
0x164: {  	s0 =	sadd.s32 @!p0 $0x100000, s0  }
0x165: {  	[sflag:s0] =	ssyncadd.tile.s32 @!p0 $0x1;
	_ =	shalt  }
.Lfunc_end2:
_tile_overlayer_lowered:
.L_overlay_start_2:
0x166: {  	(tag) =	ssettag $0x2  }
0x167: {  	s0 =	rddreg [dreg:$0x0];
	s2 =	stileid.u32  }
0x168: {  	s1 =	rddreg [dreg:$0x1];
	p0 =	sne.s32 s2, $0x0  }
0x169: {  	s3 =	rddreg [dreg:$0x2];
	[bflag:$0x3] =	sbarrier.arrive $0xFFFF;
	s2 =	simm.s32 @!p0 $0x1C0D  }
0x16a: {  	[timem:s3], [sflag:s2] =	dma.local @!p0 [hbm:s0], s1  }
0x16b: {  	s0 =	simm.s32 @!p0 $0xD  }
0x16c: {  	_ =	swait.ge @!p0 [sflag:s0], s1  }
0x16d: {  	s1 =	ssub.s32 @!p0 $0x0, s1;
	[sflag:s0] =	ssyncset.done @!p0 $0x0  }
0x16e: {  	[sflag:s0] =	ssyncadd.s32 @!p0 s1  }
0x16f: {  	[bflag:$0x3] =	sbarrier.arrive $0xFFFF  }
0x170: {  	_ =	shalt  }

</sc_bundles>
